<compile_context>
chip_gen: v7x
topology: tpu7x:2x2x1
jax: 0.10.2.dev20260603
libtpu: 0.0.44.dev20260713+nightly
codegen_flags: <defaults>
</compile_context>

<pallas_src>
import functools

import jax
import jax.numpy as jnp
from jax import lax
from jax.experimental import pallas as pl
from jax.experimental.pallas import tpu as pltpu
from jax.experimental.pallas import tpu_sc as plsc

_N = 10000
_E = 320000
_D = 128
_DE = 16
_L = 3
_BN_EPS = 1e-5

_CH = 128
_NCHUNK = _E // _CH
_CPC = _NCHUNK // 2
_TILES = 16
_ZPT = _N // _TILES
_RPT = 624

_BE = 8000


def _edge_enc(edge_attr, We, be3):

    def body(ea_ref, w_ref, b_ref, o_ref):
        o_ref[...] = (
            jnp.dot(ea_ref[...], w_ref[0], preferred_element_type=jnp.float32)
            + b_ref[0]
        )

    nblk = _E // _BE
    return pl.pallas_call(
        body,
        grid=(_L, nblk),
        in_specs=[
            pl.BlockSpec((_BE, _DE), lambda l, i: (i, 0)),
            pl.BlockSpec((1, _DE, _D), lambda l, i: (l, 0, 0)),
            pl.BlockSpec((1, 1, _D), lambda l, i: (l, 0, 0)),
        ],
        out_specs=pl.BlockSpec((_BE, _D), lambda l, i: (l * nblk + i, 0)),
        out_shape=jax.ShapeDtypeStruct((_L * _E, _D), jnp.float32),
    )(edge_attr, We, be3)


def _update(x, aggr, prev, Wl, bl, gl, betal):

    def body(x_ref, a_ref, p_ref, w_ref, b_ref, g_ref, bb_ref,
             hp_ref, xf_ref):
        ag = a_ref[0] + a_ref[1]
        h = (
            jnp.dot(x_ref[...] + ag, w_ref[...],
                    preferred_element_type=jnp.float32)
            + b_ref[...]
        )
        m = jnp.mean(h, axis=0, keepdims=True)
        v = jnp.mean((h - m) ** 2, axis=0, keepdims=True)
        hn = (h - m) * lax.rsqrt(v + _BN_EPS) * g_ref[...] + bb_ref[...]
        hp = hn + p_ref[...]
        hp_ref[...] = hp
        xf_ref[...] = jnp.maximum(hp, 0.0)

    return pl.pallas_call(
        body,
        out_shape=(
            jax.ShapeDtypeStruct((_N, _D), jnp.float32),
            jax.ShapeDtypeStruct((_N, _D), jnp.float32),
        ),
    )(x, aggr, prev, Wl, bl, gl, betal)


_MESH = plsc.VectorSubcoreMesh(core_axis_name="c", subcore_axis_name="s")


def _make_sc_aggr(l):
    @functools.partial(
        pl.kernel,
        mesh=_MESH,
        out_type=jax.ShapeDtypeStruct((2, _N, _D), jnp.float32),
        scratch_types=[
            pltpu.VMEM((2, 1, _CH), jnp.int32),
            pltpu.VMEM((1, _CH), jnp.int32),
            pltpu.VMEM((_CH, _D), jnp.float32),
            pltpu.VMEM((_CH, _D), jnp.float32),
            pltpu.VMEM((_CH, _D), jnp.float32),
            pltpu.VMEM_SHARED((_N, _D), jnp.float32),
            pltpu.SemaphoreType.DMA,
            pltpu.SemaphoreType.DMA,
            pltpu.SemaphoreType.DMA,
        ],
    )
    def k(x_hbm, e_hbm, sd_hbm, out_hbm,
          sd, scx, ebuf, gbuf, mbuf, aggr_sh, sem_e, sem_g, sem_s):
        c = lax.axis_index("c")
        s = lax.axis_index("s")

        zero = jnp.zeros((16,), jnp.float32)

        def zfill(i, _):
            for kk in range(_D // 16):
                mbuf[i, pl.ds(kk * 16, 16)] = zero
            return 0

        lax.fori_loop(0, _CH, zfill, 0)
        for t in range(_ZPT // _CH):
            pltpu.sync_copy(
                mbuf, aggr_sh.at[pl.ds(s * _ZPT + t * _CH, _CH)]
            )
        pltpu.sync_copy(
            mbuf.at[pl.ds(0, _ZPT % _CH)],
            aggr_sh.at[pl.ds(s * _ZPT + (_ZPT // _CH) * _CH, _ZPT % _CH)],
        )
        plsc.subcore_barrier()

        base_cnt = _CPC // _TILES
        rem = _CPC % _TILES
        start = c * _CPC + s * base_cnt + jnp.minimum(s, rem)
        cnt = base_cnt + (s < rem).astype(jnp.int32)

        def body(i, _):
            ch = start + i
            pltpu.sync_copy(sd_hbm.at[ch], sd)
            pltpu.async_copy(
                e_hbm.at[pl.ds(l * _E + ch * _CH, _CH)], ebuf, sem_e
            )
            pltpu.async_copy(x_hbm.at[sd.at[0, 0]], gbuf, sem_g)

            @pl.when(i > 0)
            def _():
                pltpu.make_async_copy(
                    mbuf, aggr_sh.at[scx.at[0]], sem_s
                ).wait()

            for kk in range(_CH // 16):
                sl = pl.ds(kk * 16, 16)
                scx[0, sl] = sd[1, 0, sl]

            pltpu.make_async_copy(
                e_hbm.at[pl.ds(l * _E + ch * _CH, _CH)], ebuf, sem_e
            ).wait()
            pltpu.make_async_copy(
                x_hbm.at[sd.at[0, 0]], gbuf, sem_g
            ).wait()

            def relu_row(r, _):
                for u in range(2):
                    for kk in range(_D // 16):
                        sl = pl.ds(kk * 16, 16)
                        mbuf[2 * r + u, sl] = jnp.maximum(
                            gbuf[2 * r + u, sl] + ebuf[2 * r + u, sl], 0.0
                        )
                return 0

            lax.fori_loop(0, _CH // 2, relu_row, 0)
            pltpu.async_copy(mbuf, aggr_sh.at[scx.at[0]], sem_s, add=True)
            return 0

        lax.fori_loop(0, cnt, body, 0)
        pltpu.make_async_copy(mbuf, aggr_sh.at[scx.at[0]], sem_s).wait()
        plsc.subcore_barrier()
        pltpu.sync_copy(
            aggr_sh.at[pl.ds(s * _RPT, _RPT)],
            out_hbm.at[c, pl.ds(s * _RPT, _RPT)],
        )

        @pl.when(s == _TILES - 1)
        def _():
            pltpu.sync_copy(
                aggr_sh.at[pl.ds(_TILES * _RPT, _N - _TILES * _RPT)],
                out_hbm.at[c, pl.ds(_TILES * _RPT, _N - _TILES * _RPT)],
            )

    return k


_SC_AGGR = [_make_sc_aggr(l) for l in range(_L)]


def kernel(x, edge_index, edge_attr, batch, We, be, W, b, gamma, beta):
    del batch
    sd4 = jnp.stack(
        [
            edge_index[0].reshape(_NCHUNK, 1, _CH),
            edge_index[1].reshape(_NCHUNK, 1, _CH),
        ],
        axis=1,
    )

    e_cat = _edge_enc(edge_attr, We, be.reshape(_L, 1, _D))

    prev = x
    xf = x
    for l in range(_L):
        aggr = _SC_AGGR[l](xf, e_cat, sd4)
        prev, xf = _update(
            xf, aggr, prev, W[l],
            b[l].reshape(1, _D), gamma[l].reshape(1, _D), beta[l].reshape(1, _D),
        )
    return xf

# --- scband reference (transcript-rebuilt; emitter-appended) ---
"""Pipeline reference for scband-base-gnn-45561013076550 (READ-ONLY COPY).

The authoritative reference and input builder live on the scoring server;
editing this copy changes nothing except your own understanding.
"""

import jax, jax.numpy as jnp
import numpy as np

N = 10000
E = 320000
D = 128
DE = 16
L = 3
BN_EPS = 1e-5
GIN_EPS = 0.0


def setup_inputs(seed: int = 0) -> dict:
    key = jax.random.key(seed)
    ks = jax.random.split(key, 8)
    x = jax.random.normal(ks[0], (N, D), dtype=jnp.float32)
    edge_index = jax.random.randint(ks[1], (2, E), 0, N, dtype=jnp.int32)
    edge_attr = jax.random.normal(ks[2], (E, DE), dtype=jnp.float32)
    batch = jnp.sort(jax.random.randint(ks[3], (N,), 0, 64, dtype=jnp.int32))
    # per-layer learned params
    We = jax.random.normal(ks[4], (L, DE, D), dtype=jnp.float32) * (1.0 / np.sqrt(DE))
    be = jnp.zeros((L, D), dtype=jnp.float32)
    W = jax.random.normal(ks[5], (L, D, D), dtype=jnp.float32) * (1.0 / np.sqrt(D))
    b = jnp.zeros((L, D), dtype=jnp.float32)
    gamma = jnp.ones((L, D), dtype=jnp.float32)
    beta = jnp.zeros((L, D), dtype=jnp.float32)
    return {"x": x, "edge_index": edge_index, "edge_attr": edge_attr, "batch": batch,
            "We": We, "be": be, "W": W, "b": b, "gamma": gamma, "beta": beta}


def reference(x, edge_index, edge_attr, batch, We, be, W, b, gamma, beta):
    # BaseGNN with GINEConv layers + BatchNorm1d + residual + ReLU
    src = edge_index[0]
    dst = edge_index[1]
    n = x.shape[0]
    prev = x
    for l in range(L):
        # edge encoder: project edge_attr to node dim (GINE requires matching dims)
        e = edge_attr @ We[l] + be[l]
        # GINE message: relu(x_j + e_ij), sum-aggregate at destination
        msg = jax.nn.relu(jnp.take(x, src, axis=0) + e)
        aggr = jnp.zeros((n, D), dtype=x.dtype).at[dst].add(msg)
        h = (1.0 + GIN_EPS) * x + aggr
        # GINE update network (linear with bias)
        h = h @ W[l] + b[l]
        # BatchNorm1d (training-mode batch statistics over nodes)
        mean = jnp.mean(h, axis=0)
        var = jnp.var(h, axis=0)
        h = (h - mean) / jnp.sqrt(var + BN_EPS) * gamma[l] + beta[l]
        # dropout p=0 -> identity; residual
        h = h + prev
        prev = h
        x = jax.nn.relu(h)
    return x

if __name__ == "__main__":
    import jax
    _d = setup_inputs()
    print(jax.jit(kernel)(*tuple(_d.values())))

</pallas_src>

<mosaic_0001>
#map = affine_map<(d0, d1) -> (0, 0)>
#map1 = affine_map<(d0, d1) -> (0, 0, 0, 0)>
#map2 = affine_map<(d0, d1) -> (0, 0, 0)>
module attributes {stable_mosaic.version = 14 : i64} {
  func.func @k(%arg0: i32, %arg1: i32, %arg2: memref<10000x128xf32, #tpu.memory_space<hbm>>, %arg3: memref<960000x128xf32, #tpu.memory_space<hbm>>, %arg4: memref<2500x2x1x128xi32, #tpu.memory_space<hbm>>, %arg5: memref<2x10000x128xf32, #tpu.memory_space<hbm>>, %arg6: memref<2x1x128xi32, #tpu.memory_space<vmem>>, %arg7: memref<1x128xi32, #tpu.memory_space<vmem>>, %arg8: memref<128x128xf32, #tpu.memory_space<vmem>>, %arg9: memref<128x128xf32, #tpu.memory_space<vmem>>, %arg10: memref<128x128xf32, #tpu.memory_space<vmem>>, %arg11: memref<10000x128xf32, #tpu.memory_space<vmem_shared>>, %arg12: memref<!tpu.dma_semaphore, #tpu.memory_space<semaphore_mem>>, %arg13: memref<!tpu.dma_semaphore, #tpu.memory_space<semaphore_mem>>, %arg14: memref<!tpu.dma_semaphore, #tpu.memory_space<semaphore_mem>>) attributes {dimension_semantics = [#tpu.dimension_semantics<core_parallel>, #tpu.dimension_semantics<subcore_parallel>], iteration_bounds = array<i64: 2, 16>, scalar_prefetch = 0 : i64, scratch_operands = 9 : i64, tpu.core_type = #tpu.core_type<sc_vector_subcore>, window_params = [{transform_indices = #map}, {transform_indices = #map}, {transform_indices = #map1}, {transform_indices = #map2}]} {
    %broadcast_in_dim3A = arith.constant 0.000000e+00 : f32
    %broadcast_in_dim3A_0 = vector.broadcast %broadcast_in_dim3A : f32 to vector<16xf32>
    %scan3A = arith.constant 0 : i32
    %scan3A_1 = arith.constant 0 : i32
    %scan3A_2 = arith.constant 128 : i32
    %scan3A_3 = arith.addi %scan3A_1, %scan3A_2 : i32
    %scan3A_4 = arith.constant 1 : i32
    %scan3A_5 = scf.for %scan3A_60 = %scan3A_1 to %scan3A_3 step %scan3A_4 iter_args(%scan3A_61 = %scan3A) -> (i32)  : i32 {
      %swap3A = arith.index_cast %scan3A_60 : i32 to index
      %swap3A_62 = arith.constant 0 : index
      %swap3A_63 = tpu.vector_load %arg10[%swap3A, %swap3A_62] {strides = array<i32>} : memref<128x128xf32, #tpu.memory_space<vmem>>, vector<1x16xf32>,
      %swap3A_64 = vector.shape_cast %swap3A_63 : vector<1x16xf32> to vector<16xf32>
      %swap3A_65 = vector.shape_cast %broadcast_in_dim3A_0 : vector<16xf32> to vector<1x16xf32>
      tpu.vector_store %arg10[%swap3A, %swap3A_62], %swap3A_65 {strides = array<i32>} : memref<128x128xf32, #tpu.memory_space<vmem>>, vector<1x16xf32>,
      %swap3A_66 = arith.index_cast %scan3A_60 : i32 to index
      %swap3A_67 = arith.constant 16 : index
      %swap3A_68 = tpu.vector_load %arg10[%swap3A_66, %swap3A_67] {strides = array<i32>} : memref<128x128xf32, #tpu.memory_space<vmem>>, vector<1x16xf32>,
      %swap3A_69 = vector.shape_cast %swap3A_68 : vector<1x16xf32> to vector<16xf32>
      %swap3A_70 = vector.shape_cast %broadcast_in_dim3A_0 : vector<16xf32> to vector<1x16xf32>
      tpu.vector_store %arg10[%swap3A_66, %swap3A_67], %swap3A_70 {strides = array<i32>} : memref<128x128xf32, #tpu.memory_space<vmem>>, vector<1x16xf32>,
      %swap3A_71 = arith.index_cast %scan3A_60 : i32 to index
      %swap3A_72 = arith.constant 32 : index
      %swap3A_73 = tpu.vector_load %arg10[%swap3A_71, %swap3A_72] {strides = array<i32>} : memref<128x128xf32, #tpu.memory_space<vmem>>, vector<1x16xf32>,
      %swap3A_74 = vector.shape_cast %swap3A_73 : vector<1x16xf32> to vector<16xf32>
      %swap3A_75 = vector.shape_cast %broadcast_in_dim3A_0 : vector<16xf32> to vector<1x16xf32>
      tpu.vector_store %arg10[%swap3A_71, %swap3A_72], %swap3A_75 {strides = array<i32>} : memref<128x128xf32, #tpu.memory_space<vmem>>, vector<1x16xf32>,
      %swap3A_76 = arith.index_cast %scan3A_60 : i32 to index
      %swap3A_77 = arith.constant 48 : index
      %swap3A_78 = tpu.vector_load %arg10[%swap3A_76, %swap3A_77] {strides = array<i32>} : memref<128x128xf32, #tpu.memory_space<vmem>>, vector<1x16xf32>,
      %swap3A_79 = vector.shape_cast %swap3A_78 : vector<1x16xf32> to vector<16xf32>
      %swap3A_80 = vector.shape_cast %broadcast_in_dim3A_0 : vector<16xf32> to vector<1x16xf32>
      tpu.vector_store %arg10[%swap3A_76, %swap3A_77], %swap3A_80 {strides = array<i32>} : memref<128x128xf32, #tpu.memory_space<vmem>>, vector<1x16xf32>,
      %swap3A_81 = arith.index_cast %scan3A_60 : i32 to index
      %swap3A_82 = arith.constant 64 : index
      %swap3A_83 = tpu.vector_load %arg10[%swap3A_81, %swap3A_82] {strides = array<i32>} : memref<128x128xf32, #tpu.memory_space<vmem>>, vector<1x16xf32>,
      %swap3A_84 = vector.shape_cast %swap3A_83 : vector<1x16xf32> to vector<16xf32>
      %swap3A_85 = vector.shape_cast %broadcast_in_dim3A_0 : vector<16xf32> to vector<1x16xf32>
      tpu.vector_store %arg10[%swap3A_81, %swap3A_82], %swap3A_85 {strides = array<i32>} : memref<128x128xf32, #tpu.memory_space<vmem>>, vector<1x16xf32>,
      %swap3A_86 = arith.index_cast %scan3A_60 : i32 to index
      %swap3A_87 = arith.constant 80 : index
      %swap3A_88 = tpu.vector_load %arg10[%swap3A_86, %swap3A_87] {strides = array<i32>} : memref<128x128xf32, #tpu.memory_space<vmem>>, vector<1x16xf32>,
      %swap3A_89 = vector.shape_cast %swap3A_88 : vector<1x16xf32> to vector<16xf32>
      %swap3A_90 = vector.shape_cast %broadcast_in_dim3A_0 : vector<16xf32> to vector<1x16xf32>
      tpu.vector_store %arg10[%swap3A_86, %swap3A_87], %swap3A_90 {strides = array<i32>} : memref<128x128xf32, #tpu.memory_space<vmem>>, vector<1x16xf32>,
      %swap3A_91 = arith.index_cast %scan3A_60 : i32 to index
      %swap3A_92 = arith.constant 96 : index
      %swap3A_93 = tpu.vector_load %arg10[%swap3A_91, %swap3A_92] {strides = array<i32>} : memref<128x128xf32, #tpu.memory_space<vmem>>, vector<1x16xf32>,
      %swap3A_94 = vector.shape_cast %swap3A_93 : vector<1x16xf32> to vector<16xf32>
      %swap3A_95 = vector.shape_cast %broadcast_in_dim3A_0 : vector<16xf32> to vector<1x16xf32>
      tpu.vector_store %arg10[%swap3A_91, %swap3A_92], %swap3A_95 {strides = array<i32>} : memref<128x128xf32, #tpu.memory_space<vmem>>, vector<1x16xf32>,
      %swap3A_96 = arith.index_cast %scan3A_60 : i32 to index
      %swap3A_97 = arith.constant 112 : index
      %swap3A_98 = tpu.vector_load %arg10[%swap3A_96, %swap3A_97] {strides = array<i32>} : memref<128x128xf32, #tpu.memory_space<vmem>>, vector<1x16xf32>,
      %swap3A_99 = vector.shape_cast %swap3A_98 : vector<1x16xf32> to vector<16xf32>
      %swap3A_100 = vector.shape_cast %broadcast_in_dim3A_0 : vector<16xf32> to vector<1x16xf32>
      tpu.vector_store %arg10[%swap3A_96, %swap3A_97], %swap3A_100 {strides = array<i32>} : memref<128x128xf32, #tpu.memory_space<vmem>>, vector<1x16xf32>,
      %scan3A_101 = arith.constant 0 : i32
      scf.yield %scan3A_101 : i32
    }
    %scan3A_6 = arith.constant 128 : i32
    %mul3A = arith.constant 625 : i32
    %mul3A_7 = arith.muli %arg1, %mul3A : i32
    %add3A = arith.constant 0 : i32
    %add3A_8 = arith.addi %mul3A_7, %add3A : i32
    "tpu.region"() ({
      %run_scoped3A = tpu.sem_alloc : memref<!tpu.dma_semaphore, #tpu.memory_space<semaphore_mem>>
      %dma_start3A = arith.constant 0 : i32
      %dma_start3A_60 = tpu.memref_slice %arg11[%add3A_8, %dma_start3A] : memref<10000x128xf32, #tpu.memory_space<vmem_shared>> -> memref<128x128xf32, #tpu.memory_space<vmem_shared>>
      %dma_start3A_61 = arith.constant 0 : i32
      %dma_start3A_62 = tpu.memref_slice %arg11[%add3A_8, %dma_start3A_61] : memref<10000x128xf32, #tpu.memory_space<vmem_shared>> -> memref<128x128xf32, #tpu.memory_space<vmem_shared>>
      tpu.enqueue_dma source(%arg10 : memref<128x128xf32, #tpu.memory_space<vmem>>) target(%dma_start3A_62 : memref<128x128xf32, #tpu.memory_space<vmem_shared>>) target_semaphore(%run_scoped3A : memref<!tpu.dma_semaphore, #tpu.memory_space<semaphore_mem>>)
      %dma_wait3A_63 = arith.constant 0 : i32
      %dma_wait3A_64 = tpu.memref_slice %arg11[%add3A_8, %dma_wait3A_63] : memref<10000x128xf32, #tpu.memory_space<vmem_shared>> -> memref<128x128xf32, #tpu.memory_space<vmem_shared>>
      %dma_wait3A_65 = arith.constant 0 : i32
      %dma_wait3A_66 = tpu.memref_slice %arg11[%add3A_8, %dma_wait3A_65] : memref<10000x128xf32, #tpu.memory_space<vmem_shared>> -> memref<128x128xf32, #tpu.memory_space<vmem_shared>>
      tpu.wait_dma2 semaphore(%run_scoped3A : memref<!tpu.dma_semaphore, #tpu.memory_space<semaphore_mem>>) src(%arg10 : memref<128x128xf32, #tpu.memory_space<vmem>>) dst(%dma_wait3A_66 : memref<128x128xf32, #tpu.memory_space<vmem_shared>>)
      tpu.yield
    }) : () -> ()
    %mul3A_9 = arith.constant 625 : i32
    %mul3A_10 = arith.muli %arg1, %mul3A_9 : i32
    %add3A_11 = arith.constant 128 : i32
    %add3A_12 = arith.addi %mul3A_10, %add3A_11 : i32
    "tpu.region"() ({
      %run_scoped3A = tpu.sem_alloc : memref<!tpu.dma_semaphore, #tpu.memory_space<semaphore_mem>>
      %dma_start3A = arith.constant 0 : i32
      %dma_start3A_60 = tpu.memref_slice %arg11[%add3A_12, %dma_start3A] : memref<10000x128xf32, #tpu.memory_space<vmem_shared>> -> memref<128x128xf32, #tpu.memory_space<vmem_shared>>
      %dma_start3A_61 = arith.constant 0 : i32
      %dma_start3A_62 = tpu.memref_slice %arg11[%add3A_12, %dma_start3A_61] : memref<10000x128xf32, #tpu.memory_space<vmem_shared>> -> memref<128x128xf32, #tpu.memory_space<vmem_shared>>
      tpu.enqueue_dma source(%arg10 : memref<128x128xf32, #tpu.memory_space<vmem>>) target(%dma_start3A_62 : memref<128x128xf32, #tpu.memory_space<vmem_shared>>) target_semaphore(%run_scoped3A : memref<!tpu.dma_semaphore, #tpu.memory_space<semaphore_mem>>)
      %dma_wait3A_63 = arith.constant 0 : i32
      %dma_wait3A_64 = tpu.memref_slice %arg11[%add3A_12, %dma_wait3A_63] : memref<10000x128xf32, #tpu.memory_space<vmem_shared>> -> memref<128x128xf32, #tpu.memory_space<vmem_shared>>
      %dma_wait3A_65 = arith.constant 0 : i32
      %dma_wait3A_66 = tpu.memref_slice %arg11[%add3A_12, %dma_wait3A_65] : memref<10000x128xf32, #tpu.memory_space<vmem_shared>> -> memref<128x128xf32, #tpu.memory_space<vmem_shared>>
      tpu.wait_dma2 semaphore(%run_scoped3A : memref<!tpu.dma_semaphore, #tpu.memory_space<semaphore_mem>>) src(%arg10 : memref<128x128xf32, #tpu.memory_space<vmem>>) dst(%dma_wait3A_66 : memref<128x128xf32, #tpu.memory_space<vmem_shared>>)
      tpu.yield
    }) : () -> ()
    %mul3A_13 = arith.constant 625 : i32
    %mul3A_14 = arith.muli %arg1, %mul3A_13 : i32
    %add3A_15 = arith.constant 256 : i32
    %add3A_16 = arith.addi %mul3A_14, %add3A_15 : i32
    "tpu.region"() ({
      %run_scoped3A = tpu.sem_alloc : memref<!tpu.dma_semaphore, #tpu.memory_space<semaphore_mem>>
      %dma_start3A = arith.constant 0 : i32
      %dma_start3A_60 = tpu.memref_slice %arg11[%add3A_16, %dma_start3A] : memref<10000x128xf32, #tpu.memory_space<vmem_shared>> -> memref<128x128xf32, #tpu.memory_space<vmem_shared>>
      %dma_start3A_61 = arith.constant 0 : i32
      %dma_start3A_62 = tpu.memref_slice %arg11[%add3A_16, %dma_start3A_61] : memref<10000x128xf32, #tpu.memory_space<vmem_shared>> -> memref<128x128xf32, #tpu.memory_space<vmem_shared>>
      tpu.enqueue_dma source(%arg10 : memref<128x128xf32, #tpu.memory_space<vmem>>) target(%dma_start3A_62 : memref<128x128xf32, #tpu.memory_space<vmem_shared>>) target_semaphore(%run_scoped3A : memref<!tpu.dma_semaphore, #tpu.memory_space<semaphore_mem>>)
      %dma_wait3A_63 = arith.constant 0 : i32
      %dma_wait3A_64 = tpu.memref_slice %arg11[%add3A_16, %dma_wait3A_63] : memref<10000x128xf32, #tpu.memory_space<vmem_shared>> -> memref<128x128xf32, #tpu.memory_space<vmem_shared>>
      %dma_wait3A_65 = arith.constant 0 : i32
      %dma_wait3A_66 = tpu.memref_slice %arg11[%add3A_16, %dma_wait3A_65] : memref<10000x128xf32, #tpu.memory_space<vmem_shared>> -> memref<128x128xf32, #tpu.memory_space<vmem_shared>>
      tpu.wait_dma2 semaphore(%run_scoped3A : memref<!tpu.dma_semaphore, #tpu.memory_space<semaphore_mem>>) src(%arg10 : memref<128x128xf32, #tpu.memory_space<vmem>>) dst(%dma_wait3A_66 : memref<128x128xf32, #tpu.memory_space<vmem_shared>>)
      tpu.yield
    }) : () -> ()
    %mul3A_17 = arith.constant 625 : i32
    %mul3A_18 = arith.muli %arg1, %mul3A_17 : i32
    %add3A_19 = arith.constant 384 : i32
    %add3A_20 = arith.addi %mul3A_18, %add3A_19 : i32
    "tpu.region"() ({
      %run_scoped3A = tpu.sem_alloc : memref<!tpu.dma_semaphore, #tpu.memory_space<semaphore_mem>>
      %dma_start3A = arith.constant 0 : i32
      %dma_start3A_60 = tpu.memref_slice %arg11[%add3A_20, %dma_start3A] : memref<10000x128xf32, #tpu.memory_space<vmem_shared>> -> memref<128x128xf32, #tpu.memory_space<vmem_shared>>
      %dma_start3A_61 = arith.constant 0 : i32
      %dma_start3A_62 = tpu.memref_slice %arg11[%add3A_20, %dma_start3A_61] : memref<10000x128xf32, #tpu.memory_space<vmem_shared>> -> memref<128x128xf32, #tpu.memory_space<vmem_shared>>
      tpu.enqueue_dma source(%arg10 : memref<128x128xf32, #tpu.memory_space<vmem>>) target(%dma_start3A_62 : memref<128x128xf32, #tpu.memory_space<vmem_shared>>) target_semaphore(%run_scoped3A : memref<!tpu.dma_semaphore, #tpu.memory_space<semaphore_mem>>)
      %dma_wait3A_63 = arith.constant 0 : i32
      %dma_wait3A_64 = tpu.memref_slice %arg11[%add3A_20, %dma_wait3A_63] : memref<10000x128xf32, #tpu.memory_space<vmem_shared>> -> memref<128x128xf32, #tpu.memory_space<vmem_shared>>
      %dma_wait3A_65 = arith.constant 0 : i32
      %dma_wait3A_66 = tpu.memref_slice %arg11[%add3A_20, %dma_wait3A_65] : memref<10000x128xf32, #tpu.memory_space<vmem_shared>> -> memref<128x128xf32, #tpu.memory_space<vmem_shared>>
      tpu.wait_dma2 semaphore(%run_scoped3A : memref<!tpu.dma_semaphore, #tpu.memory_space<semaphore_mem>>) src(%arg10 : memref<128x128xf32, #tpu.memory_space<vmem>>) dst(%dma_wait3A_66 : memref<128x128xf32, #tpu.memory_space<vmem_shared>>)
      tpu.yield
    }) : () -> ()
    %mul3A_21 = arith.constant 625 : i32
    %mul3A_22 = arith.muli %arg1, %mul3A_21 : i32
    %add3A_23 = arith.constant 512 : i32
    %add3A_24 = arith.addi %mul3A_22, %add3A_23 : i32
    "tpu.region"() ({
      %run_scoped3A = tpu.sem_alloc : memref<!tpu.dma_semaphore, #tpu.memory_space<semaphore_mem>>
      %dma_start3A = arith.constant 0 : i32
      %dma_start3A_60 = arith.constant 0 : i32
      %dma_start3A_61 = tpu.memref_slice %arg10[%dma_start3A, %dma_start3A_60] : memref<128x128xf32, #tpu.memory_space<vmem>> -> memref<113x128xf32, #tpu.memory_space<vmem>>
      %dma_start3A_62 = arith.constant 0 : i32
      %dma_start3A_63 = tpu.memref_slice %arg11[%add3A_24, %dma_start3A_62] : memref<10000x128xf32, #tpu.memory_space<vmem_shared>> -> memref<113x128xf32, #tpu.memory_space<vmem_shared>>
      %dma_start3A_64 = arith.constant 0 : i32
      %dma_start3A_65 = tpu.memref_slice %arg11[%add3A_24, %dma_start3A_64] : memref<10000x128xf32, #tpu.memory_space<vmem_shared>> -> memref<113x128xf32, #tpu.memory_space<vmem_shared>>
      %dma_start3A_66 = arith.constant 0 : i32
      %dma_start3A_67 = arith.constant 0 : i32
      %dma_start3A_68 = tpu.memref_slice %arg10[%dma_start3A_66, %dma_start3A_67] : memref<128x128xf32, #tpu.memory_space<vmem>> -> memref<113x128xf32, #tpu.memory_space<vmem>>
      tpu.enqueue_dma source(%dma_start3A_68 : memref<113x128xf32, #tpu.memory_space<vmem>>) target(%dma_start3A_65 : memref<113x128xf32, #tpu.memory_space<vmem_shared>>) target_semaphore(%run_scoped3A : memref<!tpu.dma_semaphore, #tpu.memory_space<semaphore_mem>>)
      %dma_wait3A_69 = arith.constant 0 : i32
      %dma_wait3A_70 = arith.constant 0 : i32
      %dma_wait3A_71 = tpu.memref_slice %arg10[%dma_wait3A_69, %dma_wait3A_70] : memref<128x128xf32, #tpu.memory_space<vmem>> -> memref<113x128xf32, #tpu.memory_space<vmem>>
      %dma_wait3A_72 = arith.constant 0 : i32
      %dma_wait3A_73 = tpu.memref_slice %arg11[%add3A_24, %dma_wait3A_72] : memref<10000x128xf32, #tpu.memory_space<vmem_shared>> -> memref<113x128xf32, #tpu.memory_space<vmem_shared>>
      %dma_wait3A_74 = arith.constant 0 : i32
      %dma_wait3A_75 = tpu.memref_slice %arg11[%add3A_24, %dma_wait3A_74] : memref<10000x128xf32, #tpu.memory_space<vmem_shared>> -> memref<113x128xf32, #tpu.memory_space<vmem_shared>>
      %dma_wait3A_76 = arith.constant 0 : i32
      %dma_wait3A_77 = arith.constant 0 : i32
      %dma_wait3A_78 = tpu.memref_slice %arg10[%dma_wait3A_76, %dma_wait3A_77] : memref<128x128xf32, #tpu.memory_space<vmem>> -> memref<113x128xf32, #tpu.memory_space<vmem>>
      tpu.wait_dma2 semaphore(%run_scoped3A : memref<!tpu.dma_semaphore, #tpu.memory_space<semaphore_mem>>) src(%dma_wait3A_78 : memref<113x128xf32, #tpu.memory_space<vmem>>) dst(%dma_wait3A_75 : memref<113x128xf32, #tpu.memory_space<vmem_shared>>)
      tpu.yield
    }) : () -> ()
    %barrier3A = arith.constant 0 : index
    tpu.barrier barrier_id(%barrier3A)
    %mul3A_25 = arith.constant 1250 : i32
    %mul3A_26 = arith.muli %arg0, %mul3A_25 : i32
    %mul3A_27 = arith.constant 78 : i32
    %mul3A_28 = arith.muli %arg1, %mul3A_27 : i32
    %add3A_29 = arith.addi %mul3A_26, %mul3A_28 : i32
    %min3A = arith.constant 2 : i32
    %min3A_30 = arith.minsi %arg1, %min3A : i32
    %add3A_31 = arith.addi %add3A_29, %min3A_30 : i32
    %lt3A = arith.constant 2 : i32
    %lt3A_32 = arith.cmpi slt, %arg1, %lt3A : i32
    %convert_element_type3A = arith.extui %lt3A_32 : i1 to i32
    %add3A_33 = arith.constant 78 : i32
    %add3A_34 = arith.addi %add3A_33, %convert_element_type3A : i32
    %while3A = arith.constant 0 : i32
    %while3A_35 = arith.constant 0 : i32
    %while3A_36 = arith.subi %add3A_34, %while3A : i32
    %while3A_37 = arith.addi %while3A, %while3A_36 : i32
    %while3A_38 = arith.constant 1 : i32
    %while3A_39 = arith.divsi %while3A_36, %while3A_38 : i32
    %while3A_40 = arith.muli %while3A_39, %while3A_38 : i32
    %while3A_41 = arith.addi %while3A, %while3A_40 : i32
    %while3A_42 = arith.constant 1 : i32
    %while3A_43 = scf.for %while3A_60 = %while3A to %while3A_41 step %while3A_42 iter_args(%while3A_61 = %while3A_35) -> (i32)  : i32 {
      %add3A_62 = arith.addi %add3A_31, %while3A_60 : i32
      "tpu.region"() ({
        %run_scoped3A = tpu.sem_alloc : memref<!tpu.dma_semaphore, #tpu.memory_space<semaphore_mem>>
        %dma_start3A_215 = arith.constant 0 : i32
        %dma_start3A_216 = arith.constant 0 : i32
        %dma_start3A_217 = arith.constant 0 : i32
        %dma_start3A_218 = tpu.memref_slice %arg4[%add3A_62, %dma_start3A_215, %dma_start3A_216, %dma_start3A_217] : memref<2500x2x1x128xi32, #tpu.memory_space<hbm>> -> memref<1x2x1x128xi32, #tpu.memory_space<hbm>>
        %dma_start3A_219 = tpu.memref_squeeze %dma_start3A_218 : memref<1x2x1x128xi32, #tpu.memory_space<hbm>> -> memref<2x1x128xi32, #tpu.memory_space<hbm>>
        %dma_start3A_220 = arith.constant 0 : i32
        %dma_start3A_221 = arith.constant 0 : i32
        %dma_start3A_222 = arith.constant 0 : i32
        %dma_start3A_223 = tpu.memref_slice %arg4[%add3A_62, %dma_start3A_220, %dma_start3A_221, %dma_start3A_222] : memref<2500x2x1x128xi32, #tpu.memory_space<hbm>> -> memref<1x2x1x128xi32, #tpu.memory_space<hbm>>
        %dma_start3A_224 = tpu.memref_squeeze %dma_start3A_223 : memref<1x2x1x128xi32, #tpu.memory_space<hbm>> -> memref<2x1x128xi32, #tpu.memory_space<hbm>>
        tpu.enqueue_dma source(%dma_start3A_224 : memref<2x1x128xi32, #tpu.memory_space<hbm>>) target(%arg6 : memref<2x1x128xi32, #tpu.memory_space<vmem>>) target_semaphore(%run_scoped3A : memref<!tpu.dma_semaphore, #tpu.memory_space<semaphore_mem>>)
        %dma_wait3A_225 = arith.constant 0 : i32
        %dma_wait3A_226 = arith.constant 0 : i32
        %dma_wait3A_227 = arith.constant 0 : i32
        %dma_wait3A_228 = tpu.memref_slice %arg4[%add3A_62, %dma_wait3A_225, %dma_wait3A_226, %dma_wait3A_227] : memref<2500x2x1x128xi32, #tpu.memory_space<hbm>> -> memref<1x2x1x128xi32, #tpu.memory_space<hbm>>
        %dma_wait3A_229 = tpu.memref_squeeze %dma_wait3A_228 : memref<1x2x1x128xi32, #tpu.memory_space<hbm>> -> memref<2x1x128xi32, #tpu.memory_space<hbm>>
        %dma_wait3A_230 = arith.constant 0 : i32
        %dma_wait3A_231 = arith.constant 0 : i32
        %dma_wait3A_232 = arith.constant 0 : i32
        %dma_wait3A_233 = tpu.memref_slice %arg4[%add3A_62, %dma_wait3A_230, %dma_wait3A_231, %dma_wait3A_232] : memref<2500x2x1x128xi32, #tpu.memory_space<hbm>> -> memref<1x2x1x128xi32, #tpu.memory_space<hbm>>
        %dma_wait3A_234 = tpu.memref_squeeze %dma_wait3A_233 : memref<1x2x1x128xi32, #tpu.memory_space<hbm>> -> memref<2x1x128xi32, #tpu.memory_space<hbm>>
        tpu.wait_dma2 semaphore(%run_scoped3A : memref<!tpu.dma_semaphore, #tpu.memory_space<semaphore_mem>>) src(%dma_wait3A_234 : memref<2x1x128xi32, #tpu.memory_space<hbm>>) dst(%arg6 : memref<2x1x128xi32, #tpu.memory_space<vmem>>)
        tpu.yield
      }) : () -> ()
      %mul3A_63 = arith.constant 128 : i32
      %mul3A_64 = arith.muli %add3A_62, %mul3A_63 : i32
      %add3A_65 = arith.constant 0 : i32
      %add3A_66 = arith.addi %add3A_65, %mul3A_64 : i32
      %dma_start3A = arith.constant 0 : i32
      %dma_start3A_67 = tpu.memref_slice %arg3[%add3A_66, %dma_start3A] : memref<960000x128xf32, #tpu.memory_space<hbm>> -> memref<128x128xf32, #tpu.memory_space<hbm>>
      %dma_start3A_68 = arith.constant 0 : i32
      %dma_start3A_69 = tpu.memref_slice %arg3[%add3A_66, %dma_start3A_68] : memref<960000x128xf32, #tpu.memory_space<hbm>> -> memref<128x128xf32, #tpu.memory_space<hbm>>
      tpu.enqueue_dma source(%dma_start3A_69 : memref<128x128xf32, #tpu.memory_space<hbm>>) target(%arg8 : memref<128x128xf32, #tpu.memory_space<vmem>>) target_semaphore(%arg12 : memref<!tpu.dma_semaphore, #tpu.memory_space<semaphore_mem>>)
      %dma_start3A_70 = arith.constant 0 : i32
      %dma_start3A_71 = arith.constant 0 : i32
      %dma_start3A_72 = arith.constant 0 : i32
      %dma_start3A_73 = tpu.memref_slice %arg6[%dma_start3A_70, %dma_start3A_71, %dma_start3A_72] : memref<2x1x128xi32, #tpu.memory_space<vmem>> -> memref<1x1x128xi32, #tpu.memory_space<vmem>>
      %dma_start3A_74 = tpu.memref_squeeze %dma_start3A_73 : memref<1x1x128xi32, #tpu.memory_space<vmem>> -> memref<128xi32, #tpu.memory_space<vmem>>
      %dma_start3A_75 = arith.constant 0 : i32
      %dma_start3A_76 = arith.constant 0 : i32
      %dma_start3A_77 = tpu.memref_slice %arg2[%dma_start3A_75, %dma_start3A_76] : memref<10000x128xf32, #tpu.memory_space<hbm>> -> memref<10000x128xf32, #tpu.memory_space<hbm>>
      tpu.enqueue_indirect_dma source(%dma_start3A_77 : memref<10000x128xf32, #tpu.memory_space<hbm>>) target(%arg9 : memref<128x128xf32, #tpu.memory_space<vmem>>) offsets(%dma_start3A_74 : memref<128xi32, #tpu.memory_space<vmem>>) semaphore(%arg13 : memref<!tpu.dma_semaphore, #tpu.memory_space<semaphore_mem>>)
      %gt3A = arith.constant 0 : i32
      %gt3A_78 = arith.cmpi sgt, %while3A_60, %gt3A : i32
      %convert_element_type3A_79 = arith.extui %gt3A_78 : i1 to i32
      %cond3A_80 = arith.constant 0 : i32
      %cond3A_81 = arith.cmpi ne, %convert_element_type3A_79, %cond3A_80 : i32
      scf.if %cond3A_81 {
        %dma_wait3A_215 = arith.constant 0 : i32
        %dma_wait3A_216 = arith.constant 0 : i32
        %dma_wait3A_217 = tpu.memref_slice %arg7[%dma_wait3A_215, %dma_wait3A_216] : memref<1x128xi32, #tpu.memory_space<vmem>> -> memref<1x128xi32, #tpu.memory_space<vmem>>
        %dma_wait3A_218 = tpu.memref_squeeze %dma_wait3A_217 : memref<1x128xi32, #tpu.memory_space<vmem>> -> memref<128xi32, #tpu.memory_space<vmem>>
        %dma_wait3A_219 = arith.constant 0 : i32
        %dma_wait3A_220 = arith.constant 0 : i32
        %dma_wait3A_221 = tpu.memref_slice %arg11[%dma_wait3A_219, %dma_wait3A_220] : memref<10000x128xf32, #tpu.memory_space<vmem_shared>> -> memref<10000x128xf32, #tpu.memory_space<vmem_shared>>
        tpu.wait_indirect_dma semaphore(%arg14 : memref<!tpu.dma_semaphore, #tpu.memory_space<semaphore_mem>>) src(%arg10 : memref<128x128xf32, #tpu.memory_space<vmem>>) dst(%dma_wait3A_221 : memref<10000x128xf32, #tpu.memory_space<vmem_shared>>)
      } else {
      }
      %get3A = arith.constant 1 : i32
      %get3A_82 = arith.constant 0 : i32
      %get3A_83 = arith.index_cast %get3A : i32 to index
      %get3A_84 = arith.index_cast %get3A_82 : i32 to index
      %get3A_85 = arith.constant 0 : index
      %get3A_86 = tpu.vector_load %arg6[%get3A_83, %get3A_84, %get3A_85] {strides = array<i32>} : memref<2x1x128xi32, #tpu.memory_space<vmem>>, vector<1x1x16xi32>,
      %get3A_87 = vector.shape_cast %get3A_86 : vector<1x1x16xi32> to vector<16xi32>
      %swap3A = arith.constant 0 : i32
      %swap3A_88 = arith.index_cast %swap3A : i32 to index
      %swap3A_89 = arith.constant 0 : index
      %swap3A_90 = tpu.vector_load %arg7[%swap3A_88, %swap3A_89] {strides = array<i32>} : memref<1x128xi32, #tpu.memory_space<vmem>>, vector<1x16xi32>,
      %swap3A_91 = vector.shape_cast %swap3A_90 : vector<1x16xi32> to vector<16xi32>
      %swap3A_92 = vector.shape_cast %get3A_87 : vector<16xi32> to vector<1x16xi32>
      tpu.vector_store %arg7[%swap3A_88, %swap3A_89], %swap3A_92 {strides = array<i32>} : memref<1x128xi32, #tpu.memory_space<vmem>>, vector<1x16xi32>,
      %get3A_93 = arith.constant 1 : i32
      %get3A_94 = arith.constant 0 : i32
      %get3A_95 = arith.index_cast %get3A_93 : i32 to index
      %get3A_96 = arith.index_cast %get3A_94 : i32 to index
      %get3A_97 = arith.constant 16 : index
      %get3A_98 = tpu.vector_load %arg6[%get3A_95, %get3A_96, %get3A_97] {strides = array<i32>} : memref<2x1x128xi32, #tpu.memory_space<vmem>>, vector<1x1x16xi32>,
      %get3A_99 = vector.shape_cast %get3A_98 : vector<1x1x16xi32> to vector<16xi32>
      %swap3A_100 = arith.constant 0 : i32
      %swap3A_101 = arith.index_cast %swap3A_100 : i32 to index
      %swap3A_102 = arith.constant 16 : index
      %swap3A_103 = tpu.vector_load %arg7[%swap3A_101, %swap3A_102] {strides = array<i32>} : memref<1x128xi32, #tpu.memory_space<vmem>>, vector<1x16xi32>,
      %swap3A_104 = vector.shape_cast %swap3A_103 : vector<1x16xi32> to vector<16xi32>
      %swap3A_105 = vector.shape_cast %get3A_99 : vector<16xi32> to vector<1x16xi32>
      tpu.vector_store %arg7[%swap3A_101, %swap3A_102], %swap3A_105 {strides = array<i32>} : memref<1x128xi32, #tpu.memory_space<vmem>>, vector<1x16xi32>,
      %get3A_106 = arith.constant 1 : i32
      %get3A_107 = arith.constant 0 : i32
      %get3A_108 = arith.index_cast %get3A_106 : i32 to index
      %get3A_109 = arith.index_cast %get3A_107 : i32 to index
      %get3A_110 = arith.constant 32 : index
      %get3A_111 = tpu.vector_load %arg6[%get3A_108, %get3A_109, %get3A_110] {strides = array<i32>} : memref<2x1x128xi32, #tpu.memory_space<vmem>>, vector<1x1x16xi32>,
      %get3A_112 = vector.shape_cast %get3A_111 : vector<1x1x16xi32> to vector<16xi32>
      %swap3A_113 = arith.constant 0 : i32
      %swap3A_114 = arith.index_cast %swap3A_113 : i32 to index
      %swap3A_115 = arith.constant 32 : index
      %swap3A_116 = tpu.vector_load %arg7[%swap3A_114, %swap3A_115] {strides = array<i32>} : memref<1x128xi32, #tpu.memory_space<vmem>>, vector<1x16xi32>,
      %swap3A_117 = vector.shape_cast %swap3A_116 : vector<1x16xi32> to vector<16xi32>
      %swap3A_118 = vector.shape_cast %get3A_112 : vector<16xi32> to vector<1x16xi32>
      tpu.vector_store %arg7[%swap3A_114, %swap3A_115], %swap3A_118 {strides = array<i32>} : memref<1x128xi32, #tpu.memory_space<vmem>>, vector<1x16xi32>,
      %get3A_119 = arith.constant 1 : i32
      %get3A_120 = arith.constant 0 : i32
      %get3A_121 = arith.index_cast %get3A_119 : i32 to index
      %get3A_122 = arith.index_cast %get3A_120 : i32 to index
      %get3A_123 = arith.constant 48 : index
      %get3A_124 = tpu.vector_load %arg6[%get3A_121, %get3A_122, %get3A_123] {strides = array<i32>} : memref<2x1x128xi32, #tpu.memory_space<vmem>>, vector<1x1x16xi32>,
      %get3A_125 = vector.shape_cast %get3A_124 : vector<1x1x16xi32> to vector<16xi32>
      %swap3A_126 = arith.constant 0 : i32
      %swap3A_127 = arith.index_cast %swap3A_126 : i32 to index
      %swap3A_128 = arith.constant 48 : index
      %swap3A_129 = tpu.vector_load %arg7[%swap3A_127, %swap3A_128] {strides = array<i32>} : memref<1x128xi32, #tpu.memory_space<vmem>>, vector<1x16xi32>,
      %swap3A_130 = vector.shape_cast %swap3A_129 : vector<1x16xi32> to vector<16xi32>
      %swap3A_131 = vector.shape_cast %get3A_125 : vector<16xi32> to vector<1x16xi32>
      tpu.vector_store %arg7[%swap3A_127, %swap3A_128], %swap3A_131 {strides = array<i32>} : memref<1x128xi32, #tpu.memory_space<vmem>>, vector<1x16xi32>,
      %get3A_132 = arith.constant 1 : i32
      %get3A_133 = arith.constant 0 : i32
      %get3A_134 = arith.index_cast %get3A_132 : i32 to index
      %get3A_135 = arith.index_cast %get3A_133 : i32 to index
      %get3A_136 = arith.constant 64 : index
      %get3A_137 = tpu.vector_load %arg6[%get3A_134, %get3A_135, %get3A_136] {strides = array<i32>} : memref<2x1x128xi32, #tpu.memory_space<vmem>>, vector<1x1x16xi32>,
      %get3A_138 = vector.shape_cast %get3A_137 : vector<1x1x16xi32> to vector<16xi32>
      %swap3A_139 = arith.constant 0 : i32
      %swap3A_140 = arith.index_cast %swap3A_139 : i32 to index
      %swap3A_141 = arith.constant 64 : index
      %swap3A_142 = tpu.vector_load %arg7[%swap3A_140, %swap3A_141] {strides = array<i32>} : memref<1x128xi32, #tpu.memory_space<vmem>>, vector<1x16xi32>,
      %swap3A_143 = vector.shape_cast %swap3A_142 : vector<1x16xi32> to vector<16xi32>
      %swap3A_144 = vector.shape_cast %get3A_138 : vector<16xi32> to vector<1x16xi32>
      tpu.vector_store %arg7[%swap3A_140, %swap3A_141], %swap3A_144 {strides = array<i32>} : memref<1x128xi32, #tpu.memory_space<vmem>>, vector<1x16xi32>,
      %get3A_145 = arith.constant 1 : i32
      %get3A_146 = arith.constant 0 : i32
      %get3A_147 = arith.index_cast %get3A_145 : i32 to index
      %get3A_148 = arith.index_cast %get3A_146 : i32 to index
      %get3A_149 = arith.constant 80 : index
      %get3A_150 = tpu.vector_load %arg6[%get3A_147, %get3A_148, %get3A_149] {strides = array<i32>} : memref<2x1x128xi32, #tpu.memory_space<vmem>>, vector<1x1x16xi32>,
      %get3A_151 = vector.shape_cast %get3A_150 : vector<1x1x16xi32> to vector<16xi32>
      %swap3A_152 = arith.constant 0 : i32
      %swap3A_153 = arith.index_cast %swap3A_152 : i32 to index
      %swap3A_154 = arith.constant 80 : index
      %swap3A_155 = tpu.vector_load %arg7[%swap3A_153, %swap3A_154] {strides = array<i32>} : memref<1x128xi32, #tpu.memory_space<vmem>>, vector<1x16xi32>,
      %swap3A_156 = vector.shape_cast %swap3A_155 : vector<1x16xi32> to vector<16xi32>
      %swap3A_157 = vector.shape_cast %get3A_151 : vector<16xi32> to vector<1x16xi32>
      tpu.vector_store %arg7[%swap3A_153, %swap3A_154], %swap3A_157 {strides = array<i32>} : memref<1x128xi32, #tpu.memory_space<vmem>>, vector<1x16xi32>,
      %get3A_158 = arith.constant 1 : i32
      %get3A_159 = arith.constant 0 : i32
      %get3A_160 = arith.index_cast %get3A_158 : i32 to index
      %get3A_161 = arith.index_cast %get3A_159 : i32 to index
      %get3A_162 = arith.constant 96 : index
      %get3A_163 = tpu.vector_load %arg6[%get3A_160, %get3A_161, %get3A_162] {strides = array<i32>} : memref<2x1x128xi32, #tpu.memory_space<vmem>>, vector<1x1x16xi32>,
      %get3A_164 = vector.shape_cast %get3A_163 : vector<1x1x16xi32> to vector<16xi32>
      %swap3A_165 = arith.constant 0 : i32
      %swap3A_166 = arith.index_cast %swap3A_165 : i32 to index
      %swap3A_167 = arith.constant 96 : index
      %swap3A_168 = tpu.vector_load %arg7[%swap3A_166, %swap3A_167] {strides = array<i32>} : memref<1x128xi32, #tpu.memory_space<vmem>>, vector<1x16xi32>,
      %swap3A_169 = vector.shape_cast %swap3A_168 : vector<1x16xi32> to vector<16xi32>
      %swap3A_170 = vector.shape_cast %get3A_164 : vector<16xi32> to vector<1x16xi32>
      tpu.vector_store %arg7[%swap3A_166, %swap3A_167], %swap3A_170 {strides = array<i32>} : memref<1x128xi32, #tpu.memory_space<vmem>>, vector<1x16xi32>,
      %get3A_171 = arith.constant 1 : i32
      %get3A_172 = arith.constant 0 : i32
      %get3A_173 = arith.index_cast %get3A_171 : i32 to index
      %get3A_174 = arith.index_cast %get3A_172 : i32 to index
      %get3A_175 = arith.constant 112 : index
      %get3A_176 = tpu.vector_load %arg6[%get3A_173, %get3A_174, %get3A_175] {strides = array<i32>} : memref<2x1x128xi32, #tpu.memory_space<vmem>>, vector<1x1x16xi32>,
      %get3A_177 = vector.shape_cast %get3A_176 : vector<1x1x16xi32> to vector<16xi32>
      %swap3A_178 = arith.constant 0 : i32
      %swap3A_179 = arith.index_cast %swap3A_178 : i32 to index
      %swap3A_180 = arith.constant 112 : index
      %swap3A_181 = tpu.vector_load %arg7[%swap3A_179, %swap3A_180] {strides = array<i32>} : memref<1x128xi32, #tpu.memory_space<vmem>>, vector<1x16xi32>,
      %swap3A_182 = vector.shape_cast %swap3A_181 : vector<1x16xi32> to vector<16xi32>
      %swap3A_183 = vector.shape_cast %get3A_177 : vector<16xi32> to vector<1x16xi32>
      tpu.vector_store %arg7[%swap3A_179, %swap3A_180], %swap3A_183 {strides = array<i32>} : memref<1x128xi32, #tpu.memory_space<vmem>>, vector<1x16xi32>,
      %mul3A_184 = arith.constant 128 : i32
      %mul3A_185 = arith.muli %add3A_62, %mul3A_184 : i32
      %add3A_186 = arith.constant 0 : i32
      %add3A_187 = arith.addi %add3A_186, %mul3A_185 : i32
      %dma_wait3A_188 = arith.constant 0 : i32
      %dma_wait3A_189 = tpu.memref_slice %arg3[%add3A_187, %dma_wait3A_188] : memref<960000x128xf32, #tpu.memory_space<hbm>> -> memref<128x128xf32, #tpu.memory_space<hbm>>
      %dma_wait3A_190 = arith.constant 0 : i32
      %dma_wait3A_191 = tpu.memref_slice %arg3[%add3A_187, %dma_wait3A_190] : memref<960000x128xf32, #tpu.memory_space<hbm>> -> memref<128x128xf32, #tpu.memory_space<hbm>>
      tpu.wait_dma2 semaphore(%arg12 : memref<!tpu.dma_semaphore, #tpu.memory_space<semaphore_mem>>) src(%dma_wait3A_191 : memref<128x128xf32, #tpu.memory_space<hbm>>) dst(%arg8 : memref<128x128xf32, #tpu.memory_space<vmem>>)
      %dma_wait3A_192 = arith.constant 0 : i32
      %dma_wait3A_193 = arith.constant 0 : i32
      %dma_wait3A_194 = arith.constant 0 : i32
      %dma_wait3A_195 = tpu.memref_slice %arg6[%dma_wait3A_192, %dma_wait3A_193, %dma_wait3A_194] : memref<2x1x128xi32, #tpu.memory_space<vmem>> -> memref<1x1x128xi32, #tpu.memory_space<vmem>>
      %dma_wait3A_196 = tpu.memref_squeeze %dma_wait3A_195 : memref<1x1x128xi32, #tpu.memory_space<vmem>> -> memref<128xi32, #tpu.memory_space<vmem>>
      %dma_wait3A_197 = arith.constant 0 : i32
      %dma_wait3A_198 = arith.constant 0 : i32
      %dma_wait3A_199 = tpu.memref_slice %arg2[%dma_wait3A_197, %dma_wait3A_198] : memref<10000x128xf32, #tpu.memory_space<hbm>> -> memref<10000x128xf32, #tpu.memory_space<hbm>>
      tpu.wait_indirect_dma semaphore(%arg13 : memref<!tpu.dma_semaphore, #tpu.memory_space<semaphore_mem>>) src(%dma_wait3A_199 : memref<10000x128xf32, #tpu.memory_space<hbm>>) dst(%arg9 : memref<128x128xf32, #tpu.memory_space<vmem>>)
      %scan3A_200 = arith.constant 0 : i32
      %scan3A_201 = arith.constant 0 : i32
      %scan3A_202 = arith.constant 64 : i32
      %scan3A_203 = arith.addi %scan3A_201, %scan3A_202 : i32
      %scan3A_204 = arith.constant 1 : i32
      %scan3A_205 = scf.for %scan3A_215 = %scan3A_201 to %scan3A_203 step %scan3A_204 iter_args(%scan3A_216 = %scan3A_200) -> (i32)  : i32 {
        %mul3A_217 = arith.constant 2 : i32
        %mul3A_218 = arith.muli %mul3A_217, %scan3A_215 : i32
        %add3A_219 = arith.constant 0 : i32
        %add3A_220 = arith.addi %mul3A_218, %add3A_219 : i32
        %get3A_221 = arith.index_cast %add3A_220 : i32 to index
        %get3A_222 = arith.constant 0 : index
        %get3A_223 = tpu.vector_load %arg9[%get3A_221, %get3A_222] {strides = array<i32>} : memref<128x128xf32, #tpu.memory_space<vmem>>, vector<1x16xf32>,
        %get3A_224 = vector.shape_cast %get3A_223 : vector<1x16xf32> to vector<16xf32>
        %mul3A_225 = arith.constant 2 : i32
        %mul3A_226 = arith.muli %mul3A_225, %scan3A_215 : i32
        %add3A_227 = arith.constant 0 : i32
        %add3A_228 = arith.addi %mul3A_226, %add3A_227 : i32
        %get3A_229 = arith.index_cast %add3A_228 : i32 to index
        %get3A_230 = arith.constant 0 : index
        %get3A_231 = tpu.vector_load %arg8[%get3A_229, %get3A_230] {strides = array<i32>} : memref<128x128xf32, #tpu.memory_space<vmem>>, vector<1x16xf32>,
        %get3A_232 = vector.shape_cast %get3A_231 : vector<1x16xf32> to vector<16xf32>
        %add3A_233 = arith.addf %get3A_224, %get3A_232 : vector<16xf32>
        %max3A = arith.constant 0.000000e+00 : f32
        %max3A_234 = vector.broadcast %max3A : f32 to vector<16xf32>
        %max3A_235 = arith.maximumf %add3A_233, %max3A_234 : vector<16xf32>
        %mul3A_236 = arith.constant 2 : i32
        %mul3A_237 = arith.muli %mul3A_236, %scan3A_215 : i32
        %add3A_238 = arith.constant 0 : i32
        %add3A_239 = arith.addi %mul3A_237, %add3A_238 : i32
        %swap3A_240 = arith.index_cast %add3A_239 : i32 to index
        %swap3A_241 = arith.constant 0 : index
        %swap3A_242 = tpu.vector_load %arg10[%swap3A_240, %swap3A_241] {strides = array<i32>} : memref<128x128xf32, #tpu.memory_space<vmem>>, vector<1x16xf32>,
        %swap3A_243 = vector.shape_cast %swap3A_242 : vector<1x16xf32> to vector<16xf32>
        %swap3A_244 = vector.shape_cast %max3A_235 : vector<16xf32> to vector<1x16xf32>
        tpu.vector_store %arg10[%swap3A_240, %swap3A_241], %swap3A_244 {strides = array<i32>} : memref<128x128xf32, #tpu.memory_space<vmem>>, vector<1x16xf32>,
        %mul3A_245 = arith.constant 2 : i32
        %mul3A_246 = arith.muli %mul3A_245, %scan3A_215 : i32
        %add3A_247 = arith.constant 0 : i32
        %add3A_248 = arith.addi %mul3A_246, %add3A_247 : i32
        %get3A_249 = arith.index_cast %add3A_248 : i32 to index
        %get3A_250 = arith.constant 16 : index
        %get3A_251 = tpu.vector_load %arg9[%get3A_249, %get3A_250] {strides = array<i32>} : memref<128x128xf32, #tpu.memory_space<vmem>>, vector<1x16xf32>,
        %get3A_252 = vector.shape_cast %get3A_251 : vector<1x16xf32> to vector<16xf32>
        %mul3A_253 = arith.constant 2 : i32
        %mul3A_254 = arith.muli %mul3A_253, %scan3A_215 : i32
        %add3A_255 = arith.constant 0 : i32
        %add3A_256 = arith.addi %mul3A_254, %add3A_255 : i32
        %get3A_257 = arith.index_cast %add3A_256 : i32 to index
        %get3A_258 = arith.constant 16 : index
        %get3A_259 = tpu.vector_load %arg8[%get3A_257, %get3A_258] {strides = array<i32>} : memref<128x128xf32, #tpu.memory_space<vmem>>, vector<1x16xf32>,
        %get3A_260 = vector.shape_cast %get3A_259 : vector<1x16xf32> to vector<16xf32>
        %add3A_261 = arith.addf %get3A_252, %get3A_260 : vector<16xf32>
        %max3A_262 = arith.constant 0.000000e+00 : f32
        %max3A_263 = vector.broadcast %max3A_262 : f32 to vector<16xf32>
        %max3A_264 = arith.maximumf %add3A_261, %max3A_263 : vector<16xf32>
        %mul3A_265 = arith.constant 2 : i32
        %mul3A_266 = arith.muli %mul3A_265, %scan3A_215 : i32
        %add3A_267 = arith.constant 0 : i32
        %add3A_268 = arith.addi %mul3A_266, %add3A_267 : i32
        %swap3A_269 = arith.index_cast %add3A_268 : i32 to index
        %swap3A_270 = arith.constant 16 : index
        %swap3A_271 = tpu.vector_load %arg10[%swap3A_269, %swap3A_270] {strides = array<i32>} : memref<128x128xf32, #tpu.memory_space<vmem>>, vector<1x16xf32>,
        %swap3A_272 = vector.shape_cast %swap3A_271 : vector<1x16xf32> to vector<16xf32>
        %swap3A_273 = vector.shape_cast %max3A_264 : vector<16xf32> to vector<1x16xf32>
        tpu.vector_store %arg10[%swap3A_269, %swap3A_270], %swap3A_273 {strides = array<i32>} : memref<128x128xf32, #tpu.memory_space<vmem>>, vector<1x16xf32>,
        %mul3A_274 = arith.constant 2 : i32
        %mul3A_275 = arith.muli %mul3A_274, %scan3A_215 : i32
        %add3A_276 = arith.constant 0 : i32
        %add3A_277 = arith.addi %mul3A_275, %add3A_276 : i32
        %get3A_278 = arith.index_cast %add3A_277 : i32 to index
        %get3A_279 = arith.constant 32 : index
        %get3A_280 = tpu.vector_load %arg9[%get3A_278, %get3A_279] {strides = array<i32>} : memref<128x128xf32, #tpu.memory_space<vmem>>, vector<1x16xf32>,
        %get3A_281 = vector.shape_cast %get3A_280 : vector<1x16xf32> to vector<16xf32>
        %mul3A_282 = arith.constant 2 : i32
        %mul3A_283 = arith.muli %mul3A_282, %scan3A_215 : i32
        %add3A_284 = arith.constant 0 : i32
        %add3A_285 = arith.addi %mul3A_283, %add3A_284 : i32
        %get3A_286 = arith.index_cast %add3A_285 : i32 to index
        %get3A_287 = arith.constant 32 : index
        %get3A_288 = tpu.vector_load %arg8[%get3A_286, %get3A_287] {strides = array<i32>} : memref<128x128xf32, #tpu.memory_space<vmem>>, vector<1x16xf32>,
        %get3A_289 = vector.shape_cast %get3A_288 : vector<1x16xf32> to vector<16xf32>
        %add3A_290 = arith.addf %get3A_281, %get3A_289 : vector<16xf32>
        %max3A_291 = arith.constant 0.000000e+00 : f32
        %max3A_292 = vector.broadcast %max3A_291 : f32 to vector<16xf32>
        %max3A_293 = arith.maximumf %add3A_290, %max3A_292 : vector<16xf32>
        %mul3A_294 = arith.constant 2 : i32
        %mul3A_295 = arith.muli %mul3A_294, %scan3A_215 : i32
        %add3A_296 = arith.constant 0 : i32
        %add3A_297 = arith.addi %mul3A_295, %add3A_296 : i32
        %swap3A_298 = arith.index_cast %add3A_297 : i32 to index
        %swap3A_299 = arith.constant 32 : index
        %swap3A_300 = tpu.vector_load %arg10[%swap3A_298, %swap3A_299] {strides = array<i32>} : memref<128x128xf32, #tpu.memory_space<vmem>>, vector<1x16xf32>,
        %swap3A_301 = vector.shape_cast %swap3A_300 : vector<1x16xf32> to vector<16xf32>
        %swap3A_302 = vector.shape_cast %max3A_293 : vector<16xf32> to vector<1x16xf32>
        tpu.vector_store %arg10[%swap3A_298, %swap3A_299], %swap3A_302 {strides = array<i32>} : memref<128x128xf32, #tpu.memory_space<vmem>>, vector<1x16xf32>,
        %mul3A_303 = arith.constant 2 : i32
        %mul3A_304 = arith.muli %mul3A_303, %scan3A_215 : i32
        %add3A_305 = arith.constant 0 : i32
        %add3A_306 = arith.addi %mul3A_304, %add3A_305 : i32
        %get3A_307 = arith.index_cast %add3A_306 : i32 to index
        %get3A_308 = arith.constant 48 : index
        %get3A_309 = tpu.vector_load %arg9[%get3A_307, %get3A_308] {strides = array<i32>} : memref<128x128xf32, #tpu.memory_space<vmem>>, vector<1x16xf32>,
        %get3A_310 = vector.shape_cast %get3A_309 : vector<1x16xf32> to vector<16xf32>
        %mul3A_311 = arith.constant 2 : i32
        %mul3A_312 = arith.muli %mul3A_311, %scan3A_215 : i32
        %add3A_313 = arith.constant 0 : i32
        %add3A_314 = arith.addi %mul3A_312, %add3A_313 : i32
        %get3A_315 = arith.index_cast %add3A_314 : i32 to index
        %get3A_316 = arith.constant 48 : index
        %get3A_317 = tpu.vector_load %arg8[%get3A_315, %get3A_316] {strides = array<i32>} : memref<128x128xf32, #tpu.memory_space<vmem>>, vector<1x16xf32>,
        %get3A_318 = vector.shape_cast %get3A_317 : vector<1x16xf32> to vector<16xf32>
        %add3A_319 = arith.addf %get3A_310, %get3A_318 : vector<16xf32>
        %max3A_320 = arith.constant 0.000000e+00 : f32
        %max3A_321 = vector.broadcast %max3A_320 : f32 to vector<16xf32>
        %max3A_322 = arith.maximumf %add3A_319, %max3A_321 : vector<16xf32>
        %mul3A_323 = arith.constant 2 : i32
        %mul3A_324 = arith.muli %mul3A_323, %scan3A_215 : i32
        %add3A_325 = arith.constant 0 : i32
        %add3A_326 = arith.addi %mul3A_324, %add3A_325 : i32
        %swap3A_327 = arith.index_cast %add3A_326 : i32 to index
        %swap3A_328 = arith.constant 48 : index
        %swap3A_329 = tpu.vector_load %arg10[%swap3A_327, %swap3A_328] {strides = array<i32>} : memref<128x128xf32, #tpu.memory_space<vmem>>, vector<1x16xf32>,
        %swap3A_330 = vector.shape_cast %swap3A_329 : vector<1x16xf32> to vector<16xf32>
        %swap3A_331 = vector.shape_cast %max3A_322 : vector<16xf32> to vector<1x16xf32>
        tpu.vector_store %arg10[%swap3A_327, %swap3A_328], %swap3A_331 {strides = array<i32>} : memref<128x128xf32, #tpu.memory_space<vmem>>, vector<1x16xf32>,
        %mul3A_332 = arith.constant 2 : i32
        %mul3A_333 = arith.muli %mul3A_332, %scan3A_215 : i32
        %add3A_334 = arith.constant 0 : i32
        %add3A_335 = arith.addi %mul3A_333, %add3A_334 : i32
        %get3A_336 = arith.index_cast %add3A_335 : i32 to index
        %get3A_337 = arith.constant 64 : index
        %get3A_338 = tpu.vector_load %arg9[%get3A_336, %get3A_337] {strides = array<i32>} : memref<128x128xf32, #tpu.memory_space<vmem>>, vector<1x16xf32>,
        %get3A_339 = vector.shape_cast %get3A_338 : vector<1x16xf32> to vector<16xf32>
        %mul3A_340 = arith.constant 2 : i32
        %mul3A_341 = arith.muli %mul3A_340, %scan3A_215 : i32
        %add3A_342 = arith.constant 0 : i32
        %add3A_343 = arith.addi %mul3A_341, %add3A_342 : i32
        %get3A_344 = arith.index_cast %add3A_343 : i32 to index
        %get3A_345 = arith.constant 64 : index
        %get3A_346 = tpu.vector_load %arg8[%get3A_344, %get3A_345] {strides = array<i32>} : memref<128x128xf32, #tpu.memory_space<vmem>>, vector<1x16xf32>,
        %get3A_347 = vector.shape_cast %get3A_346 : vector<1x16xf32> to vector<16xf32>
        %add3A_348 = arith.addf %get3A_339, %get3A_347 : vector<16xf32>
        %max3A_349 = arith.constant 0.000000e+00 : f32
        %max3A_350 = vector.broadcast %max3A_349 : f32 to vector<16xf32>
        %max3A_351 = arith.maximumf %add3A_348, %max3A_350 : vector<16xf32>
        %mul3A_352 = arith.constant 2 : i32
        %mul3A_353 = arith.muli %mul3A_352, %scan3A_215 : i32
        %add3A_354 = arith.constant 0 : i32
        %add3A_355 = arith.addi %mul3A_353, %add3A_354 : i32
        %swap3A_356 = arith.index_cast %add3A_355 : i32 to index
        %swap3A_357 = arith.constant 64 : index
        %swap3A_358 = tpu.vector_load %arg10[%swap3A_356, %swap3A_357] {strides = array<i32>} : memref<128x128xf32, #tpu.memory_space<vmem>>, vector<1x16xf32>,
        %swap3A_359 = vector.shape_cast %swap3A_358 : vector<1x16xf32> to vector<16xf32>
        %swap3A_360 = vector.shape_cast %max3A_351 : vector<16xf32> to vector<1x16xf32>
        tpu.vector_store %arg10[%swap3A_356, %swap3A_357], %swap3A_360 {strides = array<i32>} : memref<128x128xf32, #tpu.memory_space<vmem>>, vector<1x16xf32>,
        %mul3A_361 = arith.constant 2 : i32
        %mul3A_362 = arith.muli %mul3A_361, %scan3A_215 : i32
        %add3A_363 = arith.constant 0 : i32
        %add3A_364 = arith.addi %mul3A_362, %add3A_363 : i32
        %get3A_365 = arith.index_cast %add3A_364 : i32 to index
        %get3A_366 = arith.constant 80 : index
        %get3A_367 = tpu.vector_load %arg9[%get3A_365, %get3A_366] {strides = array<i32>} : memref<128x128xf32, #tpu.memory_space<vmem>>, vector<1x16xf32>,
        %get3A_368 = vector.shape_cast %get3A_367 : vector<1x16xf32> to vector<16xf32>
        %mul3A_369 = arith.constant 2 : i32
        %mul3A_370 = arith.muli %mul3A_369, %scan3A_215 : i32
        %add3A_371 = arith.constant 0 : i32
        %add3A_372 = arith.addi %mul3A_370, %add3A_371 : i32
        %get3A_373 = arith.index_cast %add3A_372 : i32 to index
        %get3A_374 = arith.constant 80 : index
        %get3A_375 = tpu.vector_load %arg8[%get3A_373, %get3A_374] {strides = array<i32>} : memref<128x128xf32, #tpu.memory_space<vmem>>, vector<1x16xf32>,
        %get3A_376 = vector.shape_cast %get3A_375 : vector<1x16xf32> to vector<16xf32>
        %add3A_377 = arith.addf %get3A_368, %get3A_376 : vector<16xf32>
        %max3A_378 = arith.constant 0.000000e+00 : f32
        %max3A_379 = vector.broadcast %max3A_378 : f32 to vector<16xf32>
        %max3A_380 = arith.maximumf %add3A_377, %max3A_379 : vector<16xf32>
        %mul3A_381 = arith.constant 2 : i32
        %mul3A_382 = arith.muli %mul3A_381, %scan3A_215 : i32
        %add3A_383 = arith.constant 0 : i32
        %add3A_384 = arith.addi %mul3A_382, %add3A_383 : i32
        %swap3A_385 = arith.index_cast %add3A_384 : i32 to index
        %swap3A_386 = arith.constant 80 : index
        %swap3A_387 = tpu.vector_load %arg10[%swap3A_385, %swap3A_386] {strides = array<i32>} : memref<128x128xf32, #tpu.memory_space<vmem>>, vector<1x16xf32>,
        %swap3A_388 = vector.shape_cast %swap3A_387 : vector<1x16xf32> to vector<16xf32>
        %swap3A_389 = vector.shape_cast %max3A_380 : vector<16xf32> to vector<1x16xf32>
        tpu.vector_store %arg10[%swap3A_385, %swap3A_386], %swap3A_389 {strides = array<i32>} : memref<128x128xf32, #tpu.memory_space<vmem>>, vector<1x16xf32>,
        %mul3A_390 = arith.constant 2 : i32
        %mul3A_391 = arith.muli %mul3A_390, %scan3A_215 : i32
        %add3A_392 = arith.constant 0 : i32
        %add3A_393 = arith.addi %mul3A_391, %add3A_392 : i32
        %get3A_394 = arith.index_cast %add3A_393 : i32 to index
        %get3A_395 = arith.constant 96 : index
        %get3A_396 = tpu.vector_load %arg9[%get3A_394, %get3A_395] {strides = array<i32>} : memref<128x128xf32, #tpu.memory_space<vmem>>, vector<1x16xf32>,
        %get3A_397 = vector.shape_cast %get3A_396 : vector<1x16xf32> to vector<16xf32>
        %mul3A_398 = arith.constant 2 : i32
        %mul3A_399 = arith.muli %mul3A_398, %scan3A_215 : i32
        %add3A_400 = arith.constant 0 : i32
        %add3A_401 = arith.addi %mul3A_399, %add3A_400 : i32
        %get3A_402 = arith.index_cast %add3A_401 : i32 to index
        %get3A_403 = arith.constant 96 : index
        %get3A_404 = tpu.vector_load %arg8[%get3A_402, %get3A_403] {strides = array<i32>} : memref<128x128xf32, #tpu.memory_space<vmem>>, vector<1x16xf32>,
        %get3A_405 = vector.shape_cast %get3A_404 : vector<1x16xf32> to vector<16xf32>
        %add3A_406 = arith.addf %get3A_397, %get3A_405 : vector<16xf32>
        %max3A_407 = arith.constant 0.000000e+00 : f32
        %max3A_408 = vector.broadcast %max3A_407 : f32 to vector<16xf32>
        %max3A_409 = arith.maximumf %add3A_406, %max3A_408 : vector<16xf32>
        %mul3A_410 = arith.constant 2 : i32
        %mul3A_411 = arith.muli %mul3A_410, %scan3A_215 : i32
        %add3A_412 = arith.constant 0 : i32
        %add3A_413 = arith.addi %mul3A_411, %add3A_412 : i32
        %swap3A_414 = arith.index_cast %add3A_413 : i32 to index
        %swap3A_415 = arith.constant 96 : index
        %swap3A_416 = tpu.vector_load %arg10[%swap3A_414, %swap3A_415] {strides = array<i32>} : memref<128x128xf32, #tpu.memory_space<vmem>>, vector<1x16xf32>,
        %swap3A_417 = vector.shape_cast %swap3A_416 : vector<1x16xf32> to vector<16xf32>
        %swap3A_418 = vector.shape_cast %max3A_409 : vector<16xf32> to vector<1x16xf32>
        tpu.vector_store %arg10[%swap3A_414, %swap3A_415], %swap3A_418 {strides = array<i32>} : memref<128x128xf32, #tpu.memory_space<vmem>>, vector<1x16xf32>,
        %mul3A_419 = arith.constant 2 : i32
        %mul3A_420 = arith.muli %mul3A_419, %scan3A_215 : i32
        %add3A_421 = arith.constant 0 : i32
        %add3A_422 = arith.addi %mul3A_420, %add3A_421 : i32
        %get3A_423 = arith.index_cast %add3A_422 : i32 to index
        %get3A_424 = arith.constant 112 : index
        %get3A_425 = tpu.vector_load %arg9[%get3A_423, %get3A_424] {strides = array<i32>} : memref<128x128xf32, #tpu.memory_space<vmem>>, vector<1x16xf32>,
        %get3A_426 = vector.shape_cast %get3A_425 : vector<1x16xf32> to vector<16xf32>
        %mul3A_427 = arith.constant 2 : i32
        %mul3A_428 = arith.muli %mul3A_427, %scan3A_215 : i32
        %add3A_429 = arith.constant 0 : i32
        %add3A_430 = arith.addi %mul3A_428, %add3A_429 : i32
        %get3A_431 = arith.index_cast %add3A_430 : i32 to index
        %get3A_432 = arith.constant 112 : index
        %get3A_433 = tpu.vector_load %arg8[%get3A_431, %get3A_432] {strides = array<i32>} : memref<128x128xf32, #tpu.memory_space<vmem>>, vector<1x16xf32>,
        %get3A_434 = vector.shape_cast %get3A_433 : vector<1x16xf32> to vector<16xf32>
        %add3A_435 = arith.addf %get3A_426, %get3A_434 : vector<16xf32>
        %max3A_436 = arith.constant 0.000000e+00 : f32
        %max3A_437 = vector.broadcast %max3A_436 : f32 to vector<16xf32>
        %max3A_438 = arith.maximumf %add3A_435, %max3A_437 : vector<16xf32>
        %mul3A_439 = arith.constant 2 : i32
        %mul3A_440 = arith.muli %mul3A_439, %scan3A_215 : i32
        %add3A_441 = arith.constant 0 : i32
        %add3A_442 = arith.addi %mul3A_440, %add3A_441 : i32
        %swap3A_443 = arith.index_cast %add3A_442 : i32 to index
        %swap3A_444 = arith.constant 112 : index
        %swap3A_445 = tpu.vector_load %arg10[%swap3A_443, %swap3A_444] {strides = array<i32>} : memref<128x128xf32, #tpu.memory_space<vmem>>, vector<1x16xf32>,
        %swap3A_446 = vector.shape_cast %swap3A_445 : vector<1x16xf32> to vector<16xf32>
        %swap3A_447 = vector.shape_cast %max3A_438 : vector<16xf32> to vector<1x16xf32>
        tpu.vector_store %arg10[%swap3A_443, %swap3A_444], %swap3A_447 {strides = array<i32>} : memref<128x128xf32, #tpu.memory_space<vmem>>, vector<1x16xf32>,
        %mul3A_448 = arith.constant 2 : i32
        %mul3A_449 = arith.muli %mul3A_448, %scan3A_215 : i32
        %add3A_450 = arith.constant 1 : i32
        %add3A_451 = arith.addi %mul3A_449, %add3A_450 : i32
        %get3A_452 = arith.index_cast %add3A_451 : i32 to index
        %get3A_453 = arith.constant 0 : index
        %get3A_454 = tpu.vector_load %arg9[%get3A_452, %get3A_453] {strides = array<i32>} : memref<128x128xf32, #tpu.memory_space<vmem>>, vector<1x16xf32>,
        %get3A_455 = vector.shape_cast %get3A_454 : vector<1x16xf32> to vector<16xf32>
        %mul3A_456 = arith.constant 2 : i32
        %mul3A_457 = arith.muli %mul3A_456, %scan3A_215 : i32
        %add3A_458 = arith.constant 1 : i32
        %add3A_459 = arith.addi %mul3A_457, %add3A_458 : i32
        %get3A_460 = arith.index_cast %add3A_459 : i32 to index
        %get3A_461 = arith.constant 0 : index
        %get3A_462 = tpu.vector_load %arg8[%get3A_460, %get3A_461] {strides = array<i32>} : memref<128x128xf32, #tpu.memory_space<vmem>>, vector<1x16xf32>,
        %get3A_463 = vector.shape_cast %get3A_462 : vector<1x16xf32> to vector<16xf32>
        %add3A_464 = arith.addf %get3A_455, %get3A_463 : vector<16xf32>
        %max3A_465 = arith.constant 0.000000e+00 : f32
        %max3A_466 = vector.broadcast %max3A_465 : f32 to vector<16xf32>
        %max3A_467 = arith.maximumf %add3A_464, %max3A_466 : vector<16xf32>
        %mul3A_468 = arith.constant 2 : i32
        %mul3A_469 = arith.muli %mul3A_468, %scan3A_215 : i32
        %add3A_470 = arith.constant 1 : i32
        %add3A_471 = arith.addi %mul3A_469, %add3A_470 : i32
        %swap3A_472 = arith.index_cast %add3A_471 : i32 to index
        %swap3A_473 = arith.constant 0 : index
        %swap3A_474 = tpu.vector_load %arg10[%swap3A_472, %swap3A_473] {strides = array<i32>} : memref<128x128xf32, #tpu.memory_space<vmem>>, vector<1x16xf32>,
        %swap3A_475 = vector.shape_cast %swap3A_474 : vector<1x16xf32> to vector<16xf32>
        %swap3A_476 = vector.shape_cast %max3A_467 : vector<16xf32> to vector<1x16xf32>
        tpu.vector_store %arg10[%swap3A_472, %swap3A_473], %swap3A_476 {strides = array<i32>} : memref<128x128xf32, #tpu.memory_space<vmem>>, vector<1x16xf32>,
        %mul3A_477 = arith.constant 2 : i32
        %mul3A_478 = arith.muli %mul3A_477, %scan3A_215 : i32
        %add3A_479 = arith.constant 1 : i32
        %add3A_480 = arith.addi %mul3A_478, %add3A_479 : i32
        %get3A_481 = arith.index_cast %add3A_480 : i32 to index
        %get3A_482 = arith.constant 16 : index
        %get3A_483 = tpu.vector_load %arg9[%get3A_481, %get3A_482] {strides = array<i32>} : memref<128x128xf32, #tpu.memory_space<vmem>>, vector<1x16xf32>,
        %get3A_484 = vector.shape_cast %get3A_483 : vector<1x16xf32> to vector<16xf32>
        %mul3A_485 = arith.constant 2 : i32
        %mul3A_486 = arith.muli %mul3A_485, %scan3A_215 : i32
        %add3A_487 = arith.constant 1 : i32
        %add3A_488 = arith.addi %mul3A_486, %add3A_487 : i32
        %get3A_489 = arith.index_cast %add3A_488 : i32 to index
        %get3A_490 = arith.constant 16 : index
        %get3A_491 = tpu.vector_load %arg8[%get3A_489, %get3A_490] {strides = array<i32>} : memref<128x128xf32, #tpu.memory_space<vmem>>, vector<1x16xf32>,
        %get3A_492 = vector.shape_cast %get3A_491 : vector<1x16xf32> to vector<16xf32>
        %add3A_493 = arith.addf %get3A_484, %get3A_492 : vector<16xf32>
        %max3A_494 = arith.constant 0.000000e+00 : f32
        %max3A_495 = vector.broadcast %max3A_494 : f32 to vector<16xf32>
        %max3A_496 = arith.maximumf %add3A_493, %max3A_495 : vector<16xf32>
        %mul3A_497 = arith.constant 2 : i32
        %mul3A_498 = arith.muli %mul3A_497, %scan3A_215 : i32
        %add3A_499 = arith.constant 1 : i32
        %add3A_500 = arith.addi %mul3A_498, %add3A_499 : i32
        %swap3A_501 = arith.index_cast %add3A_500 : i32 to index
        %swap3A_502 = arith.constant 16 : index
        %swap3A_503 = tpu.vector_load %arg10[%swap3A_501, %swap3A_502] {strides = array<i32>} : memref<128x128xf32, #tpu.memory_space<vmem>>, vector<1x16xf32>,
        %swap3A_504 = vector.shape_cast %swap3A_503 : vector<1x16xf32> to vector<16xf32>
        %swap3A_505 = vector.shape_cast %max3A_496 : vector<16xf32> to vector<1x16xf32>
        tpu.vector_store %arg10[%swap3A_501, %swap3A_502], %swap3A_505 {strides = array<i32>} : memref<128x128xf32, #tpu.memory_space<vmem>>, vector<1x16xf32>,
        %mul3A_506 = arith.constant 2 : i32
        %mul3A_507 = arith.muli %mul3A_506, %scan3A_215 : i32
        %add3A_508 = arith.constant 1 : i32
        %add3A_509 = arith.addi %mul3A_507, %add3A_508 : i32
        %get3A_510 = arith.index_cast %add3A_509 : i32 to index
        %get3A_511 = arith.constant 32 : index
        %get3A_512 = tpu.vector_load %arg9[%get3A_510, %get3A_511] {strides = array<i32>} : memref<128x128xf32, #tpu.memory_space<vmem>>, vector<1x16xf32>,
        %get3A_513 = vector.shape_cast %get3A_512 : vector<1x16xf32> to vector<16xf32>
        %mul3A_514 = arith.constant 2 : i32
        %mul3A_515 = arith.muli %mul3A_514, %scan3A_215 : i32
        %add3A_516 = arith.constant 1 : i32
        %add3A_517 = arith.addi %mul3A_515, %add3A_516 : i32
        %get3A_518 = arith.index_cast %add3A_517 : i32 to index
        %get3A_519 = arith.constant 32 : index
        %get3A_520 = tpu.vector_load %arg8[%get3A_518, %get3A_519] {strides = array<i32>} : memref<128x128xf32, #tpu.memory_space<vmem>>, vector<1x16xf32>,
        %get3A_521 = vector.shape_cast %get3A_520 : vector<1x16xf32> to vector<16xf32>
        %add3A_522 = arith.addf %get3A_513, %get3A_521 : vector<16xf32>
        %max3A_523 = arith.constant 0.000000e+00 : f32
        %max3A_524 = vector.broadcast %max3A_523 : f32 to vector<16xf32>
        %max3A_525 = arith.maximumf %add3A_522, %max3A_524 : vector<16xf32>
        %mul3A_526 = arith.constant 2 : i32
        %mul3A_527 = arith.muli %mul3A_526, %scan3A_215 : i32
        %add3A_528 = arith.constant 1 : i32
        %add3A_529 = arith.addi %mul3A_527, %add3A_528 : i32
        %swap3A_530 = arith.index_cast %add3A_529 : i32 to index
        %swap3A_531 = arith.constant 32 : index
        %swap3A_532 = tpu.vector_load %arg10[%swap3A_530, %swap3A_531] {strides = array<i32>} : memref<128x128xf32, #tpu.memory_space<vmem>>, vector<1x16xf32>,
        %swap3A_533 = vector.shape_cast %swap3A_532 : vector<1x16xf32> to vector<16xf32>
        %swap3A_534 = vector.shape_cast %max3A_525 : vector<16xf32> to vector<1x16xf32>
        tpu.vector_store %arg10[%swap3A_530, %swap3A_531], %swap3A_534 {strides = array<i32>} : memref<128x128xf32, #tpu.memory_space<vmem>>, vector<1x16xf32>,
        %mul3A_535 = arith.constant 2 : i32
        %mul3A_536 = arith.muli %mul3A_535, %scan3A_215 : i32
        %add3A_537 = arith.constant 1 : i32
        %add3A_538 = arith.addi %mul3A_536, %add3A_537 : i32
        %get3A_539 = arith.index_cast %add3A_538 : i32 to index
        %get3A_540 = arith.constant 48 : index
        %get3A_541 = tpu.vector_load %arg9[%get3A_539, %get3A_540] {strides = array<i32>} : memref<128x128xf32, #tpu.memory_space<vmem>>, vector<1x16xf32>,
        %get3A_542 = vector.shape_cast %get3A_541 : vector<1x16xf32> to vector<16xf32>
        %mul3A_543 = arith.constant 2 : i32
        %mul3A_544 = arith.muli %mul3A_543, %scan3A_215 : i32
        %add3A_545 = arith.constant 1 : i32
        %add3A_546 = arith.addi %mul3A_544, %add3A_545 : i32
        %get3A_547 = arith.index_cast %add3A_546 : i32 to index
        %get3A_548 = arith.constant 48 : index
        %get3A_549 = tpu.vector_load %arg8[%get3A_547, %get3A_548] {strides = array<i32>} : memref<128x128xf32, #tpu.memory_space<vmem>>, vector<1x16xf32>,
        %get3A_550 = vector.shape_cast %get3A_549 : vector<1x16xf32> to vector<16xf32>
        %add3A_551 = arith.addf %get3A_542, %get3A_550 : vector<16xf32>
        %max3A_552 = arith.constant 0.000000e+00 : f32
        %max3A_553 = vector.broadcast %max3A_552 : f32 to vector<16xf32>
        %max3A_554 = arith.maximumf %add3A_551, %max3A_553 : vector<16xf32>
        %mul3A_555 = arith.constant 2 : i32
        %mul3A_556 = arith.muli %mul3A_555, %scan3A_215 : i32
        %add3A_557 = arith.constant 1 : i32
        %add3A_558 = arith.addi %mul3A_556, %add3A_557 : i32
        %swap3A_559 = arith.index_cast %add3A_558 : i32 to index
        %swap3A_560 = arith.constant 48 : index
        %swap3A_561 = tpu.vector_load %arg10[%swap3A_559, %swap3A_560] {strides = array<i32>} : memref<128x128xf32, #tpu.memory_space<vmem>>, vector<1x16xf32>,
        %swap3A_562 = vector.shape_cast %swap3A_561 : vector<1x16xf32> to vector<16xf32>
        %swap3A_563 = vector.shape_cast %max3A_554 : vector<16xf32> to vector<1x16xf32>
        tpu.vector_store %arg10[%swap3A_559, %swap3A_560], %swap3A_563 {strides = array<i32>} : memref<128x128xf32, #tpu.memory_space<vmem>>, vector<1x16xf32>,
        %mul3A_564 = arith.constant 2 : i32
        %mul3A_565 = arith.muli %mul3A_564, %scan3A_215 : i32
        %add3A_566 = arith.constant 1 : i32
        %add3A_567 = arith.addi %mul3A_565, %add3A_566 : i32
        %get3A_568 = arith.index_cast %add3A_567 : i32 to index
        %get3A_569 = arith.constant 64 : index
        %get3A_570 = tpu.vector_load %arg9[%get3A_568, %get3A_569] {strides = array<i32>} : memref<128x128xf32, #tpu.memory_space<vmem>>, vector<1x16xf32>,
        %get3A_571 = vector.shape_cast %get3A_570 : vector<1x16xf32> to vector<16xf32>
        %mul3A_572 = arith.constant 2 : i32
        %mul3A_573 = arith.muli %mul3A_572, %scan3A_215 : i32
        %add3A_574 = arith.constant 1 : i32
        %add3A_575 = arith.addi %mul3A_573, %add3A_574 : i32
        %get3A_576 = arith.index_cast %add3A_575 : i32 to index
        %get3A_577 = arith.constant 64 : index
        %get3A_578 = tpu.vector_load %arg8[%get3A_576, %get3A_577] {strides = array<i32>} : memref<128x128xf32, #tpu.memory_space<vmem>>, vector<1x16xf32>,
        %get3A_579 = vector.shape_cast %get3A_578 : vector<1x16xf32> to vector<16xf32>
        %add3A_580 = arith.addf %get3A_571, %get3A_579 : vector<16xf32>
        %max3A_581 = arith.constant 0.000000e+00 : f32
        %max3A_582 = vector.broadcast %max3A_581 : f32 to vector<16xf32>
        %max3A_583 = arith.maximumf %add3A_580, %max3A_582 : vector<16xf32>
        %mul3A_584 = arith.constant 2 : i32
        %mul3A_585 = arith.muli %mul3A_584, %scan3A_215 : i32
        %add3A_586 = arith.constant 1 : i32
        %add3A_587 = arith.addi %mul3A_585, %add3A_586 : i32
        %swap3A_588 = arith.index_cast %add3A_587 : i32 to index
        %swap3A_589 = arith.constant 64 : index
        %swap3A_590 = tpu.vector_load %arg10[%swap3A_588, %swap3A_589] {strides = array<i32>} : memref<128x128xf32, #tpu.memory_space<vmem>>, vector<1x16xf32>,
        %swap3A_591 = vector.shape_cast %swap3A_590 : vector<1x16xf32> to vector<16xf32>
        %swap3A_592 = vector.shape_cast %max3A_583 : vector<16xf32> to vector<1x16xf32>
        tpu.vector_store %arg10[%swap3A_588, %swap3A_589], %swap3A_592 {strides = array<i32>} : memref<128x128xf32, #tpu.memory_space<vmem>>, vector<1x16xf32>,
        %mul3A_593 = arith.constant 2 : i32
        %mul3A_594 = arith.muli %mul3A_593, %scan3A_215 : i32
        %add3A_595 = arith.constant 1 : i32
        %add3A_596 = arith.addi %mul3A_594, %add3A_595 : i32
        %get3A_597 = arith.index_cast %add3A_596 : i32 to index
        %get3A_598 = arith.constant 80 : index
        %get3A_599 = tpu.vector_load %arg9[%get3A_597, %get3A_598] {strides = array<i32>} : memref<128x128xf32, #tpu.memory_space<vmem>>, vector<1x16xf32>,
        %get3A_600 = vector.shape_cast %get3A_599 : vector<1x16xf32> to vector<16xf32>
        %mul3A_601 = arith.constant 2 : i32
        %mul3A_602 = arith.muli %mul3A_601, %scan3A_215 : i32
        %add3A_603 = arith.constant 1 : i32
        %add3A_604 = arith.addi %mul3A_602, %add3A_603 : i32
        %get3A_605 = arith.index_cast %add3A_604 : i32 to index
        %get3A_606 = arith.constant 80 : index
        %get3A_607 = tpu.vector_load %arg8[%get3A_605, %get3A_606] {strides = array<i32>} : memref<128x128xf32, #tpu.memory_space<vmem>>, vector<1x16xf32>,
        %get3A_608 = vector.shape_cast %get3A_607 : vector<1x16xf32> to vector<16xf32>
        %add3A_609 = arith.addf %get3A_600, %get3A_608 : vector<16xf32>
        %max3A_610 = arith.constant 0.000000e+00 : f32
        %max3A_611 = vector.broadcast %max3A_610 : f32 to vector<16xf32>
        %max3A_612 = arith.maximumf %add3A_609, %max3A_611 : vector<16xf32>
        %mul3A_613 = arith.constant 2 : i32
        %mul3A_614 = arith.muli %mul3A_613, %scan3A_215 : i32
        %add3A_615 = arith.constant 1 : i32
        %add3A_616 = arith.addi %mul3A_614, %add3A_615 : i32
        %swap3A_617 = arith.index_cast %add3A_616 : i32 to index
        %swap3A_618 = arith.constant 80 : index
        %swap3A_619 = tpu.vector_load %arg10[%swap3A_617, %swap3A_618] {strides = array<i32>} : memref<128x128xf32, #tpu.memory_space<vmem>>, vector<1x16xf32>,
        %swap3A_620 = vector.shape_cast %swap3A_619 : vector<1x16xf32> to vector<16xf32>
        %swap3A_621 = vector.shape_cast %max3A_612 : vector<16xf32> to vector<1x16xf32>
        tpu.vector_store %arg10[%swap3A_617, %swap3A_618], %swap3A_621 {strides = array<i32>} : memref<128x128xf32, #tpu.memory_space<vmem>>, vector<1x16xf32>,
        %mul3A_622 = arith.constant 2 : i32
        %mul3A_623 = arith.muli %mul3A_622, %scan3A_215 : i32
        %add3A_624 = arith.constant 1 : i32
        %add3A_625 = arith.addi %mul3A_623, %add3A_624 : i32
        %get3A_626 = arith.index_cast %add3A_625 : i32 to index
        %get3A_627 = arith.constant 96 : index
        %get3A_628 = tpu.vector_load %arg9[%get3A_626, %get3A_627] {strides = array<i32>} : memref<128x128xf32, #tpu.memory_space<vmem>>, vector<1x16xf32>,
        %get3A_629 = vector.shape_cast %get3A_628 : vector<1x16xf32> to vector<16xf32>
        %mul3A_630 = arith.constant 2 : i32
        %mul3A_631 = arith.muli %mul3A_630, %scan3A_215 : i32
        %add3A_632 = arith.constant 1 : i32
        %add3A_633 = arith.addi %mul3A_631, %add3A_632 : i32
        %get3A_634 = arith.index_cast %add3A_633 : i32 to index
        %get3A_635 = arith.constant 96 : index
        %get3A_636 = tpu.vector_load %arg8[%get3A_634, %get3A_635] {strides = array<i32>} : memref<128x128xf32, #tpu.memory_space<vmem>>, vector<1x16xf32>,
        %get3A_637 = vector.shape_cast %get3A_636 : vector<1x16xf32> to vector<16xf32>
        %add3A_638 = arith.addf %get3A_629, %get3A_637 : vector<16xf32>
        %max3A_639 = arith.constant 0.000000e+00 : f32
        %max3A_640 = vector.broadcast %max3A_639 : f32 to vector<16xf32>
        %max3A_641 = arith.maximumf %add3A_638, %max3A_640 : vector<16xf32>
        %mul3A_642 = arith.constant 2 : i32
        %mul3A_643 = arith.muli %mul3A_642, %scan3A_215 : i32
        %add3A_644 = arith.constant 1 : i32
        %add3A_645 = arith.addi %mul3A_643, %add3A_644 : i32
        %swap3A_646 = arith.index_cast %add3A_645 : i32 to index
        %swap3A_647 = arith.constant 96 : index
        %swap3A_648 = tpu.vector_load %arg10[%swap3A_646, %swap3A_647] {strides = array<i32>} : memref<128x128xf32, #tpu.memory_space<vmem>>, vector<1x16xf32>,
        %swap3A_649 = vector.shape_cast %swap3A_648 : vector<1x16xf32> to vector<16xf32>
        %swap3A_650 = vector.shape_cast %max3A_641 : vector<16xf32> to vector<1x16xf32>
        tpu.vector_store %arg10[%swap3A_646, %swap3A_647], %swap3A_650 {strides = array<i32>} : memref<128x128xf32, #tpu.memory_space<vmem>>, vector<1x16xf32>,
        %mul3A_651 = arith.constant 2 : i32
        %mul3A_652 = arith.muli %mul3A_651, %scan3A_215 : i32
        %add3A_653 = arith.constant 1 : i32
        %add3A_654 = arith.addi %mul3A_652, %add3A_653 : i32
        %get3A_655 = arith.index_cast %add3A_654 : i32 to index
        %get3A_656 = arith.constant 112 : index
        %get3A_657 = tpu.vector_load %arg9[%get3A_655, %get3A_656] {strides = array<i32>} : memref<128x128xf32, #tpu.memory_space<vmem>>, vector<1x16xf32>,
        %get3A_658 = vector.shape_cast %get3A_657 : vector<1x16xf32> to vector<16xf32>
        %mul3A_659 = arith.constant 2 : i32
        %mul3A_660 = arith.muli %mul3A_659, %scan3A_215 : i32
        %add3A_661 = arith.constant 1 : i32
        %add3A_662 = arith.addi %mul3A_660, %add3A_661 : i32
        %get3A_663 = arith.index_cast %add3A_662 : i32 to index
        %get3A_664 = arith.constant 112 : index
        %get3A_665 = tpu.vector_load %arg8[%get3A_663, %get3A_664] {strides = array<i32>} : memref<128x128xf32, #tpu.memory_space<vmem>>, vector<1x16xf32>,
        %get3A_666 = vector.shape_cast %get3A_665 : vector<1x16xf32> to vector<16xf32>
        %add3A_667 = arith.addf %get3A_658, %get3A_666 : vector<16xf32>
        %max3A_668 = arith.constant 0.000000e+00 : f32
        %max3A_669 = vector.broadcast %max3A_668 : f32 to vector<16xf32>
        %max3A_670 = arith.maximumf %add3A_667, %max3A_669 : vector<16xf32>
        %mul3A_671 = arith.constant 2 : i32
        %mul3A_672 = arith.muli %mul3A_671, %scan3A_215 : i32
        %add3A_673 = arith.constant 1 : i32
        %add3A_674 = arith.addi %mul3A_672, %add3A_673 : i32
        %swap3A_675 = arith.index_cast %add3A_674 : i32 to index
        %swap3A_676 = arith.constant 112 : index
        %swap3A_677 = tpu.vector_load %arg10[%swap3A_675, %swap3A_676] {strides = array<i32>} : memref<128x128xf32, #tpu.memory_space<vmem>>, vector<1x16xf32>,
        %swap3A_678 = vector.shape_cast %swap3A_677 : vector<1x16xf32> to vector<16xf32>
        %swap3A_679 = vector.shape_cast %max3A_670 : vector<16xf32> to vector<1x16xf32>
        tpu.vector_store %arg10[%swap3A_675, %swap3A_676], %swap3A_679 {strides = array<i32>} : memref<128x128xf32, #tpu.memory_space<vmem>>, vector<1x16xf32>,
        %scan3A_680 = arith.constant 0 : i32
        scf.yield %scan3A_680 : i32
      }
      %scan3A_206 = arith.constant 64 : i32
      %dma_start3A_207 = arith.constant 0 : i32
      %dma_start3A_208 = arith.constant 0 : i32
      %dma_start3A_209 = tpu.memref_slice %arg7[%dma_start3A_207, %dma_start3A_208] : memref<1x128xi32, #tpu.memory_space<vmem>> -> memref<1x128xi32, #tpu.memory_space<vmem>>
      %dma_start3A_210 = tpu.memref_squeeze %dma_start3A_209 : memref<1x128xi32, #tpu.memory_space<vmem>> -> memref<128xi32, #tpu.memory_space<vmem>>
      %dma_start3A_211 = arith.constant 0 : i32
      %dma_start3A_212 = arith.constant 0 : i32
      %dma_start3A_213 = tpu.memref_slice %arg11[%dma_start3A_211, %dma_start3A_212] : memref<10000x128xf32, #tpu.memory_space<vmem_shared>> -> memref<10000x128xf32, #tpu.memory_space<vmem_shared>>
      tpu.enqueue_indirect_dma source(%arg10 : memref<128x128xf32, #tpu.memory_space<vmem>>) target(%dma_start3A_213 : memref<10000x128xf32, #tpu.memory_space<vmem_shared>>) offsets(%dma_start3A_210 : memref<128xi32, #tpu.memory_space<vmem>>) semaphore(%arg14 : memref<!tpu.dma_semaphore, #tpu.memory_space<semaphore_mem>>) {add = true}
      %while3A_214 = arith.constant 0 : i32
      scf.yield %while3A_214 : i32
    }
    %while3A_44 = arith.constant 1 : i32
    %while3A_45 = scf.for %while3A_60 = %while3A_41 to %while3A_37 step %while3A_44 iter_args(%while3A_61 = %while3A_43) -> (i32)  : i32 {
      %add3A_62 = arith.addi %add3A_31, %while3A_60 : i32
      "tpu.region"() ({
        %run_scoped3A = tpu.sem_alloc : memref<!tpu.dma_semaphore, #tpu.memory_space<semaphore_mem>>
        %dma_start3A_215 = arith.constant 0 : i32
        %dma_start3A_216 = arith.constant 0 : i32
        %dma_start3A_217 = arith.constant 0 : i32
        %dma_start3A_218 = tpu.memref_slice %arg4[%add3A_62, %dma_start3A_215, %dma_start3A_216, %dma_start3A_217] : memref<2500x2x1x128xi32, #tpu.memory_space<hbm>> -> memref<1x2x1x128xi32, #tpu.memory_space<hbm>>
        %dma_start3A_219 = tpu.memref_squeeze %dma_start3A_218 : memref<1x2x1x128xi32, #tpu.memory_space<hbm>> -> memref<2x1x128xi32, #tpu.memory_space<hbm>>
        %dma_start3A_220 = arith.constant 0 : i32
        %dma_start3A_221 = arith.constant 0 : i32
        %dma_start3A_222 = arith.constant 0 : i32
        %dma_start3A_223 = tpu.memref_slice %arg4[%add3A_62, %dma_start3A_220, %dma_start3A_221, %dma_start3A_222] : memref<2500x2x1x128xi32, #tpu.memory_space<hbm>> -> memref<1x2x1x128xi32, #tpu.memory_space<hbm>>
        %dma_start3A_224 = tpu.memref_squeeze %dma_start3A_223 : memref<1x2x1x128xi32, #tpu.memory_space<hbm>> -> memref<2x1x128xi32, #tpu.memory_space<hbm>>
        tpu.enqueue_dma source(%dma_start3A_224 : memref<2x1x128xi32, #tpu.memory_space<hbm>>) target(%arg6 : memref<2x1x128xi32, #tpu.memory_space<vmem>>) target_semaphore(%run_scoped3A : memref<!tpu.dma_semaphore, #tpu.memory_space<semaphore_mem>>)
        %dma_wait3A_225 = arith.constant 0 : i32
        %dma_wait3A_226 = arith.constant 0 : i32
        %dma_wait3A_227 = arith.constant 0 : i32
        %dma_wait3A_228 = tpu.memref_slice %arg4[%add3A_62, %dma_wait3A_225, %dma_wait3A_226, %dma_wait3A_227] : memref<2500x2x1x128xi32, #tpu.memory_space<hbm>> -> memref<1x2x1x128xi32, #tpu.memory_space<hbm>>
        %dma_wait3A_229 = tpu.memref_squeeze %dma_wait3A_228 : memref<1x2x1x128xi32, #tpu.memory_space<hbm>> -> memref<2x1x128xi32, #tpu.memory_space<hbm>>
        %dma_wait3A_230 = arith.constant 0 : i32
        %dma_wait3A_231 = arith.constant 0 : i32
        %dma_wait3A_232 = arith.constant 0 : i32
        %dma_wait3A_233 = tpu.memref_slice %arg4[%add3A_62, %dma_wait3A_230, %dma_wait3A_231, %dma_wait3A_232] : memref<2500x2x1x128xi32, #tpu.memory_space<hbm>> -> memref<1x2x1x128xi32, #tpu.memory_space<hbm>>
        %dma_wait3A_234 = tpu.memref_squeeze %dma_wait3A_233 : memref<1x2x1x128xi32, #tpu.memory_space<hbm>> -> memref<2x1x128xi32, #tpu.memory_space<hbm>>
        tpu.wait_dma2 semaphore(%run_scoped3A : memref<!tpu.dma_semaphore, #tpu.memory_space<semaphore_mem>>) src(%dma_wait3A_234 : memref<2x1x128xi32, #tpu.memory_space<hbm>>) dst(%arg6 : memref<2x1x128xi32, #tpu.memory_space<vmem>>)
        tpu.yield
      }) : () -> ()
      %mul3A_63 = arith.constant 128 : i32
      %mul3A_64 = arith.muli %add3A_62, %mul3A_63 : i32
      %add3A_65 = arith.constant 0 : i32
      %add3A_66 = arith.addi %add3A_65, %mul3A_64 : i32
      %dma_start3A = arith.constant 0 : i32
      %dma_start3A_67 = tpu.memref_slice %arg3[%add3A_66, %dma_start3A] : memref<960000x128xf32, #tpu.memory_space<hbm>> -> memref<128x128xf32, #tpu.memory_space<hbm>>
      %dma_start3A_68 = arith.constant 0 : i32
      %dma_start3A_69 = tpu.memref_slice %arg3[%add3A_66, %dma_start3A_68] : memref<960000x128xf32, #tpu.memory_space<hbm>> -> memref<128x128xf32, #tpu.memory_space<hbm>>
      tpu.enqueue_dma source(%dma_start3A_69 : memref<128x128xf32, #tpu.memory_space<hbm>>) target(%arg8 : memref<128x128xf32, #tpu.memory_space<vmem>>) target_semaphore(%arg12 : memref<!tpu.dma_semaphore, #tpu.memory_space<semaphore_mem>>)
      %dma_start3A_70 = arith.constant 0 : i32
      %dma_start3A_71 = arith.constant 0 : i32
      %dma_start3A_72 = arith.constant 0 : i32
      %dma_start3A_73 = tpu.memref_slice %arg6[%dma_start3A_70, %dma_start3A_71, %dma_start3A_72] : memref<2x1x128xi32, #tpu.memory_space<vmem>> -> memref<1x1x128xi32, #tpu.memory_space<vmem>>
      %dma_start3A_74 = tpu.memref_squeeze %dma_start3A_73 : memref<1x1x128xi32, #tpu.memory_space<vmem>> -> memref<128xi32, #tpu.memory_space<vmem>>
      %dma_start3A_75 = arith.constant 0 : i32
      %dma_start3A_76 = arith.constant 0 : i32
      %dma_start3A_77 = tpu.memref_slice %arg2[%dma_start3A_75, %dma_start3A_76] : memref<10000x128xf32, #tpu.memory_space<hbm>> -> memref<10000x128xf32, #tpu.memory_space<hbm>>
      tpu.enqueue_indirect_dma source(%dma_start3A_77 : memref<10000x128xf32, #tpu.memory_space<hbm>>) target(%arg9 : memref<128x128xf32, #tpu.memory_space<vmem>>) offsets(%dma_start3A_74 : memref<128xi32, #tpu.memory_space<vmem>>) semaphore(%arg13 : memref<!tpu.dma_semaphore, #tpu.memory_space<semaphore_mem>>)
      %gt3A = arith.constant 0 : i32
      %gt3A_78 = arith.cmpi sgt, %while3A_60, %gt3A : i32
      %convert_element_type3A_79 = arith.extui %gt3A_78 : i1 to i32
      %cond3A_80 = arith.constant 0 : i32
      %cond3A_81 = arith.cmpi ne, %convert_element_type3A_79, %cond3A_80 : i32
      scf.if %cond3A_81 {
        %dma_wait3A_215 = arith.constant 0 : i32
        %dma_wait3A_216 = arith.constant 0 : i32
        %dma_wait3A_217 = tpu.memref_slice %arg7[%dma_wait3A_215, %dma_wait3A_216] : memref<1x128xi32, #tpu.memory_space<vmem>> -> memref<1x128xi32, #tpu.memory_space<vmem>>
        %dma_wait3A_218 = tpu.memref_squeeze %dma_wait3A_217 : memref<1x128xi32, #tpu.memory_space<vmem>> -> memref<128xi32, #tpu.memory_space<vmem>>
        %dma_wait3A_219 = arith.constant 0 : i32
        %dma_wait3A_220 = arith.constant 0 : i32
        %dma_wait3A_221 = tpu.memref_slice %arg11[%dma_wait3A_219, %dma_wait3A_220] : memref<10000x128xf32, #tpu.memory_space<vmem_shared>> -> memref<10000x128xf32, #tpu.memory_space<vmem_shared>>
        tpu.wait_indirect_dma semaphore(%arg14 : memref<!tpu.dma_semaphore, #tpu.memory_space<semaphore_mem>>) src(%arg10 : memref<128x128xf32, #tpu.memory_space<vmem>>) dst(%dma_wait3A_221 : memref<10000x128xf32, #tpu.memory_space<vmem_shared>>)
      } else {
      }
      %get3A = arith.constant 1 : i32
      %get3A_82 = arith.constant 0 : i32
      %get3A_83 = arith.index_cast %get3A : i32 to index
      %get3A_84 = arith.index_cast %get3A_82 : i32 to index
      %get3A_85 = arith.constant 0 : index
      %get3A_86 = tpu.vector_load %arg6[%get3A_83, %get3A_84, %get3A_85] {strides = array<i32>} : memref<2x1x128xi32, #tpu.memory_space<vmem>>, vector<1x1x16xi32>,
      %get3A_87 = vector.shape_cast %get3A_86 : vector<1x1x16xi32> to vector<16xi32>
      %swap3A = arith.constant 0 : i32
      %swap3A_88 = arith.index_cast %swap3A : i32 to index
      %swap3A_89 = arith.constant 0 : index
      %swap3A_90 = tpu.vector_load %arg7[%swap3A_88, %swap3A_89] {strides = array<i32>} : memref<1x128xi32, #tpu.memory_space<vmem>>, vector<1x16xi32>,
      %swap3A_91 = vector.shape_cast %swap3A_90 : vector<1x16xi32> to vector<16xi32>
      %swap3A_92 = vector.shape_cast %get3A_87 : vector<16xi32> to vector<1x16xi32>
      tpu.vector_store %arg7[%swap3A_88, %swap3A_89], %swap3A_92 {strides = array<i32>} : memref<1x128xi32, #tpu.memory_space<vmem>>, vector<1x16xi32>,
      %get3A_93 = arith.constant 1 : i32
      %get3A_94 = arith.constant 0 : i32
      %get3A_95 = arith.index_cast %get3A_93 : i32 to index
      %get3A_96 = arith.index_cast %get3A_94 : i32 to index
      %get3A_97 = arith.constant 16 : index
      %get3A_98 = tpu.vector_load %arg6[%get3A_95, %get3A_96, %get3A_97] {strides = array<i32>} : memref<2x1x128xi32, #tpu.memory_space<vmem>>, vector<1x1x16xi32>,
      %get3A_99 = vector.shape_cast %get3A_98 : vector<1x1x16xi32> to vector<16xi32>
      %swap3A_100 = arith.constant 0 : i32
      %swap3A_101 = arith.index_cast %swap3A_100 : i32 to index
      %swap3A_102 = arith.constant 16 : index
      %swap3A_103 = tpu.vector_load %arg7[%swap3A_101, %swap3A_102] {strides = array<i32>} : memref<1x128xi32, #tpu.memory_space<vmem>>, vector<1x16xi32>,
      %swap3A_104 = vector.shape_cast %swap3A_103 : vector<1x16xi32> to vector<16xi32>
      %swap3A_105 = vector.shape_cast %get3A_99 : vector<16xi32> to vector<1x16xi32>
      tpu.vector_store %arg7[%swap3A_101, %swap3A_102], %swap3A_105 {strides = array<i32>} : memref<1x128xi32, #tpu.memory_space<vmem>>, vector<1x16xi32>,
      %get3A_106 = arith.constant 1 : i32
      %get3A_107 = arith.constant 0 : i32
      %get3A_108 = arith.index_cast %get3A_106 : i32 to index
      %get3A_109 = arith.index_cast %get3A_107 : i32 to index
      %get3A_110 = arith.constant 32 : index
      %get3A_111 = tpu.vector_load %arg6[%get3A_108, %get3A_109, %get3A_110] {strides = array<i32>} : memref<2x1x128xi32, #tpu.memory_space<vmem>>, vector<1x1x16xi32>,
      %get3A_112 = vector.shape_cast %get3A_111 : vector<1x1x16xi32> to vector<16xi32>
      %swap3A_113 = arith.constant 0 : i32
      %swap3A_114 = arith.index_cast %swap3A_113 : i32 to index
      %swap3A_115 = arith.constant 32 : index
      %swap3A_116 = tpu.vector_load %arg7[%swap3A_114, %swap3A_115] {strides = array<i32>} : memref<1x128xi32, #tpu.memory_space<vmem>>, vector<1x16xi32>,
      %swap3A_117 = vector.shape_cast %swap3A_116 : vector<1x16xi32> to vector<16xi32>
      %swap3A_118 = vector.shape_cast %get3A_112 : vector<16xi32> to vector<1x16xi32>
      tpu.vector_store %arg7[%swap3A_114, %swap3A_115], %swap3A_118 {strides = array<i32>} : memref<1x128xi32, #tpu.memory_space<vmem>>, vector<1x16xi32>,
      %get3A_119 = arith.constant 1 : i32
      %get3A_120 = arith.constant 0 : i32
      %get3A_121 = arith.index_cast %get3A_119 : i32 to index
      %get3A_122 = arith.index_cast %get3A_120 : i32 to index
      %get3A_123 = arith.constant 48 : index
      %get3A_124 = tpu.vector_load %arg6[%get3A_121, %get3A_122, %get3A_123] {strides = array<i32>} : memref<2x1x128xi32, #tpu.memory_space<vmem>>, vector<1x1x16xi32>,
      %get3A_125 = vector.shape_cast %get3A_124 : vector<1x1x16xi32> to vector<16xi32>
      %swap3A_126 = arith.constant 0 : i32
      %swap3A_127 = arith.index_cast %swap3A_126 : i32 to index
      %swap3A_128 = arith.constant 48 : index
      %swap3A_129 = tpu.vector_load %arg7[%swap3A_127, %swap3A_128] {strides = array<i32>} : memref<1x128xi32, #tpu.memory_space<vmem>>, vector<1x16xi32>,
      %swap3A_130 = vector.shape_cast %swap3A_129 : vector<1x16xi32> to vector<16xi32>
      %swap3A_131 = vector.shape_cast %get3A_125 : vector<16xi32> to vector<1x16xi32>
      tpu.vector_store %arg7[%swap3A_127, %swap3A_128], %swap3A_131 {strides = array<i32>} : memref<1x128xi32, #tpu.memory_space<vmem>>, vector<1x16xi32>,
      %get3A_132 = arith.constant 1 : i32
      %get3A_133 = arith.constant 0 : i32
      %get3A_134 = arith.index_cast %get3A_132 : i32 to index
      %get3A_135 = arith.index_cast %get3A_133 : i32 to index
      %get3A_136 = arith.constant 64 : index
      %get3A_137 = tpu.vector_load %arg6[%get3A_134, %get3A_135, %get3A_136] {strides = array<i32>} : memref<2x1x128xi32, #tpu.memory_space<vmem>>, vector<1x1x16xi32>,
      %get3A_138 = vector.shape_cast %get3A_137 : vector<1x1x16xi32> to vector<16xi32>
      %swap3A_139 = arith.constant 0 : i32
      %swap3A_140 = arith.index_cast %swap3A_139 : i32 to index
      %swap3A_141 = arith.constant 64 : index
      %swap3A_142 = tpu.vector_load %arg7[%swap3A_140, %swap3A_141] {strides = array<i32>} : memref<1x128xi32, #tpu.memory_space<vmem>>, vector<1x16xi32>,
      %swap3A_143 = vector.shape_cast %swap3A_142 : vector<1x16xi32> to vector<16xi32>
      %swap3A_144 = vector.shape_cast %get3A_138 : vector<16xi32> to vector<1x16xi32>
      tpu.vector_store %arg7[%swap3A_140, %swap3A_141], %swap3A_144 {strides = array<i32>} : memref<1x128xi32, #tpu.memory_space<vmem>>, vector<1x16xi32>,
      %get3A_145 = arith.constant 1 : i32
      %get3A_146 = arith.constant 0 : i32
      %get3A_147 = arith.index_cast %get3A_145 : i32 to index
      %get3A_148 = arith.index_cast %get3A_146 : i32 to index
      %get3A_149 = arith.constant 80 : index
      %get3A_150 = tpu.vector_load %arg6[%get3A_147, %get3A_148, %get3A_149] {strides = array<i32>} : memref<2x1x128xi32, #tpu.memory_space<vmem>>, vector<1x1x16xi32>,
      %get3A_151 = vector.shape_cast %get3A_150 : vector<1x1x16xi32> to vector<16xi32>
      %swap3A_152 = arith.constant 0 : i32
      %swap3A_153 = arith.index_cast %swap3A_152 : i32 to index
      %swap3A_154 = arith.constant 80 : index
      %swap3A_155 = tpu.vector_load %arg7[%swap3A_153, %swap3A_154] {strides = array<i32>} : memref<1x128xi32, #tpu.memory_space<vmem>>, vector<1x16xi32>,
      %swap3A_156 = vector.shape_cast %swap3A_155 : vector<1x16xi32> to vector<16xi32>
      %swap3A_157 = vector.shape_cast %get3A_151 : vector<16xi32> to vector<1x16xi32>
      tpu.vector_store %arg7[%swap3A_153, %swap3A_154], %swap3A_157 {strides = array<i32>} : memref<1x128xi32, #tpu.memory_space<vmem>>, vector<1x16xi32>,
      %get3A_158 = arith.constant 1 : i32
      %get3A_159 = arith.constant 0 : i32
      %get3A_160 = arith.index_cast %get3A_158 : i32 to index
      %get3A_161 = arith.index_cast %get3A_159 : i32 to index
      %get3A_162 = arith.constant 96 : index
      %get3A_163 = tpu.vector_load %arg6[%get3A_160, %get3A_161, %get3A_162] {strides = array<i32>} : memref<2x1x128xi32, #tpu.memory_space<vmem>>, vector<1x1x16xi32>,
      %get3A_164 = vector.shape_cast %get3A_163 : vector<1x1x16xi32> to vector<16xi32>
      %swap3A_165 = arith.constant 0 : i32
      %swap3A_166 = arith.index_cast %swap3A_165 : i32 to index
      %swap3A_167 = arith.constant 96 : index
      %swap3A_168 = tpu.vector_load %arg7[%swap3A_166, %swap3A_167] {strides = array<i32>} : memref<1x128xi32, #tpu.memory_space<vmem>>, vector<1x16xi32>,
      %swap3A_169 = vector.shape_cast %swap3A_168 : vector<1x16xi32> to vector<16xi32>
      %swap3A_170 = vector.shape_cast %get3A_164 : vector<16xi32> to vector<1x16xi32>
      tpu.vector_store %arg7[%swap3A_166, %swap3A_167], %swap3A_170 {strides = array<i32>} : memref<1x128xi32, #tpu.memory_space<vmem>>, vector<1x16xi32>,
      %get3A_171 = arith.constant 1 : i32
      %get3A_172 = arith.constant 0 : i32
      %get3A_173 = arith.index_cast %get3A_171 : i32 to index
      %get3A_174 = arith.index_cast %get3A_172 : i32 to index
      %get3A_175 = arith.constant 112 : index
      %get3A_176 = tpu.vector_load %arg6[%get3A_173, %get3A_174, %get3A_175] {strides = array<i32>} : memref<2x1x128xi32, #tpu.memory_space<vmem>>, vector<1x1x16xi32>,
      %get3A_177 = vector.shape_cast %get3A_176 : vector<1x1x16xi32> to vector<16xi32>
      %swap3A_178 = arith.constant 0 : i32
      %swap3A_179 = arith.index_cast %swap3A_178 : i32 to index
      %swap3A_180 = arith.constant 112 : index
      %swap3A_181 = tpu.vector_load %arg7[%swap3A_179, %swap3A_180] {strides = array<i32>} : memref<1x128xi32, #tpu.memory_space<vmem>>, vector<1x16xi32>,
      %swap3A_182 = vector.shape_cast %swap3A_181 : vector<1x16xi32> to vector<16xi32>
      %swap3A_183 = vector.shape_cast %get3A_177 : vector<16xi32> to vector<1x16xi32>
      tpu.vector_store %arg7[%swap3A_179, %swap3A_180], %swap3A_183 {strides = array<i32>} : memref<1x128xi32, #tpu.memory_space<vmem>>, vector<1x16xi32>,
      %mul3A_184 = arith.constant 128 : i32
      %mul3A_185 = arith.muli %add3A_62, %mul3A_184 : i32
      %add3A_186 = arith.constant 0 : i32
      %add3A_187 = arith.addi %add3A_186, %mul3A_185 : i32
      %dma_wait3A_188 = arith.constant 0 : i32
      %dma_wait3A_189 = tpu.memref_slice %arg3[%add3A_187, %dma_wait3A_188] : memref<960000x128xf32, #tpu.memory_space<hbm>> -> memref<128x128xf32, #tpu.memory_space<hbm>>
      %dma_wait3A_190 = arith.constant 0 : i32
      %dma_wait3A_191 = tpu.memref_slice %arg3[%add3A_187, %dma_wait3A_190] : memref<960000x128xf32, #tpu.memory_space<hbm>> -> memref<128x128xf32, #tpu.memory_space<hbm>>
      tpu.wait_dma2 semaphore(%arg12 : memref<!tpu.dma_semaphore, #tpu.memory_space<semaphore_mem>>) src(%dma_wait3A_191 : memref<128x128xf32, #tpu.memory_space<hbm>>) dst(%arg8 : memref<128x128xf32, #tpu.memory_space<vmem>>)
      %dma_wait3A_192 = arith.constant 0 : i32
      %dma_wait3A_193 = arith.constant 0 : i32
      %dma_wait3A_194 = arith.constant 0 : i32
      %dma_wait3A_195 = tpu.memref_slice %arg6[%dma_wait3A_192, %dma_wait3A_193, %dma_wait3A_194] : memref<2x1x128xi32, #tpu.memory_space<vmem>> -> memref<1x1x128xi32, #tpu.memory_space<vmem>>
      %dma_wait3A_196 = tpu.memref_squeeze %dma_wait3A_195 : memref<1x1x128xi32, #tpu.memory_space<vmem>> -> memref<128xi32, #tpu.memory_space<vmem>>
      %dma_wait3A_197 = arith.constant 0 : i32
      %dma_wait3A_198 = arith.constant 0 : i32
      %dma_wait3A_199 = tpu.memref_slice %arg2[%dma_wait3A_197, %dma_wait3A_198] : memref<10000x128xf32, #tpu.memory_space<hbm>> -> memref<10000x128xf32, #tpu.memory_space<hbm>>
      tpu.wait_indirect_dma semaphore(%arg13 : memref<!tpu.dma_semaphore, #tpu.memory_space<semaphore_mem>>) src(%dma_wait3A_199 : memref<10000x128xf32, #tpu.memory_space<hbm>>) dst(%arg9 : memref<128x128xf32, #tpu.memory_space<vmem>>)
      %scan3A_200 = arith.constant 0 : i32
      %scan3A_201 = arith.constant 0 : i32
      %scan3A_202 = arith.constant 64 : i32
      %scan3A_203 = arith.addi %scan3A_201, %scan3A_202 : i32
      %scan3A_204 = arith.constant 1 : i32
      %scan3A_205 = scf.for %scan3A_215 = %scan3A_201 to %scan3A_203 step %scan3A_204 iter_args(%scan3A_216 = %scan3A_200) -> (i32)  : i32 {
        %mul3A_217 = arith.constant 2 : i32
        %mul3A_218 = arith.muli %mul3A_217, %scan3A_215 : i32
        %add3A_219 = arith.constant 0 : i32
        %add3A_220 = arith.addi %mul3A_218, %add3A_219 : i32
        %get3A_221 = arith.index_cast %add3A_220 : i32 to index
        %get3A_222 = arith.constant 0 : index
        %get3A_223 = tpu.vector_load %arg9[%get3A_221, %get3A_222] {strides = array<i32>} : memref<128x128xf32, #tpu.memory_space<vmem>>, vector<1x16xf32>,
        %get3A_224 = vector.shape_cast %get3A_223 : vector<1x16xf32> to vector<16xf32>
        %mul3A_225 = arith.constant 2 : i32
        %mul3A_226 = arith.muli %mul3A_225, %scan3A_215 : i32
        %add3A_227 = arith.constant 0 : i32
        %add3A_228 = arith.addi %mul3A_226, %add3A_227 : i32
        %get3A_229 = arith.index_cast %add3A_228 : i32 to index
        %get3A_230 = arith.constant 0 : index
        %get3A_231 = tpu.vector_load %arg8[%get3A_229, %get3A_230] {strides = array<i32>} : memref<128x128xf32, #tpu.memory_space<vmem>>, vector<1x16xf32>,
        %get3A_232 = vector.shape_cast %get3A_231 : vector<1x16xf32> to vector<16xf32>
        %add3A_233 = arith.addf %get3A_224, %get3A_232 : vector<16xf32>
        %max3A = arith.constant 0.000000e+00 : f32
        %max3A_234 = vector.broadcast %max3A : f32 to vector<16xf32>
        %max3A_235 = arith.maximumf %add3A_233, %max3A_234 : vector<16xf32>
        %mul3A_236 = arith.constant 2 : i32
        %mul3A_237 = arith.muli %mul3A_236, %scan3A_215 : i32
        %add3A_238 = arith.constant 0 : i32
        %add3A_239 = arith.addi %mul3A_237, %add3A_238 : i32
        %swap3A_240 = arith.index_cast %add3A_239 : i32 to index
        %swap3A_241 = arith.constant 0 : index
        %swap3A_242 = tpu.vector_load %arg10[%swap3A_240, %swap3A_241] {strides = array<i32>} : memref<128x128xf32, #tpu.memory_space<vmem>>, vector<1x16xf32>,
        %swap3A_243 = vector.shape_cast %swap3A_242 : vector<1x16xf32> to vector<16xf32>
        %swap3A_244 = vector.shape_cast %max3A_235 : vector<16xf32> to vector<1x16xf32>
        tpu.vector_store %arg10[%swap3A_240, %swap3A_241], %swap3A_244 {strides = array<i32>} : memref<128x128xf32, #tpu.memory_space<vmem>>, vector<1x16xf32>,
        %mul3A_245 = arith.constant 2 : i32
        %mul3A_246 = arith.muli %mul3A_245, %scan3A_215 : i32
        %add3A_247 = arith.constant 0 : i32
        %add3A_248 = arith.addi %mul3A_246, %add3A_247 : i32
        %get3A_249 = arith.index_cast %add3A_248 : i32 to index
        %get3A_250 = arith.constant 16 : index
        %get3A_251 = tpu.vector_load %arg9[%get3A_249, %get3A_250] {strides = array<i32>} : memref<128x128xf32, #tpu.memory_space<vmem>>, vector<1x16xf32>,
        %get3A_252 = vector.shape_cast %get3A_251 : vector<1x16xf32> to vector<16xf32>
        %mul3A_253 = arith.constant 2 : i32
        %mul3A_254 = arith.muli %mul3A_253, %scan3A_215 : i32
        %add3A_255 = arith.constant 0 : i32
        %add3A_256 = arith.addi %mul3A_254, %add3A_255 : i32
        %get3A_257 = arith.index_cast %add3A_256 : i32 to index
        %get3A_258 = arith.constant 16 : index
        %get3A_259 = tpu.vector_load %arg8[%get3A_257, %get3A_258] {strides = array<i32>} : memref<128x128xf32, #tpu.memory_space<vmem>>, vector<1x16xf32>,
        %get3A_260 = vector.shape_cast %get3A_259 : vector<1x16xf32> to vector<16xf32>
        %add3A_261 = arith.addf %get3A_252, %get3A_260 : vector<16xf32>
        %max3A_262 = arith.constant 0.000000e+00 : f32
        %max3A_263 = vector.broadcast %max3A_262 : f32 to vector<16xf32>
        %max3A_264 = arith.maximumf %add3A_261, %max3A_263 : vector<16xf32>
        %mul3A_265 = arith.constant 2 : i32
        %mul3A_266 = arith.muli %mul3A_265, %scan3A_215 : i32
        %add3A_267 = arith.constant 0 : i32
        %add3A_268 = arith.addi %mul3A_266, %add3A_267 : i32
        %swap3A_269 = arith.index_cast %add3A_268 : i32 to index
        %swap3A_270 = arith.constant 16 : index
        %swap3A_271 = tpu.vector_load %arg10[%swap3A_269, %swap3A_270] {strides = array<i32>} : memref<128x128xf32, #tpu.memory_space<vmem>>, vector<1x16xf32>,
        %swap3A_272 = vector.shape_cast %swap3A_271 : vector<1x16xf32> to vector<16xf32>
        %swap3A_273 = vector.shape_cast %max3A_264 : vector<16xf32> to vector<1x16xf32>
        tpu.vector_store %arg10[%swap3A_269, %swap3A_270], %swap3A_273 {strides = array<i32>} : memref<128x128xf32, #tpu.memory_space<vmem>>, vector<1x16xf32>,
        %mul3A_274 = arith.constant 2 : i32
        %mul3A_275 = arith.muli %mul3A_274, %scan3A_215 : i32
        %add3A_276 = arith.constant 0 : i32
        %add3A_277 = arith.addi %mul3A_275, %add3A_276 : i32
        %get3A_278 = arith.index_cast %add3A_277 : i32 to index
        %get3A_279 = arith.constant 32 : index
        %get3A_280 = tpu.vector_load %arg9[%get3A_278, %get3A_279] {strides = array<i32>} : memref<128x128xf32, #tpu.memory_space<vmem>>, vector<1x16xf32>,
        %get3A_281 = vector.shape_cast %get3A_280 : vector<1x16xf32> to vector<16xf32>
        %mul3A_282 = arith.constant 2 : i32
        %mul3A_283 = arith.muli %mul3A_282, %scan3A_215 : i32
        %add3A_284 = arith.constant 0 : i32
        %add3A_285 = arith.addi %mul3A_283, %add3A_284 : i32
        %get3A_286 = arith.index_cast %add3A_285 : i32 to index
        %get3A_287 = arith.constant 32 : index
        %get3A_288 = tpu.vector_load %arg8[%get3A_286, %get3A_287] {strides = array<i32>} : memref<128x128xf32, #tpu.memory_space<vmem>>, vector<1x16xf32>,
        %get3A_289 = vector.shape_cast %get3A_288 : vector<1x16xf32> to vector<16xf32>
        %add3A_290 = arith.addf %get3A_281, %get3A_289 : vector<16xf32>
        %max3A_291 = arith.constant 0.000000e+00 : f32
        %max3A_292 = vector.broadcast %max3A_291 : f32 to vector<16xf32>
        %max3A_293 = arith.maximumf %add3A_290, %max3A_292 : vector<16xf32>
        %mul3A_294 = arith.constant 2 : i32
        %mul3A_295 = arith.muli %mul3A_294, %scan3A_215 : i32
        %add3A_296 = arith.constant 0 : i32
        %add3A_297 = arith.addi %mul3A_295, %add3A_296 : i32
        %swap3A_298 = arith.index_cast %add3A_297 : i32 to index
        %swap3A_299 = arith.constant 32 : index
        %swap3A_300 = tpu.vector_load %arg10[%swap3A_298, %swap3A_299] {strides = array<i32>} : memref<128x128xf32, #tpu.memory_space<vmem>>, vector<1x16xf32>,
        %swap3A_301 = vector.shape_cast %swap3A_300 : vector<1x16xf32> to vector<16xf32>
        %swap3A_302 = vector.shape_cast %max3A_293 : vector<16xf32> to vector<1x16xf32>
        tpu.vector_store %arg10[%swap3A_298, %swap3A_299], %swap3A_302 {strides = array<i32>} : memref<128x128xf32, #tpu.memory_space<vmem>>, vector<1x16xf32>,
        %mul3A_303 = arith.constant 2 : i32
        %mul3A_304 = arith.muli %mul3A_303, %scan3A_215 : i32
        %add3A_305 = arith.constant 0 : i32
        %add3A_306 = arith.addi %mul3A_304, %add3A_305 : i32
        %get3A_307 = arith.index_cast %add3A_306 : i32 to index
        %get3A_308 = arith.constant 48 : index
        %get3A_309 = tpu.vector_load %arg9[%get3A_307, %get3A_308] {strides = array<i32>} : memref<128x128xf32, #tpu.memory_space<vmem>>, vector<1x16xf32>,
        %get3A_310 = vector.shape_cast %get3A_309 : vector<1x16xf32> to vector<16xf32>
        %mul3A_311 = arith.constant 2 : i32
        %mul3A_312 = arith.muli %mul3A_311, %scan3A_215 : i32
        %add3A_313 = arith.constant 0 : i32
        %add3A_314 = arith.addi %mul3A_312, %add3A_313 : i32
        %get3A_315 = arith.index_cast %add3A_314 : i32 to index
        %get3A_316 = arith.constant 48 : index
        %get3A_317 = tpu.vector_load %arg8[%get3A_315, %get3A_316] {strides = array<i32>} : memref<128x128xf32, #tpu.memory_space<vmem>>, vector<1x16xf32>,
        %get3A_318 = vector.shape_cast %get3A_317 : vector<1x16xf32> to vector<16xf32>
        %add3A_319 = arith.addf %get3A_310, %get3A_318 : vector<16xf32>
        %max3A_320 = arith.constant 0.000000e+00 : f32
        %max3A_321 = vector.broadcast %max3A_320 : f32 to vector<16xf32>
        %max3A_322 = arith.maximumf %add3A_319, %max3A_321 : vector<16xf32>
        %mul3A_323 = arith.constant 2 : i32
        %mul3A_324 = arith.muli %mul3A_323, %scan3A_215 : i32
        %add3A_325 = arith.constant 0 : i32
        %add3A_326 = arith.addi %mul3A_324, %add3A_325 : i32
        %swap3A_327 = arith.index_cast %add3A_326 : i32 to index
        %swap3A_328 = arith.constant 48 : index
        %swap3A_329 = tpu.vector_load %arg10[%swap3A_327, %swap3A_328] {strides = array<i32>} : memref<128x128xf32, #tpu.memory_space<vmem>>, vector<1x16xf32>,
        %swap3A_330 = vector.shape_cast %swap3A_329 : vector<1x16xf32> to vector<16xf32>
        %swap3A_331 = vector.shape_cast %max3A_322 : vector<16xf32> to vector<1x16xf32>
        tpu.vector_store %arg10[%swap3A_327, %swap3A_328], %swap3A_331 {strides = array<i32>} : memref<128x128xf32, #tpu.memory_space<vmem>>, vector<1x16xf32>,
        %mul3A_332 = arith.constant 2 : i32
        %mul3A_333 = arith.muli %mul3A_332, %scan3A_215 : i32
        %add3A_334 = arith.constant 0 : i32
        %add3A_335 = arith.addi %mul3A_333, %add3A_334 : i32
        %get3A_336 = arith.index_cast %add3A_335 : i32 to index
        %get3A_337 = arith.constant 64 : index
        %get3A_338 = tpu.vector_load %arg9[%get3A_336, %get3A_337] {strides = array<i32>} : memref<128x128xf32, #tpu.memory_space<vmem>>, vector<1x16xf32>,
        %get3A_339 = vector.shape_cast %get3A_338 : vector<1x16xf32> to vector<16xf32>
        %mul3A_340 = arith.constant 2 : i32
        %mul3A_341 = arith.muli %mul3A_340, %scan3A_215 : i32
        %add3A_342 = arith.constant 0 : i32
        %add3A_343 = arith.addi %mul3A_341, %add3A_342 : i32
        %get3A_344 = arith.index_cast %add3A_343 : i32 to index
        %get3A_345 = arith.constant 64 : index
        %get3A_346 = tpu.vector_load %arg8[%get3A_344, %get3A_345] {strides = array<i32>} : memref<128x128xf32, #tpu.memory_space<vmem>>, vector<1x16xf32>,
        %get3A_347 = vector.shape_cast %get3A_346 : vector<1x16xf32> to vector<16xf32>
        %add3A_348 = arith.addf %get3A_339, %get3A_347 : vector<16xf32>
        %max3A_349 = arith.constant 0.000000e+00 : f32
        %max3A_350 = vector.broadcast %max3A_349 : f32 to vector<16xf32>
        %max3A_351 = arith.maximumf %add3A_348, %max3A_350 : vector<16xf32>
        %mul3A_352 = arith.constant 2 : i32
        %mul3A_353 = arith.muli %mul3A_352, %scan3A_215 : i32
        %add3A_354 = arith.constant 0 : i32
        %add3A_355 = arith.addi %mul3A_353, %add3A_354 : i32
        %swap3A_356 = arith.index_cast %add3A_355 : i32 to index
        %swap3A_357 = arith.constant 64 : index
        %swap3A_358 = tpu.vector_load %arg10[%swap3A_356, %swap3A_357] {strides = array<i32>} : memref<128x128xf32, #tpu.memory_space<vmem>>, vector<1x16xf32>,
        %swap3A_359 = vector.shape_cast %swap3A_358 : vector<1x16xf32> to vector<16xf32>
        %swap3A_360 = vector.shape_cast %max3A_351 : vector<16xf32> to vector<1x16xf32>
        tpu.vector_store %arg10[%swap3A_356, %swap3A_357], %swap3A_360 {strides = array<i32>} : memref<128x128xf32, #tpu.memory_space<vmem>>, vector<1x16xf32>,
        %mul3A_361 = arith.constant 2 : i32
        %mul3A_362 = arith.muli %mul3A_361, %scan3A_215 : i32
        %add3A_363 = arith.constant 0 : i32
        %add3A_364 = arith.addi %mul3A_362, %add3A_363 : i32
        %get3A_365 = arith.index_cast %add3A_364 : i32 to index
        %get3A_366 = arith.constant 80 : index
        %get3A_367 = tpu.vector_load %arg9[%get3A_365, %get3A_366] {strides = array<i32>} : memref<128x128xf32, #tpu.memory_space<vmem>>, vector<1x16xf32>,
        %get3A_368 = vector.shape_cast %get3A_367 : vector<1x16xf32> to vector<16xf32>
        %mul3A_369 = arith.constant 2 : i32
        %mul3A_370 = arith.muli %mul3A_369, %scan3A_215 : i32
        %add3A_371 = arith.constant 0 : i32
        %add3A_372 = arith.addi %mul3A_370, %add3A_371 : i32
        %get3A_373 = arith.index_cast %add3A_372 : i32 to index
        %get3A_374 = arith.constant 80 : index
        %get3A_375 = tpu.vector_load %arg8[%get3A_373, %get3A_374] {strides = array<i32>} : memref<128x128xf32, #tpu.memory_space<vmem>>, vector<1x16xf32>,
        %get3A_376 = vector.shape_cast %get3A_375 : vector<1x16xf32> to vector<16xf32>
        %add3A_377 = arith.addf %get3A_368, %get3A_376 : vector<16xf32>
        %max3A_378 = arith.constant 0.000000e+00 : f32
        %max3A_379 = vector.broadcast %max3A_378 : f32 to vector<16xf32>
        %max3A_380 = arith.maximumf %add3A_377, %max3A_379 : vector<16xf32>
        %mul3A_381 = arith.constant 2 : i32
        %mul3A_382 = arith.muli %mul3A_381, %scan3A_215 : i32
        %add3A_383 = arith.constant 0 : i32
        %add3A_384 = arith.addi %mul3A_382, %add3A_383 : i32
        %swap3A_385 = arith.index_cast %add3A_384 : i32 to index
        %swap3A_386 = arith.constant 80 : index
        %swap3A_387 = tpu.vector_load %arg10[%swap3A_385, %swap3A_386] {strides = array<i32>} : memref<128x128xf32, #tpu.memory_space<vmem>>, vector<1x16xf32>,
        %swap3A_388 = vector.shape_cast %swap3A_387 : vector<1x16xf32> to vector<16xf32>
        %swap3A_389 = vector.shape_cast %max3A_380 : vector<16xf32> to vector<1x16xf32>
        tpu.vector_store %arg10[%swap3A_385, %swap3A_386], %swap3A_389 {strides = array<i32>} : memref<128x128xf32, #tpu.memory_space<vmem>>, vector<1x16xf32>,
        %mul3A_390 = arith.constant 2 : i32
        %mul3A_391 = arith.muli %mul3A_390, %scan3A_215 : i32
        %add3A_392 = arith.constant 0 : i32
        %add3A_393 = arith.addi %mul3A_391, %add3A_392 : i32
        %get3A_394 = arith.index_cast %add3A_393 : i32 to index
        %get3A_395 = arith.constant 96 : index
        %get3A_396 = tpu.vector_load %arg9[%get3A_394, %get3A_395] {strides = array<i32>} : memref<128x128xf32, #tpu.memory_space<vmem>>, vector<1x16xf32>,
        %get3A_397 = vector.shape_cast %get3A_396 : vector<1x16xf32> to vector<16xf32>
        %mul3A_398 = arith.constant 2 : i32
        %mul3A_399 = arith.muli %mul3A_398, %scan3A_215 : i32
        %add3A_400 = arith.constant 0 : i32
        %add3A_401 = arith.addi %mul3A_399, %add3A_400 : i32
        %get3A_402 = arith.index_cast %add3A_401 : i32 to index
        %get3A_403 = arith.constant 96 : index
        %get3A_404 = tpu.vector_load %arg8[%get3A_402, %get3A_403] {strides = array<i32>} : memref<128x128xf32, #tpu.memory_space<vmem>>, vector<1x16xf32>,
        %get3A_405 = vector.shape_cast %get3A_404 : vector<1x16xf32> to vector<16xf32>
        %add3A_406 = arith.addf %get3A_397, %get3A_405 : vector<16xf32>
        %max3A_407 = arith.constant 0.000000e+00 : f32
        %max3A_408 = vector.broadcast %max3A_407 : f32 to vector<16xf32>
        %max3A_409 = arith.maximumf %add3A_406, %max3A_408 : vector<16xf32>
        %mul3A_410 = arith.constant 2 : i32
        %mul3A_411 = arith.muli %mul3A_410, %scan3A_215 : i32
        %add3A_412 = arith.constant 0 : i32
        %add3A_413 = arith.addi %mul3A_411, %add3A_412 : i32
        %swap3A_414 = arith.index_cast %add3A_413 : i32 to index
        %swap3A_415 = arith.constant 96 : index
        %swap3A_416 = tpu.vector_load %arg10[%swap3A_414, %swap3A_415] {strides = array<i32>} : memref<128x128xf32, #tpu.memory_space<vmem>>, vector<1x16xf32>,
        %swap3A_417 = vector.shape_cast %swap3A_416 : vector<1x16xf32> to vector<16xf32>
        %swap3A_418 = vector.shape_cast %max3A_409 : vector<16xf32> to vector<1x16xf32>
        tpu.vector_store %arg10[%swap3A_414, %swap3A_415], %swap3A_418 {strides = array<i32>} : memref<128x128xf32, #tpu.memory_space<vmem>>, vector<1x16xf32>,
        %mul3A_419 = arith.constant 2 : i32
        %mul3A_420 = arith.muli %mul3A_419, %scan3A_215 : i32
        %add3A_421 = arith.constant 0 : i32
        %add3A_422 = arith.addi %mul3A_420, %add3A_421 : i32
        %get3A_423 = arith.index_cast %add3A_422 : i32 to index
        %get3A_424 = arith.constant 112 : index
        %get3A_425 = tpu.vector_load %arg9[%get3A_423, %get3A_424] {strides = array<i32>} : memref<128x128xf32, #tpu.memory_space<vmem>>, vector<1x16xf32>,
        %get3A_426 = vector.shape_cast %get3A_425 : vector<1x16xf32> to vector<16xf32>
        %mul3A_427 = arith.constant 2 : i32
        %mul3A_428 = arith.muli %mul3A_427, %scan3A_215 : i32
        %add3A_429 = arith.constant 0 : i32
        %add3A_430 = arith.addi %mul3A_428, %add3A_429 : i32
        %get3A_431 = arith.index_cast %add3A_430 : i32 to index
        %get3A_432 = arith.constant 112 : index
        %get3A_433 = tpu.vector_load %arg8[%get3A_431, %get3A_432] {strides = array<i32>} : memref<128x128xf32, #tpu.memory_space<vmem>>, vector<1x16xf32>,
        %get3A_434 = vector.shape_cast %get3A_433 : vector<1x16xf32> to vector<16xf32>
        %add3A_435 = arith.addf %get3A_426, %get3A_434 : vector<16xf32>
        %max3A_436 = arith.constant 0.000000e+00 : f32
        %max3A_437 = vector.broadcast %max3A_436 : f32 to vector<16xf32>
        %max3A_438 = arith.maximumf %add3A_435, %max3A_437 : vector<16xf32>
        %mul3A_439 = arith.constant 2 : i32
        %mul3A_440 = arith.muli %mul3A_439, %scan3A_215 : i32
        %add3A_441 = arith.constant 0 : i32
        %add3A_442 = arith.addi %mul3A_440, %add3A_441 : i32
        %swap3A_443 = arith.index_cast %add3A_442 : i32 to index
        %swap3A_444 = arith.constant 112 : index
        %swap3A_445 = tpu.vector_load %arg10[%swap3A_443, %swap3A_444] {strides = array<i32>} : memref<128x128xf32, #tpu.memory_space<vmem>>, vector<1x16xf32>,
        %swap3A_446 = vector.shape_cast %swap3A_445 : vector<1x16xf32> to vector<16xf32>
        %swap3A_447 = vector.shape_cast %max3A_438 : vector<16xf32> to vector<1x16xf32>
        tpu.vector_store %arg10[%swap3A_443, %swap3A_444], %swap3A_447 {strides = array<i32>} : memref<128x128xf32, #tpu.memory_space<vmem>>, vector<1x16xf32>,
        %mul3A_448 = arith.constant 2 : i32
        %mul3A_449 = arith.muli %mul3A_448, %scan3A_215 : i32
        %add3A_450 = arith.constant 1 : i32
        %add3A_451 = arith.addi %mul3A_449, %add3A_450 : i32
        %get3A_452 = arith.index_cast %add3A_451 : i32 to index
        %get3A_453 = arith.constant 0 : index
        %get3A_454 = tpu.vector_load %arg9[%get3A_452, %get3A_453] {strides = array<i32>} : memref<128x128xf32, #tpu.memory_space<vmem>>, vector<1x16xf32>,
        %get3A_455 = vector.shape_cast %get3A_454 : vector<1x16xf32> to vector<16xf32>
        %mul3A_456 = arith.constant 2 : i32
        %mul3A_457 = arith.muli %mul3A_456, %scan3A_215 : i32
        %add3A_458 = arith.constant 1 : i32
        %add3A_459 = arith.addi %mul3A_457, %add3A_458 : i32
        %get3A_460 = arith.index_cast %add3A_459 : i32 to index
        %get3A_461 = arith.constant 0 : index
        %get3A_462 = tpu.vector_load %arg8[%get3A_460, %get3A_461] {strides = array<i32>} : memref<128x128xf32, #tpu.memory_space<vmem>>, vector<1x16xf32>,
        %get3A_463 = vector.shape_cast %get3A_462 : vector<1x16xf32> to vector<16xf32>
        %add3A_464 = arith.addf %get3A_455, %get3A_463 : vector<16xf32>
        %max3A_465 = arith.constant 0.000000e+00 : f32
        %max3A_466 = vector.broadcast %max3A_465 : f32 to vector<16xf32>
        %max3A_467 = arith.maximumf %add3A_464, %max3A_466 : vector<16xf32>
        %mul3A_468 = arith.constant 2 : i32
        %mul3A_469 = arith.muli %mul3A_468, %scan3A_215 : i32
        %add3A_470 = arith.constant 1 : i32
        %add3A_471 = arith.addi %mul3A_469, %add3A_470 : i32
        %swap3A_472 = arith.index_cast %add3A_471 : i32 to index
        %swap3A_473 = arith.constant 0 : index
        %swap3A_474 = tpu.vector_load %arg10[%swap3A_472, %swap3A_473] {strides = array<i32>} : memref<128x128xf32, #tpu.memory_space<vmem>>, vector<1x16xf32>,
        %swap3A_475 = vector.shape_cast %swap3A_474 : vector<1x16xf32> to vector<16xf32>
        %swap3A_476 = vector.shape_cast %max3A_467 : vector<16xf32> to vector<1x16xf32>
        tpu.vector_store %arg10[%swap3A_472, %swap3A_473], %swap3A_476 {strides = array<i32>} : memref<128x128xf32, #tpu.memory_space<vmem>>, vector<1x16xf32>,
        %mul3A_477 = arith.constant 2 : i32
        %mul3A_478 = arith.muli %mul3A_477, %scan3A_215 : i32
        %add3A_479 = arith.constant 1 : i32
        %add3A_480 = arith.addi %mul3A_478, %add3A_479 : i32
        %get3A_481 = arith.index_cast %add3A_480 : i32 to index
        %get3A_482 = arith.constant 16 : index
        %get3A_483 = tpu.vector_load %arg9[%get3A_481, %get3A_482] {strides = array<i32>} : memref<128x128xf32, #tpu.memory_space<vmem>>, vector<1x16xf32>,
        %get3A_484 = vector.shape_cast %get3A_483 : vector<1x16xf32> to vector<16xf32>
        %mul3A_485 = arith.constant 2 : i32
        %mul3A_486 = arith.muli %mul3A_485, %scan3A_215 : i32
        %add3A_487 = arith.constant 1 : i32
        %add3A_488 = arith.addi %mul3A_486, %add3A_487 : i32
        %get3A_489 = arith.index_cast %add3A_488 : i32 to index
        %get3A_490 = arith.constant 16 : index
        %get3A_491 = tpu.vector_load %arg8[%get3A_489, %get3A_490] {strides = array<i32>} : memref<128x128xf32, #tpu.memory_space<vmem>>, vector<1x16xf32>,
        %get3A_492 = vector.shape_cast %get3A_491 : vector<1x16xf32> to vector<16xf32>
        %add3A_493 = arith.addf %get3A_484, %get3A_492 : vector<16xf32>
        %max3A_494 = arith.constant 0.000000e+00 : f32
        %max3A_495 = vector.broadcast %max3A_494 : f32 to vector<16xf32>
        %max3A_496 = arith.maximumf %add3A_493, %max3A_495 : vector<16xf32>
        %mul3A_497 = arith.constant 2 : i32
        %mul3A_498 = arith.muli %mul3A_497, %scan3A_215 : i32
        %add3A_499 = arith.constant 1 : i32
        %add3A_500 = arith.addi %mul3A_498, %add3A_499 : i32
        %swap3A_501 = arith.index_cast %add3A_500 : i32 to index
        %swap3A_502 = arith.constant 16 : index
        %swap3A_503 = tpu.vector_load %arg10[%swap3A_501, %swap3A_502] {strides = array<i32>} : memref<128x128xf32, #tpu.memory_space<vmem>>, vector<1x16xf32>,
        %swap3A_504 = vector.shape_cast %swap3A_503 : vector<1x16xf32> to vector<16xf32>
        %swap3A_505 = vector.shape_cast %max3A_496 : vector<16xf32> to vector<1x16xf32>
        tpu.vector_store %arg10[%swap3A_501, %swap3A_502], %swap3A_505 {strides = array<i32>} : memref<128x128xf32, #tpu.memory_space<vmem>>, vector<1x16xf32>,
        %mul3A_506 = arith.constant 2 : i32
        %mul3A_507 = arith.muli %mul3A_506, %scan3A_215 : i32
        %add3A_508 = arith.constant 1 : i32
        %add3A_509 = arith.addi %mul3A_507, %add3A_508 : i32
        %get3A_510 = arith.index_cast %add3A_509 : i32 to index
        %get3A_511 = arith.constant 32 : index
        %get3A_512 = tpu.vector_load %arg9[%get3A_510, %get3A_511] {strides = array<i32>} : memref<128x128xf32, #tpu.memory_space<vmem>>, vector<1x16xf32>,
        %get3A_513 = vector.shape_cast %get3A_512 : vector<1x16xf32> to vector<16xf32>
        %mul3A_514 = arith.constant 2 : i32
        %mul3A_515 = arith.muli %mul3A_514, %scan3A_215 : i32
        %add3A_516 = arith.constant 1 : i32
        %add3A_517 = arith.addi %mul3A_515, %add3A_516 : i32
        %get3A_518 = arith.index_cast %add3A_517 : i32 to index
        %get3A_519 = arith.constant 32 : index
        %get3A_520 = tpu.vector_load %arg8[%get3A_518, %get3A_519] {strides = array<i32>} : memref<128x128xf32, #tpu.memory_space<vmem>>, vector<1x16xf32>,
        %get3A_521 = vector.shape_cast %get3A_520 : vector<1x16xf32> to vector<16xf32>
        %add3A_522 = arith.addf %get3A_513, %get3A_521 : vector<16xf32>
        %max3A_523 = arith.constant 0.000000e+00 : f32
        %max3A_524 = vector.broadcast %max3A_523 : f32 to vector<16xf32>
        %max3A_525 = arith.maximumf %add3A_522, %max3A_524 : vector<16xf32>
        %mul3A_526 = arith.constant 2 : i32
        %mul3A_527 = arith.muli %mul3A_526, %scan3A_215 : i32
        %add3A_528 = arith.constant 1 : i32
        %add3A_529 = arith.addi %mul3A_527, %add3A_528 : i32
        %swap3A_530 = arith.index_cast %add3A_529 : i32 to index
        %swap3A_531 = arith.constant 32 : index
        %swap3A_532 = tpu.vector_load %arg10[%swap3A_530, %swap3A_531] {strides = array<i32>} : memref<128x128xf32, #tpu.memory_space<vmem>>, vector<1x16xf32>,
        %swap3A_533 = vector.shape_cast %swap3A_532 : vector<1x16xf32> to vector<16xf32>
        %swap3A_534 = vector.shape_cast %max3A_525 : vector<16xf32> to vector<1x16xf32>
        tpu.vector_store %arg10[%swap3A_530, %swap3A_531], %swap3A_534 {strides = array<i32>} : memref<128x128xf32, #tpu.memory_space<vmem>>, vector<1x16xf32>,
        %mul3A_535 = arith.constant 2 : i32
        %mul3A_536 = arith.muli %mul3A_535, %scan3A_215 : i32
        %add3A_537 = arith.constant 1 : i32
        %add3A_538 = arith.addi %mul3A_536, %add3A_537 : i32
        %get3A_539 = arith.index_cast %add3A_538 : i32 to index
        %get3A_540 = arith.constant 48 : index
        %get3A_541 = tpu.vector_load %arg9[%get3A_539, %get3A_540] {strides = array<i32>} : memref<128x128xf32, #tpu.memory_space<vmem>>, vector<1x16xf32>,
        %get3A_542 = vector.shape_cast %get3A_541 : vector<1x16xf32> to vector<16xf32>
        %mul3A_543 = arith.constant 2 : i32
        %mul3A_544 = arith.muli %mul3A_543, %scan3A_215 : i32
        %add3A_545 = arith.constant 1 : i32
        %add3A_546 = arith.addi %mul3A_544, %add3A_545 : i32
        %get3A_547 = arith.index_cast %add3A_546 : i32 to index
        %get3A_548 = arith.constant 48 : index
        %get3A_549 = tpu.vector_load %arg8[%get3A_547, %get3A_548] {strides = array<i32>} : memref<128x128xf32, #tpu.memory_space<vmem>>, vector<1x16xf32>,
        %get3A_550 = vector.shape_cast %get3A_549 : vector<1x16xf32> to vector<16xf32>
        %add3A_551 = arith.addf %get3A_542, %get3A_550 : vector<16xf32>
        %max3A_552 = arith.constant 0.000000e+00 : f32
        %max3A_553 = vector.broadcast %max3A_552 : f32 to vector<16xf32>
        %max3A_554 = arith.maximumf %add3A_551, %max3A_553 : vector<16xf32>
        %mul3A_555 = arith.constant 2 : i32
        %mul3A_556 = arith.muli %mul3A_555, %scan3A_215 : i32
        %add3A_557 = arith.constant 1 : i32
        %add3A_558 = arith.addi %mul3A_556, %add3A_557 : i32
        %swap3A_559 = arith.index_cast %add3A_558 : i32 to index
        %swap3A_560 = arith.constant 48 : index
        %swap3A_561 = tpu.vector_load %arg10[%swap3A_559, %swap3A_560] {strides = array<i32>} : memref<128x128xf32, #tpu.memory_space<vmem>>, vector<1x16xf32>,
        %swap3A_562 = vector.shape_cast %swap3A_561 : vector<1x16xf32> to vector<16xf32>
        %swap3A_563 = vector.shape_cast %max3A_554 : vector<16xf32> to vector<1x16xf32>
        tpu.vector_store %arg10[%swap3A_559, %swap3A_560], %swap3A_563 {strides = array<i32>} : memref<128x128xf32, #tpu.memory_space<vmem>>, vector<1x16xf32>,
        %mul3A_564 = arith.constant 2 : i32
        %mul3A_565 = arith.muli %mul3A_564, %scan3A_215 : i32
        %add3A_566 = arith.constant 1 : i32
        %add3A_567 = arith.addi %mul3A_565, %add3A_566 : i32
        %get3A_568 = arith.index_cast %add3A_567 : i32 to index
        %get3A_569 = arith.constant 64 : index
        %get3A_570 = tpu.vector_load %arg9[%get3A_568, %get3A_569] {strides = array<i32>} : memref<128x128xf32, #tpu.memory_space<vmem>>, vector<1x16xf32>,
        %get3A_571 = vector.shape_cast %get3A_570 : vector<1x16xf32> to vector<16xf32>
        %mul3A_572 = arith.constant 2 : i32
        %mul3A_573 = arith.muli %mul3A_572, %scan3A_215 : i32
        %add3A_574 = arith.constant 1 : i32
        %add3A_575 = arith.addi %mul3A_573, %add3A_574 : i32
        %get3A_576 = arith.index_cast %add3A_575 : i32 to index
        %get3A_577 = arith.constant 64 : index
        %get3A_578 = tpu.vector_load %arg8[%get3A_576, %get3A_577] {strides = array<i32>} : memref<128x128xf32, #tpu.memory_space<vmem>>, vector<1x16xf32>,
        %get3A_579 = vector.shape_cast %get3A_578 : vector<1x16xf32> to vector<16xf32>
        %add3A_580 = arith.addf %get3A_571, %get3A_579 : vector<16xf32>
        %max3A_581 = arith.constant 0.000000e+00 : f32
        %max3A_582 = vector.broadcast %max3A_581 : f32 to vector<16xf32>
        %max3A_583 = arith.maximumf %add3A_580, %max3A_582 : vector<16xf32>
        %mul3A_584 = arith.constant 2 : i32
        %mul3A_585 = arith.muli %mul3A_584, %scan3A_215 : i32
        %add3A_586 = arith.constant 1 : i32
        %add3A_587 = arith.addi %mul3A_585, %add3A_586 : i32
        %swap3A_588 = arith.index_cast %add3A_587 : i32 to index
        %swap3A_589 = arith.constant 64 : index
        %swap3A_590 = tpu.vector_load %arg10[%swap3A_588, %swap3A_589] {strides = array<i32>} : memref<128x128xf32, #tpu.memory_space<vmem>>, vector<1x16xf32>,
        %swap3A_591 = vector.shape_cast %swap3A_590 : vector<1x16xf32> to vector<16xf32>
        %swap3A_592 = vector.shape_cast %max3A_583 : vector<16xf32> to vector<1x16xf32>
        tpu.vector_store %arg10[%swap3A_588, %swap3A_589], %swap3A_592 {strides = array<i32>} : memref<128x128xf32, #tpu.memory_space<vmem>>, vector<1x16xf32>,
        %mul3A_593 = arith.constant 2 : i32
        %mul3A_594 = arith.muli %mul3A_593, %scan3A_215 : i32
        %add3A_595 = arith.constant 1 : i32
        %add3A_596 = arith.addi %mul3A_594, %add3A_595 : i32
        %get3A_597 = arith.index_cast %add3A_596 : i32 to index
        %get3A_598 = arith.constant 80 : index
        %get3A_599 = tpu.vector_load %arg9[%get3A_597, %get3A_598] {strides = array<i32>} : memref<128x128xf32, #tpu.memory_space<vmem>>, vector<1x16xf32>,
        %get3A_600 = vector.shape_cast %get3A_599 : vector<1x16xf32> to vector<16xf32>
        %mul3A_601 = arith.constant 2 : i32
        %mul3A_602 = arith.muli %mul3A_601, %scan3A_215 : i32
        %add3A_603 = arith.constant 1 : i32
        %add3A_604 = arith.addi %mul3A_602, %add3A_603 : i32
        %get3A_605 = arith.index_cast %add3A_604 : i32 to index
        %get3A_606 = arith.constant 80 : index
        %get3A_607 = tpu.vector_load %arg8[%get3A_605, %get3A_606] {strides = array<i32>} : memref<128x128xf32, #tpu.memory_space<vmem>>, vector<1x16xf32>,
        %get3A_608 = vector.shape_cast %get3A_607 : vector<1x16xf32> to vector<16xf32>
        %add3A_609 = arith.addf %get3A_600, %get3A_608 : vector<16xf32>
        %max3A_610 = arith.constant 0.000000e+00 : f32
        %max3A_611 = vector.broadcast %max3A_610 : f32 to vector<16xf32>
        %max3A_612 = arith.maximumf %add3A_609, %max3A_611 : vector<16xf32>
        %mul3A_613 = arith.constant 2 : i32
        %mul3A_614 = arith.muli %mul3A_613, %scan3A_215 : i32
        %add3A_615 = arith.constant 1 : i32
        %add3A_616 = arith.addi %mul3A_614, %add3A_615 : i32
        %swap3A_617 = arith.index_cast %add3A_616 : i32 to index
        %swap3A_618 = arith.constant 80 : index
        %swap3A_619 = tpu.vector_load %arg10[%swap3A_617, %swap3A_618] {strides = array<i32>} : memref<128x128xf32, #tpu.memory_space<vmem>>, vector<1x16xf32>,
        %swap3A_620 = vector.shape_cast %swap3A_619 : vector<1x16xf32> to vector<16xf32>
        %swap3A_621 = vector.shape_cast %max3A_612 : vector<16xf32> to vector<1x16xf32>
        tpu.vector_store %arg10[%swap3A_617, %swap3A_618], %swap3A_621 {strides = array<i32>} : memref<128x128xf32, #tpu.memory_space<vmem>>, vector<1x16xf32>,
        %mul3A_622 = arith.constant 2 : i32
        %mul3A_623 = arith.muli %mul3A_622, %scan3A_215 : i32
        %add3A_624 = arith.constant 1 : i32
        %add3A_625 = arith.addi %mul3A_623, %add3A_624 : i32
        %get3A_626 = arith.index_cast %add3A_625 : i32 to index
        %get3A_627 = arith.constant 96 : index
        %get3A_628 = tpu.vector_load %arg9[%get3A_626, %get3A_627] {strides = array<i32>} : memref<128x128xf32, #tpu.memory_space<vmem>>, vector<1x16xf32>,
        %get3A_629 = vector.shape_cast %get3A_628 : vector<1x16xf32> to vector<16xf32>
        %mul3A_630 = arith.constant 2 : i32
        %mul3A_631 = arith.muli %mul3A_630, %scan3A_215 : i32
        %add3A_632 = arith.constant 1 : i32
        %add3A_633 = arith.addi %mul3A_631, %add3A_632 : i32
        %get3A_634 = arith.index_cast %add3A_633 : i32 to index
        %get3A_635 = arith.constant 96 : index
        %get3A_636 = tpu.vector_load %arg8[%get3A_634, %get3A_635] {strides = array<i32>} : memref<128x128xf32, #tpu.memory_space<vmem>>, vector<1x16xf32>,
        %get3A_637 = vector.shape_cast %get3A_636 : vector<1x16xf32> to vector<16xf32>
        %add3A_638 = arith.addf %get3A_629, %get3A_637 : vector<16xf32>
        %max3A_639 = arith.constant 0.000000e+00 : f32
        %max3A_640 = vector.broadcast %max3A_639 : f32 to vector<16xf32>
        %max3A_641 = arith.maximumf %add3A_638, %max3A_640 : vector<16xf32>
        %mul3A_642 = arith.constant 2 : i32
        %mul3A_643 = arith.muli %mul3A_642, %scan3A_215 : i32
        %add3A_644 = arith.constant 1 : i32
        %add3A_645 = arith.addi %mul3A_643, %add3A_644 : i32
        %swap3A_646 = arith.index_cast %add3A_645 : i32 to index
        %swap3A_647 = arith.constant 96 : index
        %swap3A_648 = tpu.vector_load %arg10[%swap3A_646, %swap3A_647] {strides = array<i32>} : memref<128x128xf32, #tpu.memory_space<vmem>>, vector<1x16xf32>,
        %swap3A_649 = vector.shape_cast %swap3A_648 : vector<1x16xf32> to vector<16xf32>
        %swap3A_650 = vector.shape_cast %max3A_641 : vector<16xf32> to vector<1x16xf32>
        tpu.vector_store %arg10[%swap3A_646, %swap3A_647], %swap3A_650 {strides = array<i32>} : memref<128x128xf32, #tpu.memory_space<vmem>>, vector<1x16xf32>,
        %mul3A_651 = arith.constant 2 : i32
        %mul3A_652 = arith.muli %mul3A_651, %scan3A_215 : i32
        %add3A_653 = arith.constant 1 : i32
        %add3A_654 = arith.addi %mul3A_652, %add3A_653 : i32
        %get3A_655 = arith.index_cast %add3A_654 : i32 to index
        %get3A_656 = arith.constant 112 : index
        %get3A_657 = tpu.vector_load %arg9[%get3A_655, %get3A_656] {strides = array<i32>} : memref<128x128xf32, #tpu.memory_space<vmem>>, vector<1x16xf32>,
        %get3A_658 = vector.shape_cast %get3A_657 : vector<1x16xf32> to vector<16xf32>
        %mul3A_659 = arith.constant 2 : i32
        %mul3A_660 = arith.muli %mul3A_659, %scan3A_215 : i32
        %add3A_661 = arith.constant 1 : i32
        %add3A_662 = arith.addi %mul3A_660, %add3A_661 : i32
        %get3A_663 = arith.index_cast %add3A_662 : i32 to index
        %get3A_664 = arith.constant 112 : index
        %get3A_665 = tpu.vector_load %arg8[%get3A_663, %get3A_664] {strides = array<i32>} : memref<128x128xf32, #tpu.memory_space<vmem>>, vector<1x16xf32>,
        %get3A_666 = vector.shape_cast %get3A_665 : vector<1x16xf32> to vector<16xf32>
        %add3A_667 = arith.addf %get3A_658, %get3A_666 : vector<16xf32>
        %max3A_668 = arith.constant 0.000000e+00 : f32
        %max3A_669 = vector.broadcast %max3A_668 : f32 to vector<16xf32>
        %max3A_670 = arith.maximumf %add3A_667, %max3A_669 : vector<16xf32>
        %mul3A_671 = arith.constant 2 : i32
        %mul3A_672 = arith.muli %mul3A_671, %scan3A_215 : i32
        %add3A_673 = arith.constant 1 : i32
        %add3A_674 = arith.addi %mul3A_672, %add3A_673 : i32
        %swap3A_675 = arith.index_cast %add3A_674 : i32 to index
        %swap3A_676 = arith.constant 112 : index
        %swap3A_677 = tpu.vector_load %arg10[%swap3A_675, %swap3A_676] {strides = array<i32>} : memref<128x128xf32, #tpu.memory_space<vmem>>, vector<1x16xf32>,
        %swap3A_678 = vector.shape_cast %swap3A_677 : vector<1x16xf32> to vector<16xf32>
        %swap3A_679 = vector.shape_cast %max3A_670 : vector<16xf32> to vector<1x16xf32>
        tpu.vector_store %arg10[%swap3A_675, %swap3A_676], %swap3A_679 {strides = array<i32>} : memref<128x128xf32, #tpu.memory_space<vmem>>, vector<1x16xf32>,
        %scan3A_680 = arith.constant 0 : i32
        scf.yield %scan3A_680 : i32
      }
      %scan3A_206 = arith.constant 64 : i32
      %dma_start3A_207 = arith.constant 0 : i32
      %dma_start3A_208 = arith.constant 0 : i32
      %dma_start3A_209 = tpu.memref_slice %arg7[%dma_start3A_207, %dma_start3A_208] : memref<1x128xi32, #tpu.memory_space<vmem>> -> memref<1x128xi32, #tpu.memory_space<vmem>>
      %dma_start3A_210 = tpu.memref_squeeze %dma_start3A_209 : memref<1x128xi32, #tpu.memory_space<vmem>> -> memref<128xi32, #tpu.memory_space<vmem>>
      %dma_start3A_211 = arith.constant 0 : i32
      %dma_start3A_212 = arith.constant 0 : i32
      %dma_start3A_213 = tpu.memref_slice %arg11[%dma_start3A_211, %dma_start3A_212] : memref<10000x128xf32, #tpu.memory_space<vmem_shared>> -> memref<10000x128xf32, #tpu.memory_space<vmem_shared>>
      tpu.enqueue_indirect_dma source(%arg10 : memref<128x128xf32, #tpu.memory_space<vmem>>) target(%dma_start3A_213 : memref<10000x128xf32, #tpu.memory_space<vmem_shared>>) offsets(%dma_start3A_210 : memref<128xi32, #tpu.memory_space<vmem>>) semaphore(%arg14 : memref<!tpu.dma_semaphore, #tpu.memory_space<semaphore_mem>>) {add = true}
      %while3A_214 = arith.constant 0 : i32
      scf.yield %while3A_214 : i32
    }
    %dma_wait3A = arith.constant 0 : i32
    %dma_wait3A_46 = arith.constant 0 : i32
    %dma_wait3A_47 = tpu.memref_slice %arg7[%dma_wait3A, %dma_wait3A_46] : memref<1x128xi32, #tpu.memory_space<vmem>> -> memref<1x128xi32, #tpu.memory_space<vmem>>
    %dma_wait3A_48 = tpu.memref_squeeze %dma_wait3A_47 : memref<1x128xi32, #tpu.memory_space<vmem>> -> memref<128xi32, #tpu.memory_space<vmem>>
    %dma_wait3A_49 = arith.constant 0 : i32
    %dma_wait3A_50 = arith.constant 0 : i32
    %dma_wait3A_51 = tpu.memref_slice %arg11[%dma_wait3A_49, %dma_wait3A_50] : memref<10000x128xf32, #tpu.memory_space<vmem_shared>> -> memref<10000x128xf32, #tpu.memory_space<vmem_shared>>
    tpu.wait_indirect_dma semaphore(%arg14 : memref<!tpu.dma_semaphore, #tpu.memory_space<semaphore_mem>>) src(%arg10 : memref<128x128xf32, #tpu.memory_space<vmem>>) dst(%dma_wait3A_51 : memref<10000x128xf32, #tpu.memory_space<vmem_shared>>)
    %barrier3A_52 = arith.constant 0 : index
    tpu.barrier barrier_id(%barrier3A_52)
    %mul3A_53 = arith.constant 624 : i32
    %mul3A_54 = arith.muli %arg1, %mul3A_53 : i32
    %mul3A_55 = arith.constant 624 : i32
    %mul3A_56 = arith.muli %arg1, %mul3A_55 : i32
    "tpu.region"() ({
      %run_scoped3A = tpu.sem_alloc : memref<!tpu.dma_semaphore, #tpu.memory_space<semaphore_mem>>
      %dma_start3A = arith.constant 0 : i32
      %dma_start3A_60 = tpu.memref_slice %arg5[%arg0, %mul3A_56, %dma_start3A] : memref<2x10000x128xf32, #tpu.memory_space<hbm>> -> memref<1x624x128xf32, #tpu.memory_space<hbm>>
      %dma_start3A_61 = tpu.memref_squeeze %dma_start3A_60 : memref<1x624x128xf32, #tpu.memory_space<hbm>> -> memref<624x128xf32, #tpu.memory_space<hbm>>
      %dma_start3A_62 = arith.constant 0 : i32
      %dma_start3A_63 = tpu.memref_slice %arg11[%mul3A_54, %dma_start3A_62] : memref<10000x128xf32, #tpu.memory_space<vmem_shared>> -> memref<624x128xf32, #tpu.memory_space<vmem_shared>>
      tpu.enqueue_dma source(%dma_start3A_63 : memref<624x128xf32, #tpu.memory_space<vmem_shared>>) target(%dma_start3A_61 : memref<624x128xf32, #tpu.memory_space<hbm>>) target_semaphore(%run_scoped3A : memref<!tpu.dma_semaphore, #tpu.memory_space<semaphore_mem>>)
      %dma_wait3A_64 = arith.constant 0 : i32
      %dma_wait3A_65 = tpu.memref_slice %arg5[%arg0, %mul3A_56, %dma_wait3A_64] : memref<2x10000x128xf32, #tpu.memory_space<hbm>> -> memref<1x624x128xf32, #tpu.memory_space<hbm>>
      %dma_wait3A_66 = tpu.memref_squeeze %dma_wait3A_65 : memref<1x624x128xf32, #tpu.memory_space<hbm>> -> memref<624x128xf32, #tpu.memory_space<hbm>>
      %dma_wait3A_67 = arith.constant 0 : i32
      %dma_wait3A_68 = tpu.memref_slice %arg11[%mul3A_54, %dma_wait3A_67] : memref<10000x128xf32, #tpu.memory_space<vmem_shared>> -> memref<624x128xf32, #tpu.memory_space<vmem_shared>>
      tpu.wait_dma2 semaphore(%run_scoped3A : memref<!tpu.dma_semaphore, #tpu.memory_space<semaphore_mem>>) src(%dma_wait3A_68 : memref<624x128xf32, #tpu.memory_space<vmem_shared>>) dst(%dma_wait3A_66 : memref<624x128xf32, #tpu.memory_space<hbm>>)
      tpu.yield
    }) : () -> ()
    %eq3A = arith.constant 15 : i32
    %eq3A_57 = arith.cmpi eq, %arg1, %eq3A : i32
    %convert_element_type3A_58 = arith.extui %eq3A_57 : i1 to i32
    %cond3A = arith.constant 0 : i32
    %cond3A_59 = arith.cmpi ne, %convert_element_type3A_58, %cond3A : i32
    scf.if %cond3A_59 {
      "tpu.region"() ({
        %run_scoped3A = tpu.sem_alloc : memref<!tpu.dma_semaphore, #tpu.memory_space<semaphore_mem>>
        %dma_start3A = arith.constant 9984 : i32
        %dma_start3A_60 = arith.constant 0 : i32
        %dma_start3A_61 = tpu.memref_slice %arg5[%arg0, %dma_start3A, %dma_start3A_60] : memref<2x10000x128xf32, #tpu.memory_space<hbm>> -> memref<1x16x128xf32, #tpu.memory_space<hbm>>
        %dma_start3A_62 = tpu.memref_squeeze %dma_start3A_61 : memref<1x16x128xf32, #tpu.memory_space<hbm>> -> memref<16x128xf32, #tpu.memory_space<hbm>>
        %dma_start3A_63 = arith.constant 9984 : i32
        %dma_start3A_64 = arith.constant 0 : i32
        %dma_start3A_65 = tpu.memref_slice %arg11[%dma_start3A_63, %dma_start3A_64] : memref<10000x128xf32, #tpu.memory_space<vmem_shared>> -> memref<16x128xf32, #tpu.memory_space<vmem_shared>>
        tpu.enqueue_dma source(%dma_start3A_65 : memref<16x128xf32, #tpu.memory_space<vmem_shared>>) target(%dma_start3A_62 : memref<16x128xf32, #tpu.memory_space<hbm>>) target_semaphore(%run_scoped3A : memref<!tpu.dma_semaphore, #tpu.memory_space<semaphore_mem>>)
        %dma_wait3A_66 = arith.constant 9984 : i32
        %dma_wait3A_67 = arith.constant 0 : i32
        %dma_wait3A_68 = tpu.memref_slice %arg5[%arg0, %dma_wait3A_66, %dma_wait3A_67] : memref<2x10000x128xf32, #tpu.memory_space<hbm>> -> memref<1x16x128xf32, #tpu.memory_space<hbm>>
        %dma_wait3A_69 = tpu.memref_squeeze %dma_wait3A_68 : memref<1x16x128xf32, #tpu.memory_space<hbm>> -> memref<16x128xf32, #tpu.memory_space<hbm>>
        %dma_wait3A_70 = arith.constant 9984 : i32
        %dma_wait3A_71 = arith.constant 0 : i32
        %dma_wait3A_72 = tpu.memref_slice %arg11[%dma_wait3A_70, %dma_wait3A_71] : memref<10000x128xf32, #tpu.memory_space<vmem_shared>> -> memref<16x128xf32, #tpu.memory_space<vmem_shared>>
        tpu.wait_dma2 semaphore(%run_scoped3A : memref<!tpu.dma_semaphore, #tpu.memory_space<semaphore_mem>>) src(%dma_wait3A_72 : memref<16x128xf32, #tpu.memory_space<vmem_shared>>) dst(%dma_wait3A_69 : memref<16x128xf32, #tpu.memory_space<hbm>>)
        tpu.yield
      }) : () -> ()
    } else {
    }
    return
  }
}

#map = affine_map<(d0, d1) -> (0, 0)>
#map1 = affine_map<(d0, d1) -> (0, 0, 0, 0)>
#map2 = affine_map<(d0, d1) -> (0, 0, 0)>
module attributes {stable_mosaic.version = 14 : i64} {
  func.func @k(%arg0: i32, %arg1: i32, %arg2: memref<10000x128xf32, #tpu.memory_space<hbm>>, %arg3: memref<960000x128xf32, #tpu.memory_space<hbm>>, %arg4: memref<2500x2x1x128xi32, #tpu.memory_space<hbm>>, %arg5: memref<2x10000x128xf32, #tpu.memory_space<hbm>>, %arg6: memref<2x1x128xi32, #tpu.memory_space<vmem>>, %arg7: memref<1x128xi32, #tpu.memory_space<vmem>>, %arg8: memref<128x128xf32, #tpu.memory_space<vmem>>, %arg9: memref<128x128xf32, #tpu.memory_space<vmem>>, %arg10: memref<128x128xf32, #tpu.memory_space<vmem>>, %arg11: memref<10000x128xf32, #tpu.memory_space<vmem_shared>>, %arg12: memref<!tpu.dma_semaphore, #tpu.memory_space<semaphore_mem>>, %arg13: memref<!tpu.dma_semaphore, #tpu.memory_space<semaphore_mem>>, %arg14: memref<!tpu.dma_semaphore, #tpu.memory_space<semaphore_mem>>) attributes {dimension_semantics = [#tpu.dimension_semantics<core_parallel>, #tpu.dimension_semantics<subcore_parallel>], iteration_bounds = array<i64: 2, 16>, scalar_prefetch = 0 : i64, scratch_operands = 9 : i64, tpu.core_type = #tpu.core_type<sc_vector_subcore>, window_params = [{transform_indices = #map}, {transform_indices = #map}, {transform_indices = #map1}, {transform_indices = #map2}]} {
    %broadcast_in_dim3A = arith.constant 0.000000e+00 : f32
    %broadcast_in_dim3A_0 = vector.broadcast %broadcast_in_dim3A : f32 to vector<16xf32>
    %scan3A = arith.constant 0 : i32
    %scan3A_1 = arith.constant 0 : i32
    %scan3A_2 = arith.constant 128 : i32
    %scan3A_3 = arith.addi %scan3A_1, %scan3A_2 : i32
    %scan3A_4 = arith.constant 1 : i32
    %scan3A_5 = scf.for %scan3A_60 = %scan3A_1 to %scan3A_3 step %scan3A_4 iter_args(%scan3A_61 = %scan3A) -> (i32)  : i32 {
      %swap3A = arith.index_cast %scan3A_60 : i32 to index
      %swap3A_62 = arith.constant 0 : index
      %swap3A_63 = tpu.vector_load %arg10[%swap3A, %swap3A_62] {strides = array<i32>} : memref<128x128xf32, #tpu.memory_space<vmem>>, vector<1x16xf32>,
      %swap3A_64 = vector.shape_cast %swap3A_63 : vector<1x16xf32> to vector<16xf32>
      %swap3A_65 = vector.shape_cast %broadcast_in_dim3A_0 : vector<16xf32> to vector<1x16xf32>
      tpu.vector_store %arg10[%swap3A, %swap3A_62], %swap3A_65 {strides = array<i32>} : memref<128x128xf32, #tpu.memory_space<vmem>>, vector<1x16xf32>,
      %swap3A_66 = arith.index_cast %scan3A_60 : i32 to index
      %swap3A_67 = arith.constant 16 : index
      %swap3A_68 = tpu.vector_load %arg10[%swap3A_66, %swap3A_67] {strides = array<i32>} : memref<128x128xf32, #tpu.memory_space<vmem>>, vector<1x16xf32>,
      %swap3A_69 = vector.shape_cast %swap3A_68 : vector<1x16xf32> to vector<16xf32>
      %swap3A_70 = vector.shape_cast %broadcast_in_dim3A_0 : vector<16xf32> to vector<1x16xf32>
      tpu.vector_store %arg10[%swap3A_66, %swap3A_67], %swap3A_70 {strides = array<i32>} : memref<128x128xf32, #tpu.memory_space<vmem>>, vector<1x16xf32>,
      %swap3A_71 = arith.index_cast %scan3A_60 : i32 to index
      %swap3A_72 = arith.constant 32 : index
      %swap3A_73 = tpu.vector_load %arg10[%swap3A_71, %swap3A_72] {strides = array<i32>} : memref<128x128xf32, #tpu.memory_space<vmem>>, vector<1x16xf32>,
      %swap3A_74 = vector.shape_cast %swap3A_73 : vector<1x16xf32> to vector<16xf32>
      %swap3A_75 = vector.shape_cast %broadcast_in_dim3A_0 : vector<16xf32> to vector<1x16xf32>
      tpu.vector_store %arg10[%swap3A_71, %swap3A_72], %swap3A_75 {strides = array<i32>} : memref<128x128xf32, #tpu.memory_space<vmem>>, vector<1x16xf32>,
      %swap3A_76 = arith.index_cast %scan3A_60 : i32 to index
      %swap3A_77 = arith.constant 48 : index
      %swap3A_78 = tpu.vector_load %arg10[%swap3A_76, %swap3A_77] {strides = array<i32>} : memref<128x128xf32, #tpu.memory_space<vmem>>, vector<1x16xf32>,
      %swap3A_79 = vector.shape_cast %swap3A_78 : vector<1x16xf32> to vector<16xf32>
      %swap3A_80 = vector.shape_cast %broadcast_in_dim3A_0 : vector<16xf32> to vector<1x16xf32>
      tpu.vector_store %arg10[%swap3A_76, %swap3A_77], %swap3A_80 {strides = array<i32>} : memref<128x128xf32, #tpu.memory_space<vmem>>, vector<1x16xf32>,
      %swap3A_81 = arith.index_cast %scan3A_60 : i32 to index
      %swap3A_82 = arith.constant 64 : index
      %swap3A_83 = tpu.vector_load %arg10[%swap3A_81, %swap3A_82] {strides = array<i32>} : memref<128x128xf32, #tpu.memory_space<vmem>>, vector<1x16xf32>,
      %swap3A_84 = vector.shape_cast %swap3A_83 : vector<1x16xf32> to vector<16xf32>
      %swap3A_85 = vector.shape_cast %broadcast_in_dim3A_0 : vector<16xf32> to vector<1x16xf32>
      tpu.vector_store %arg10[%swap3A_81, %swap3A_82], %swap3A_85 {strides = array<i32>} : memref<128x128xf32, #tpu.memory_space<vmem>>, vector<1x16xf32>,
      %swap3A_86 = arith.index_cast %scan3A_60 : i32 to index
      %swap3A_87 = arith.constant 80 : index
      %swap3A_88 = tpu.vector_load %arg10[%swap3A_86, %swap3A_87] {strides = array<i32>} : memref<128x128xf32, #tpu.memory_space<vmem>>, vector<1x16xf32>,
      %swap3A_89 = vector.shape_cast %swap3A_88 : vector<1x16xf32> to vector<16xf32>
      %swap3A_90 = vector.shape_cast %broadcast_in_dim3A_0 : vector<16xf32> to vector<1x16xf32>
      tpu.vector_store %arg10[%swap3A_86, %swap3A_87], %swap3A_90 {strides = array<i32>} : memref<128x128xf32, #tpu.memory_space<vmem>>, vector<1x16xf32>,
      %swap3A_91 = arith.index_cast %scan3A_60 : i32 to index
      %swap3A_92 = arith.constant 96 : index
      %swap3A_93 = tpu.vector_load %arg10[%swap3A_91, %swap3A_92] {strides = array<i32>} : memref<128x128xf32, #tpu.memory_space<vmem>>, vector<1x16xf32>,
      %swap3A_94 = vector.shape_cast %swap3A_93 : vector<1x16xf32> to vector<16xf32>
      %swap3A_95 = vector.shape_cast %broadcast_in_dim3A_0 : vector<16xf32> to vector<1x16xf32>
      tpu.vector_store %arg10[%swap3A_91, %swap3A_92], %swap3A_95 {strides = array<i32>} : memref<128x128xf32, #tpu.memory_space<vmem>>, vector<1x16xf32>,
      %swap3A_96 = arith.index_cast %scan3A_60 : i32 to index
      %swap3A_97 = arith.constant 112 : index
      %swap3A_98 = tpu.vector_load %arg10[%swap3A_96, %swap3A_97] {strides = array<i32>} : memref<128x128xf32, #tpu.memory_space<vmem>>, vector<1x16xf32>,
      %swap3A_99 = vector.shape_cast %swap3A_98 : vector<1x16xf32> to vector<16xf32>
      %swap3A_100 = vector.shape_cast %broadcast_in_dim3A_0 : vector<16xf32> to vector<1x16xf32>
      tpu.vector_store %arg10[%swap3A_96, %swap3A_97], %swap3A_100 {strides = array<i32>} : memref<128x128xf32, #tpu.memory_space<vmem>>, vector<1x16xf32>,
      %scan3A_101 = arith.constant 0 : i32
      scf.yield %scan3A_101 : i32
    }
    %scan3A_6 = arith.constant 128 : i32
    %mul3A = arith.constant 625 : i32
    %mul3A_7 = arith.muli %arg1, %mul3A : i32
    %add3A = arith.constant 0 : i32
    %add3A_8 = arith.addi %mul3A_7, %add3A : i32
    "tpu.region"() ({
      %run_scoped3A = tpu.sem_alloc : memref<!tpu.dma_semaphore, #tpu.memory_space<semaphore_mem>>
      %dma_start3A = arith.constant 0 : i32
      %dma_start3A_60 = tpu.memref_slice %arg11[%add3A_8, %dma_start3A] : memref<10000x128xf32, #tpu.memory_space<vmem_shared>> -> memref<128x128xf32, #tpu.memory_space<vmem_shared>>
      %dma_start3A_61 = arith.constant 0 : i32
      %dma_start3A_62 = tpu.memref_slice %arg11[%add3A_8, %dma_start3A_61] : memref<10000x128xf32, #tpu.memory_space<vmem_shared>> -> memref<128x128xf32, #tpu.memory_space<vmem_shared>>
      tpu.enqueue_dma source(%arg10 : memref<128x128xf32, #tpu.memory_space<vmem>>) target(%dma_start3A_62 : memref<128x128xf32, #tpu.memory_space<vmem_shared>>) target_semaphore(%run_scoped3A : memref<!tpu.dma_semaphore, #tpu.memory_space<semaphore_mem>>)
      %dma_wait3A_63 = arith.constant 0 : i32
      %dma_wait3A_64 = tpu.memref_slice %arg11[%add3A_8, %dma_wait3A_63] : memref<10000x128xf32, #tpu.memory_space<vmem_shared>> -> memref<128x128xf32, #tpu.memory_space<vmem_shared>>
      %dma_wait3A_65 = arith.constant 0 : i32
      %dma_wait3A_66 = tpu.memref_slice %arg11[%add3A_8, %dma_wait3A_65] : memref<10000x128xf32, #tpu.memory_space<vmem_shared>> -> memref<128x128xf32, #tpu.memory_space<vmem_shared>>
      tpu.wait_dma2 semaphore(%run_scoped3A : memref<!tpu.dma_semaphore, #tpu.memory_space<semaphore_mem>>) src(%arg10 : memref<128x128xf32, #tpu.memory_space<vmem>>) dst(%dma_wait3A_66 : memref<128x128xf32, #tpu.memory_space<vmem_shared>>)
      tpu.yield
    }) : () -> ()
    %mul3A_9 = arith.constant 625 : i32
    %mul3A_10 = arith.muli %arg1, %mul3A_9 : i32
    %add3A_11 = arith.constant 128 : i32
    %add3A_12 = arith.addi %mul3A_10, %add3A_11 : i32
    "tpu.region"() ({
      %run_scoped3A = tpu.sem_alloc : memref<!tpu.dma_semaphore, #tpu.memory_space<semaphore_mem>>
      %dma_start3A = arith.constant 0 : i32
      %dma_start3A_60 = tpu.memref_slice %arg11[%add3A_12, %dma_start3A] : memref<10000x128xf32, #tpu.memory_space<vmem_shared>> -> memref<128x128xf32, #tpu.memory_space<vmem_shared>>
      %dma_start3A_61 = arith.constant 0 : i32
      %dma_start3A_62 = tpu.memref_slice %arg11[%add3A_12, %dma_start3A_61] : memref<10000x128xf32, #tpu.memory_space<vmem_shared>> -> memref<128x128xf32, #tpu.memory_space<vmem_shared>>
      tpu.enqueue_dma source(%arg10 : memref<128x128xf32, #tpu.memory_space<vmem>>) target(%dma_start3A_62 : memref<128x128xf32, #tpu.memory_space<vmem_shared>>) target_semaphore(%run_scoped3A : memref<!tpu.dma_semaphore, #tpu.memory_space<semaphore_mem>>)
      %dma_wait3A_63 = arith.constant 0 : i32
      %dma_wait3A_64 = tpu.memref_slice %arg11[%add3A_12, %dma_wait3A_63] : memref<10000x128xf32, #tpu.memory_space<vmem_shared>> -> memref<128x128xf32, #tpu.memory_space<vmem_shared>>
      %dma_wait3A_65 = arith.constant 0 : i32
      %dma_wait3A_66 = tpu.memref_slice %arg11[%add3A_12, %dma_wait3A_65] : memref<10000x128xf32, #tpu.memory_space<vmem_shared>> -> memref<128x128xf32, #tpu.memory_space<vmem_shared>>
      tpu.wait_dma2 semaphore(%run_scoped3A : memref<!tpu.dma_semaphore, #tpu.memory_space<semaphore_mem>>) src(%arg10 : memref<128x128xf32, #tpu.memory_space<vmem>>) dst(%dma_wait3A_66 : memref<128x128xf32, #tpu.memory_space<vmem_shared>>)
      tpu.yield
    }) : () -> ()
    %mul3A_13 = arith.constant 625 : i32
    %mul3A_14 = arith.muli %arg1, %mul3A_13 : i32
    %add3A_15 = arith.constant 256 : i32
    %add3A_16 = arith.addi %mul3A_14, %add3A_15 : i32
    "tpu.region"() ({
      %run_scoped3A = tpu.sem_alloc : memref<!tpu.dma_semaphore, #tpu.memory_space<semaphore_mem>>
      %dma_start3A = arith.constant 0 : i32
      %dma_start3A_60 = tpu.memref_slice %arg11[%add3A_16, %dma_start3A] : memref<10000x128xf32, #tpu.memory_space<vmem_shared>> -> memref<128x128xf32, #tpu.memory_space<vmem_shared>>
      %dma_start3A_61 = arith.constant 0 : i32
      %dma_start3A_62 = tpu.memref_slice %arg11[%add3A_16, %dma_start3A_61] : memref<10000x128xf32, #tpu.memory_space<vmem_shared>> -> memref<128x128xf32, #tpu.memory_space<vmem_shared>>
      tpu.enqueue_dma source(%arg10 : memref<128x128xf32, #tpu.memory_space<vmem>>) target(%dma_start3A_62 : memref<128x128xf32, #tpu.memory_space<vmem_shared>>) target_semaphore(%run_scoped3A : memref<!tpu.dma_semaphore, #tpu.memory_space<semaphore_mem>>)
      %dma_wait3A_63 = arith.constant 0 : i32
      %dma_wait3A_64 = tpu.memref_slice %arg11[%add3A_16, %dma_wait3A_63] : memref<10000x128xf32, #tpu.memory_space<vmem_shared>> -> memref<128x128xf32, #tpu.memory_space<vmem_shared>>
      %dma_wait3A_65 = arith.constant 0 : i32
      %dma_wait3A_66 = tpu.memref_slice %arg11[%add3A_16, %dma_wait3A_65] : memref<10000x128xf32, #tpu.memory_space<vmem_shared>> -> memref<128x128xf32, #tpu.memory_space<vmem_shared>>
      tpu.wait_dma2 semaphore(%run_scoped3A : memref<!tpu.dma_semaphore, #tpu.memory_space<semaphore_mem>>) src(%arg10 : memref<128x128xf32, #tpu.memory_space<vmem>>) dst(%dma_wait3A_66 : memref<128x128xf32, #tpu.memory_space<vmem_shared>>)
      tpu.yield
    }) : () -> ()
    %mul3A_17 = arith.constant 625 : i32
    %mul3A_18 = arith.muli %arg1, %mul3A_17 : i32
    %add3A_19 = arith.constant 384 : i32
    %add3A_20 = arith.addi %mul3A_18, %add3A_19 : i32
    "tpu.region"() ({
      %run_scoped3A = tpu.sem_alloc : memref<!tpu.dma_semaphore, #tpu.memory_space<semaphore_mem>>
      %dma_start3A = arith.constant 0 : i32
      %dma_start3A_60 = tpu.memref_slice %arg11[%add3A_20, %dma_start3A] : memref<10000x128xf32, #tpu.memory_space<vmem_shared>> -> memref<128x128xf32, #tpu.memory_space<vmem_shared>>
      %dma_start3A_61 = arith.constant 0 : i32
      %dma_start3A_62 = tpu.memref_slice %arg11[%add3A_20, %dma_start3A_61] : memref<10000x128xf32, #tpu.memory_space<vmem_shared>> -> memref<128x128xf32, #tpu.memory_space<vmem_shared>>
      tpu.enqueue_dma source(%arg10 : memref<128x128xf32, #tpu.memory_space<vmem>>) target(%dma_start3A_62 : memref<128x128xf32, #tpu.memory_space<vmem_shared>>) target_semaphore(%run_scoped3A : memref<!tpu.dma_semaphore, #tpu.memory_space<semaphore_mem>>)
      %dma_wait3A_63 = arith.constant 0 : i32
      %dma_wait3A_64 = tpu.memref_slice %arg11[%add3A_20, %dma_wait3A_63] : memref<10000x128xf32, #tpu.memory_space<vmem_shared>> -> memref<128x128xf32, #tpu.memory_space<vmem_shared>>
      %dma_wait3A_65 = arith.constant 0 : i32
      %dma_wait3A_66 = tpu.memref_slice %arg11[%add3A_20, %dma_wait3A_65] : memref<10000x128xf32, #tpu.memory_space<vmem_shared>> -> memref<128x128xf32, #tpu.memory_space<vmem_shared>>
      tpu.wait_dma2 semaphore(%run_scoped3A : memref<!tpu.dma_semaphore, #tpu.memory_space<semaphore_mem>>) src(%arg10 : memref<128x128xf32, #tpu.memory_space<vmem>>) dst(%dma_wait3A_66 : memref<128x128xf32, #tpu.memory_space<vmem_shared>>)
      tpu.yield
    }) : () -> ()
    %mul3A_21 = arith.constant 625 : i32
    %mul3A_22 = arith.muli %arg1, %mul3A_21 : i32
    %add3A_23 = arith.constant 512 : i32
    %add3A_24 = arith.addi %mul3A_22, %add3A_23 : i32
    "tpu.region"() ({
      %run_scoped3A = tpu.sem_alloc : memref<!tpu.dma_semaphore, #tpu.memory_space<semaphore_mem>>
      %dma_start3A = arith.constant 0 : i32
      %dma_start3A_60 = arith.constant 0 : i32
      %dma_start3A_61 = tpu.memref_slice %arg10[%dma_start3A, %dma_start3A_60] : memref<128x128xf32, #tpu.memory_space<vmem>> -> memref<113x128xf32, #tpu.memory_space<vmem>>
      %dma_start3A_62 = arith.constant 0 : i32
      %dma_start3A_63 = tpu.memref_slice %arg11[%add3A_24, %dma_start3A_62] : memref<10000x128xf32, #tpu.memory_space<vmem_shared>> -> memref<113x128xf32, #tpu.memory_space<vmem_shared>>
      %dma_start3A_64 = arith.constant 0 : i32
      %dma_start3A_65 = tpu.memref_slice %arg11[%add3A_24, %dma_start3A_64] : memref<10000x128xf32, #tpu.memory_space<vmem_shared>> -> memref<113x128xf32, #tpu.memory_space<vmem_shared>>
      %dma_start3A_66 = arith.constant 0 : i32
      %dma_start3A_67 = arith.constant 0 : i32
      %dma_start3A_68 = tpu.memref_slice %arg10[%dma_start3A_66, %dma_start3A_67] : memref<128x128xf32, #tpu.memory_space<vmem>> -> memref<113x128xf32, #tpu.memory_space<vmem>>
      tpu.enqueue_dma source(%dma_start3A_68 : memref<113x128xf32, #tpu.memory_space<vmem>>) target(%dma_start3A_65 : memref<113x128xf32, #tpu.memory_space<vmem_shared>>) target_semaphore(%run_scoped3A : memref<!tpu.dma_semaphore, #tpu.memory_space<semaphore_mem>>)
      %dma_wait3A_69 = arith.constant 0 : i32
      %dma_wait3A_70 = arith.constant 0 : i32
      %dma_wait3A_71 = tpu.memref_slice %arg10[%dma_wait3A_69, %dma_wait3A_70] : memref<128x128xf32, #tpu.memory_space<vmem>> -> memref<113x128xf32, #tpu.memory_space<vmem>>
      %dma_wait3A_72 = arith.constant 0 : i32
      %dma_wait3A_73 = tpu.memref_slice %arg11[%add3A_24, %dma_wait3A_72] : memref<10000x128xf32, #tpu.memory_space<vmem_shared>> -> memref<113x128xf32, #tpu.memory_space<vmem_shared>>
      %dma_wait3A_74 = arith.constant 0 : i32
      %dma_wait3A_75 = tpu.memref_slice %arg11[%add3A_24, %dma_wait3A_74] : memref<10000x128xf32, #tpu.memory_space<vmem_shared>> -> memref<113x128xf32, #tpu.memory_space<vmem_shared>>
      %dma_wait3A_76 = arith.constant 0 : i32
      %dma_wait3A_77 = arith.constant 0 : i32
      %dma_wait3A_78 = tpu.memref_slice %arg10[%dma_wait3A_76, %dma_wait3A_77] : memref<128x128xf32, #tpu.memory_space<vmem>> -> memref<113x128xf32, #tpu.memory_space<vmem>>
      tpu.wait_dma2 semaphore(%run_scoped3A : memref<!tpu.dma_semaphore, #tpu.memory_space<semaphore_mem>>) src(%dma_wait3A_78 : memref<113x128xf32, #tpu.memory_space<vmem>>) dst(%dma_wait3A_75 : memref<113x128xf32, #tpu.memory_space<vmem_shared>>)
      tpu.yield
    }) : () -> ()
    %barrier3A = arith.constant 0 : index
    tpu.barrier barrier_id(%barrier3A)
    %mul3A_25 = arith.constant 1250 : i32
    %mul3A_26 = arith.muli %arg0, %mul3A_25 : i32
    %mul3A_27 = arith.constant 78 : i32
    %mul3A_28 = arith.muli %arg1, %mul3A_27 : i32
    %add3A_29 = arith.addi %mul3A_26, %mul3A_28 : i32
    %min3A = arith.constant 2 : i32
    %min3A_30 = arith.minsi %arg1, %min3A : i32
    %add3A_31 = arith.addi %add3A_29, %min3A_30 : i32
    %lt3A = arith.constant 2 : i32
    %lt3A_32 = arith.cmpi slt, %arg1, %lt3A : i32
    %convert_element_type3A = arith.extui %lt3A_32 : i1 to i32
    %add3A_33 = arith.constant 78 : i32
    %add3A_34 = arith.addi %add3A_33, %convert_element_type3A : i32
    %while3A = arith.constant 0 : i32
    %while3A_35 = arith.constant 0 : i32
    %while3A_36 = arith.subi %add3A_34, %while3A : i32
    %while3A_37 = arith.addi %while3A, %while3A_36 : i32
    %while3A_38 = arith.constant 1 : i32
    %while3A_39 = arith.divsi %while3A_36, %while3A_38 : i32
    %while3A_40 = arith.muli %while3A_39, %while3A_38 : i32
    %while3A_41 = arith.addi %while3A, %while3A_40 : i32
    %while3A_42 = arith.constant 1 : i32
    %while3A_43 = scf.for %while3A_60 = %while3A to %while3A_41 step %while3A_42 iter_args(%while3A_61 = %while3A_35) -> (i32)  : i32 {
      %add3A_62 = arith.addi %add3A_31, %while3A_60 : i32
      "tpu.region"() ({
        %run_scoped3A = tpu.sem_alloc : memref<!tpu.dma_semaphore, #tpu.memory_space<semaphore_mem>>
        %dma_start3A_215 = arith.constant 0 : i32
        %dma_start3A_216 = arith.constant 0 : i32
        %dma_start3A_217 = arith.constant 0 : i32
        %dma_start3A_218 = tpu.memref_slice %arg4[%add3A_62, %dma_start3A_215, %dma_start3A_216, %dma_start3A_217] : memref<2500x2x1x128xi32, #tpu.memory_space<hbm>> -> memref<1x2x1x128xi32, #tpu.memory_space<hbm>>
        %dma_start3A_219 = tpu.memref_squeeze %dma_start3A_218 : memref<1x2x1x128xi32, #tpu.memory_space<hbm>> -> memref<2x1x128xi32, #tpu.memory_space<hbm>>
        %dma_start3A_220 = arith.constant 0 : i32
        %dma_start3A_221 = arith.constant 0 : i32
        %dma_start3A_222 = arith.constant 0 : i32
        %dma_start3A_223 = tpu.memref_slice %arg4[%add3A_62, %dma_start3A_220, %dma_start3A_221, %dma_start3A_222] : memref<2500x2x1x128xi32, #tpu.memory_space<hbm>> -> memref<1x2x1x128xi32, #tpu.memory_space<hbm>>
        %dma_start3A_224 = tpu.memref_squeeze %dma_start3A_223 : memref<1x2x1x128xi32, #tpu.memory_space<hbm>> -> memref<2x1x128xi32, #tpu.memory_space<hbm>>
        tpu.enqueue_dma source(%dma_start3A_224 : memref<2x1x128xi32, #tpu.memory_space<hbm>>) target(%arg6 : memref<2x1x128xi32, #tpu.memory_space<vmem>>) target_semaphore(%run_scoped3A : memref<!tpu.dma_semaphore, #tpu.memory_space<semaphore_mem>>)
        %dma_wait3A_225 = arith.constant 0 : i32
        %dma_wait3A_226 = arith.constant 0 : i32
        %dma_wait3A_227 = arith.constant 0 : i32
        %dma_wait3A_228 = tpu.memref_slice %arg4[%add3A_62, %dma_wait3A_225, %dma_wait3A_226, %dma_wait3A_227] : memref<2500x2x1x128xi32, #tpu.memory_space<hbm>> -> memref<1x2x1x128xi32, #tpu.memory_space<hbm>>
        %dma_wait3A_229 = tpu.memref_squeeze %dma_wait3A_228 : memref<1x2x1x128xi32, #tpu.memory_space<hbm>> -> memref<2x1x128xi32, #tpu.memory_space<hbm>>
        %dma_wait3A_230 = arith.constant 0 : i32
        %dma_wait3A_231 = arith.constant 0 : i32
        %dma_wait3A_232 = arith.constant 0 : i32
        %dma_wait3A_233 = tpu.memref_slice %arg4[%add3A_62, %dma_wait3A_230, %dma_wait3A_231, %dma_wait3A_232] : memref<2500x2x1x128xi32, #tpu.memory_space<hbm>> -> memref<1x2x1x128xi32, #tpu.memory_space<hbm>>
        %dma_wait3A_234 = tpu.memref_squeeze %dma_wait3A_233 : memref<1x2x1x128xi32, #tpu.memory_space<hbm>> -> memref<2x1x128xi32, #tpu.memory_space<hbm>>
        tpu.wait_dma2 semaphore(%run_scoped3A : memref<!tpu.dma_semaphore, #tpu.memory_space<semaphore_mem>>) src(%dma_wait3A_234 : memref<2x1x128xi32, #tpu.memory_space<hbm>>) dst(%arg6 : memref<2x1x128xi32, #tpu.memory_space<vmem>>)
        tpu.yield
      }) : () -> ()
      %mul3A_63 = arith.constant 128 : i32
      %mul3A_64 = arith.muli %add3A_62, %mul3A_63 : i32
      %add3A_65 = arith.constant 320000 : i32
      %add3A_66 = arith.addi %add3A_65, %mul3A_64 : i32
      %dma_start3A = arith.constant 0 : i32
      %dma_start3A_67 = tpu.memref_slice %arg3[%add3A_66, %dma_start3A] : memref<960000x128xf32, #tpu.memory_space<hbm>> -> memref<128x128xf32, #tpu.memory_space<hbm>>
      %dma_start3A_68 = arith.constant 0 : i32
      %dma_start3A_69 = tpu.memref_slice %arg3[%add3A_66, %dma_start3A_68] : memref<960000x128xf32, #tpu.memory_space<hbm>> -> memref<128x128xf32, #tpu.memory_space<hbm>>
      tpu.enqueue_dma source(%dma_start3A_69 : memref<128x128xf32, #tpu.memory_space<hbm>>) target(%arg8 : memref<128x128xf32, #tpu.memory_space<vmem>>) target_semaphore(%arg12 : memref<!tpu.dma_semaphore, #tpu.memory_space<semaphore_mem>>)
      %dma_start3A_70 = arith.constant 0 : i32
      %dma_start3A_71 = arith.constant 0 : i32
      %dma_start3A_72 = arith.constant 0 : i32
      %dma_start3A_73 = tpu.memref_slice %arg6[%dma_start3A_70, %dma_start3A_71, %dma_start3A_72] : memref<2x1x128xi32, #tpu.memory_space<vmem>> -> memref<1x1x128xi32, #tpu.memory_space<vmem>>
      %dma_start3A_74 = tpu.memref_squeeze %dma_start3A_73 : memref<1x1x128xi32, #tpu.memory_space<vmem>> -> memref<128xi32, #tpu.memory_space<vmem>>
      %dma_start3A_75 = arith.constant 0 : i32
      %dma_start3A_76 = arith.constant 0 : i32
      %dma_start3A_77 = tpu.memref_slice %arg2[%dma_start3A_75, %dma_start3A_76] : memref<10000x128xf32, #tpu.memory_space<hbm>> -> memref<10000x128xf32, #tpu.memory_space<hbm>>
      tpu.enqueue_indirect_dma source(%dma_start3A_77 : memref<10000x128xf32, #tpu.memory_space<hbm>>) target(%arg9 : memref<128x128xf32, #tpu.memory_space<vmem>>) offsets(%dma_start3A_74 : memref<128xi32, #tpu.memory_space<vmem>>) semaphore(%arg13 : memref<!tpu.dma_semaphore, #tpu.memory_space<semaphore_mem>>)
      %gt3A = arith.constant 0 : i32
      %gt3A_78 = arith.cmpi sgt, %while3A_60, %gt3A : i32
      %convert_element_type3A_79 = arith.extui %gt3A_78 : i1 to i32
      %cond3A_80 = arith.constant 0 : i32
      %cond3A_81 = arith.cmpi ne, %convert_element_type3A_79, %cond3A_80 : i32
      scf.if %cond3A_81 {
        %dma_wait3A_215 = arith.constant 0 : i32
        %dma_wait3A_216 = arith.constant 0 : i32
        %dma_wait3A_217 = tpu.memref_slice %arg7[%dma_wait3A_215, %dma_wait3A_216] : memref<1x128xi32, #tpu.memory_space<vmem>> -> memref<1x128xi32, #tpu.memory_space<vmem>>
        %dma_wait3A_218 = tpu.memref_squeeze %dma_wait3A_217 : memref<1x128xi32, #tpu.memory_space<vmem>> -> memref<128xi32, #tpu.memory_space<vmem>>
        %dma_wait3A_219 = arith.constant 0 : i32
        %dma_wait3A_220 = arith.constant 0 : i32
        %dma_wait3A_221 = tpu.memref_slice %arg11[%dma_wait3A_219, %dma_wait3A_220] : memref<10000x128xf32, #tpu.memory_space<vmem_shared>> -> memref<10000x128xf32, #tpu.memory_space<vmem_shared>>
        tpu.wait_indirect_dma semaphore(%arg14 : memref<!tpu.dma_semaphore, #tpu.memory_space<semaphore_mem>>) src(%arg10 : memref<128x128xf32, #tpu.memory_space<vmem>>) dst(%dma_wait3A_221 : memref<10000x128xf32, #tpu.memory_space<vmem_shared>>)
      } else {
      }
      %get3A = arith.constant 1 : i32
      %get3A_82 = arith.constant 0 : i32
      %get3A_83 = arith.index_cast %get3A : i32 to index
      %get3A_84 = arith.index_cast %get3A_82 : i32 to index
      %get3A_85 = arith.constant 0 : index
      %get3A_86 = tpu.vector_load %arg6[%get3A_83, %get3A_84, %get3A_85] {strides = array<i32>} : memref<2x1x128xi32, #tpu.memory_space<vmem>>, vector<1x1x16xi32>,
      %get3A_87 = vector.shape_cast %get3A_86 : vector<1x1x16xi32> to vector<16xi32>
      %swap3A = arith.constant 0 : i32
      %swap3A_88 = arith.index_cast %swap3A : i32 to index
      %swap3A_89 = arith.constant 0 : index
      %swap3A_90 = tpu.vector_load %arg7[%swap3A_88, %swap3A_89] {strides = array<i32>} : memref<1x128xi32, #tpu.memory_space<vmem>>, vector<1x16xi32>,
      %swap3A_91 = vector.shape_cast %swap3A_90 : vector<1x16xi32> to vector<16xi32>
      %swap3A_92 = vector.shape_cast %get3A_87 : vector<16xi32> to vector<1x16xi32>
      tpu.vector_store %arg7[%swap3A_88, %swap3A_89], %swap3A_92 {strides = array<i32>} : memref<1x128xi32, #tpu.memory_space<vmem>>, vector<1x16xi32>,
      %get3A_93 = arith.constant 1 : i32
      %get3A_94 = arith.constant 0 : i32
      %get3A_95 = arith.index_cast %get3A_93 : i32 to index
      %get3A_96 = arith.index_cast %get3A_94 : i32 to index
      %get3A_97 = arith.constant 16 : index
      %get3A_98 = tpu.vector_load %arg6[%get3A_95, %get3A_96, %get3A_97] {strides = array<i32>} : memref<2x1x128xi32, #tpu.memory_space<vmem>>, vector<1x1x16xi32>,
      %get3A_99 = vector.shape_cast %get3A_98 : vector<1x1x16xi32> to vector<16xi32>
      %swap3A_100 = arith.constant 0 : i32
      %swap3A_101 = arith.index_cast %swap3A_100 : i32 to index
      %swap3A_102 = arith.constant 16 : index
      %swap3A_103 = tpu.vector_load %arg7[%swap3A_101, %swap3A_102] {strides = array<i32>} : memref<1x128xi32, #tpu.memory_space<vmem>>, vector<1x16xi32>,
      %swap3A_104 = vector.shape_cast %swap3A_103 : vector<1x16xi32> to vector<16xi32>
      %swap3A_105 = vector.shape_cast %get3A_99 : vector<16xi32> to vector<1x16xi32>
      tpu.vector_store %arg7[%swap3A_101, %swap3A_102], %swap3A_105 {strides = array<i32>} : memref<1x128xi32, #tpu.memory_space<vmem>>, vector<1x16xi32>,
      %get3A_106 = arith.constant 1 : i32
      %get3A_107 = arith.constant 0 : i32
      %get3A_108 = arith.index_cast %get3A_106 : i32 to index
      %get3A_109 = arith.index_cast %get3A_107 : i32 to index
      %get3A_110 = arith.constant 32 : index
      %get3A_111 = tpu.vector_load %arg6[%get3A_108, %get3A_109, %get3A_110] {strides = array<i32>} : memref<2x1x128xi32, #tpu.memory_space<vmem>>, vector<1x1x16xi32>,
      %get3A_112 = vector.shape_cast %get3A_111 : vector<1x1x16xi32> to vector<16xi32>
      %swap3A_113 = arith.constant 0 : i32
      %swap3A_114 = arith.index_cast %swap3A_113 : i32 to index
      %swap3A_115 = arith.constant 32 : index
      %swap3A_116 = tpu.vector_load %arg7[%swap3A_114, %swap3A_115] {strides = array<i32>} : memref<1x128xi32, #tpu.memory_space<vmem>>, vector<1x16xi32>,
      %swap3A_117 = vector.shape_cast %swap3A_116 : vector<1x16xi32> to vector<16xi32>
      %swap3A_118 = vector.shape_cast %get3A_112 : vector<16xi32> to vector<1x16xi32>
      tpu.vector_store %arg7[%swap3A_114, %swap3A_115], %swap3A_118 {strides = array<i32>} : memref<1x128xi32, #tpu.memory_space<vmem>>, vector<1x16xi32>,
      %get3A_119 = arith.constant 1 : i32
      %get3A_120 = arith.constant 0 : i32
      %get3A_121 = arith.index_cast %get3A_119 : i32 to index
      %get3A_122 = arith.index_cast %get3A_120 : i32 to index
      %get3A_123 = arith.constant 48 : index
      %get3A_124 = tpu.vector_load %arg6[%get3A_121, %get3A_122, %get3A_123] {strides = array<i32>} : memref<2x1x128xi32, #tpu.memory_space<vmem>>, vector<1x1x16xi32>,
      %get3A_125 = vector.shape_cast %get3A_124 : vector<1x1x16xi32> to vector<16xi32>
      %swap3A_126 = arith.constant 0 : i32
      %swap3A_127 = arith.index_cast %swap3A_126 : i32 to index
      %swap3A_128 = arith.constant 48 : index
      %swap3A_129 = tpu.vector_load %arg7[%swap3A_127, %swap3A_128] {strides = array<i32>} : memref<1x128xi32, #tpu.memory_space<vmem>>, vector<1x16xi32>,
      %swap3A_130 = vector.shape_cast %swap3A_129 : vector<1x16xi32> to vector<16xi32>
      %swap3A_131 = vector.shape_cast %get3A_125 : vector<16xi32> to vector<1x16xi32>
      tpu.vector_store %arg7[%swap3A_127, %swap3A_128], %swap3A_131 {strides = array<i32>} : memref<1x128xi32, #tpu.memory_space<vmem>>, vector<1x16xi32>,
      %get3A_132 = arith.constant 1 : i32
      %get3A_133 = arith.constant 0 : i32
      %get3A_134 = arith.index_cast %get3A_132 : i32 to index
      %get3A_135 = arith.index_cast %get3A_133 : i32 to index
      %get3A_136 = arith.constant 64 : index
      %get3A_137 = tpu.vector_load %arg6[%get3A_134, %get3A_135, %get3A_136] {strides = array<i32>} : memref<2x1x128xi32, #tpu.memory_space<vmem>>, vector<1x1x16xi32>,
      %get3A_138 = vector.shape_cast %get3A_137 : vector<1x1x16xi32> to vector<16xi32>
      %swap3A_139 = arith.constant 0 : i32
      %swap3A_140 = arith.index_cast %swap3A_139 : i32 to index
      %swap3A_141 = arith.constant 64 : index
      %swap3A_142 = tpu.vector_load %arg7[%swap3A_140, %swap3A_141] {strides = array<i32>} : memref<1x128xi32, #tpu.memory_space<vmem>>, vector<1x16xi32>,
      %swap3A_143 = vector.shape_cast %swap3A_142 : vector<1x16xi32> to vector<16xi32>
      %swap3A_144 = vector.shape_cast %get3A_138 : vector<16xi32> to vector<1x16xi32>
      tpu.vector_store %arg7[%swap3A_140, %swap3A_141], %swap3A_144 {strides = array<i32>} : memref<1x128xi32, #tpu.memory_space<vmem>>, vector<1x16xi32>,
      %get3A_145 = arith.constant 1 : i32
      %get3A_146 = arith.constant 0 : i32
      %get3A_147 = arith.index_cast %get3A_145 : i32 to index
      %get3A_148 = arith.index_cast %get3A_146 : i32 to index
      %get3A_149 = arith.constant 80 : index
      %get3A_150 = tpu.vector_load %arg6[%get3A_147, %get3A_148, %get3A_149] {strides = array<i32>} : memref<2x1x128xi32, #tpu.memory_space<vmem>>, vector<1x1x16xi32>,
      %get3A_151 = vector.shape_cast %get3A_150 : vector<1x1x16xi32> to vector<16xi32>
      %swap3A_152 = arith.constant 0 : i32
      %swap3A_153 = arith.index_cast %swap3A_152 : i32 to index
      %swap3A_154 = arith.constant 80 : index
      %swap3A_155 = tpu.vector_load %arg7[%swap3A_153, %swap3A_154] {strides = array<i32>} : memref<1x128xi32, #tpu.memory_space<vmem>>, vector<1x16xi32>,
      %swap3A_156 = vector.shape_cast %swap3A_155 : vector<1x16xi32> to vector<16xi32>
      %swap3A_157 = vector.shape_cast %get3A_151 : vector<16xi32> to vector<1x16xi32>
      tpu.vector_store %arg7[%swap3A_153, %swap3A_154], %swap3A_157 {strides = array<i32>} : memref<1x128xi32, #tpu.memory_space<vmem>>, vector<1x16xi32>,
      %get3A_158 = arith.constant 1 : i32
      %get3A_159 = arith.constant 0 : i32
      %get3A_160 = arith.index_cast %get3A_158 : i32 to index
      %get3A_161 = arith.index_cast %get3A_159 : i32 to index
      %get3A_162 = arith.constant 96 : index
      %get3A_163 = tpu.vector_load %arg6[%get3A_160, %get3A_161, %get3A_162] {strides = array<i32>} : memref<2x1x128xi32, #tpu.memory_space<vmem>>, vector<1x1x16xi32>,
      %get3A_164 = vector.shape_cast %get3A_163 : vector<1x1x16xi32> to vector<16xi32>
      %swap3A_165 = arith.constant 0 : i32
      %swap3A_166 = arith.index_cast %swap3A_165 : i32 to index
      %swap3A_167 = arith.constant 96 : index
      %swap3A_168 = tpu.vector_load %arg7[%swap3A_166, %swap3A_167] {strides = array<i32>} : memref<1x128xi32, #tpu.memory_space<vmem>>, vector<1x16xi32>,
      %swap3A_169 = vector.shape_cast %swap3A_168 : vector<1x16xi32> to vector<16xi32>
      %swap3A_170 = vector.shape_cast %get3A_164 : vector<16xi32> to vector<1x16xi32>
      tpu.vector_store %arg7[%swap3A_166, %swap3A_167], %swap3A_170 {strides = array<i32>} : memref<1x128xi32, #tpu.memory_space<vmem>>, vector<1x16xi32>,
      %get3A_171 = arith.constant 1 : i32
      %get3A_172 = arith.constant 0 : i32
      %get3A_173 = arith.index_cast %get3A_171 : i32 to index
      %get3A_174 = arith.index_cast %get3A_172 : i32 to index
      %get3A_175 = arith.constant 112 : index
      %get3A_176 = tpu.vector_load %arg6[%get3A_173, %get3A_174, %get3A_175] {strides = array<i32>} : memref<2x1x128xi32, #tpu.memory_space<vmem>>, vector<1x1x16xi32>,
      %get3A_177 = vector.shape_cast %get3A_176 : vector<1x1x16xi32> to vector<16xi32>
      %swap3A_178 = arith.constant 0 : i32
      %swap3A_179 = arith.index_cast %swap3A_178 : i32 to index
      %swap3A_180 = arith.constant 112 : index
      %swap3A_181 = tpu.vector_load %arg7[%swap3A_179, %swap3A_180] {strides = array<i32>} : memref<1x128xi32, #tpu.memory_space<vmem>>, vector<1x16xi32>,
      %swap3A_182 = vector.shape_cast %swap3A_181 : vector<1x16xi32> to vector<16xi32>
      %swap3A_183 = vector.shape_cast %get3A_177 : vector<16xi32> to vector<1x16xi32>
      tpu.vector_store %arg7[%swap3A_179, %swap3A_180], %swap3A_183 {strides = array<i32>} : memref<1x128xi32, #tpu.memory_space<vmem>>, vector<1x16xi32>,
      %mul3A_184 = arith.constant 128 : i32
      %mul3A_185 = arith.muli %add3A_62, %mul3A_184 : i32
      %add3A_186 = arith.constant 320000 : i32
      %add3A_187 = arith.addi %add3A_186, %mul3A_185 : i32
      %dma_wait3A_188 = arith.constant 0 : i32
      %dma_wait3A_189 = tpu.memref_slice %arg3[%add3A_187, %dma_wait3A_188] : memref<960000x128xf32, #tpu.memory_space<hbm>> -> memref<128x128xf32, #tpu.memory_space<hbm>>
      %dma_wait3A_190 = arith.constant 0 : i32
      %dma_wait3A_191 = tpu.memref_slice %arg3[%add3A_187, %dma_wait3A_190] : memref<960000x128xf32, #tpu.memory_space<hbm>> -> memref<128x128xf32, #tpu.memory_space<hbm>>
      tpu.wait_dma2 semaphore(%arg12 : memref<!tpu.dma_semaphore, #tpu.memory_space<semaphore_mem>>) src(%dma_wait3A_191 : memref<128x128xf32, #tpu.memory_space<hbm>>) dst(%arg8 : memref<128x128xf32, #tpu.memory_space<vmem>>)
      %dma_wait3A_192 = arith.constant 0 : i32
      %dma_wait3A_193 = arith.constant 0 : i32
      %dma_wait3A_194 = arith.constant 0 : i32
      %dma_wait3A_195 = tpu.memref_slice %arg6[%dma_wait3A_192, %dma_wait3A_193, %dma_wait3A_194] : memref<2x1x128xi32, #tpu.memory_space<vmem>> -> memref<1x1x128xi32, #tpu.memory_space<vmem>>
      %dma_wait3A_196 = tpu.memref_squeeze %dma_wait3A_195 : memref<1x1x128xi32, #tpu.memory_space<vmem>> -> memref<128xi32, #tpu.memory_space<vmem>>
      %dma_wait3A_197 = arith.constant 0 : i32
      %dma_wait3A_198 = arith.constant 0 : i32
      %dma_wait3A_199 = tpu.memref_slice %arg2[%dma_wait3A_197, %dma_wait3A_198] : memref<10000x128xf32, #tpu.memory_space<hbm>> -> memref<10000x128xf32, #tpu.memory_space<hbm>>
      tpu.wait_indirect_dma semaphore(%arg13 : memref<!tpu.dma_semaphore, #tpu.memory_space<semaphore_mem>>) src(%dma_wait3A_199 : memref<10000x128xf32, #tpu.memory_space<hbm>>) dst(%arg9 : memref<128x128xf32, #tpu.memory_space<vmem>>)
      %scan3A_200 = arith.constant 0 : i32
      %scan3A_201 = arith.constant 0 : i32
      %scan3A_202 = arith.constant 64 : i32
      %scan3A_203 = arith.addi %scan3A_201, %scan3A_202 : i32
      %scan3A_204 = arith.constant 1 : i32
      %scan3A_205 = scf.for %scan3A_215 = %scan3A_201 to %scan3A_203 step %scan3A_204 iter_args(%scan3A_216 = %scan3A_200) -> (i32)  : i32 {
        %mul3A_217 = arith.constant 2 : i32
        %mul3A_218 = arith.muli %mul3A_217, %scan3A_215 : i32
        %add3A_219 = arith.constant 0 : i32
        %add3A_220 = arith.addi %mul3A_218, %add3A_219 : i32
        %get3A_221 = arith.index_cast %add3A_220 : i32 to index
        %get3A_222 = arith.constant 0 : index
        %get3A_223 = tpu.vector_load %arg9[%get3A_221, %get3A_222] {strides = array<i32>} : memref<128x128xf32, #tpu.memory_space<vmem>>, vector<1x16xf32>,
        %get3A_224 = vector.shape_cast %get3A_223 : vector<1x16xf32> to vector<16xf32>
        %mul3A_225 = arith.constant 2 : i32
        %mul3A_226 = arith.muli %mul3A_225, %scan3A_215 : i32
        %add3A_227 = arith.constant 0 : i32
        %add3A_228 = arith.addi %mul3A_226, %add3A_227 : i32
        %get3A_229 = arith.index_cast %add3A_228 : i32 to index
        %get3A_230 = arith.constant 0 : index
        %get3A_231 = tpu.vector_load %arg8[%get3A_229, %get3A_230] {strides = array<i32>} : memref<128x128xf32, #tpu.memory_space<vmem>>, vector<1x16xf32>,
        %get3A_232 = vector.shape_cast %get3A_231 : vector<1x16xf32> to vector<16xf32>
        %add3A_233 = arith.addf %get3A_224, %get3A_232 : vector<16xf32>
        %max3A = arith.constant 0.000000e+00 : f32
        %max3A_234 = vector.broadcast %max3A : f32 to vector<16xf32>
        %max3A_235 = arith.maximumf %add3A_233, %max3A_234 : vector<16xf32>
        %mul3A_236 = arith.constant 2 : i32
        %mul3A_237 = arith.muli %mul3A_236, %scan3A_215 : i32
        %add3A_238 = arith.constant 0 : i32
        %add3A_239 = arith.addi %mul3A_237, %add3A_238 : i32
        %swap3A_240 = arith.index_cast %add3A_239 : i32 to index
        %swap3A_241 = arith.constant 0 : index
        %swap3A_242 = tpu.vector_load %arg10[%swap3A_240, %swap3A_241] {strides = array<i32>} : memref<128x128xf32, #tpu.memory_space<vmem>>, vector<1x16xf32>,
        %swap3A_243 = vector.shape_cast %swap3A_242 : vector<1x16xf32> to vector<16xf32>
        %swap3A_244 = vector.shape_cast %max3A_235 : vector<16xf32> to vector<1x16xf32>
        tpu.vector_store %arg10[%swap3A_240, %swap3A_241], %swap3A_244 {strides = array<i32>} : memref<128x128xf32, #tpu.memory_space<vmem>>, vector<1x16xf32>,
        %mul3A_245 = arith.constant 2 : i32
        %mul3A_246 = arith.muli %mul3A_245, %scan3A_215 : i32
        %add3A_247 = arith.constant 0 : i32
        %add3A_248 = arith.addi %mul3A_246, %add3A_247 : i32
        %get3A_249 = arith.index_cast %add3A_248 : i32 to index
        %get3A_250 = arith.constant 16 : index
        %get3A_251 = tpu.vector_load %arg9[%get3A_249, %get3A_250] {strides = array<i32>} : memref<128x128xf32, #tpu.memory_space<vmem>>, vector<1x16xf32>,
        %get3A_252 = vector.shape_cast %get3A_251 : vector<1x16xf32> to vector<16xf32>
        %mul3A_253 = arith.constant 2 : i32
        %mul3A_254 = arith.muli %mul3A_253, %scan3A_215 : i32
        %add3A_255 = arith.constant 0 : i32
        %add3A_256 = arith.addi %mul3A_254, %add3A_255 : i32
        %get3A_257 = arith.index_cast %add3A_256 : i32 to index
        %get3A_258 = arith.constant 16 : index
        %get3A_259 = tpu.vector_load %arg8[%get3A_257, %get3A_258] {strides = array<i32>} : memref<128x128xf32, #tpu.memory_space<vmem>>, vector<1x16xf32>,
        %get3A_260 = vector.shape_cast %get3A_259 : vector<1x16xf32> to vector<16xf32>
        %add3A_261 = arith.addf %get3A_252, %get3A_260 : vector<16xf32>
        %max3A_262 = arith.constant 0.000000e+00 : f32
        %max3A_263 = vector.broadcast %max3A_262 : f32 to vector<16xf32>
        %max3A_264 = arith.maximumf %add3A_261, %max3A_263 : vector<16xf32>
        %mul3A_265 = arith.constant 2 : i32
        %mul3A_266 = arith.muli %mul3A_265, %scan3A_215 : i32
        %add3A_267 = arith.constant 0 : i32
        %add3A_268 = arith.addi %mul3A_266, %add3A_267 : i32
        %swap3A_269 = arith.index_cast %add3A_268 : i32 to index
        %swap3A_270 = arith.constant 16 : index
        %swap3A_271 = tpu.vector_load %arg10[%swap3A_269, %swap3A_270] {strides = array<i32>} : memref<128x128xf32, #tpu.memory_space<vmem>>, vector<1x16xf32>,
        %swap3A_272 = vector.shape_cast %swap3A_271 : vector<1x16xf32> to vector<16xf32>
        %swap3A_273 = vector.shape_cast %max3A_264 : vector<16xf32> to vector<1x16xf32>
        tpu.vector_store %arg10[%swap3A_269, %swap3A_270], %swap3A_273 {strides = array<i32>} : memref<128x128xf32, #tpu.memory_space<vmem>>, vector<1x16xf32>,
        %mul3A_274 = arith.constant 2 : i32
        %mul3A_275 = arith.muli %mul3A_274, %scan3A_215 : i32
        %add3A_276 = arith.constant 0 : i32
        %add3A_277 = arith.addi %mul3A_275, %add3A_276 : i32
        %get3A_278 = arith.index_cast %add3A_277 : i32 to index
        %get3A_279 = arith.constant 32 : index
        %get3A_280 = tpu.vector_load %arg9[%get3A_278, %get3A_279] {strides = array<i32>} : memref<128x128xf32, #tpu.memory_space<vmem>>, vector<1x16xf32>,
        %get3A_281 = vector.shape_cast %get3A_280 : vector<1x16xf32> to vector<16xf32>
        %mul3A_282 = arith.constant 2 : i32
        %mul3A_283 = arith.muli %mul3A_282, %scan3A_215 : i32
        %add3A_284 = arith.constant 0 : i32
        %add3A_285 = arith.addi %mul3A_283, %add3A_284 : i32
        %get3A_286 = arith.index_cast %add3A_285 : i32 to index
        %get3A_287 = arith.constant 32 : index
        %get3A_288 = tpu.vector_load %arg8[%get3A_286, %get3A_287] {strides = array<i32>} : memref<128x128xf32, #tpu.memory_space<vmem>>, vector<1x16xf32>,
        %get3A_289 = vector.shape_cast %get3A_288 : vector<1x16xf32> to vector<16xf32>
        %add3A_290 = arith.addf %get3A_281, %get3A_289 : vector<16xf32>
        %max3A_291 = arith.constant 0.000000e+00 : f32
        %max3A_292 = vector.broadcast %max3A_291 : f32 to vector<16xf32>
        %max3A_293 = arith.maximumf %add3A_290, %max3A_292 : vector<16xf32>
        %mul3A_294 = arith.constant 2 : i32
        %mul3A_295 = arith.muli %mul3A_294, %scan3A_215 : i32
        %add3A_296 = arith.constant 0 : i32
        %add3A_297 = arith.addi %mul3A_295, %add3A_296 : i32
        %swap3A_298 = arith.index_cast %add3A_297 : i32 to index
        %swap3A_299 = arith.constant 32 : index
        %swap3A_300 = tpu.vector_load %arg10[%swap3A_298, %swap3A_299] {strides = array<i32>} : memref<128x128xf32, #tpu.memory_space<vmem>>, vector<1x16xf32>,
        %swap3A_301 = vector.shape_cast %swap3A_300 : vector<1x16xf32> to vector<16xf32>
        %swap3A_302 = vector.shape_cast %max3A_293 : vector<16xf32> to vector<1x16xf32>
        tpu.vector_store %arg10[%swap3A_298, %swap3A_299], %swap3A_302 {strides = array<i32>} : memref<128x128xf32, #tpu.memory_space<vmem>>, vector<1x16xf32>,
        %mul3A_303 = arith.constant 2 : i32
        %mul3A_304 = arith.muli %mul3A_303, %scan3A_215 : i32
        %add3A_305 = arith.constant 0 : i32
        %add3A_306 = arith.addi %mul3A_304, %add3A_305 : i32
        %get3A_307 = arith.index_cast %add3A_306 : i32 to index
        %get3A_308 = arith.constant 48 : index
        %get3A_309 = tpu.vector_load %arg9[%get3A_307, %get3A_308] {strides = array<i32>} : memref<128x128xf32, #tpu.memory_space<vmem>>, vector<1x16xf32>,
        %get3A_310 = vector.shape_cast %get3A_309 : vector<1x16xf32> to vector<16xf32>
        %mul3A_311 = arith.constant 2 : i32
        %mul3A_312 = arith.muli %mul3A_311, %scan3A_215 : i32
        %add3A_313 = arith.constant 0 : i32
        %add3A_314 = arith.addi %mul3A_312, %add3A_313 : i32
        %get3A_315 = arith.index_cast %add3A_314 : i32 to index
        %get3A_316 = arith.constant 48 : index
        %get3A_317 = tpu.vector_load %arg8[%get3A_315, %get3A_316] {strides = array<i32>} : memref<128x128xf32, #tpu.memory_space<vmem>>, vector<1x16xf32>,
        %get3A_318 = vector.shape_cast %get3A_317 : vector<1x16xf32> to vector<16xf32>
        %add3A_319 = arith.addf %get3A_310, %get3A_318 : vector<16xf32>
        %max3A_320 = arith.constant 0.000000e+00 : f32
        %max3A_321 = vector.broadcast %max3A_320 : f32 to vector<16xf32>
        %max3A_322 = arith.maximumf %add3A_319, %max3A_321 : vector<16xf32>
        %mul3A_323 = arith.constant 2 : i32
        %mul3A_324 = arith.muli %mul3A_323, %scan3A_215 : i32
        %add3A_325 = arith.constant 0 : i32
        %add3A_326 = arith.addi %mul3A_324, %add3A_325 : i32
        %swap3A_327 = arith.index_cast %add3A_326 : i32 to index
        %swap3A_328 = arith.constant 48 : index
        %swap3A_329 = tpu.vector_load %arg10[%swap3A_327, %swap3A_328] {strides = array<i32>} : memref<128x128xf32, #tpu.memory_space<vmem>>, vector<1x16xf32>,
        %swap3A_330 = vector.shape_cast %swap3A_329 : vector<1x16xf32> to vector<16xf32>
        %swap3A_331 = vector.shape_cast %max3A_322 : vector<16xf32> to vector<1x16xf32>
        tpu.vector_store %arg10[%swap3A_327, %swap3A_328], %swap3A_331 {strides = array<i32>} : memref<128x128xf32, #tpu.memory_space<vmem>>, vector<1x16xf32>,
        %mul3A_332 = arith.constant 2 : i32
        %mul3A_333 = arith.muli %mul3A_332, %scan3A_215 : i32
        %add3A_334 = arith.constant 0 : i32
        %add3A_335 = arith.addi %mul3A_333, %add3A_334 : i32
        %get3A_336 = arith.index_cast %add3A_335 : i32 to index
        %get3A_337 = arith.constant 64 : index
        %get3A_338 = tpu.vector_load %arg9[%get3A_336, %get3A_337] {strides = array<i32>} : memref<128x128xf32, #tpu.memory_space<vmem>>, vector<1x16xf32>,
        %get3A_339 = vector.shape_cast %get3A_338 : vector<1x16xf32> to vector<16xf32>
        %mul3A_340 = arith.constant 2 : i32
        %mul3A_341 = arith.muli %mul3A_340, %scan3A_215 : i32
        %add3A_342 = arith.constant 0 : i32
        %add3A_343 = arith.addi %mul3A_341, %add3A_342 : i32
        %get3A_344 = arith.index_cast %add3A_343 : i32 to index
        %get3A_345 = arith.constant 64 : index
        %get3A_346 = tpu.vector_load %arg8[%get3A_344, %get3A_345] {strides = array<i32>} : memref<128x128xf32, #tpu.memory_space<vmem>>, vector<1x16xf32>,
        %get3A_347 = vector.shape_cast %get3A_346 : vector<1x16xf32> to vector<16xf32>
        %add3A_348 = arith.addf %get3A_339, %get3A_347 : vector<16xf32>
        %max3A_349 = arith.constant 0.000000e+00 : f32
        %max3A_350 = vector.broadcast %max3A_349 : f32 to vector<16xf32>
        %max3A_351 = arith.maximumf %add3A_348, %max3A_350 : vector<16xf32>
        %mul3A_352 = arith.constant 2 : i32
        %mul3A_353 = arith.muli %mul3A_352, %scan3A_215 : i32
        %add3A_354 = arith.constant 0 : i32
        %add3A_355 = arith.addi %mul3A_353, %add3A_354 : i32
        %swap3A_356 = arith.index_cast %add3A_355 : i32 to index
        %swap3A_357 = arith.constant 64 : index
        %swap3A_358 = tpu.vector_load %arg10[%swap3A_356, %swap3A_357] {strides = array<i32>} : memref<128x128xf32, #tpu.memory_space<vmem>>, vector<1x16xf32>,
        %swap3A_359 = vector.shape_cast %swap3A_358 : vector<1x16xf32> to vector<16xf32>
        %swap3A_360 = vector.shape_cast %max3A_351 : vector<16xf32> to vector<1x16xf32>
        tpu.vector_store %arg10[%swap3A_356, %swap3A_357], %swap3A_360 {strides = array<i32>} : memref<128x128xf32, #tpu.memory_space<vmem>>, vector<1x16xf32>,
        %mul3A_361 = arith.constant 2 : i32
        %mul3A_362 = arith.muli %mul3A_361, %scan3A_215 : i32
        %add3A_363 = arith.constant 0 : i32
        %add3A_364 = arith.addi %mul3A_362, %add3A_363 : i32
        %get3A_365 = arith.index_cast %add3A_364 : i32 to index
        %get3A_366 = arith.constant 80 : index
        %get3A_367 = tpu.vector_load %arg9[%get3A_365, %get3A_366] {strides = array<i32>} : memref<128x128xf32, #tpu.memory_space<vmem>>, vector<1x16xf32>,
        %get3A_368 = vector.shape_cast %get3A_367 : vector<1x16xf32> to vector<16xf32>
        %mul3A_369 = arith.constant 2 : i32
        %mul3A_370 = arith.muli %mul3A_369, %scan3A_215 : i32
        %add3A_371 = arith.constant 0 : i32
        %add3A_372 = arith.addi %mul3A_370, %add3A_371 : i32
        %get3A_373 = arith.index_cast %add3A_372 : i32 to index
        %get3A_374 = arith.constant 80 : index
        %get3A_375 = tpu.vector_load %arg8[%get3A_373, %get3A_374] {strides = array<i32>} : memref<128x128xf32, #tpu.memory_space<vmem>>, vector<1x16xf32>,
        %get3A_376 = vector.shape_cast %get3A_375 : vector<1x16xf32> to vector<16xf32>
        %add3A_377 = arith.addf %get3A_368, %get3A_376 : vector<16xf32>
        %max3A_378 = arith.constant 0.000000e+00 : f32
        %max3A_379 = vector.broadcast %max3A_378 : f32 to vector<16xf32>
        %max3A_380 = arith.maximumf %add3A_377, %max3A_379 : vector<16xf32>
        %mul3A_381 = arith.constant 2 : i32
        %mul3A_382 = arith.muli %mul3A_381, %scan3A_215 : i32
        %add3A_383 = arith.constant 0 : i32
        %add3A_384 = arith.addi %mul3A_382, %add3A_383 : i32
        %swap3A_385 = arith.index_cast %add3A_384 : i32 to index
        %swap3A_386 = arith.constant 80 : index
        %swap3A_387 = tpu.vector_load %arg10[%swap3A_385, %swap3A_386] {strides = array<i32>} : memref<128x128xf32, #tpu.memory_space<vmem>>, vector<1x16xf32>,
        %swap3A_388 = vector.shape_cast %swap3A_387 : vector<1x16xf32> to vector<16xf32>
        %swap3A_389 = vector.shape_cast %max3A_380 : vector<16xf32> to vector<1x16xf32>
        tpu.vector_store %arg10[%swap3A_385, %swap3A_386], %swap3A_389 {strides = array<i32>} : memref<128x128xf32, #tpu.memory_space<vmem>>, vector<1x16xf32>,
        %mul3A_390 = arith.constant 2 : i32
        %mul3A_391 = arith.muli %mul3A_390, %scan3A_215 : i32
        %add3A_392 = arith.constant 0 : i32
        %add3A_393 = arith.addi %mul3A_391, %add3A_392 : i32
        %get3A_394 = arith.index_cast %add3A_393 : i32 to index
        %get3A_395 = arith.constant 96 : index
        %get3A_396 = tpu.vector_load %arg9[%get3A_394, %get3A_395] {strides = array<i32>} : memref<128x128xf32, #tpu.memory_space<vmem>>, vector<1x16xf32>,
        %get3A_397 = vector.shape_cast %get3A_396 : vector<1x16xf32> to vector<16xf32>
        %mul3A_398 = arith.constant 2 : i32
        %mul3A_399 = arith.muli %mul3A_398, %scan3A_215 : i32
        %add3A_400 = arith.constant 0 : i32
        %add3A_401 = arith.addi %mul3A_399, %add3A_400 : i32
        %get3A_402 = arith.index_cast %add3A_401 : i32 to index
        %get3A_403 = arith.constant 96 : index
        %get3A_404 = tpu.vector_load %arg8[%get3A_402, %get3A_403] {strides = array<i32>} : memref<128x128xf32, #tpu.memory_space<vmem>>, vector<1x16xf32>,
        %get3A_405 = vector.shape_cast %get3A_404 : vector<1x16xf32> to vector<16xf32>
        %add3A_406 = arith.addf %get3A_397, %get3A_405 : vector<16xf32>
        %max3A_407 = arith.constant 0.000000e+00 : f32
        %max3A_408 = vector.broadcast %max3A_407 : f32 to vector<16xf32>
        %max3A_409 = arith.maximumf %add3A_406, %max3A_408 : vector<16xf32>
        %mul3A_410 = arith.constant 2 : i32
        %mul3A_411 = arith.muli %mul3A_410, %scan3A_215 : i32
        %add3A_412 = arith.constant 0 : i32
        %add3A_413 = arith.addi %mul3A_411, %add3A_412 : i32
        %swap3A_414 = arith.index_cast %add3A_413 : i32 to index
        %swap3A_415 = arith.constant 96 : index
        %swap3A_416 = tpu.vector_load %arg10[%swap3A_414, %swap3A_415] {strides = array<i32>} : memref<128x128xf32, #tpu.memory_space<vmem>>, vector<1x16xf32>,
        %swap3A_417 = vector.shape_cast %swap3A_416 : vector<1x16xf32> to vector<16xf32>
        %swap3A_418 = vector.shape_cast %max3A_409 : vector<16xf32> to vector<1x16xf32>
        tpu.vector_store %arg10[%swap3A_414, %swap3A_415], %swap3A_418 {strides = array<i32>} : memref<128x128xf32, #tpu.memory_space<vmem>>, vector<1x16xf32>,
        %mul3A_419 = arith.constant 2 : i32
        %mul3A_420 = arith.muli %mul3A_419, %scan3A_215 : i32
        %add3A_421 = arith.constant 0 : i32
        %add3A_422 = arith.addi %mul3A_420, %add3A_421 : i32
        %get3A_423 = arith.index_cast %add3A_422 : i32 to index
        %get3A_424 = arith.constant 112 : index
        %get3A_425 = tpu.vector_load %arg9[%get3A_423, %get3A_424] {strides = array<i32>} : memref<128x128xf32, #tpu.memory_space<vmem>>, vector<1x16xf32>,
        %get3A_426 = vector.shape_cast %get3A_425 : vector<1x16xf32> to vector<16xf32>
        %mul3A_427 = arith.constant 2 : i32
        %mul3A_428 = arith.muli %mul3A_427, %scan3A_215 : i32
        %add3A_429 = arith.constant 0 : i32
        %add3A_430 = arith.addi %mul3A_428, %add3A_429 : i32
        %get3A_431 = arith.index_cast %add3A_430 : i32 to index
        %get3A_432 = arith.constant 112 : index
        %get3A_433 = tpu.vector_load %arg8[%get3A_431, %get3A_432] {strides = array<i32>} : memref<128x128xf32, #tpu.memory_space<vmem>>, vector<1x16xf32>,
        %get3A_434 = vector.shape_cast %get3A_433 : vector<1x16xf32> to vector<16xf32>
        %add3A_435 = arith.addf %get3A_426, %get3A_434 : vector<16xf32>
        %max3A_436 = arith.constant 0.000000e+00 : f32
        %max3A_437 = vector.broadcast %max3A_436 : f32 to vector<16xf32>
        %max3A_438 = arith.maximumf %add3A_435, %max3A_437 : vector<16xf32>
        %mul3A_439 = arith.constant 2 : i32
        %mul3A_440 = arith.muli %mul3A_439, %scan3A_215 : i32
        %add3A_441 = arith.constant 0 : i32
        %add3A_442 = arith.addi %mul3A_440, %add3A_441 : i32
        %swap3A_443 = arith.index_cast %add3A_442 : i32 to index
        %swap3A_444 = arith.constant 112 : index
        %swap3A_445 = tpu.vector_load %arg10[%swap3A_443, %swap3A_444] {strides = array<i32>} : memref<128x128xf32, #tpu.memory_space<vmem>>, vector<1x16xf32>,
        %swap3A_446 = vector.shape_cast %swap3A_445 : vector<1x16xf32> to vector<16xf32>
        %swap3A_447 = vector.shape_cast %max3A_438 : vector<16xf32> to vector<1x16xf32>
        tpu.vector_store %arg10[%swap3A_443, %swap3A_444], %swap3A_447 {strides = array<i32>} : memref<128x128xf32, #tpu.memory_space<vmem>>, vector<1x16xf32>,
        %mul3A_448 = arith.constant 2 : i32
        %mul3A_449 = arith.muli %mul3A_448, %scan3A_215 : i32
        %add3A_450 = arith.constant 1 : i32
        %add3A_451 = arith.addi %mul3A_449, %add3A_450 : i32
        %get3A_452 = arith.index_cast %add3A_451 : i32 to index
        %get3A_453 = arith.constant 0 : index
        %get3A_454 = tpu.vector_load %arg9[%get3A_452, %get3A_453] {strides = array<i32>} : memref<128x128xf32, #tpu.memory_space<vmem>>, vector<1x16xf32>,
        %get3A_455 = vector.shape_cast %get3A_454 : vector<1x16xf32> to vector<16xf32>
        %mul3A_456 = arith.constant 2 : i32
        %mul3A_457 = arith.muli %mul3A_456, %scan3A_215 : i32
        %add3A_458 = arith.constant 1 : i32
        %add3A_459 = arith.addi %mul3A_457, %add3A_458 : i32
        %get3A_460 = arith.index_cast %add3A_459 : i32 to index
        %get3A_461 = arith.constant 0 : index
        %get3A_462 = tpu.vector_load %arg8[%get3A_460, %get3A_461] {strides = array<i32>} : memref<128x128xf32, #tpu.memory_space<vmem>>, vector<1x16xf32>,
        %get3A_463 = vector.shape_cast %get3A_462 : vector<1x16xf32> to vector<16xf32>
        %add3A_464 = arith.addf %get3A_455, %get3A_463 : vector<16xf32>
        %max3A_465 = arith.constant 0.000000e+00 : f32
        %max3A_466 = vector.broadcast %max3A_465 : f32 to vector<16xf32>
        %max3A_467 = arith.maximumf %add3A_464, %max3A_466 : vector<16xf32>
        %mul3A_468 = arith.constant 2 : i32
        %mul3A_469 = arith.muli %mul3A_468, %scan3A_215 : i32
        %add3A_470 = arith.constant 1 : i32
        %add3A_471 = arith.addi %mul3A_469, %add3A_470 : i32
        %swap3A_472 = arith.index_cast %add3A_471 : i32 to index
        %swap3A_473 = arith.constant 0 : index
        %swap3A_474 = tpu.vector_load %arg10[%swap3A_472, %swap3A_473] {strides = array<i32>} : memref<128x128xf32, #tpu.memory_space<vmem>>, vector<1x16xf32>,
        %swap3A_475 = vector.shape_cast %swap3A_474 : vector<1x16xf32> to vector<16xf32>
        %swap3A_476 = vector.shape_cast %max3A_467 : vector<16xf32> to vector<1x16xf32>
        tpu.vector_store %arg10[%swap3A_472, %swap3A_473], %swap3A_476 {strides = array<i32>} : memref<128x128xf32, #tpu.memory_space<vmem>>, vector<1x16xf32>,
        %mul3A_477 = arith.constant 2 : i32
        %mul3A_478 = arith.muli %mul3A_477, %scan3A_215 : i32
        %add3A_479 = arith.constant 1 : i32
        %add3A_480 = arith.addi %mul3A_478, %add3A_479 : i32
        %get3A_481 = arith.index_cast %add3A_480 : i32 to index
        %get3A_482 = arith.constant 16 : index
        %get3A_483 = tpu.vector_load %arg9[%get3A_481, %get3A_482] {strides = array<i32>} : memref<128x128xf32, #tpu.memory_space<vmem>>, vector<1x16xf32>,
        %get3A_484 = vector.shape_cast %get3A_483 : vector<1x16xf32> to vector<16xf32>
        %mul3A_485 = arith.constant 2 : i32
        %mul3A_486 = arith.muli %mul3A_485, %scan3A_215 : i32
        %add3A_487 = arith.constant 1 : i32
        %add3A_488 = arith.addi %mul3A_486, %add3A_487 : i32
        %get3A_489 = arith.index_cast %add3A_488 : i32 to index
        %get3A_490 = arith.constant 16 : index
        %get3A_491 = tpu.vector_load %arg8[%get3A_489, %get3A_490] {strides = array<i32>} : memref<128x128xf32, #tpu.memory_space<vmem>>, vector<1x16xf32>,
        %get3A_492 = vector.shape_cast %get3A_491 : vector<1x16xf32> to vector<16xf32>
        %add3A_493 = arith.addf %get3A_484, %get3A_492 : vector<16xf32>
        %max3A_494 = arith.constant 0.000000e+00 : f32
        %max3A_495 = vector.broadcast %max3A_494 : f32 to vector<16xf32>
        %max3A_496 = arith.maximumf %add3A_493, %max3A_495 : vector<16xf32>
        %mul3A_497 = arith.constant 2 : i32
        %mul3A_498 = arith.muli %mul3A_497, %scan3A_215 : i32
        %add3A_499 = arith.constant 1 : i32
        %add3A_500 = arith.addi %mul3A_498, %add3A_499 : i32
        %swap3A_501 = arith.index_cast %add3A_500 : i32 to index
        %swap3A_502 = arith.constant 16 : index
        %swap3A_503 = tpu.vector_load %arg10[%swap3A_501, %swap3A_502] {strides = array<i32>} : memref<128x128xf32, #tpu.memory_space<vmem>>, vector<1x16xf32>,
        %swap3A_504 = vector.shape_cast %swap3A_503 : vector<1x16xf32> to vector<16xf32>
        %swap3A_505 = vector.shape_cast %max3A_496 : vector<16xf32> to vector<1x16xf32>
        tpu.vector_store %arg10[%swap3A_501, %swap3A_502], %swap3A_505 {strides = array<i32>} : memref<128x128xf32, #tpu.memory_space<vmem>>, vector<1x16xf32>,
        %mul3A_506 = arith.constant 2 : i32
        %mul3A_507 = arith.muli %mul3A_506, %scan3A_215 : i32
        %add3A_508 = arith.constant 1 : i32
        %add3A_509 = arith.addi %mul3A_507, %add3A_508 : i32
        %get3A_510 = arith.index_cast %add3A_509 : i32 to index
        %get3A_511 = arith.constant 32 : index
        %get3A_512 = tpu.vector_load %arg9[%get3A_510, %get3A_511] {strides = array<i32>} : memref<128x128xf32, #tpu.memory_space<vmem>>, vector<1x16xf32>,
        %get3A_513 = vector.shape_cast %get3A_512 : vector<1x16xf32> to vector<16xf32>
        %mul3A_514 = arith.constant 2 : i32
        %mul3A_515 = arith.muli %mul3A_514, %scan3A_215 : i32
        %add3A_516 = arith.constant 1 : i32
        %add3A_517 = arith.addi %mul3A_515, %add3A_516 : i32
        %get3A_518 = arith.index_cast %add3A_517 : i32 to index
        %get3A_519 = arith.constant 32 : index
        %get3A_520 = tpu.vector_load %arg8[%get3A_518, %get3A_519] {strides = array<i32>} : memref<128x128xf32, #tpu.memory_space<vmem>>, vector<1x16xf32>,
        %get3A_521 = vector.shape_cast %get3A_520 : vector<1x16xf32> to vector<16xf32>
        %add3A_522 = arith.addf %get3A_513, %get3A_521 : vector<16xf32>
        %max3A_523 = arith.constant 0.000000e+00 : f32
        %max3A_524 = vector.broadcast %max3A_523 : f32 to vector<16xf32>
        %max3A_525 = arith.maximumf %add3A_522, %max3A_524 : vector<16xf32>
        %mul3A_526 = arith.constant 2 : i32
        %mul3A_527 = arith.muli %mul3A_526, %scan3A_215 : i32
        %add3A_528 = arith.constant 1 : i32
        %add3A_529 = arith.addi %mul3A_527, %add3A_528 : i32
        %swap3A_530 = arith.index_cast %add3A_529 : i32 to index
        %swap3A_531 = arith.constant 32 : index
        %swap3A_532 = tpu.vector_load %arg10[%swap3A_530, %swap3A_531] {strides = array<i32>} : memref<128x128xf32, #tpu.memory_space<vmem>>, vector<1x16xf32>,
        %swap3A_533 = vector.shape_cast %swap3A_532 : vector<1x16xf32> to vector<16xf32>
        %swap3A_534 = vector.shape_cast %max3A_525 : vector<16xf32> to vector<1x16xf32>
        tpu.vector_store %arg10[%swap3A_530, %swap3A_531], %swap3A_534 {strides = array<i32>} : memref<128x128xf32, #tpu.memory_space<vmem>>, vector<1x16xf32>,
        %mul3A_535 = arith.constant 2 : i32
        %mul3A_536 = arith.muli %mul3A_535, %scan3A_215 : i32
        %add3A_537 = arith.constant 1 : i32
        %add3A_538 = arith.addi %mul3A_536, %add3A_537 : i32
        %get3A_539 = arith.index_cast %add3A_538 : i32 to index
        %get3A_540 = arith.constant 48 : index
        %get3A_541 = tpu.vector_load %arg9[%get3A_539, %get3A_540] {strides = array<i32>} : memref<128x128xf32, #tpu.memory_space<vmem>>, vector<1x16xf32>,
        %get3A_542 = vector.shape_cast %get3A_541 : vector<1x16xf32> to vector<16xf32>
        %mul3A_543 = arith.constant 2 : i32
        %mul3A_544 = arith.muli %mul3A_543, %scan3A_215 : i32
        %add3A_545 = arith.constant 1 : i32
        %add3A_546 = arith.addi %mul3A_544, %add3A_545 : i32
        %get3A_547 = arith.index_cast %add3A_546 : i32 to index
        %get3A_548 = arith.constant 48 : index
        %get3A_549 = tpu.vector_load %arg8[%get3A_547, %get3A_548] {strides = array<i32>} : memref<128x128xf32, #tpu.memory_space<vmem>>, vector<1x16xf32>,
        %get3A_550 = vector.shape_cast %get3A_549 : vector<1x16xf32> to vector<16xf32>
        %add3A_551 = arith.addf %get3A_542, %get3A_550 : vector<16xf32>
        %max3A_552 = arith.constant 0.000000e+00 : f32
        %max3A_553 = vector.broadcast %max3A_552 : f32 to vector<16xf32>
        %max3A_554 = arith.maximumf %add3A_551, %max3A_553 : vector<16xf32>
        %mul3A_555 = arith.constant 2 : i32
        %mul3A_556 = arith.muli %mul3A_555, %scan3A_215 : i32
        %add3A_557 = arith.constant 1 : i32
        %add3A_558 = arith.addi %mul3A_556, %add3A_557 : i32
        %swap3A_559 = arith.index_cast %add3A_558 : i32 to index
        %swap3A_560 = arith.constant 48 : index
        %swap3A_561 = tpu.vector_load %arg10[%swap3A_559, %swap3A_560] {strides = array<i32>} : memref<128x128xf32, #tpu.memory_space<vmem>>, vector<1x16xf32>,
        %swap3A_562 = vector.shape_cast %swap3A_561 : vector<1x16xf32> to vector<16xf32>
        %swap3A_563 = vector.shape_cast %max3A_554 : vector<16xf32> to vector<1x16xf32>
        tpu.vector_store %arg10[%swap3A_559, %swap3A_560], %swap3A_563 {strides = array<i32>} : memref<128x128xf32, #tpu.memory_space<vmem>>, vector<1x16xf32>,
        %mul3A_564 = arith.constant 2 : i32
        %mul3A_565 = arith.muli %mul3A_564, %scan3A_215 : i32
        %add3A_566 = arith.constant 1 : i32
        %add3A_567 = arith.addi %mul3A_565, %add3A_566 : i32
        %get3A_568 = arith.index_cast %add3A_567 : i32 to index
        %get3A_569 = arith.constant 64 : index
        %get3A_570 = tpu.vector_load %arg9[%get3A_568, %get3A_569] {strides = array<i32>} : memref<128x128xf32, #tpu.memory_space<vmem>>, vector<1x16xf32>,
        %get3A_571 = vector.shape_cast %get3A_570 : vector<1x16xf32> to vector<16xf32>
        %mul3A_572 = arith.constant 2 : i32
        %mul3A_573 = arith.muli %mul3A_572, %scan3A_215 : i32
        %add3A_574 = arith.constant 1 : i32
        %add3A_575 = arith.addi %mul3A_573, %add3A_574 : i32
        %get3A_576 = arith.index_cast %add3A_575 : i32 to index
        %get3A_577 = arith.constant 64 : index
        %get3A_578 = tpu.vector_load %arg8[%get3A_576, %get3A_577] {strides = array<i32>} : memref<128x128xf32, #tpu.memory_space<vmem>>, vector<1x16xf32>,
        %get3A_579 = vector.shape_cast %get3A_578 : vector<1x16xf32> to vector<16xf32>
        %add3A_580 = arith.addf %get3A_571, %get3A_579 : vector<16xf32>
        %max3A_581 = arith.constant 0.000000e+00 : f32
        %max3A_582 = vector.broadcast %max3A_581 : f32 to vector<16xf32>
        %max3A_583 = arith.maximumf %add3A_580, %max3A_582 : vector<16xf32>
        %mul3A_584 = arith.constant 2 : i32
        %mul3A_585 = arith.muli %mul3A_584, %scan3A_215 : i32
        %add3A_586 = arith.constant 1 : i32
        %add3A_587 = arith.addi %mul3A_585, %add3A_586 : i32
        %swap3A_588 = arith.index_cast %add3A_587 : i32 to index
        %swap3A_589 = arith.constant 64 : index
        %swap3A_590 = tpu.vector_load %arg10[%swap3A_588, %swap3A_589] {strides = array<i32>} : memref<128x128xf32, #tpu.memory_space<vmem>>, vector<1x16xf32>,
        %swap3A_591 = vector.shape_cast %swap3A_590 : vector<1x16xf32> to vector<16xf32>
        %swap3A_592 = vector.shape_cast %max3A_583 : vector<16xf32> to vector<1x16xf32>
        tpu.vector_store %arg10[%swap3A_588, %swap3A_589], %swap3A_592 {strides = array<i32>} : memref<128x128xf32, #tpu.memory_space<vmem>>, vector<1x16xf32>,
        %mul3A_593 = arith.constant 2 : i32
        %mul3A_594 = arith.muli %mul3A_593, %scan3A_215 : i32
        %add3A_595 = arith.constant 1 : i32
        %add3A_596 = arith.addi %mul3A_594, %add3A_595 : i32
        %get3A_597 = arith.index_cast %add3A_596 : i32 to index
        %get3A_598 = arith.constant 80 : index
        %get3A_599 = tpu.vector_load %arg9[%get3A_597, %get3A_598] {strides = array<i32>} : memref<128x128xf32, #tpu.memory_space<vmem>>, vector<1x16xf32>,
        %get3A_600 = vector.shape_cast %get3A_599 : vector<1x16xf32> to vector<16xf32>
        %mul3A_601 = arith.constant 2 : i32
        %mul3A_602 = arith.muli %mul3A_601, %scan3A_215 : i32
        %add3A_603 = arith.constant 1 : i32
        %add3A_604 = arith.addi %mul3A_602, %add3A_603 : i32
        %get3A_605 = arith.index_cast %add3A_604 : i32 to index
        %get3A_606 = arith.constant 80 : index
        %get3A_607 = tpu.vector_load %arg8[%get3A_605, %get3A_606] {strides = array<i32>} : memref<128x128xf32, #tpu.memory_space<vmem>>, vector<1x16xf32>,
        %get3A_608 = vector.shape_cast %get3A_607 : vector<1x16xf32> to vector<16xf32>
        %add3A_609 = arith.addf %get3A_600, %get3A_608 : vector<16xf32>
        %max3A_610 = arith.constant 0.000000e+00 : f32
        %max3A_611 = vector.broadcast %max3A_610 : f32 to vector<16xf32>
        %max3A_612 = arith.maximumf %add3A_609, %max3A_611 : vector<16xf32>
        %mul3A_613 = arith.constant 2 : i32
        %mul3A_614 = arith.muli %mul3A_613, %scan3A_215 : i32
        %add3A_615 = arith.constant 1 : i32
        %add3A_616 = arith.addi %mul3A_614, %add3A_615 : i32
        %swap3A_617 = arith.index_cast %add3A_616 : i32 to index
        %swap3A_618 = arith.constant 80 : index
        %swap3A_619 = tpu.vector_load %arg10[%swap3A_617, %swap3A_618] {strides = array<i32>} : memref<128x128xf32, #tpu.memory_space<vmem>>, vector<1x16xf32>,
        %swap3A_620 = vector.shape_cast %swap3A_619 : vector<1x16xf32> to vector<16xf32>
        %swap3A_621 = vector.shape_cast %max3A_612 : vector<16xf32> to vector<1x16xf32>
        tpu.vector_store %arg10[%swap3A_617, %swap3A_618], %swap3A_621 {strides = array<i32>} : memref<128x128xf32, #tpu.memory_space<vmem>>, vector<1x16xf32>,
        %mul3A_622 = arith.constant 2 : i32
        %mul3A_623 = arith.muli %mul3A_622, %scan3A_215 : i32
        %add3A_624 = arith.constant 1 : i32
        %add3A_625 = arith.addi %mul3A_623, %add3A_624 : i32
        %get3A_626 = arith.index_cast %add3A_625 : i32 to index
        %get3A_627 = arith.constant 96 : index
        %get3A_628 = tpu.vector_load %arg9[%get3A_626, %get3A_627] {strides = array<i32>} : memref<128x128xf32, #tpu.memory_space<vmem>>, vector<1x16xf32>,
        %get3A_629 = vector.shape_cast %get3A_628 : vector<1x16xf32> to vector<16xf32>
        %mul3A_630 = arith.constant 2 : i32
        %mul3A_631 = arith.muli %mul3A_630, %scan3A_215 : i32
        %add3A_632 = arith.constant 1 : i32
        %add3A_633 = arith.addi %mul3A_631, %add3A_632 : i32
        %get3A_634 = arith.index_cast %add3A_633 : i32 to index
        %get3A_635 = arith.constant 96 : index
        %get3A_636 = tpu.vector_load %arg8[%get3A_634, %get3A_635] {strides = array<i32>} : memref<128x128xf32, #tpu.memory_space<vmem>>, vector<1x16xf32>,
        %get3A_637 = vector.shape_cast %get3A_636 : vector<1x16xf32> to vector<16xf32>
        %add3A_638 = arith.addf %get3A_629, %get3A_637 : vector<16xf32>
        %max3A_639 = arith.constant 0.000000e+00 : f32
        %max3A_640 = vector.broadcast %max3A_639 : f32 to vector<16xf32>
        %max3A_641 = arith.maximumf %add3A_638, %max3A_640 : vector<16xf32>
        %mul3A_642 = arith.constant 2 : i32
        %mul3A_643 = arith.muli %mul3A_642, %scan3A_215 : i32
        %add3A_644 = arith.constant 1 : i32
        %add3A_645 = arith.addi %mul3A_643, %add3A_644 : i32
        %swap3A_646 = arith.index_cast %add3A_645 : i32 to index
        %swap3A_647 = arith.constant 96 : index
        %swap3A_648 = tpu.vector_load %arg10[%swap3A_646, %swap3A_647] {strides = array<i32>} : memref<128x128xf32, #tpu.memory_space<vmem>>, vector<1x16xf32>,
        %swap3A_649 = vector.shape_cast %swap3A_648 : vector<1x16xf32> to vector<16xf32>
        %swap3A_650 = vector.shape_cast %max3A_641 : vector<16xf32> to vector<1x16xf32>
        tpu.vector_store %arg10[%swap3A_646, %swap3A_647], %swap3A_650 {strides = array<i32>} : memref<128x128xf32, #tpu.memory_space<vmem>>, vector<1x16xf32>,
        %mul3A_651 = arith.constant 2 : i32
        %mul3A_652 = arith.muli %mul3A_651, %scan3A_215 : i32
        %add3A_653 = arith.constant 1 : i32
        %add3A_654 = arith.addi %mul3A_652, %add3A_653 : i32
        %get3A_655 = arith.index_cast %add3A_654 : i32 to index
        %get3A_656 = arith.constant 112 : index
        %get3A_657 = tpu.vector_load %arg9[%get3A_655, %get3A_656] {strides = array<i32>} : memref<128x128xf32, #tpu.memory_space<vmem>>, vector<1x16xf32>,
        %get3A_658 = vector.shape_cast %get3A_657 : vector<1x16xf32> to vector<16xf32>
        %mul3A_659 = arith.constant 2 : i32
        %mul3A_660 = arith.muli %mul3A_659, %scan3A_215 : i32
        %add3A_661 = arith.constant 1 : i32
        %add3A_662 = arith.addi %mul3A_660, %add3A_661 : i32
        %get3A_663 = arith.index_cast %add3A_662 : i32 to index
        %get3A_664 = arith.constant 112 : index
        %get3A_665 = tpu.vector_load %arg8[%get3A_663, %get3A_664] {strides = array<i32>} : memref<128x128xf32, #tpu.memory_space<vmem>>, vector<1x16xf32>,
        %get3A_666 = vector.shape_cast %get3A_665 : vector<1x16xf32> to vector<16xf32>
        %add3A_667 = arith.addf %get3A_658, %get3A_666 : vector<16xf32>
        %max3A_668 = arith.constant 0.000000e+00 : f32
        %max3A_669 = vector.broadcast %max3A_668 : f32 to vector<16xf32>
        %max3A_670 = arith.maximumf %add3A_667, %max3A_669 : vector<16xf32>
        %mul3A_671 = arith.constant 2 : i32
        %mul3A_672 = arith.muli %mul3A_671, %scan3A_215 : i32
        %add3A_673 = arith.constant 1 : i32
        %add3A_674 = arith.addi %mul3A_672, %add3A_673 : i32
        %swap3A_675 = arith.index_cast %add3A_674 : i32 to index
        %swap3A_676 = arith.constant 112 : index
        %swap3A_677 = tpu.vector_load %arg10[%swap3A_675, %swap3A_676] {strides = array<i32>} : memref<128x128xf32, #tpu.memory_space<vmem>>, vector<1x16xf32>,
        %swap3A_678 = vector.shape_cast %swap3A_677 : vector<1x16xf32> to vector<16xf32>
        %swap3A_679 = vector.shape_cast %max3A_670 : vector<16xf32> to vector<1x16xf32>
        tpu.vector_store %arg10[%swap3A_675, %swap3A_676], %swap3A_679 {strides = array<i32>} : memref<128x128xf32, #tpu.memory_space<vmem>>, vector<1x16xf32>,
        %scan3A_680 = arith.constant 0 : i32
        scf.yield %scan3A_680 : i32
      }
      %scan3A_206 = arith.constant 64 : i32
      %dma_start3A_207 = arith.constant 0 : i32
      %dma_start3A_208 = arith.constant 0 : i32
      %dma_start3A_209 = tpu.memref_slice %arg7[%dma_start3A_207, %dma_start3A_208] : memref<1x128xi32, #tpu.memory_space<vmem>> -> memref<1x128xi32, #tpu.memory_space<vmem>>
      %dma_start3A_210 = tpu.memref_squeeze %dma_start3A_209 : memref<1x128xi32, #tpu.memory_space<vmem>> -> memref<128xi32, #tpu.memory_space<vmem>>
      %dma_start3A_211 = arith.constant 0 : i32
      %dma_start3A_212 = arith.constant 0 : i32
      %dma_start3A_213 = tpu.memref_slice %arg11[%dma_start3A_211, %dma_start3A_212] : memref<10000x128xf32, #tpu.memory_space<vmem_shared>> -> memref<10000x128xf32, #tpu.memory_space<vmem_shared>>
      tpu.enqueue_indirect_dma source(%arg10 : memref<128x128xf32, #tpu.memory_space<vmem>>) target(%dma_start3A_213 : memref<10000x128xf32, #tpu.memory_space<vmem_shared>>) offsets(%dma_start3A_210 : memref<128xi32, #tpu.memory_space<vmem>>) semaphore(%arg14 : memref<!tpu.dma_semaphore, #tpu.memory_space<semaphore_mem>>) {add = true}
      %while3A_214 = arith.constant 0 : i32
      scf.yield %while3A_214 : i32
    }
    %while3A_44 = arith.constant 1 : i32
    %while3A_45 = scf.for %while3A_60 = %while3A_41 to %while3A_37 step %while3A_44 iter_args(%while3A_61 = %while3A_43) -> (i32)  : i32 {
      %add3A_62 = arith.addi %add3A_31, %while3A_60 : i32
      "tpu.region"() ({
        %run_scoped3A = tpu.sem_alloc : memref<!tpu.dma_semaphore, #tpu.memory_space<semaphore_mem>>
        %dma_start3A_215 = arith.constant 0 : i32
        %dma_start3A_216 = arith.constant 0 : i32
        %dma_start3A_217 = arith.constant 0 : i32
        %dma_start3A_218 = tpu.memref_slice %arg4[%add3A_62, %dma_start3A_215, %dma_start3A_216, %dma_start3A_217] : memref<2500x2x1x128xi32, #tpu.memory_space<hbm>> -> memref<1x2x1x128xi32, #tpu.memory_space<hbm>>
        %dma_start3A_219 = tpu.memref_squeeze %dma_start3A_218 : memref<1x2x1x128xi32, #tpu.memory_space<hbm>> -> memref<2x1x128xi32, #tpu.memory_space<hbm>>
        %dma_start3A_220 = arith.constant 0 : i32
        %dma_start3A_221 = arith.constant 0 : i32
        %dma_start3A_222 = arith.constant 0 : i32
        %dma_start3A_223 = tpu.memref_slice %arg4[%add3A_62, %dma_start3A_220, %dma_start3A_221, %dma_start3A_222] : memref<2500x2x1x128xi32, #tpu.memory_space<hbm>> -> memref<1x2x1x128xi32, #tpu.memory_space<hbm>>
        %dma_start3A_224 = tpu.memref_squeeze %dma_start3A_223 : memref<1x2x1x128xi32, #tpu.memory_space<hbm>> -> memref<2x1x128xi32, #tpu.memory_space<hbm>>
        tpu.enqueue_dma source(%dma_start3A_224 : memref<2x1x128xi32, #tpu.memory_space<hbm>>) target(%arg6 : memref<2x1x128xi32, #tpu.memory_space<vmem>>) target_semaphore(%run_scoped3A : memref<!tpu.dma_semaphore, #tpu.memory_space<semaphore_mem>>)
        %dma_wait3A_225 = arith.constant 0 : i32
        %dma_wait3A_226 = arith.constant 0 : i32
        %dma_wait3A_227 = arith.constant 0 : i32
        %dma_wait3A_228 = tpu.memref_slice %arg4[%add3A_62, %dma_wait3A_225, %dma_wait3A_226, %dma_wait3A_227] : memref<2500x2x1x128xi32, #tpu.memory_space<hbm>> -> memref<1x2x1x128xi32, #tpu.memory_space<hbm>>
        %dma_wait3A_229 = tpu.memref_squeeze %dma_wait3A_228 : memref<1x2x1x128xi32, #tpu.memory_space<hbm>> -> memref<2x1x128xi32, #tpu.memory_space<hbm>>
        %dma_wait3A_230 = arith.constant 0 : i32
        %dma_wait3A_231 = arith.constant 0 : i32
        %dma_wait3A_232 = arith.constant 0 : i32
        %dma_wait3A_233 = tpu.memref_slice %arg4[%add3A_62, %dma_wait3A_230, %dma_wait3A_231, %dma_wait3A_232] : memref<2500x2x1x128xi32, #tpu.memory_space<hbm>> -> memref<1x2x1x128xi32, #tpu.memory_space<hbm>>
        %dma_wait3A_234 = tpu.memref_squeeze %dma_wait3A_233 : memref<1x2x1x128xi32, #tpu.memory_space<hbm>> -> memref<2x1x128xi32, #tpu.memory_space<hbm>>
        tpu.wait_dma2 semaphore(%run_scoped3A : memref<!tpu.dma_semaphore, #tpu.memory_space<semaphore_mem>>) src(%dma_wait3A_234 : memref<2x1x128xi32, #tpu.memory_space<hbm>>) dst(%arg6 : memref<2x1x128xi32, #tpu.memory_space<vmem>>)
        tpu.yield
      }) : () -> ()
      %mul3A_63 = arith.constant 128 : i32
      %mul3A_64 = arith.muli %add3A_62, %mul3A_63 : i32
      %add3A_65 = arith.constant 320000 : i32
      %add3A_66 = arith.addi %add3A_65, %mul3A_64 : i32
      %dma_start3A = arith.constant 0 : i32
      %dma_start3A_67 = tpu.memref_slice %arg3[%add3A_66, %dma_start3A] : memref<960000x128xf32, #tpu.memory_space<hbm>> -> memref<128x128xf32, #tpu.memory_space<hbm>>
      %dma_start3A_68 = arith.constant 0 : i32
      %dma_start3A_69 = tpu.memref_slice %arg3[%add3A_66, %dma_start3A_68] : memref<960000x128xf32, #tpu.memory_space<hbm>> -> memref<128x128xf32, #tpu.memory_space<hbm>>
      tpu.enqueue_dma source(%dma_start3A_69 : memref<128x128xf32, #tpu.memory_space<hbm>>) target(%arg8 : memref<128x128xf32, #tpu.memory_space<vmem>>) target_semaphore(%arg12 : memref<!tpu.dma_semaphore, #tpu.memory_space<semaphore_mem>>)
      %dma_start3A_70 = arith.constant 0 : i32
      %dma_start3A_71 = arith.constant 0 : i32
      %dma_start3A_72 = arith.constant 0 : i32
      %dma_start3A_73 = tpu.memref_slice %arg6[%dma_start3A_70, %dma_start3A_71, %dma_start3A_72] : memref<2x1x128xi32, #tpu.memory_space<vmem>> -> memref<1x1x128xi32, #tpu.memory_space<vmem>>
      %dma_start3A_74 = tpu.memref_squeeze %dma_start3A_73 : memref<1x1x128xi32, #tpu.memory_space<vmem>> -> memref<128xi32, #tpu.memory_space<vmem>>
      %dma_start3A_75 = arith.constant 0 : i32
      %dma_start3A_76 = arith.constant 0 : i32
      %dma_start3A_77 = tpu.memref_slice %arg2[%dma_start3A_75, %dma_start3A_76] : memref<10000x128xf32, #tpu.memory_space<hbm>> -> memref<10000x128xf32, #tpu.memory_space<hbm>>
      tpu.enqueue_indirect_dma source(%dma_start3A_77 : memref<10000x128xf32, #tpu.memory_space<hbm>>) target(%arg9 : memref<128x128xf32, #tpu.memory_space<vmem>>) offsets(%dma_start3A_74 : memref<128xi32, #tpu.memory_space<vmem>>) semaphore(%arg13 : memref<!tpu.dma_semaphore, #tpu.memory_space<semaphore_mem>>)
      %gt3A = arith.constant 0 : i32
      %gt3A_78 = arith.cmpi sgt, %while3A_60, %gt3A : i32
      %convert_element_type3A_79 = arith.extui %gt3A_78 : i1 to i32
      %cond3A_80 = arith.constant 0 : i32
      %cond3A_81 = arith.cmpi ne, %convert_element_type3A_79, %cond3A_80 : i32
      scf.if %cond3A_81 {
        %dma_wait3A_215 = arith.constant 0 : i32
        %dma_wait3A_216 = arith.constant 0 : i32
        %dma_wait3A_217 = tpu.memref_slice %arg7[%dma_wait3A_215, %dma_wait3A_216] : memref<1x128xi32, #tpu.memory_space<vmem>> -> memref<1x128xi32, #tpu.memory_space<vmem>>
        %dma_wait3A_218 = tpu.memref_squeeze %dma_wait3A_217 : memref<1x128xi32, #tpu.memory_space<vmem>> -> memref<128xi32, #tpu.memory_space<vmem>>
        %dma_wait3A_219 = arith.constant 0 : i32
        %dma_wait3A_220 = arith.constant 0 : i32
        %dma_wait3A_221 = tpu.memref_slice %arg11[%dma_wait3A_219, %dma_wait3A_220] : memref<10000x128xf32, #tpu.memory_space<vmem_shared>> -> memref<10000x128xf32, #tpu.memory_space<vmem_shared>>
        tpu.wait_indirect_dma semaphore(%arg14 : memref<!tpu.dma_semaphore, #tpu.memory_space<semaphore_mem>>) src(%arg10 : memref<128x128xf32, #tpu.memory_space<vmem>>) dst(%dma_wait3A_221 : memref<10000x128xf32, #tpu.memory_space<vmem_shared>>)
      } else {
      }
      %get3A = arith.constant 1 : i32
      %get3A_82 = arith.constant 0 : i32
      %get3A_83 = arith.index_cast %get3A : i32 to index
      %get3A_84 = arith.index_cast %get3A_82 : i32 to index
      %get3A_85 = arith.constant 0 : index
      %get3A_86 = tpu.vector_load %arg6[%get3A_83, %get3A_84, %get3A_85] {strides = array<i32>} : memref<2x1x128xi32, #tpu.memory_space<vmem>>, vector<1x1x16xi32>,
      %get3A_87 = vector.shape_cast %get3A_86 : vector<1x1x16xi32> to vector<16xi32>
      %swap3A = arith.constant 0 : i32
      %swap3A_88 = arith.index_cast %swap3A : i32 to index
      %swap3A_89 = arith.constant 0 : index
      %swap3A_90 = tpu.vector_load %arg7[%swap3A_88, %swap3A_89] {strides = array<i32>} : memref<1x128xi32, #tpu.memory_space<vmem>>, vector<1x16xi32>,
      %swap3A_91 = vector.shape_cast %swap3A_90 : vector<1x16xi32> to vector<16xi32>
      %swap3A_92 = vector.shape_cast %get3A_87 : vector<16xi32> to vector<1x16xi32>
      tpu.vector_store %arg7[%swap3A_88, %swap3A_89], %swap3A_92 {strides = array<i32>} : memref<1x128xi32, #tpu.memory_space<vmem>>, vector<1x16xi32>,
      %get3A_93 = arith.constant 1 : i32
      %get3A_94 = arith.constant 0 : i32
      %get3A_95 = arith.index_cast %get3A_93 : i32 to index
      %get3A_96 = arith.index_cast %get3A_94 : i32 to index
      %get3A_97 = arith.constant 16 : index
      %get3A_98 = tpu.vector_load %arg6[%get3A_95, %get3A_96, %get3A_97] {strides = array<i32>} : memref<2x1x128xi32, #tpu.memory_space<vmem>>, vector<1x1x16xi32>,
      %get3A_99 = vector.shape_cast %get3A_98 : vector<1x1x16xi32> to vector<16xi32>
      %swap3A_100 = arith.constant 0 : i32
      %swap3A_101 = arith.index_cast %swap3A_100 : i32 to index
      %swap3A_102 = arith.constant 16 : index
      %swap3A_103 = tpu.vector_load %arg7[%swap3A_101, %swap3A_102] {strides = array<i32>} : memref<1x128xi32, #tpu.memory_space<vmem>>, vector<1x16xi32>,
      %swap3A_104 = vector.shape_cast %swap3A_103 : vector<1x16xi32> to vector<16xi32>
      %swap3A_105 = vector.shape_cast %get3A_99 : vector<16xi32> to vector<1x16xi32>
      tpu.vector_store %arg7[%swap3A_101, %swap3A_102], %swap3A_105 {strides = array<i32>} : memref<1x128xi32, #tpu.memory_space<vmem>>, vector<1x16xi32>,
      %get3A_106 = arith.constant 1 : i32
      %get3A_107 = arith.constant 0 : i32
      %get3A_108 = arith.index_cast %get3A_106 : i32 to index
      %get3A_109 = arith.index_cast %get3A_107 : i32 to index
      %get3A_110 = arith.constant 32 : index
      %get3A_111 = tpu.vector_load %arg6[%get3A_108, %get3A_109, %get3A_110] {strides = array<i32>} : memref<2x1x128xi32, #tpu.memory_space<vmem>>, vector<1x1x16xi32>,
      %get3A_112 = vector.shape_cast %get3A_111 : vector<1x1x16xi32> to vector<16xi32>
      %swap3A_113 = arith.constant 0 : i32
      %swap3A_114 = arith.index_cast %swap3A_113 : i32 to index
      %swap3A_115 = arith.constant 32 : index
      %swap3A_116 = tpu.vector_load %arg7[%swap3A_114, %swap3A_115] {strides = array<i32>} : memref<1x128xi32, #tpu.memory_space<vmem>>, vector<1x16xi32>,
      %swap3A_117 = vector.shape_cast %swap3A_116 : vector<1x16xi32> to vector<16xi32>
      %swap3A_118 = vector.shape_cast %get3A_112 : vector<16xi32> to vector<1x16xi32>
      tpu.vector_store %arg7[%swap3A_114, %swap3A_115], %swap3A_118 {strides = array<i32>} : memref<1x128xi32, #tpu.memory_space<vmem>>, vector<1x16xi32>,
      %get3A_119 = arith.constant 1 : i32
      %get3A_120 = arith.constant 0 : i32
      %get3A_121 = arith.index_cast %get3A_119 : i32 to index
      %get3A_122 = arith.index_cast %get3A_120 : i32 to index
      %get3A_123 = arith.constant 48 : index
      %get3A_124 = tpu.vector_load %arg6[%get3A_121, %get3A_122, %get3A_123] {strides = array<i32>} : memref<2x1x128xi32, #tpu.memory_space<vmem>>, vector<1x1x16xi32>,
      %get3A_125 = vector.shape_cast %get3A_124 : vector<1x1x16xi32> to vector<16xi32>
      %swap3A_126 = arith.constant 0 : i32
      %swap3A_127 = arith.index_cast %swap3A_126 : i32 to index
      %swap3A_128 = arith.constant 48 : index
      %swap3A_129 = tpu.vector_load %arg7[%swap3A_127, %swap3A_128] {strides = array<i32>} : memref<1x128xi32, #tpu.memory_space<vmem>>, vector<1x16xi32>,
      %swap3A_130 = vector.shape_cast %swap3A_129 : vector<1x16xi32> to vector<16xi32>
      %swap3A_131 = vector.shape_cast %get3A_125 : vector<16xi32> to vector<1x16xi32>
      tpu.vector_store %arg7[%swap3A_127, %swap3A_128], %swap3A_131 {strides = array<i32>} : memref<1x128xi32, #tpu.memory_space<vmem>>, vector<1x16xi32>,
      %get3A_132 = arith.constant 1 : i32
      %get3A_133 = arith.constant 0 : i32
      %get3A_134 = arith.index_cast %get3A_132 : i32 to index
      %get3A_135 = arith.index_cast %get3A_133 : i32 to index
      %get3A_136 = arith.constant 64 : index
      %get3A_137 = tpu.vector_load %arg6[%get3A_134, %get3A_135, %get3A_136] {strides = array<i32>} : memref<2x1x128xi32, #tpu.memory_space<vmem>>, vector<1x1x16xi32>,
      %get3A_138 = vector.shape_cast %get3A_137 : vector<1x1x16xi32> to vector<16xi32>
      %swap3A_139 = arith.constant 0 : i32
      %swap3A_140 = arith.index_cast %swap3A_139 : i32 to index
      %swap3A_141 = arith.constant 64 : index
      %swap3A_142 = tpu.vector_load %arg7[%swap3A_140, %swap3A_141] {strides = array<i32>} : memref<1x128xi32, #tpu.memory_space<vmem>>, vector<1x16xi32>,
      %swap3A_143 = vector.shape_cast %swap3A_142 : vector<1x16xi32> to vector<16xi32>
      %swap3A_144 = vector.shape_cast %get3A_138 : vector<16xi32> to vector<1x16xi32>
      tpu.vector_store %arg7[%swap3A_140, %swap3A_141], %swap3A_144 {strides = array<i32>} : memref<1x128xi32, #tpu.memory_space<vmem>>, vector<1x16xi32>,
      %get3A_145 = arith.constant 1 : i32
      %get3A_146 = arith.constant 0 : i32
      %get3A_147 = arith.index_cast %get3A_145 : i32 to index
      %get3A_148 = arith.index_cast %get3A_146 : i32 to index
      %get3A_149 = arith.constant 80 : index
      %get3A_150 = tpu.vector_load %arg6[%get3A_147, %get3A_148, %get3A_149] {strides = array<i32>} : memref<2x1x128xi32, #tpu.memory_space<vmem>>, vector<1x1x16xi32>,
      %get3A_151 = vector.shape_cast %get3A_150 : vector<1x1x16xi32> to vector<16xi32>
      %swap3A_152 = arith.constant 0 : i32
      %swap3A_153 = arith.index_cast %swap3A_152 : i32 to index
      %swap3A_154 = arith.constant 80 : index
      %swap3A_155 = tpu.vector_load %arg7[%swap3A_153, %swap3A_154] {strides = array<i32>} : memref<1x128xi32, #tpu.memory_space<vmem>>, vector<1x16xi32>,
      %swap3A_156 = vector.shape_cast %swap3A_155 : vector<1x16xi32> to vector<16xi32>
      %swap3A_157 = vector.shape_cast %get3A_151 : vector<16xi32> to vector<1x16xi32>
      tpu.vector_store %arg7[%swap3A_153, %swap3A_154], %swap3A_157 {strides = array<i32>} : memref<1x128xi32, #tpu.memory_space<vmem>>, vector<1x16xi32>,
      %get3A_158 = arith.constant 1 : i32
      %get3A_159 = arith.constant 0 : i32
      %get3A_160 = arith.index_cast %get3A_158 : i32 to index
      %get3A_161 = arith.index_cast %get3A_159 : i32 to index
      %get3A_162 = arith.constant 96 : index
      %get3A_163 = tpu.vector_load %arg6[%get3A_160, %get3A_161, %get3A_162] {strides = array<i32>} : memref<2x1x128xi32, #tpu.memory_space<vmem>>, vector<1x1x16xi32>,
      %get3A_164 = vector.shape_cast %get3A_163 : vector<1x1x16xi32> to vector<16xi32>
      %swap3A_165 = arith.constant 0 : i32
      %swap3A_166 = arith.index_cast %swap3A_165 : i32 to index
      %swap3A_167 = arith.constant 96 : index
      %swap3A_168 = tpu.vector_load %arg7[%swap3A_166, %swap3A_167] {strides = array<i32>} : memref<1x128xi32, #tpu.memory_space<vmem>>, vector<1x16xi32>,
      %swap3A_169 = vector.shape_cast %swap3A_168 : vector<1x16xi32> to vector<16xi32>
      %swap3A_170 = vector.shape_cast %get3A_164 : vector<16xi32> to vector<1x16xi32>
      tpu.vector_store %arg7[%swap3A_166, %swap3A_167], %swap3A_170 {strides = array<i32>} : memref<1x128xi32, #tpu.memory_space<vmem>>, vector<1x16xi32>,
      %get3A_171 = arith.constant 1 : i32
      %get3A_172 = arith.constant 0 : i32
      %get3A_173 = arith.index_cast %get3A_171 : i32 to index
      %get3A_174 = arith.index_cast %get3A_172 : i32 to index
      %get3A_175 = arith.constant 112 : index
      %get3A_176 = tpu.vector_load %arg6[%get3A_173, %get3A_174, %get3A_175] {strides = array<i32>} : memref<2x1x128xi32, #tpu.memory_space<vmem>>, vector<1x1x16xi32>,
      %get3A_177 = vector.shape_cast %get3A_176 : vector<1x1x16xi32> to vector<16xi32>
      %swap3A_178 = arith.constant 0 : i32
      %swap3A_179 = arith.index_cast %swap3A_178 : i32 to index
      %swap3A_180 = arith.constant 112 : index
      %swap3A_181 = tpu.vector_load %arg7[%swap3A_179, %swap3A_180] {strides = array<i32>} : memref<1x128xi32, #tpu.memory_space<vmem>>, vector<1x16xi32>,
      %swap3A_182 = vector.shape_cast %swap3A_181 : vector<1x16xi32> to vector<16xi32>
      %swap3A_183 = vector.shape_cast %get3A_177 : vector<16xi32> to vector<1x16xi32>
      tpu.vector_store %arg7[%swap3A_179, %swap3A_180], %swap3A_183 {strides = array<i32>} : memref<1x128xi32, #tpu.memory_space<vmem>>, vector<1x16xi32>,
      %mul3A_184 = arith.constant 128 : i32
      %mul3A_185 = arith.muli %add3A_62, %mul3A_184 : i32
      %add3A_186 = arith.constant 320000 : i32
      %add3A_187 = arith.addi %add3A_186, %mul3A_185 : i32
      %dma_wait3A_188 = arith.constant 0 : i32
      %dma_wait3A_189 = tpu.memref_slice %arg3[%add3A_187, %dma_wait3A_188] : memref<960000x128xf32, #tpu.memory_space<hbm>> -> memref<128x128xf32, #tpu.memory_space<hbm>>
      %dma_wait3A_190 = arith.constant 0 : i32
      %dma_wait3A_191 = tpu.memref_slice %arg3[%add3A_187, %dma_wait3A_190] : memref<960000x128xf32, #tpu.memory_space<hbm>> -> memref<128x128xf32, #tpu.memory_space<hbm>>
      tpu.wait_dma2 semaphore(%arg12 : memref<!tpu.dma_semaphore, #tpu.memory_space<semaphore_mem>>) src(%dma_wait3A_191 : memref<128x128xf32, #tpu.memory_space<hbm>>) dst(%arg8 : memref<128x128xf32, #tpu.memory_space<vmem>>)
      %dma_wait3A_192 = arith.constant 0 : i32
      %dma_wait3A_193 = arith.constant 0 : i32
      %dma_wait3A_194 = arith.constant 0 : i32
      %dma_wait3A_195 = tpu.memref_slice %arg6[%dma_wait3A_192, %dma_wait3A_193, %dma_wait3A_194] : memref<2x1x128xi32, #tpu.memory_space<vmem>> -> memref<1x1x128xi32, #tpu.memory_space<vmem>>
      %dma_wait3A_196 = tpu.memref_squeeze %dma_wait3A_195 : memref<1x1x128xi32, #tpu.memory_space<vmem>> -> memref<128xi32, #tpu.memory_space<vmem>>
      %dma_wait3A_197 = arith.constant 0 : i32
      %dma_wait3A_198 = arith.constant 0 : i32
      %dma_wait3A_199 = tpu.memref_slice %arg2[%dma_wait3A_197, %dma_wait3A_198] : memref<10000x128xf32, #tpu.memory_space<hbm>> -> memref<10000x128xf32, #tpu.memory_space<hbm>>
      tpu.wait_indirect_dma semaphore(%arg13 : memref<!tpu.dma_semaphore, #tpu.memory_space<semaphore_mem>>) src(%dma_wait3A_199 : memref<10000x128xf32, #tpu.memory_space<hbm>>) dst(%arg9 : memref<128x128xf32, #tpu.memory_space<vmem>>)
      %scan3A_200 = arith.constant 0 : i32
      %scan3A_201 = arith.constant 0 : i32
      %scan3A_202 = arith.constant 64 : i32
      %scan3A_203 = arith.addi %scan3A_201, %scan3A_202 : i32
      %scan3A_204 = arith.constant 1 : i32
      %scan3A_205 = scf.for %scan3A_215 = %scan3A_201 to %scan3A_203 step %scan3A_204 iter_args(%scan3A_216 = %scan3A_200) -> (i32)  : i32 {
        %mul3A_217 = arith.constant 2 : i32
        %mul3A_218 = arith.muli %mul3A_217, %scan3A_215 : i32
        %add3A_219 = arith.constant 0 : i32
        %add3A_220 = arith.addi %mul3A_218, %add3A_219 : i32
        %get3A_221 = arith.index_cast %add3A_220 : i32 to index
        %get3A_222 = arith.constant 0 : index
        %get3A_223 = tpu.vector_load %arg9[%get3A_221, %get3A_222] {strides = array<i32>} : memref<128x128xf32, #tpu.memory_space<vmem>>, vector<1x16xf32>,
        %get3A_224 = vector.shape_cast %get3A_223 : vector<1x16xf32> to vector<16xf32>
        %mul3A_225 = arith.constant 2 : i32
        %mul3A_226 = arith.muli %mul3A_225, %scan3A_215 : i32
        %add3A_227 = arith.constant 0 : i32
        %add3A_228 = arith.addi %mul3A_226, %add3A_227 : i32
        %get3A_229 = arith.index_cast %add3A_228 : i32 to index
        %get3A_230 = arith.constant 0 : index
        %get3A_231 = tpu.vector_load %arg8[%get3A_229, %get3A_230] {strides = array<i32>} : memref<128x128xf32, #tpu.memory_space<vmem>>, vector<1x16xf32>,
        %get3A_232 = vector.shape_cast %get3A_231 : vector<1x16xf32> to vector<16xf32>
        %add3A_233 = arith.addf %get3A_224, %get3A_232 : vector<16xf32>
        %max3A = arith.constant 0.000000e+00 : f32
        %max3A_234 = vector.broadcast %max3A : f32 to vector<16xf32>
        %max3A_235 = arith.maximumf %add3A_233, %max3A_234 : vector<16xf32>
        %mul3A_236 = arith.constant 2 : i32
        %mul3A_237 = arith.muli %mul3A_236, %scan3A_215 : i32
        %add3A_238 = arith.constant 0 : i32
        %add3A_239 = arith.addi %mul3A_237, %add3A_238 : i32
        %swap3A_240 = arith.index_cast %add3A_239 : i32 to index
        %swap3A_241 = arith.constant 0 : index
        %swap3A_242 = tpu.vector_load %arg10[%swap3A_240, %swap3A_241] {strides = array<i32>} : memref<128x128xf32, #tpu.memory_space<vmem>>, vector<1x16xf32>,
        %swap3A_243 = vector.shape_cast %swap3A_242 : vector<1x16xf32> to vector<16xf32>
        %swap3A_244 = vector.shape_cast %max3A_235 : vector<16xf32> to vector<1x16xf32>
        tpu.vector_store %arg10[%swap3A_240, %swap3A_241], %swap3A_244 {strides = array<i32>} : memref<128x128xf32, #tpu.memory_space<vmem>>, vector<1x16xf32>,
        %mul3A_245 = arith.constant 2 : i32
        %mul3A_246 = arith.muli %mul3A_245, %scan3A_215 : i32
        %add3A_247 = arith.constant 0 : i32
        %add3A_248 = arith.addi %mul3A_246, %add3A_247 : i32
        %get3A_249 = arith.index_cast %add3A_248 : i32 to index
        %get3A_250 = arith.constant 16 : index
        %get3A_251 = tpu.vector_load %arg9[%get3A_249, %get3A_250] {strides = array<i32>} : memref<128x128xf32, #tpu.memory_space<vmem>>, vector<1x16xf32>,
        %get3A_252 = vector.shape_cast %get3A_251 : vector<1x16xf32> to vector<16xf32>
        %mul3A_253 = arith.constant 2 : i32
        %mul3A_254 = arith.muli %mul3A_253, %scan3A_215 : i32
        %add3A_255 = arith.constant 0 : i32
        %add3A_256 = arith.addi %mul3A_254, %add3A_255 : i32
        %get3A_257 = arith.index_cast %add3A_256 : i32 to index
        %get3A_258 = arith.constant 16 : index
        %get3A_259 = tpu.vector_load %arg8[%get3A_257, %get3A_258] {strides = array<i32>} : memref<128x128xf32, #tpu.memory_space<vmem>>, vector<1x16xf32>,
        %get3A_260 = vector.shape_cast %get3A_259 : vector<1x16xf32> to vector<16xf32>
        %add3A_261 = arith.addf %get3A_252, %get3A_260 : vector<16xf32>
        %max3A_262 = arith.constant 0.000000e+00 : f32
        %max3A_263 = vector.broadcast %max3A_262 : f32 to vector<16xf32>
        %max3A_264 = arith.maximumf %add3A_261, %max3A_263 : vector<16xf32>
        %mul3A_265 = arith.constant 2 : i32
        %mul3A_266 = arith.muli %mul3A_265, %scan3A_215 : i32
        %add3A_267 = arith.constant 0 : i32
        %add3A_268 = arith.addi %mul3A_266, %add3A_267 : i32
        %swap3A_269 = arith.index_cast %add3A_268 : i32 to index
        %swap3A_270 = arith.constant 16 : index
        %swap3A_271 = tpu.vector_load %arg10[%swap3A_269, %swap3A_270] {strides = array<i32>} : memref<128x128xf32, #tpu.memory_space<vmem>>, vector<1x16xf32>,
        %swap3A_272 = vector.shape_cast %swap3A_271 : vector<1x16xf32> to vector<16xf32>
        %swap3A_273 = vector.shape_cast %max3A_264 : vector<16xf32> to vector<1x16xf32>
        tpu.vector_store %arg10[%swap3A_269, %swap3A_270], %swap3A_273 {strides = array<i32>} : memref<128x128xf32, #tpu.memory_space<vmem>>, vector<1x16xf32>,
        %mul3A_274 = arith.constant 2 : i32
        %mul3A_275 = arith.muli %mul3A_274, %scan3A_215 : i32
        %add3A_276 = arith.constant 0 : i32
        %add3A_277 = arith.addi %mul3A_275, %add3A_276 : i32
        %get3A_278 = arith.index_cast %add3A_277 : i32 to index
        %get3A_279 = arith.constant 32 : index
        %get3A_280 = tpu.vector_load %arg9[%get3A_278, %get3A_279] {strides = array<i32>} : memref<128x128xf32, #tpu.memory_space<vmem>>, vector<1x16xf32>,
        %get3A_281 = vector.shape_cast %get3A_280 : vector<1x16xf32> to vector<16xf32>
        %mul3A_282 = arith.constant 2 : i32
        %mul3A_283 = arith.muli %mul3A_282, %scan3A_215 : i32
        %add3A_284 = arith.constant 0 : i32
        %add3A_285 = arith.addi %mul3A_283, %add3A_284 : i32
        %get3A_286 = arith.index_cast %add3A_285 : i32 to index
        %get3A_287 = arith.constant 32 : index
        %get3A_288 = tpu.vector_load %arg8[%get3A_286, %get3A_287] {strides = array<i32>} : memref<128x128xf32, #tpu.memory_space<vmem>>, vector<1x16xf32>,
        %get3A_289 = vector.shape_cast %get3A_288 : vector<1x16xf32> to vector<16xf32>
        %add3A_290 = arith.addf %get3A_281, %get3A_289 : vector<16xf32>
        %max3A_291 = arith.constant 0.000000e+00 : f32
        %max3A_292 = vector.broadcast %max3A_291 : f32 to vector<16xf32>
        %max3A_293 = arith.maximumf %add3A_290, %max3A_292 : vector<16xf32>
        %mul3A_294 = arith.constant 2 : i32
        %mul3A_295 = arith.muli %mul3A_294, %scan3A_215 : i32
        %add3A_296 = arith.constant 0 : i32
        %add3A_297 = arith.addi %mul3A_295, %add3A_296 : i32
        %swap3A_298 = arith.index_cast %add3A_297 : i32 to index
        %swap3A_299 = arith.constant 32 : index
        %swap3A_300 = tpu.vector_load %arg10[%swap3A_298, %swap3A_299] {strides = array<i32>} : memref<128x128xf32, #tpu.memory_space<vmem>>, vector<1x16xf32>,
        %swap3A_301 = vector.shape_cast %swap3A_300 : vector<1x16xf32> to vector<16xf32>
        %swap3A_302 = vector.shape_cast %max3A_293 : vector<16xf32> to vector<1x16xf32>
        tpu.vector_store %arg10[%swap3A_298, %swap3A_299], %swap3A_302 {strides = array<i32>} : memref<128x128xf32, #tpu.memory_space<vmem>>, vector<1x16xf32>,
        %mul3A_303 = arith.constant 2 : i32
        %mul3A_304 = arith.muli %mul3A_303, %scan3A_215 : i32
        %add3A_305 = arith.constant 0 : i32
        %add3A_306 = arith.addi %mul3A_304, %add3A_305 : i32
        %get3A_307 = arith.index_cast %add3A_306 : i32 to index
        %get3A_308 = arith.constant 48 : index
        %get3A_309 = tpu.vector_load %arg9[%get3A_307, %get3A_308] {strides = array<i32>} : memref<128x128xf32, #tpu.memory_space<vmem>>, vector<1x16xf32>,
        %get3A_310 = vector.shape_cast %get3A_309 : vector<1x16xf32> to vector<16xf32>
        %mul3A_311 = arith.constant 2 : i32
        %mul3A_312 = arith.muli %mul3A_311, %scan3A_215 : i32
        %add3A_313 = arith.constant 0 : i32
        %add3A_314 = arith.addi %mul3A_312, %add3A_313 : i32
        %get3A_315 = arith.index_cast %add3A_314 : i32 to index
        %get3A_316 = arith.constant 48 : index
        %get3A_317 = tpu.vector_load %arg8[%get3A_315, %get3A_316] {strides = array<i32>} : memref<128x128xf32, #tpu.memory_space<vmem>>, vector<1x16xf32>,
        %get3A_318 = vector.shape_cast %get3A_317 : vector<1x16xf32> to vector<16xf32>
        %add3A_319 = arith.addf %get3A_310, %get3A_318 : vector<16xf32>
        %max3A_320 = arith.constant 0.000000e+00 : f32
        %max3A_321 = vector.broadcast %max3A_320 : f32 to vector<16xf32>
        %max3A_322 = arith.maximumf %add3A_319, %max3A_321 : vector<16xf32>
        %mul3A_323 = arith.constant 2 : i32
        %mul3A_324 = arith.muli %mul3A_323, %scan3A_215 : i32
        %add3A_325 = arith.constant 0 : i32
        %add3A_326 = arith.addi %mul3A_324, %add3A_325 : i32
        %swap3A_327 = arith.index_cast %add3A_326 : i32 to index
        %swap3A_328 = arith.constant 48 : index
        %swap3A_329 = tpu.vector_load %arg10[%swap3A_327, %swap3A_328] {strides = array<i32>} : memref<128x128xf32, #tpu.memory_space<vmem>>, vector<1x16xf32>,
        %swap3A_330 = vector.shape_cast %swap3A_329 : vector<1x16xf32> to vector<16xf32>
        %swap3A_331 = vector.shape_cast %max3A_322 : vector<16xf32> to vector<1x16xf32>
        tpu.vector_store %arg10[%swap3A_327, %swap3A_328], %swap3A_331 {strides = array<i32>} : memref<128x128xf32, #tpu.memory_space<vmem>>, vector<1x16xf32>,
        %mul3A_332 = arith.constant 2 : i32
        %mul3A_333 = arith.muli %mul3A_332, %scan3A_215 : i32
        %add3A_334 = arith.constant 0 : i32
        %add3A_335 = arith.addi %mul3A_333, %add3A_334 : i32
        %get3A_336 = arith.index_cast %add3A_335 : i32 to index
        %get3A_337 = arith.constant 64 : index
        %get3A_338 = tpu.vector_load %arg9[%get3A_336, %get3A_337] {strides = array<i32>} : memref<128x128xf32, #tpu.memory_space<vmem>>, vector<1x16xf32>,
        %get3A_339 = vector.shape_cast %get3A_338 : vector<1x16xf32> to vector<16xf32>
        %mul3A_340 = arith.constant 2 : i32
        %mul3A_341 = arith.muli %mul3A_340, %scan3A_215 : i32
        %add3A_342 = arith.constant 0 : i32
        %add3A_343 = arith.addi %mul3A_341, %add3A_342 : i32
        %get3A_344 = arith.index_cast %add3A_343 : i32 to index
        %get3A_345 = arith.constant 64 : index
        %get3A_346 = tpu.vector_load %arg8[%get3A_344, %get3A_345] {strides = array<i32>} : memref<128x128xf32, #tpu.memory_space<vmem>>, vector<1x16xf32>,
        %get3A_347 = vector.shape_cast %get3A_346 : vector<1x16xf32> to vector<16xf32>
        %add3A_348 = arith.addf %get3A_339, %get3A_347 : vector<16xf32>
        %max3A_349 = arith.constant 0.000000e+00 : f32
        %max3A_350 = vector.broadcast %max3A_349 : f32 to vector<16xf32>
        %max3A_351 = arith.maximumf %add3A_348, %max3A_350 : vector<16xf32>
        %mul3A_352 = arith.constant 2 : i32
        %mul3A_353 = arith.muli %mul3A_352, %scan3A_215 : i32
        %add3A_354 = arith.constant 0 : i32
        %add3A_355 = arith.addi %mul3A_353, %add3A_354 : i32
        %swap3A_356 = arith.index_cast %add3A_355 : i32 to index
        %swap3A_357 = arith.constant 64 : index
        %swap3A_358 = tpu.vector_load %arg10[%swap3A_356, %swap3A_357] {strides = array<i32>} : memref<128x128xf32, #tpu.memory_space<vmem>>, vector<1x16xf32>,
        %swap3A_359 = vector.shape_cast %swap3A_358 : vector<1x16xf32> to vector<16xf32>
        %swap3A_360 = vector.shape_cast %max3A_351 : vector<16xf32> to vector<1x16xf32>
        tpu.vector_store %arg10[%swap3A_356, %swap3A_357], %swap3A_360 {strides = array<i32>} : memref<128x128xf32, #tpu.memory_space<vmem>>, vector<1x16xf32>,
        %mul3A_361 = arith.constant 2 : i32
        %mul3A_362 = arith.muli %mul3A_361, %scan3A_215 : i32
        %add3A_363 = arith.constant 0 : i32
        %add3A_364 = arith.addi %mul3A_362, %add3A_363 : i32
        %get3A_365 = arith.index_cast %add3A_364 : i32 to index
        %get3A_366 = arith.constant 80 : index
        %get3A_367 = tpu.vector_load %arg9[%get3A_365, %get3A_366] {strides = array<i32>} : memref<128x128xf32, #tpu.memory_space<vmem>>, vector<1x16xf32>,
        %get3A_368 = vector.shape_cast %get3A_367 : vector<1x16xf32> to vector<16xf32>
        %mul3A_369 = arith.constant 2 : i32
        %mul3A_370 = arith.muli %mul3A_369, %scan3A_215 : i32
        %add3A_371 = arith.constant 0 : i32
        %add3A_372 = arith.addi %mul3A_370, %add3A_371 : i32
        %get3A_373 = arith.index_cast %add3A_372 : i32 to index
        %get3A_374 = arith.constant 80 : index
        %get3A_375 = tpu.vector_load %arg8[%get3A_373, %get3A_374] {strides = array<i32>} : memref<128x128xf32, #tpu.memory_space<vmem>>, vector<1x16xf32>,
        %get3A_376 = vector.shape_cast %get3A_375 : vector<1x16xf32> to vector<16xf32>
        %add3A_377 = arith.addf %get3A_368, %get3A_376 : vector<16xf32>
        %max3A_378 = arith.constant 0.000000e+00 : f32
        %max3A_379 = vector.broadcast %max3A_378 : f32 to vector<16xf32>
        %max3A_380 = arith.maximumf %add3A_377, %max3A_379 : vector<16xf32>
        %mul3A_381 = arith.constant 2 : i32
        %mul3A_382 = arith.muli %mul3A_381, %scan3A_215 : i32
        %add3A_383 = arith.constant 0 : i32
        %add3A_384 = arith.addi %mul3A_382, %add3A_383 : i32
        %swap3A_385 = arith.index_cast %add3A_384 : i32 to index
        %swap3A_386 = arith.constant 80 : index
        %swap3A_387 = tpu.vector_load %arg10[%swap3A_385, %swap3A_386] {strides = array<i32>} : memref<128x128xf32, #tpu.memory_space<vmem>>, vector<1x16xf32>,
        %swap3A_388 = vector.shape_cast %swap3A_387 : vector<1x16xf32> to vector<16xf32>
        %swap3A_389 = vector.shape_cast %max3A_380 : vector<16xf32> to vector<1x16xf32>
        tpu.vector_store %arg10[%swap3A_385, %swap3A_386], %swap3A_389 {strides = array<i32>} : memref<128x128xf32, #tpu.memory_space<vmem>>, vector<1x16xf32>,
        %mul3A_390 = arith.constant 2 : i32
        %mul3A_391 = arith.muli %mul3A_390, %scan3A_215 : i32
        %add3A_392 = arith.constant 0 : i32
        %add3A_393 = arith.addi %mul3A_391, %add3A_392 : i32
        %get3A_394 = arith.index_cast %add3A_393 : i32 to index
        %get3A_395 = arith.constant 96 : index
        %get3A_396 = tpu.vector_load %arg9[%get3A_394, %get3A_395] {strides = array<i32>} : memref<128x128xf32, #tpu.memory_space<vmem>>, vector<1x16xf32>,
        %get3A_397 = vector.shape_cast %get3A_396 : vector<1x16xf32> to vector<16xf32>
        %mul3A_398 = arith.constant 2 : i32
        %mul3A_399 = arith.muli %mul3A_398, %scan3A_215 : i32
        %add3A_400 = arith.constant 0 : i32
        %add3A_401 = arith.addi %mul3A_399, %add3A_400 : i32
        %get3A_402 = arith.index_cast %add3A_401 : i32 to index
        %get3A_403 = arith.constant 96 : index
        %get3A_404 = tpu.vector_load %arg8[%get3A_402, %get3A_403] {strides = array<i32>} : memref<128x128xf32, #tpu.memory_space<vmem>>, vector<1x16xf32>,
        %get3A_405 = vector.shape_cast %get3A_404 : vector<1x16xf32> to vector<16xf32>
        %add3A_406 = arith.addf %get3A_397, %get3A_405 : vector<16xf32>
        %max3A_407 = arith.constant 0.000000e+00 : f32
        %max3A_408 = vector.broadcast %max3A_407 : f32 to vector<16xf32>
        %max3A_409 = arith.maximumf %add3A_406, %max3A_408 : vector<16xf32>
        %mul3A_410 = arith.constant 2 : i32
        %mul3A_411 = arith.muli %mul3A_410, %scan3A_215 : i32
        %add3A_412 = arith.constant 0 : i32
        %add3A_413 = arith.addi %mul3A_411, %add3A_412 : i32
        %swap3A_414 = arith.index_cast %add3A_413 : i32 to index
        %swap3A_415 = arith.constant 96 : index
        %swap3A_416 = tpu.vector_load %arg10[%swap3A_414, %swap3A_415] {strides = array<i32>} : memref<128x128xf32, #tpu.memory_space<vmem>>, vector<1x16xf32>,
        %swap3A_417 = vector.shape_cast %swap3A_416 : vector<1x16xf32> to vector<16xf32>
        %swap3A_418 = vector.shape_cast %max3A_409 : vector<16xf32> to vector<1x16xf32>
        tpu.vector_store %arg10[%swap3A_414, %swap3A_415], %swap3A_418 {strides = array<i32>} : memref<128x128xf32, #tpu.memory_space<vmem>>, vector<1x16xf32>,
        %mul3A_419 = arith.constant 2 : i32
        %mul3A_420 = arith.muli %mul3A_419, %scan3A_215 : i32
        %add3A_421 = arith.constant 0 : i32
        %add3A_422 = arith.addi %mul3A_420, %add3A_421 : i32
        %get3A_423 = arith.index_cast %add3A_422 : i32 to index
        %get3A_424 = arith.constant 112 : index
        %get3A_425 = tpu.vector_load %arg9[%get3A_423, %get3A_424] {strides = array<i32>} : memref<128x128xf32, #tpu.memory_space<vmem>>, vector<1x16xf32>,
        %get3A_426 = vector.shape_cast %get3A_425 : vector<1x16xf32> to vector<16xf32>
        %mul3A_427 = arith.constant 2 : i32
        %mul3A_428 = arith.muli %mul3A_427, %scan3A_215 : i32
        %add3A_429 = arith.constant 0 : i32
        %add3A_430 = arith.addi %mul3A_428, %add3A_429 : i32
        %get3A_431 = arith.index_cast %add3A_430 : i32 to index
        %get3A_432 = arith.constant 112 : index
        %get3A_433 = tpu.vector_load %arg8[%get3A_431, %get3A_432] {strides = array<i32>} : memref<128x128xf32, #tpu.memory_space<vmem>>, vector<1x16xf32>,
        %get3A_434 = vector.shape_cast %get3A_433 : vector<1x16xf32> to vector<16xf32>
        %add3A_435 = arith.addf %get3A_426, %get3A_434 : vector<16xf32>
        %max3A_436 = arith.constant 0.000000e+00 : f32
        %max3A_437 = vector.broadcast %max3A_436 : f32 to vector<16xf32>
        %max3A_438 = arith.maximumf %add3A_435, %max3A_437 : vector<16xf32>
        %mul3A_439 = arith.constant 2 : i32
        %mul3A_440 = arith.muli %mul3A_439, %scan3A_215 : i32
        %add3A_441 = arith.constant 0 : i32
        %add3A_442 = arith.addi %mul3A_440, %add3A_441 : i32
        %swap3A_443 = arith.index_cast %add3A_442 : i32 to index
        %swap3A_444 = arith.constant 112 : index
        %swap3A_445 = tpu.vector_load %arg10[%swap3A_443, %swap3A_444] {strides = array<i32>} : memref<128x128xf32, #tpu.memory_space<vmem>>, vector<1x16xf32>,
        %swap3A_446 = vector.shape_cast %swap3A_445 : vector<1x16xf32> to vector<16xf32>
        %swap3A_447 = vector.shape_cast %max3A_438 : vector<16xf32> to vector<1x16xf32>
        tpu.vector_store %arg10[%swap3A_443, %swap3A_444], %swap3A_447 {strides = array<i32>} : memref<128x128xf32, #tpu.memory_space<vmem>>, vector<1x16xf32>,
        %mul3A_448 = arith.constant 2 : i32
        %mul3A_449 = arith.muli %mul3A_448, %scan3A_215 : i32
        %add3A_450 = arith.constant 1 : i32
        %add3A_451 = arith.addi %mul3A_449, %add3A_450 : i32
        %get3A_452 = arith.index_cast %add3A_451 : i32 to index
        %get3A_453 = arith.constant 0 : index
        %get3A_454 = tpu.vector_load %arg9[%get3A_452, %get3A_453] {strides = array<i32>} : memref<128x128xf32, #tpu.memory_space<vmem>>, vector<1x16xf32>,
        %get3A_455 = vector.shape_cast %get3A_454 : vector<1x16xf32> to vector<16xf32>
        %mul3A_456 = arith.constant 2 : i32
        %mul3A_457 = arith.muli %mul3A_456, %scan3A_215 : i32
        %add3A_458 = arith.constant 1 : i32
        %add3A_459 = arith.addi %mul3A_457, %add3A_458 : i32
        %get3A_460 = arith.index_cast %add3A_459 : i32 to index
        %get3A_461 = arith.constant 0 : index
        %get3A_462 = tpu.vector_load %arg8[%get3A_460, %get3A_461] {strides = array<i32>} : memref<128x128xf32, #tpu.memory_space<vmem>>, vector<1x16xf32>,
        %get3A_463 = vector.shape_cast %get3A_462 : vector<1x16xf32> to vector<16xf32>
        %add3A_464 = arith.addf %get3A_455, %get3A_463 : vector<16xf32>
        %max3A_465 = arith.constant 0.000000e+00 : f32
        %max3A_466 = vector.broadcast %max3A_465 : f32 to vector<16xf32>
        %max3A_467 = arith.maximumf %add3A_464, %max3A_466 : vector<16xf32>
        %mul3A_468 = arith.constant 2 : i32
        %mul3A_469 = arith.muli %mul3A_468, %scan3A_215 : i32
        %add3A_470 = arith.constant 1 : i32
        %add3A_471 = arith.addi %mul3A_469, %add3A_470 : i32
        %swap3A_472 = arith.index_cast %add3A_471 : i32 to index
        %swap3A_473 = arith.constant 0 : index
        %swap3A_474 = tpu.vector_load %arg10[%swap3A_472, %swap3A_473] {strides = array<i32>} : memref<128x128xf32, #tpu.memory_space<vmem>>, vector<1x16xf32>,
        %swap3A_475 = vector.shape_cast %swap3A_474 : vector<1x16xf32> to vector<16xf32>
        %swap3A_476 = vector.shape_cast %max3A_467 : vector<16xf32> to vector<1x16xf32>
        tpu.vector_store %arg10[%swap3A_472, %swap3A_473], %swap3A_476 {strides = array<i32>} : memref<128x128xf32, #tpu.memory_space<vmem>>, vector<1x16xf32>,
        %mul3A_477 = arith.constant 2 : i32
        %mul3A_478 = arith.muli %mul3A_477, %scan3A_215 : i32
        %add3A_479 = arith.constant 1 : i32
        %add3A_480 = arith.addi %mul3A_478, %add3A_479 : i32
        %get3A_481 = arith.index_cast %add3A_480 : i32 to index
        %get3A_482 = arith.constant 16 : index
        %get3A_483 = tpu.vector_load %arg9[%get3A_481, %get3A_482] {strides = array<i32>} : memref<128x128xf32, #tpu.memory_space<vmem>>, vector<1x16xf32>,
        %get3A_484 = vector.shape_cast %get3A_483 : vector<1x16xf32> to vector<16xf32>
        %mul3A_485 = arith.constant 2 : i32
        %mul3A_486 = arith.muli %mul3A_485, %scan3A_215 : i32
        %add3A_487 = arith.constant 1 : i32
        %add3A_488 = arith.addi %mul3A_486, %add3A_487 : i32
        %get3A_489 = arith.index_cast %add3A_488 : i32 to index
        %get3A_490 = arith.constant 16 : index
        %get3A_491 = tpu.vector_load %arg8[%get3A_489, %get3A_490] {strides = array<i32>} : memref<128x128xf32, #tpu.memory_space<vmem>>, vector<1x16xf32>,
        %get3A_492 = vector.shape_cast %get3A_491 : vector<1x16xf32> to vector<16xf32>
        %add3A_493 = arith.addf %get3A_484, %get3A_492 : vector<16xf32>
        %max3A_494 = arith.constant 0.000000e+00 : f32
        %max3A_495 = vector.broadcast %max3A_494 : f32 to vector<16xf32>
        %max3A_496 = arith.maximumf %add3A_493, %max3A_495 : vector<16xf32>
        %mul3A_497 = arith.constant 2 : i32
        %mul3A_498 = arith.muli %mul3A_497, %scan3A_215 : i32
        %add3A_499 = arith.constant 1 : i32
        %add3A_500 = arith.addi %mul3A_498, %add3A_499 : i32
        %swap3A_501 = arith.index_cast %add3A_500 : i32 to index
        %swap3A_502 = arith.constant 16 : index
        %swap3A_503 = tpu.vector_load %arg10[%swap3A_501, %swap3A_502] {strides = array<i32>} : memref<128x128xf32, #tpu.memory_space<vmem>>, vector<1x16xf32>,
        %swap3A_504 = vector.shape_cast %swap3A_503 : vector<1x16xf32> to vector<16xf32>
        %swap3A_505 = vector.shape_cast %max3A_496 : vector<16xf32> to vector<1x16xf32>
        tpu.vector_store %arg10[%swap3A_501, %swap3A_502], %swap3A_505 {strides = array<i32>} : memref<128x128xf32, #tpu.memory_space<vmem>>, vector<1x16xf32>,
        %mul3A_506 = arith.constant 2 : i32
        %mul3A_507 = arith.muli %mul3A_506, %scan3A_215 : i32
        %add3A_508 = arith.constant 1 : i32
        %add3A_509 = arith.addi %mul3A_507, %add3A_508 : i32
        %get3A_510 = arith.index_cast %add3A_509 : i32 to index
        %get3A_511 = arith.constant 32 : index
        %get3A_512 = tpu.vector_load %arg9[%get3A_510, %get3A_511] {strides = array<i32>} : memref<128x128xf32, #tpu.memory_space<vmem>>, vector<1x16xf32>,
        %get3A_513 = vector.shape_cast %get3A_512 : vector<1x16xf32> to vector<16xf32>
        %mul3A_514 = arith.constant 2 : i32
        %mul3A_515 = arith.muli %mul3A_514, %scan3A_215 : i32
        %add3A_516 = arith.constant 1 : i32
        %add3A_517 = arith.addi %mul3A_515, %add3A_516 : i32
        %get3A_518 = arith.index_cast %add3A_517 : i32 to index
        %get3A_519 = arith.constant 32 : index
        %get3A_520 = tpu.vector_load %arg8[%get3A_518, %get3A_519] {strides = array<i32>} : memref<128x128xf32, #tpu.memory_space<vmem>>, vector<1x16xf32>,
        %get3A_521 = vector.shape_cast %get3A_520 : vector<1x16xf32> to vector<16xf32>
        %add3A_522 = arith.addf %get3A_513, %get3A_521 : vector<16xf32>
        %max3A_523 = arith.constant 0.000000e+00 : f32
        %max3A_524 = vector.broadcast %max3A_523 : f32 to vector<16xf32>
        %max3A_525 = arith.maximumf %add3A_522, %max3A_524 : vector<16xf32>
        %mul3A_526 = arith.constant 2 : i32
        %mul3A_527 = arith.muli %mul3A_526, %scan3A_215 : i32
        %add3A_528 = arith.constant 1 : i32
        %add3A_529 = arith.addi %mul3A_527, %add3A_528 : i32
        %swap3A_530 = arith.index_cast %add3A_529 : i32 to index
        %swap3A_531 = arith.constant 32 : index
        %swap3A_532 = tpu.vector_load %arg10[%swap3A_530, %swap3A_531] {strides = array<i32>} : memref<128x128xf32, #tpu.memory_space<vmem>>, vector<1x16xf32>,
        %swap3A_533 = vector.shape_cast %swap3A_532 : vector<1x16xf32> to vector<16xf32>
        %swap3A_534 = vector.shape_cast %max3A_525 : vector<16xf32> to vector<1x16xf32>
        tpu.vector_store %arg10[%swap3A_530, %swap3A_531], %swap3A_534 {strides = array<i32>} : memref<128x128xf32, #tpu.memory_space<vmem>>, vector<1x16xf32>,
        %mul3A_535 = arith.constant 2 : i32
        %mul3A_536 = arith.muli %mul3A_535, %scan3A_215 : i32
        %add3A_537 = arith.constant 1 : i32
        %add3A_538 = arith.addi %mul3A_536, %add3A_537 : i32
        %get3A_539 = arith.index_cast %add3A_538 : i32 to index
        %get3A_540 = arith.constant 48 : index
        %get3A_541 = tpu.vector_load %arg9[%get3A_539, %get3A_540] {strides = array<i32>} : memref<128x128xf32, #tpu.memory_space<vmem>>, vector<1x16xf32>,
        %get3A_542 = vector.shape_cast %get3A_541 : vector<1x16xf32> to vector<16xf32>
        %mul3A_543 = arith.constant 2 : i32
        %mul3A_544 = arith.muli %mul3A_543, %scan3A_215 : i32
        %add3A_545 = arith.constant 1 : i32
        %add3A_546 = arith.addi %mul3A_544, %add3A_545 : i32
        %get3A_547 = arith.index_cast %add3A_546 : i32 to index
        %get3A_548 = arith.constant 48 : index
        %get3A_549 = tpu.vector_load %arg8[%get3A_547, %get3A_548] {strides = array<i32>} : memref<128x128xf32, #tpu.memory_space<vmem>>, vector<1x16xf32>,
        %get3A_550 = vector.shape_cast %get3A_549 : vector<1x16xf32> to vector<16xf32>
        %add3A_551 = arith.addf %get3A_542, %get3A_550 : vector<16xf32>
        %max3A_552 = arith.constant 0.000000e+00 : f32
        %max3A_553 = vector.broadcast %max3A_552 : f32 to vector<16xf32>
        %max3A_554 = arith.maximumf %add3A_551, %max3A_553 : vector<16xf32>
        %mul3A_555 = arith.constant 2 : i32
        %mul3A_556 = arith.muli %mul3A_555, %scan3A_215 : i32
        %add3A_557 = arith.constant 1 : i32
        %add3A_558 = arith.addi %mul3A_556, %add3A_557 : i32
        %swap3A_559 = arith.index_cast %add3A_558 : i32 to index
        %swap3A_560 = arith.constant 48 : index
        %swap3A_561 = tpu.vector_load %arg10[%swap3A_559, %swap3A_560] {strides = array<i32>} : memref<128x128xf32, #tpu.memory_space<vmem>>, vector<1x16xf32>,
        %swap3A_562 = vector.shape_cast %swap3A_561 : vector<1x16xf32> to vector<16xf32>
        %swap3A_563 = vector.shape_cast %max3A_554 : vector<16xf32> to vector<1x16xf32>
        tpu.vector_store %arg10[%swap3A_559, %swap3A_560], %swap3A_563 {strides = array<i32>} : memref<128x128xf32, #tpu.memory_space<vmem>>, vector<1x16xf32>,
        %mul3A_564 = arith.constant 2 : i32
        %mul3A_565 = arith.muli %mul3A_564, %scan3A_215 : i32
        %add3A_566 = arith.constant 1 : i32
        %add3A_567 = arith.addi %mul3A_565, %add3A_566 : i32
        %get3A_568 = arith.index_cast %add3A_567 : i32 to index
        %get3A_569 = arith.constant 64 : index
        %get3A_570 = tpu.vector_load %arg9[%get3A_568, %get3A_569] {strides = array<i32>} : memref<128x128xf32, #tpu.memory_space<vmem>>, vector<1x16xf32>,
        %get3A_571 = vector.shape_cast %get3A_570 : vector<1x16xf32> to vector<16xf32>
        %mul3A_572 = arith.constant 2 : i32
        %mul3A_573 = arith.muli %mul3A_572, %scan3A_215 : i32
        %add3A_574 = arith.constant 1 : i32
        %add3A_575 = arith.addi %mul3A_573, %add3A_574 : i32
        %get3A_576 = arith.index_cast %add3A_575 : i32 to index
        %get3A_577 = arith.constant 64 : index
        %get3A_578 = tpu.vector_load %arg8[%get3A_576, %get3A_577] {strides = array<i32>} : memref<128x128xf32, #tpu.memory_space<vmem>>, vector<1x16xf32>,
        %get3A_579 = vector.shape_cast %get3A_578 : vector<1x16xf32> to vector<16xf32>
        %add3A_580 = arith.addf %get3A_571, %get3A_579 : vector<16xf32>
        %max3A_581 = arith.constant 0.000000e+00 : f32
        %max3A_582 = vector.broadcast %max3A_581 : f32 to vector<16xf32>
        %max3A_583 = arith.maximumf %add3A_580, %max3A_582 : vector<16xf32>
        %mul3A_584 = arith.constant 2 : i32
        %mul3A_585 = arith.muli %mul3A_584, %scan3A_215 : i32
        %add3A_586 = arith.constant 1 : i32
        %add3A_587 = arith.addi %mul3A_585, %add3A_586 : i32
        %swap3A_588 = arith.index_cast %add3A_587 : i32 to index
        %swap3A_589 = arith.constant 64 : index
        %swap3A_590 = tpu.vector_load %arg10[%swap3A_588, %swap3A_589] {strides = array<i32>} : memref<128x128xf32, #tpu.memory_space<vmem>>, vector<1x16xf32>,
        %swap3A_591 = vector.shape_cast %swap3A_590 : vector<1x16xf32> to vector<16xf32>
        %swap3A_592 = vector.shape_cast %max3A_583 : vector<16xf32> to vector<1x16xf32>
        tpu.vector_store %arg10[%swap3A_588, %swap3A_589], %swap3A_592 {strides = array<i32>} : memref<128x128xf32, #tpu.memory_space<vmem>>, vector<1x16xf32>,
        %mul3A_593 = arith.constant 2 : i32
        %mul3A_594 = arith.muli %mul3A_593, %scan3A_215 : i32
        %add3A_595 = arith.constant 1 : i32
        %add3A_596 = arith.addi %mul3A_594, %add3A_595 : i32
        %get3A_597 = arith.index_cast %add3A_596 : i32 to index
        %get3A_598 = arith.constant 80 : index
        %get3A_599 = tpu.vector_load %arg9[%get3A_597, %get3A_598] {strides = array<i32>} : memref<128x128xf32, #tpu.memory_space<vmem>>, vector<1x16xf32>,
        %get3A_600 = vector.shape_cast %get3A_599 : vector<1x16xf32> to vector<16xf32>
        %mul3A_601 = arith.constant 2 : i32
        %mul3A_602 = arith.muli %mul3A_601, %scan3A_215 : i32
        %add3A_603 = arith.constant 1 : i32
        %add3A_604 = arith.addi %mul3A_602, %add3A_603 : i32
        %get3A_605 = arith.index_cast %add3A_604 : i32 to index
        %get3A_606 = arith.constant 80 : index
        %get3A_607 = tpu.vector_load %arg8[%get3A_605, %get3A_606] {strides = array<i32>} : memref<128x128xf32, #tpu.memory_space<vmem>>, vector<1x16xf32>,
        %get3A_608 = vector.shape_cast %get3A_607 : vector<1x16xf32> to vector<16xf32>
        %add3A_609 = arith.addf %get3A_600, %get3A_608 : vector<16xf32>
        %max3A_610 = arith.constant 0.000000e+00 : f32
        %max3A_611 = vector.broadcast %max3A_610 : f32 to vector<16xf32>
        %max3A_612 = arith.maximumf %add3A_609, %max3A_611 : vector<16xf32>
        %mul3A_613 = arith.constant 2 : i32
        %mul3A_614 = arith.muli %mul3A_613, %scan3A_215 : i32
        %add3A_615 = arith.constant 1 : i32
        %add3A_616 = arith.addi %mul3A_614, %add3A_615 : i32
        %swap3A_617 = arith.index_cast %add3A_616 : i32 to index
        %swap3A_618 = arith.constant 80 : index
        %swap3A_619 = tpu.vector_load %arg10[%swap3A_617, %swap3A_618] {strides = array<i32>} : memref<128x128xf32, #tpu.memory_space<vmem>>, vector<1x16xf32>,
        %swap3A_620 = vector.shape_cast %swap3A_619 : vector<1x16xf32> to vector<16xf32>
        %swap3A_621 = vector.shape_cast %max3A_612 : vector<16xf32> to vector<1x16xf32>
        tpu.vector_store %arg10[%swap3A_617, %swap3A_618], %swap3A_621 {strides = array<i32>} : memref<128x128xf32, #tpu.memory_space<vmem>>, vector<1x16xf32>,
        %mul3A_622 = arith.constant 2 : i32
        %mul3A_623 = arith.muli %mul3A_622, %scan3A_215 : i32
        %add3A_624 = arith.constant 1 : i32
        %add3A_625 = arith.addi %mul3A_623, %add3A_624 : i32
        %get3A_626 = arith.index_cast %add3A_625 : i32 to index
        %get3A_627 = arith.constant 96 : index
        %get3A_628 = tpu.vector_load %arg9[%get3A_626, %get3A_627] {strides = array<i32>} : memref<128x128xf32, #tpu.memory_space<vmem>>, vector<1x16xf32>,
        %get3A_629 = vector.shape_cast %get3A_628 : vector<1x16xf32> to vector<16xf32>
        %mul3A_630 = arith.constant 2 : i32
        %mul3A_631 = arith.muli %mul3A_630, %scan3A_215 : i32
        %add3A_632 = arith.constant 1 : i32
        %add3A_633 = arith.addi %mul3A_631, %add3A_632 : i32
        %get3A_634 = arith.index_cast %add3A_633 : i32 to index
        %get3A_635 = arith.constant 96 : index
        %get3A_636 = tpu.vector_load %arg8[%get3A_634, %get3A_635] {strides = array<i32>} : memref<128x128xf32, #tpu.memory_space<vmem>>, vector<1x16xf32>,
        %get3A_637 = vector.shape_cast %get3A_636 : vector<1x16xf32> to vector<16xf32>
        %add3A_638 = arith.addf %get3A_629, %get3A_637 : vector<16xf32>
        %max3A_639 = arith.constant 0.000000e+00 : f32
        %max3A_640 = vector.broadcast %max3A_639 : f32 to vector<16xf32>
        %max3A_641 = arith.maximumf %add3A_638, %max3A_640 : vector<16xf32>
        %mul3A_642 = arith.constant 2 : i32
        %mul3A_643 = arith.muli %mul3A_642, %scan3A_215 : i32
        %add3A_644 = arith.constant 1 : i32
        %add3A_645 = arith.addi %mul3A_643, %add3A_644 : i32
        %swap3A_646 = arith.index_cast %add3A_645 : i32 to index
        %swap3A_647 = arith.constant 96 : index
        %swap3A_648 = tpu.vector_load %arg10[%swap3A_646, %swap3A_647] {strides = array<i32>} : memref<128x128xf32, #tpu.memory_space<vmem>>, vector<1x16xf32>,
        %swap3A_649 = vector.shape_cast %swap3A_648 : vector<1x16xf32> to vector<16xf32>
        %swap3A_650 = vector.shape_cast %max3A_641 : vector<16xf32> to vector<1x16xf32>
        tpu.vector_store %arg10[%swap3A_646, %swap3A_647], %swap3A_650 {strides = array<i32>} : memref<128x128xf32, #tpu.memory_space<vmem>>, vector<1x16xf32>,
        %mul3A_651 = arith.constant 2 : i32
        %mul3A_652 = arith.muli %mul3A_651, %scan3A_215 : i32
        %add3A_653 = arith.constant 1 : i32
        %add3A_654 = arith.addi %mul3A_652, %add3A_653 : i32
        %get3A_655 = arith.index_cast %add3A_654 : i32 to index
        %get3A_656 = arith.constant 112 : index
        %get3A_657 = tpu.vector_load %arg9[%get3A_655, %get3A_656] {strides = array<i32>} : memref<128x128xf32, #tpu.memory_space<vmem>>, vector<1x16xf32>,
        %get3A_658 = vector.shape_cast %get3A_657 : vector<1x16xf32> to vector<16xf32>
        %mul3A_659 = arith.constant 2 : i32
        %mul3A_660 = arith.muli %mul3A_659, %scan3A_215 : i32
        %add3A_661 = arith.constant 1 : i32
        %add3A_662 = arith.addi %mul3A_660, %add3A_661 : i32
        %get3A_663 = arith.index_cast %add3A_662 : i32 to index
        %get3A_664 = arith.constant 112 : index
        %get3A_665 = tpu.vector_load %arg8[%get3A_663, %get3A_664] {strides = array<i32>} : memref<128x128xf32, #tpu.memory_space<vmem>>, vector<1x16xf32>,
        %get3A_666 = vector.shape_cast %get3A_665 : vector<1x16xf32> to vector<16xf32>
        %add3A_667 = arith.addf %get3A_658, %get3A_666 : vector<16xf32>
        %max3A_668 = arith.constant 0.000000e+00 : f32
        %max3A_669 = vector.broadcast %max3A_668 : f32 to vector<16xf32>
        %max3A_670 = arith.maximumf %add3A_667, %max3A_669 : vector<16xf32>
        %mul3A_671 = arith.constant 2 : i32
        %mul3A_672 = arith.muli %mul3A_671, %scan3A_215 : i32
        %add3A_673 = arith.constant 1 : i32
        %add3A_674 = arith.addi %mul3A_672, %add3A_673 : i32
        %swap3A_675 = arith.index_cast %add3A_674 : i32 to index
        %swap3A_676 = arith.constant 112 : index
        %swap3A_677 = tpu.vector_load %arg10[%swap3A_675, %swap3A_676] {strides = array<i32>} : memref<128x128xf32, #tpu.memory_space<vmem>>, vector<1x16xf32>,
        %swap3A_678 = vector.shape_cast %swap3A_677 : vector<1x16xf32> to vector<16xf32>
        %swap3A_679 = vector.shape_cast %max3A_670 : vector<16xf32> to vector<1x16xf32>
        tpu.vector_store %arg10[%swap3A_675, %swap3A_676], %swap3A_679 {strides = array<i32>} : memref<128x128xf32, #tpu.memory_space<vmem>>, vector<1x16xf32>,
        %scan3A_680 = arith.constant 0 : i32
        scf.yield %scan3A_680 : i32
      }
      %scan3A_206 = arith.constant 64 : i32
      %dma_start3A_207 = arith.constant 0 : i32
      %dma_start3A_208 = arith.constant 0 : i32
      %dma_start3A_209 = tpu.memref_slice %arg7[%dma_start3A_207, %dma_start3A_208] : memref<1x128xi32, #tpu.memory_space<vmem>> -> memref<1x128xi32, #tpu.memory_space<vmem>>
      %dma_start3A_210 = tpu.memref_squeeze %dma_start3A_209 : memref<1x128xi32, #tpu.memory_space<vmem>> -> memref<128xi32, #tpu.memory_space<vmem>>
      %dma_start3A_211 = arith.constant 0 : i32
      %dma_start3A_212 = arith.constant 0 : i32
      %dma_start3A_213 = tpu.memref_slice %arg11[%dma_start3A_211, %dma_start3A_212] : memref<10000x128xf32, #tpu.memory_space<vmem_shared>> -> memref<10000x128xf32, #tpu.memory_space<vmem_shared>>
      tpu.enqueue_indirect_dma source(%arg10 : memref<128x128xf32, #tpu.memory_space<vmem>>) target(%dma_start3A_213 : memref<10000x128xf32, #tpu.memory_space<vmem_shared>>) offsets(%dma_start3A_210 : memref<128xi32, #tpu.memory_space<vmem>>) semaphore(%arg14 : memref<!tpu.dma_semaphore, #tpu.memory_space<semaphore_mem>>) {add = true}
      %while3A_214 = arith.constant 0 : i32
      scf.yield %while3A_214 : i32
    }
    %dma_wait3A = arith.constant 0 : i32
    %dma_wait3A_46 = arith.constant 0 : i32
    %dma_wait3A_47 = tpu.memref_slice %arg7[%dma_wait3A, %dma_wait3A_46] : memref<1x128xi32, #tpu.memory_space<vmem>> -> memref<1x128xi32, #tpu.memory_space<vmem>>
    %dma_wait3A_48 = tpu.memref_squeeze %dma_wait3A_47 : memref<1x128xi32, #tpu.memory_space<vmem>> -> memref<128xi32, #tpu.memory_space<vmem>>
    %dma_wait3A_49 = arith.constant 0 : i32
    %dma_wait3A_50 = arith.constant 0 : i32
    %dma_wait3A_51 = tpu.memref_slice %arg11[%dma_wait3A_49, %dma_wait3A_50] : memref<10000x128xf32, #tpu.memory_space<vmem_shared>> -> memref<10000x128xf32, #tpu.memory_space<vmem_shared>>
    tpu.wait_indirect_dma semaphore(%arg14 : memref<!tpu.dma_semaphore, #tpu.memory_space<semaphore_mem>>) src(%arg10 : memref<128x128xf32, #tpu.memory_space<vmem>>) dst(%dma_wait3A_51 : memref<10000x128xf32, #tpu.memory_space<vmem_shared>>)
    %barrier3A_52 = arith.constant 0 : index
    tpu.barrier barrier_id(%barrier3A_52)
    %mul3A_53 = arith.constant 624 : i32
    %mul3A_54 = arith.muli %arg1, %mul3A_53 : i32
    %mul3A_55 = arith.constant 624 : i32
    %mul3A_56 = arith.muli %arg1, %mul3A_55 : i32
    "tpu.region"() ({
      %run_scoped3A = tpu.sem_alloc : memref<!tpu.dma_semaphore, #tpu.memory_space<semaphore_mem>>
      %dma_start3A = arith.constant 0 : i32
      %dma_start3A_60 = tpu.memref_slice %arg5[%arg0, %mul3A_56, %dma_start3A] : memref<2x10000x128xf32, #tpu.memory_space<hbm>> -> memref<1x624x128xf32, #tpu.memory_space<hbm>>
      %dma_start3A_61 = tpu.memref_squeeze %dma_start3A_60 : memref<1x624x128xf32, #tpu.memory_space<hbm>> -> memref<624x128xf32, #tpu.memory_space<hbm>>
      %dma_start3A_62 = arith.constant 0 : i32
      %dma_start3A_63 = tpu.memref_slice %arg11[%mul3A_54, %dma_start3A_62] : memref<10000x128xf32, #tpu.memory_space<vmem_shared>> -> memref<624x128xf32, #tpu.memory_space<vmem_shared>>
      tpu.enqueue_dma source(%dma_start3A_63 : memref<624x128xf32, #tpu.memory_space<vmem_shared>>) target(%dma_start3A_61 : memref<624x128xf32, #tpu.memory_space<hbm>>) target_semaphore(%run_scoped3A : memref<!tpu.dma_semaphore, #tpu.memory_space<semaphore_mem>>)
      %dma_wait3A_64 = arith.constant 0 : i32
      %dma_wait3A_65 = tpu.memref_slice %arg5[%arg0, %mul3A_56, %dma_wait3A_64] : memref<2x10000x128xf32, #tpu.memory_space<hbm>> -> memref<1x624x128xf32, #tpu.memory_space<hbm>>
      %dma_wait3A_66 = tpu.memref_squeeze %dma_wait3A_65 : memref<1x624x128xf32, #tpu.memory_space<hbm>> -> memref<624x128xf32, #tpu.memory_space<hbm>>
      %dma_wait3A_67 = arith.constant 0 : i32
      %dma_wait3A_68 = tpu.memref_slice %arg11[%mul3A_54, %dma_wait3A_67] : memref<10000x128xf32, #tpu.memory_space<vmem_shared>> -> memref<624x128xf32, #tpu.memory_space<vmem_shared>>
      tpu.wait_dma2 semaphore(%run_scoped3A : memref<!tpu.dma_semaphore, #tpu.memory_space<semaphore_mem>>) src(%dma_wait3A_68 : memref<624x128xf32, #tpu.memory_space<vmem_shared>>) dst(%dma_wait3A_66 : memref<624x128xf32, #tpu.memory_space<hbm>>)
      tpu.yield
    }) : () -> ()
    %eq3A = arith.constant 15 : i32
    %eq3A_57 = arith.cmpi eq, %arg1, %eq3A : i32
    %convert_element_type3A_58 = arith.extui %eq3A_57 : i1 to i32
    %cond3A = arith.constant 0 : i32
    %cond3A_59 = arith.cmpi ne, %convert_element_type3A_58, %cond3A : i32
    scf.if %cond3A_59 {
      "tpu.region"() ({
        %run_scoped3A = tpu.sem_alloc : memref<!tpu.dma_semaphore, #tpu.memory_space<semaphore_mem>>
        %dma_start3A = arith.constant 9984 : i32
        %dma_start3A_60 = arith.constant 0 : i32
        %dma_start3A_61 = tpu.memref_slice %arg5[%arg0, %dma_start3A, %dma_start3A_60] : memref<2x10000x128xf32, #tpu.memory_space<hbm>> -> memref<1x16x128xf32, #tpu.memory_space<hbm>>
        %dma_start3A_62 = tpu.memref_squeeze %dma_start3A_61 : memref<1x16x128xf32, #tpu.memory_space<hbm>> -> memref<16x128xf32, #tpu.memory_space<hbm>>
        %dma_start3A_63 = arith.constant 9984 : i32
        %dma_start3A_64 = arith.constant 0 : i32
        %dma_start3A_65 = tpu.memref_slice %arg11[%dma_start3A_63, %dma_start3A_64] : memref<10000x128xf32, #tpu.memory_space<vmem_shared>> -> memref<16x128xf32, #tpu.memory_space<vmem_shared>>
        tpu.enqueue_dma source(%dma_start3A_65 : memref<16x128xf32, #tpu.memory_space<vmem_shared>>) target(%dma_start3A_62 : memref<16x128xf32, #tpu.memory_space<hbm>>) target_semaphore(%run_scoped3A : memref<!tpu.dma_semaphore, #tpu.memory_space<semaphore_mem>>)
        %dma_wait3A_66 = arith.constant 9984 : i32
        %dma_wait3A_67 = arith.constant 0 : i32
        %dma_wait3A_68 = tpu.memref_slice %arg5[%arg0, %dma_wait3A_66, %dma_wait3A_67] : memref<2x10000x128xf32, #tpu.memory_space<hbm>> -> memref<1x16x128xf32, #tpu.memory_space<hbm>>
        %dma_wait3A_69 = tpu.memref_squeeze %dma_wait3A_68 : memref<1x16x128xf32, #tpu.memory_space<hbm>> -> memref<16x128xf32, #tpu.memory_space<hbm>>
        %dma_wait3A_70 = arith.constant 9984 : i32
        %dma_wait3A_71 = arith.constant 0 : i32
        %dma_wait3A_72 = tpu.memref_slice %arg11[%dma_wait3A_70, %dma_wait3A_71] : memref<10000x128xf32, #tpu.memory_space<vmem_shared>> -> memref<16x128xf32, #tpu.memory_space<vmem_shared>>
        tpu.wait_dma2 semaphore(%run_scoped3A : memref<!tpu.dma_semaphore, #tpu.memory_space<semaphore_mem>>) src(%dma_wait3A_72 : memref<16x128xf32, #tpu.memory_space<vmem_shared>>) dst(%dma_wait3A_69 : memref<16x128xf32, #tpu.memory_space<hbm>>)
        tpu.yield
      }) : () -> ()
    } else {
    }
    return
  }
}

#map = affine_map<(d0, d1) -> (0, 0)>
#map1 = affine_map<(d0, d1) -> (0, 0, 0, 0)>
#map2 = affine_map<(d0, d1) -> (0, 0, 0)>
module attributes {stable_mosaic.version = 14 : i64} {
  func.func @k(%arg0: i32, %arg1: i32, %arg2: memref<10000x128xf32, #tpu.memory_space<hbm>>, %arg3: memref<960000x128xf32, #tpu.memory_space<hbm>>, %arg4: memref<2500x2x1x128xi32, #tpu.memory_space<hbm>>, %arg5: memref<2x10000x128xf32, #tpu.memory_space<hbm>>, %arg6: memref<2x1x128xi32, #tpu.memory_space<vmem>>, %arg7: memref<1x128xi32, #tpu.memory_space<vmem>>, %arg8: memref<128x128xf32, #tpu.memory_space<vmem>>, %arg9: memref<128x128xf32, #tpu.memory_space<vmem>>, %arg10: memref<128x128xf32, #tpu.memory_space<vmem>>, %arg11: memref<10000x128xf32, #tpu.memory_space<vmem_shared>>, %arg12: memref<!tpu.dma_semaphore, #tpu.memory_space<semaphore_mem>>, %arg13: memref<!tpu.dma_semaphore, #tpu.memory_space<semaphore_mem>>, %arg14: memref<!tpu.dma_semaphore, #tpu.memory_space<semaphore_mem>>) attributes {dimension_semantics = [#tpu.dimension_semantics<core_parallel>, #tpu.dimension_semantics<subcore_parallel>], iteration_bounds = array<i64: 2, 16>, scalar_prefetch = 0 : i64, scratch_operands = 9 : i64, tpu.core_type = #tpu.core_type<sc_vector_subcore>, window_params = [{transform_indices = #map}, {transform_indices = #map}, {transform_indices = #map1}, {transform_indices = #map2}]} {
    %broadcast_in_dim3A = arith.constant 0.000000e+00 : f32
    %broadcast_in_dim3A_0 = vector.broadcast %broadcast_in_dim3A : f32 to vector<16xf32>
    %scan3A = arith.constant 0 : i32
    %scan3A_1 = arith.constant 0 : i32
    %scan3A_2 = arith.constant 128 : i32
    %scan3A_3 = arith.addi %scan3A_1, %scan3A_2 : i32
    %scan3A_4 = arith.constant 1 : i32
    %scan3A_5 = scf.for %scan3A_60 = %scan3A_1 to %scan3A_3 step %scan3A_4 iter_args(%scan3A_61 = %scan3A) -> (i32)  : i32 {
      %swap3A = arith.index_cast %scan3A_60 : i32 to index
      %swap3A_62 = arith.constant 0 : index
      %swap3A_63 = tpu.vector_load %arg10[%swap3A, %swap3A_62] {strides = array<i32>} : memref<128x128xf32, #tpu.memory_space<vmem>>, vector<1x16xf32>,
      %swap3A_64 = vector.shape_cast %swap3A_63 : vector<1x16xf32> to vector<16xf32>
      %swap3A_65 = vector.shape_cast %broadcast_in_dim3A_0 : vector<16xf32> to vector<1x16xf32>
      tpu.vector_store %arg10[%swap3A, %swap3A_62], %swap3A_65 {strides = array<i32>} : memref<128x128xf32, #tpu.memory_space<vmem>>, vector<1x16xf32>,
      %swap3A_66 = arith.index_cast %scan3A_60 : i32 to index
      %swap3A_67 = arith.constant 16 : index
      %swap3A_68 = tpu.vector_load %arg10[%swap3A_66, %swap3A_67] {strides = array<i32>} : memref<128x128xf32, #tpu.memory_space<vmem>>, vector<1x16xf32>,
      %swap3A_69 = vector.shape_cast %swap3A_68 : vector<1x16xf32> to vector<16xf32>
      %swap3A_70 = vector.shape_cast %broadcast_in_dim3A_0 : vector<16xf32> to vector<1x16xf32>
      tpu.vector_store %arg10[%swap3A_66, %swap3A_67], %swap3A_70 {strides = array<i32>} : memref<128x128xf32, #tpu.memory_space<vmem>>, vector<1x16xf32>,
      %swap3A_71 = arith.index_cast %scan3A_60 : i32 to index
      %swap3A_72 = arith.constant 32 : index
      %swap3A_73 = tpu.vector_load %arg10[%swap3A_71, %swap3A_72] {strides = array<i32>} : memref<128x128xf32, #tpu.memory_space<vmem>>, vector<1x16xf32>,
      %swap3A_74 = vector.shape_cast %swap3A_73 : vector<1x16xf32> to vector<16xf32>
      %swap3A_75 = vector.shape_cast %broadcast_in_dim3A_0 : vector<16xf32> to vector<1x16xf32>
      tpu.vector_store %arg10[%swap3A_71, %swap3A_72], %swap3A_75 {strides = array<i32>} : memref<128x128xf32, #tpu.memory_space<vmem>>, vector<1x16xf32>,
      %swap3A_76 = arith.index_cast %scan3A_60 : i32 to index
      %swap3A_77 = arith.constant 48 : index
      %swap3A_78 = tpu.vector_load %arg10[%swap3A_76, %swap3A_77] {strides = array<i32>} : memref<128x128xf32, #tpu.memory_space<vmem>>, vector<1x16xf32>,
      %swap3A_79 = vector.shape_cast %swap3A_78 : vector<1x16xf32> to vector<16xf32>
      %swap3A_80 = vector.shape_cast %broadcast_in_dim3A_0 : vector<16xf32> to vector<1x16xf32>
      tpu.vector_store %arg10[%swap3A_76, %swap3A_77], %swap3A_80 {strides = array<i32>} : memref<128x128xf32, #tpu.memory_space<vmem>>, vector<1x16xf32>,
      %swap3A_81 = arith.index_cast %scan3A_60 : i32 to index
      %swap3A_82 = arith.constant 64 : index
      %swap3A_83 = tpu.vector_load %arg10[%swap3A_81, %swap3A_82] {strides = array<i32>} : memref<128x128xf32, #tpu.memory_space<vmem>>, vector<1x16xf32>,
      %swap3A_84 = vector.shape_cast %swap3A_83 : vector<1x16xf32> to vector<16xf32>
      %swap3A_85 = vector.shape_cast %broadcast_in_dim3A_0 : vector<16xf32> to vector<1x16xf32>
      tpu.vector_store %arg10[%swap3A_81, %swap3A_82], %swap3A_85 {strides = array<i32>} : memref<128x128xf32, #tpu.memory_space<vmem>>, vector<1x16xf32>,
      %swap3A_86 = arith.index_cast %scan3A_60 : i32 to index
      %swap3A_87 = arith.constant 80 : index
      %swap3A_88 = tpu.vector_load %arg10[%swap3A_86, %swap3A_87] {strides = array<i32>} : memref<128x128xf32, #tpu.memory_space<vmem>>, vector<1x16xf32>,
      %swap3A_89 = vector.shape_cast %swap3A_88 : vector<1x16xf32> to vector<16xf32>
      %swap3A_90 = vector.shape_cast %broadcast_in_dim3A_0 : vector<16xf32> to vector<1x16xf32>
      tpu.vector_store %arg10[%swap3A_86, %swap3A_87], %swap3A_90 {strides = array<i32>} : memref<128x128xf32, #tpu.memory_space<vmem>>, vector<1x16xf32>,
      %swap3A_91 = arith.index_cast %scan3A_60 : i32 to index
      %swap3A_92 = arith.constant 96 : index
      %swap3A_93 = tpu.vector_load %arg10[%swap3A_91, %swap3A_92] {strides = array<i32>} : memref<128x128xf32, #tpu.memory_space<vmem>>, vector<1x16xf32>,
      %swap3A_94 = vector.shape_cast %swap3A_93 : vector<1x16xf32> to vector<16xf32>
      %swap3A_95 = vector.shape_cast %broadcast_in_dim3A_0 : vector<16xf32> to vector<1x16xf32>
      tpu.vector_store %arg10[%swap3A_91, %swap3A_92], %swap3A_95 {strides = array<i32>} : memref<128x128xf32, #tpu.memory_space<vmem>>, vector<1x16xf32>,
      %swap3A_96 = arith.index_cast %scan3A_60 : i32 to index
      %swap3A_97 = arith.constant 112 : index
      %swap3A_98 = tpu.vector_load %arg10[%swap3A_96, %swap3A_97] {strides = array<i32>} : memref<128x128xf32, #tpu.memory_space<vmem>>, vector<1x16xf32>,
      %swap3A_99 = vector.shape_cast %swap3A_98 : vector<1x16xf32> to vector<16xf32>
      %swap3A_100 = vector.shape_cast %broadcast_in_dim3A_0 : vector<16xf32> to vector<1x16xf32>
      tpu.vector_store %arg10[%swap3A_96, %swap3A_97], %swap3A_100 {strides = array<i32>} : memref<128x128xf32, #tpu.memory_space<vmem>>, vector<1x16xf32>,
      %scan3A_101 = arith.constant 0 : i32
      scf.yield %scan3A_101 : i32
    }
    %scan3A_6 = arith.constant 128 : i32
    %mul3A = arith.constant 625 : i32
    %mul3A_7 = arith.muli %arg1, %mul3A : i32
    %add3A = arith.constant 0 : i32
    %add3A_8 = arith.addi %mul3A_7, %add3A : i32
    "tpu.region"() ({
      %run_scoped3A = tpu.sem_alloc : memref<!tpu.dma_semaphore, #tpu.memory_space<semaphore_mem>>
      %dma_start3A = arith.constant 0 : i32
      %dma_start3A_60 = tpu.memref_slice %arg11[%add3A_8, %dma_start3A] : memref<10000x128xf32, #tpu.memory_space<vmem_shared>> -> memref<128x128xf32, #tpu.memory_space<vmem_shared>>
      %dma_start3A_61 = arith.constant 0 : i32
      %dma_start3A_62 = tpu.memref_slice %arg11[%add3A_8, %dma_start3A_61] : memref<10000x128xf32, #tpu.memory_space<vmem_shared>> -> memref<128x128xf32, #tpu.memory_space<vmem_shared>>
      tpu.enqueue_dma source(%arg10 : memref<128x128xf32, #tpu.memory_space<vmem>>) target(%dma_start3A_62 : memref<128x128xf32, #tpu.memory_space<vmem_shared>>) target_semaphore(%run_scoped3A : memref<!tpu.dma_semaphore, #tpu.memory_space<semaphore_mem>>)
      %dma_wait3A_63 = arith.constant 0 : i32
      %dma_wait3A_64 = tpu.memref_slice %arg11[%add3A_8, %dma_wait3A_63] : memref<10000x128xf32, #tpu.memory_space<vmem_shared>> -> memref<128x128xf32, #tpu.memory_space<vmem_shared>>
      %dma_wait3A_65 = arith.constant 0 : i32
      %dma_wait3A_66 = tpu.memref_slice %arg11[%add3A_8, %dma_wait3A_65] : memref<10000x128xf32, #tpu.memory_space<vmem_shared>> -> memref<128x128xf32, #tpu.memory_space<vmem_shared>>
      tpu.wait_dma2 semaphore(%run_scoped3A : memref<!tpu.dma_semaphore, #tpu.memory_space<semaphore_mem>>) src(%arg10 : memref<128x128xf32, #tpu.memory_space<vmem>>) dst(%dma_wait3A_66 : memref<128x128xf32, #tpu.memory_space<vmem_shared>>)
      tpu.yield
    }) : () -> ()
    %mul3A_9 = arith.constant 625 : i32
    %mul3A_10 = arith.muli %arg1, %mul3A_9 : i32
    %add3A_11 = arith.constant 128 : i32
    %add3A_12 = arith.addi %mul3A_10, %add3A_11 : i32
    "tpu.region"() ({
      %run_scoped3A = tpu.sem_alloc : memref<!tpu.dma_semaphore, #tpu.memory_space<semaphore_mem>>
      %dma_start3A = arith.constant 0 : i32
      %dma_start3A_60 = tpu.memref_slice %arg11[%add3A_12, %dma_start3A] : memref<10000x128xf32, #tpu.memory_space<vmem_shared>> -> memref<128x128xf32, #tpu.memory_space<vmem_shared>>
      %dma_start3A_61 = arith.constant 0 : i32
      %dma_start3A_62 = tpu.memref_slice %arg11[%add3A_12, %dma_start3A_61] : memref<10000x128xf32, #tpu.memory_space<vmem_shared>> -> memref<128x128xf32, #tpu.memory_space<vmem_shared>>
      tpu.enqueue_dma source(%arg10 : memref<128x128xf32, #tpu.memory_space<vmem>>) target(%dma_start3A_62 : memref<128x128xf32, #tpu.memory_space<vmem_shared>>) target_semaphore(%run_scoped3A : memref<!tpu.dma_semaphore, #tpu.memory_space<semaphore_mem>>)
      %dma_wait3A_63 = arith.constant 0 : i32
      %dma_wait3A_64 = tpu.memref_slice %arg11[%add3A_12, %dma_wait3A_63] : memref<10000x128xf32, #tpu.memory_space<vmem_shared>> -> memref<128x128xf32, #tpu.memory_space<vmem_shared>>
      %dma_wait3A_65 = arith.constant 0 : i32
      %dma_wait3A_66 = tpu.memref_slice %arg11[%add3A_12, %dma_wait3A_65] : memref<10000x128xf32, #tpu.memory_space<vmem_shared>> -> memref<128x128xf32, #tpu.memory_space<vmem_shared>>
      tpu.wait_dma2 semaphore(%run_scoped3A : memref<!tpu.dma_semaphore, #tpu.memory_space<semaphore_mem>>) src(%arg10 : memref<128x128xf32, #tpu.memory_space<vmem>>) dst(%dma_wait3A_66 : memref<128x128xf32, #tpu.memory_space<vmem_shared>>)
      tpu.yield
    }) : () -> ()
    %mul3A_13 = arith.constant 625 : i32
    %mul3A_14 = arith.muli %arg1, %mul3A_13 : i32
    %add3A_15 = arith.constant 256 : i32
    %add3A_16 = arith.addi %mul3A_14, %add3A_15 : i32
    "tpu.region"() ({
      %run_scoped3A = tpu.sem_alloc : memref<!tpu.dma_semaphore, #tpu.memory_space<semaphore_mem>>
      %dma_start3A = arith.constant 0 : i32
      %dma_start3A_60 = tpu.memref_slice %arg11[%add3A_16, %dma_start3A] : memref<10000x128xf32, #tpu.memory_space<vmem_shared>> -> memref<128x128xf32, #tpu.memory_space<vmem_shared>>
      %dma_start3A_61 = arith.constant 0 : i32
      %dma_start3A_62 = tpu.memref_slice %arg11[%add3A_16, %dma_start3A_61] : memref<10000x128xf32, #tpu.memory_space<vmem_shared>> -> memref<128x128xf32, #tpu.memory_space<vmem_shared>>
      tpu.enqueue_dma source(%arg10 : memref<128x128xf32, #tpu.memory_space<vmem>>) target(%dma_start3A_62 : memref<128x128xf32, #tpu.memory_space<vmem_shared>>) target_semaphore(%run_scoped3A : memref<!tpu.dma_semaphore, #tpu.memory_space<semaphore_mem>>)
      %dma_wait3A_63 = arith.constant 0 : i32
      %dma_wait3A_64 = tpu.memref_slice %arg11[%add3A_16, %dma_wait3A_63] : memref<10000x128xf32, #tpu.memory_space<vmem_shared>> -> memref<128x128xf32, #tpu.memory_space<vmem_shared>>
      %dma_wait3A_65 = arith.constant 0 : i32
      %dma_wait3A_66 = tpu.memref_slice %arg11[%add3A_16, %dma_wait3A_65] : memref<10000x128xf32, #tpu.memory_space<vmem_shared>> -> memref<128x128xf32, #tpu.memory_space<vmem_shared>>
      tpu.wait_dma2 semaphore(%run_scoped3A : memref<!tpu.dma_semaphore, #tpu.memory_space<semaphore_mem>>) src(%arg10 : memref<128x128xf32, #tpu.memory_space<vmem>>) dst(%dma_wait3A_66 : memref<128x128xf32, #tpu.memory_space<vmem_shared>>)
      tpu.yield
    }) : () -> ()
    %mul3A_17 = arith.constant 625 : i32
    %mul3A_18 = arith.muli %arg1, %mul3A_17 : i32
    %add3A_19 = arith.constant 384 : i32
    %add3A_20 = arith.addi %mul3A_18, %add3A_19 : i32
    "tpu.region"() ({
      %run_scoped3A = tpu.sem_alloc : memref<!tpu.dma_semaphore, #tpu.memory_space<semaphore_mem>>
      %dma_start3A = arith.constant 0 : i32
      %dma_start3A_60 = tpu.memref_slice %arg11[%add3A_20, %dma_start3A] : memref<10000x128xf32, #tpu.memory_space<vmem_shared>> -> memref<128x128xf32, #tpu.memory_space<vmem_shared>>
      %dma_start3A_61 = arith.constant 0 : i32
      %dma_start3A_62 = tpu.memref_slice %arg11[%add3A_20, %dma_start3A_61] : memref<10000x128xf32, #tpu.memory_space<vmem_shared>> -> memref<128x128xf32, #tpu.memory_space<vmem_shared>>
      tpu.enqueue_dma source(%arg10 : memref<128x128xf32, #tpu.memory_space<vmem>>) target(%dma_start3A_62 : memref<128x128xf32, #tpu.memory_space<vmem_shared>>) target_semaphore(%run_scoped3A : memref<!tpu.dma_semaphore, #tpu.memory_space<semaphore_mem>>)
      %dma_wait3A_63 = arith.constant 0 : i32
      %dma_wait3A_64 = tpu.memref_slice %arg11[%add3A_20, %dma_wait3A_63] : memref<10000x128xf32, #tpu.memory_space<vmem_shared>> -> memref<128x128xf32, #tpu.memory_space<vmem_shared>>
      %dma_wait3A_65 = arith.constant 0 : i32
      %dma_wait3A_66 = tpu.memref_slice %arg11[%add3A_20, %dma_wait3A_65] : memref<10000x128xf32, #tpu.memory_space<vmem_shared>> -> memref<128x128xf32, #tpu.memory_space<vmem_shared>>
      tpu.wait_dma2 semaphore(%run_scoped3A : memref<!tpu.dma_semaphore, #tpu.memory_space<semaphore_mem>>) src(%arg10 : memref<128x128xf32, #tpu.memory_space<vmem>>) dst(%dma_wait3A_66 : memref<128x128xf32, #tpu.memory_space<vmem_shared>>)
      tpu.yield
    }) : () -> ()
    %mul3A_21 = arith.constant 625 : i32
    %mul3A_22 = arith.muli %arg1, %mul3A_21 : i32
    %add3A_23 = arith.constant 512 : i32
    %add3A_24 = arith.addi %mul3A_22, %add3A_23 : i32
    "tpu.region"() ({
      %run_scoped3A = tpu.sem_alloc : memref<!tpu.dma_semaphore, #tpu.memory_space<semaphore_mem>>
      %dma_start3A = arith.constant 0 : i32
      %dma_start3A_60 = arith.constant 0 : i32
      %dma_start3A_61 = tpu.memref_slice %arg10[%dma_start3A, %dma_start3A_60] : memref<128x128xf32, #tpu.memory_space<vmem>> -> memref<113x128xf32, #tpu.memory_space<vmem>>
      %dma_start3A_62 = arith.constant 0 : i32
      %dma_start3A_63 = tpu.memref_slice %arg11[%add3A_24, %dma_start3A_62] : memref<10000x128xf32, #tpu.memory_space<vmem_shared>> -> memref<113x128xf32, #tpu.memory_space<vmem_shared>>
      %dma_start3A_64 = arith.constant 0 : i32
      %dma_start3A_65 = tpu.memref_slice %arg11[%add3A_24, %dma_start3A_64] : memref<10000x128xf32, #tpu.memory_space<vmem_shared>> -> memref<113x128xf32, #tpu.memory_space<vmem_shared>>
      %dma_start3A_66 = arith.constant 0 : i32
      %dma_start3A_67 = arith.constant 0 : i32
      %dma_start3A_68 = tpu.memref_slice %arg10[%dma_start3A_66, %dma_start3A_67] : memref<128x128xf32, #tpu.memory_space<vmem>> -> memref<113x128xf32, #tpu.memory_space<vmem>>
      tpu.enqueue_dma source(%dma_start3A_68 : memref<113x128xf32, #tpu.memory_space<vmem>>) target(%dma_start3A_65 : memref<113x128xf32, #tpu.memory_space<vmem_shared>>) target_semaphore(%run_scoped3A : memref<!tpu.dma_semaphore, #tpu.memory_space<semaphore_mem>>)
      %dma_wait3A_69 = arith.constant 0 : i32
      %dma_wait3A_70 = arith.constant 0 : i32
      %dma_wait3A_71 = tpu.memref_slice %arg10[%dma_wait3A_69, %dma_wait3A_70] : memref<128x128xf32, #tpu.memory_space<vmem>> -> memref<113x128xf32, #tpu.memory_space<vmem>>
      %dma_wait3A_72 = arith.constant 0 : i32
      %dma_wait3A_73 = tpu.memref_slice %arg11[%add3A_24, %dma_wait3A_72] : memref<10000x128xf32, #tpu.memory_space<vmem_shared>> -> memref<113x128xf32, #tpu.memory_space<vmem_shared>>
      %dma_wait3A_74 = arith.constant 0 : i32
      %dma_wait3A_75 = tpu.memref_slice %arg11[%add3A_24, %dma_wait3A_74] : memref<10000x128xf32, #tpu.memory_space<vmem_shared>> -> memref<113x128xf32, #tpu.memory_space<vmem_shared>>
      %dma_wait3A_76 = arith.constant 0 : i32
      %dma_wait3A_77 = arith.constant 0 : i32
      %dma_wait3A_78 = tpu.memref_slice %arg10[%dma_wait3A_76, %dma_wait3A_77] : memref<128x128xf32, #tpu.memory_space<vmem>> -> memref<113x128xf32, #tpu.memory_space<vmem>>
      tpu.wait_dma2 semaphore(%run_scoped3A : memref<!tpu.dma_semaphore, #tpu.memory_space<semaphore_mem>>) src(%dma_wait3A_78 : memref<113x128xf32, #tpu.memory_space<vmem>>) dst(%dma_wait3A_75 : memref<113x128xf32, #tpu.memory_space<vmem_shared>>)
      tpu.yield
    }) : () -> ()
    %barrier3A = arith.constant 0 : index
    tpu.barrier barrier_id(%barrier3A)
    %mul3A_25 = arith.constant 1250 : i32
    %mul3A_26 = arith.muli %arg0, %mul3A_25 : i32
    %mul3A_27 = arith.constant 78 : i32
    %mul3A_28 = arith.muli %arg1, %mul3A_27 : i32
    %add3A_29 = arith.addi %mul3A_26, %mul3A_28 : i32
    %min3A = arith.constant 2 : i32
    %min3A_30 = arith.minsi %arg1, %min3A : i32
    %add3A_31 = arith.addi %add3A_29, %min3A_30 : i32
    %lt3A = arith.constant 2 : i32
    %lt3A_32 = arith.cmpi slt, %arg1, %lt3A : i32
    %convert_element_type3A = arith.extui %lt3A_32 : i1 to i32
    %add3A_33 = arith.constant 78 : i32
    %add3A_34 = arith.addi %add3A_33, %convert_element_type3A : i32
    %while3A = arith.constant 0 : i32
    %while3A_35 = arith.constant 0 : i32
    %while3A_36 = arith.subi %add3A_34, %while3A : i32
    %while3A_37 = arith.addi %while3A, %while3A_36 : i32
    %while3A_38 = arith.constant 1 : i32
    %while3A_39 = arith.divsi %while3A_36, %while3A_38 : i32
    %while3A_40 = arith.muli %while3A_39, %while3A_38 : i32
    %while3A_41 = arith.addi %while3A, %while3A_40 : i32
    %while3A_42 = arith.constant 1 : i32
    %while3A_43 = scf.for %while3A_60 = %while3A to %while3A_41 step %while3A_42 iter_args(%while3A_61 = %while3A_35) -> (i32)  : i32 {
      %add3A_62 = arith.addi %add3A_31, %while3A_60 : i32
      "tpu.region"() ({
        %run_scoped3A = tpu.sem_alloc : memref<!tpu.dma_semaphore, #tpu.memory_space<semaphore_mem>>
        %dma_start3A_215 = arith.constant 0 : i32
        %dma_start3A_216 = arith.constant 0 : i32
        %dma_start3A_217 = arith.constant 0 : i32
        %dma_start3A_218 = tpu.memref_slice %arg4[%add3A_62, %dma_start3A_215, %dma_start3A_216, %dma_start3A_217] : memref<2500x2x1x128xi32, #tpu.memory_space<hbm>> -> memref<1x2x1x128xi32, #tpu.memory_space<hbm>>
        %dma_start3A_219 = tpu.memref_squeeze %dma_start3A_218 : memref<1x2x1x128xi32, #tpu.memory_space<hbm>> -> memref<2x1x128xi32, #tpu.memory_space<hbm>>
        %dma_start3A_220 = arith.constant 0 : i32
        %dma_start3A_221 = arith.constant 0 : i32
        %dma_start3A_222 = arith.constant 0 : i32
        %dma_start3A_223 = tpu.memref_slice %arg4[%add3A_62, %dma_start3A_220, %dma_start3A_221, %dma_start3A_222] : memref<2500x2x1x128xi32, #tpu.memory_space<hbm>> -> memref<1x2x1x128xi32, #tpu.memory_space<hbm>>
        %dma_start3A_224 = tpu.memref_squeeze %dma_start3A_223 : memref<1x2x1x128xi32, #tpu.memory_space<hbm>> -> memref<2x1x128xi32, #tpu.memory_space<hbm>>
        tpu.enqueue_dma source(%dma_start3A_224 : memref<2x1x128xi32, #tpu.memory_space<hbm>>) target(%arg6 : memref<2x1x128xi32, #tpu.memory_space<vmem>>) target_semaphore(%run_scoped3A : memref<!tpu.dma_semaphore, #tpu.memory_space<semaphore_mem>>)
        %dma_wait3A_225 = arith.constant 0 : i32
        %dma_wait3A_226 = arith.constant 0 : i32
        %dma_wait3A_227 = arith.constant 0 : i32
        %dma_wait3A_228 = tpu.memref_slice %arg4[%add3A_62, %dma_wait3A_225, %dma_wait3A_226, %dma_wait3A_227] : memref<2500x2x1x128xi32, #tpu.memory_space<hbm>> -> memref<1x2x1x128xi32, #tpu.memory_space<hbm>>
        %dma_wait3A_229 = tpu.memref_squeeze %dma_wait3A_228 : memref<1x2x1x128xi32, #tpu.memory_space<hbm>> -> memref<2x1x128xi32, #tpu.memory_space<hbm>>
        %dma_wait3A_230 = arith.constant 0 : i32
        %dma_wait3A_231 = arith.constant 0 : i32
        %dma_wait3A_232 = arith.constant 0 : i32
        %dma_wait3A_233 = tpu.memref_slice %arg4[%add3A_62, %dma_wait3A_230, %dma_wait3A_231, %dma_wait3A_232] : memref<2500x2x1x128xi32, #tpu.memory_space<hbm>> -> memref<1x2x1x128xi32, #tpu.memory_space<hbm>>
        %dma_wait3A_234 = tpu.memref_squeeze %dma_wait3A_233 : memref<1x2x1x128xi32, #tpu.memory_space<hbm>> -> memref<2x1x128xi32, #tpu.memory_space<hbm>>
        tpu.wait_dma2 semaphore(%run_scoped3A : memref<!tpu.dma_semaphore, #tpu.memory_space<semaphore_mem>>) src(%dma_wait3A_234 : memref<2x1x128xi32, #tpu.memory_space<hbm>>) dst(%arg6 : memref<2x1x128xi32, #tpu.memory_space<vmem>>)
        tpu.yield
      }) : () -> ()
      %mul3A_63 = arith.constant 128 : i32
      %mul3A_64 = arith.muli %add3A_62, %mul3A_63 : i32
      %add3A_65 = arith.constant 640000 : i32
      %add3A_66 = arith.addi %add3A_65, %mul3A_64 : i32
      %dma_start3A = arith.constant 0 : i32
      %dma_start3A_67 = tpu.memref_slice %arg3[%add3A_66, %dma_start3A] : memref<960000x128xf32, #tpu.memory_space<hbm>> -> memref<128x128xf32, #tpu.memory_space<hbm>>
      %dma_start3A_68 = arith.constant 0 : i32
      %dma_start3A_69 = tpu.memref_slice %arg3[%add3A_66, %dma_start3A_68] : memref<960000x128xf32, #tpu.memory_space<hbm>> -> memref<128x128xf32, #tpu.memory_space<hbm>>
      tpu.enqueue_dma source(%dma_start3A_69 : memref<128x128xf32, #tpu.memory_space<hbm>>) target(%arg8 : memref<128x128xf32, #tpu.memory_space<vmem>>) target_semaphore(%arg12 : memref<!tpu.dma_semaphore, #tpu.memory_space<semaphore_mem>>)
      %dma_start3A_70 = arith.constant 0 : i32
      %dma_start3A_71 = arith.constant 0 : i32
      %dma_start3A_72 = arith.constant 0 : i32
      %dma_start3A_73 = tpu.memref_slice %arg6[%dma_start3A_70, %dma_start3A_71, %dma_start3A_72] : memref<2x1x128xi32, #tpu.memory_space<vmem>> -> memref<1x1x128xi32, #tpu.memory_space<vmem>>
      %dma_start3A_74 = tpu.memref_squeeze %dma_start3A_73 : memref<1x1x128xi32, #tpu.memory_space<vmem>> -> memref<128xi32, #tpu.memory_space<vmem>>
      %dma_start3A_75 = arith.constant 0 : i32
      %dma_start3A_76 = arith.constant 0 : i32
      %dma_start3A_77 = tpu.memref_slice %arg2[%dma_start3A_75, %dma_start3A_76] : memref<10000x128xf32, #tpu.memory_space<hbm>> -> memref<10000x128xf32, #tpu.memory_space<hbm>>
      tpu.enqueue_indirect_dma source(%dma_start3A_77 : memref<10000x128xf32, #tpu.memory_space<hbm>>) target(%arg9 : memref<128x128xf32, #tpu.memory_space<vmem>>) offsets(%dma_start3A_74 : memref<128xi32, #tpu.memory_space<vmem>>) semaphore(%arg13 : memref<!tpu.dma_semaphore, #tpu.memory_space<semaphore_mem>>)
      %gt3A = arith.constant 0 : i32
      %gt3A_78 = arith.cmpi sgt, %while3A_60, %gt3A : i32
      %convert_element_type3A_79 = arith.extui %gt3A_78 : i1 to i32
      %cond3A_80 = arith.constant 0 : i32
      %cond3A_81 = arith.cmpi ne, %convert_element_type3A_79, %cond3A_80 : i32
      scf.if %cond3A_81 {
        %dma_wait3A_215 = arith.constant 0 : i32
        %dma_wait3A_216 = arith.constant 0 : i32
        %dma_wait3A_217 = tpu.memref_slice %arg7[%dma_wait3A_215, %dma_wait3A_216] : memref<1x128xi32, #tpu.memory_space<vmem>> -> memref<1x128xi32, #tpu.memory_space<vmem>>
        %dma_wait3A_218 = tpu.memref_squeeze %dma_wait3A_217 : memref<1x128xi32, #tpu.memory_space<vmem>> -> memref<128xi32, #tpu.memory_space<vmem>>
        %dma_wait3A_219 = arith.constant 0 : i32
        %dma_wait3A_220 = arith.constant 0 : i32
        %dma_wait3A_221 = tpu.memref_slice %arg11[%dma_wait3A_219, %dma_wait3A_220] : memref<10000x128xf32, #tpu.memory_space<vmem_shared>> -> memref<10000x128xf32, #tpu.memory_space<vmem_shared>>
        tpu.wait_indirect_dma semaphore(%arg14 : memref<!tpu.dma_semaphore, #tpu.memory_space<semaphore_mem>>) src(%arg10 : memref<128x128xf32, #tpu.memory_space<vmem>>) dst(%dma_wait3A_221 : memref<10000x128xf32, #tpu.memory_space<vmem_shared>>)
      } else {
      }
      %get3A = arith.constant 1 : i32
      %get3A_82 = arith.constant 0 : i32
      %get3A_83 = arith.index_cast %get3A : i32 to index
      %get3A_84 = arith.index_cast %get3A_82 : i32 to index
      %get3A_85 = arith.constant 0 : index
      %get3A_86 = tpu.vector_load %arg6[%get3A_83, %get3A_84, %get3A_85] {strides = array<i32>} : memref<2x1x128xi32, #tpu.memory_space<vmem>>, vector<1x1x16xi32>,
      %get3A_87 = vector.shape_cast %get3A_86 : vector<1x1x16xi32> to vector<16xi32>
      %swap3A = arith.constant 0 : i32
      %swap3A_88 = arith.index_cast %swap3A : i32 to index
      %swap3A_89 = arith.constant 0 : index
      %swap3A_90 = tpu.vector_load %arg7[%swap3A_88, %swap3A_89] {strides = array<i32>} : memref<1x128xi32, #tpu.memory_space<vmem>>, vector<1x16xi32>,
      %swap3A_91 = vector.shape_cast %swap3A_90 : vector<1x16xi32> to vector<16xi32>
      %swap3A_92 = vector.shape_cast %get3A_87 : vector<16xi32> to vector<1x16xi32>
      tpu.vector_store %arg7[%swap3A_88, %swap3A_89], %swap3A_92 {strides = array<i32>} : memref<1x128xi32, #tpu.memory_space<vmem>>, vector<1x16xi32>,
      %get3A_93 = arith.constant 1 : i32
      %get3A_94 = arith.constant 0 : i32
      %get3A_95 = arith.index_cast %get3A_93 : i32 to index
      %get3A_96 = arith.index_cast %get3A_94 : i32 to index
      %get3A_97 = arith.constant 16 : index
      %get3A_98 = tpu.vector_load %arg6[%get3A_95, %get3A_96, %get3A_97] {strides = array<i32>} : memref<2x1x128xi32, #tpu.memory_space<vmem>>, vector<1x1x16xi32>,
      %get3A_99 = vector.shape_cast %get3A_98 : vector<1x1x16xi32> to vector<16xi32>
      %swap3A_100 = arith.constant 0 : i32
      %swap3A_101 = arith.index_cast %swap3A_100 : i32 to index
      %swap3A_102 = arith.constant 16 : index
      %swap3A_103 = tpu.vector_load %arg7[%swap3A_101, %swap3A_102] {strides = array<i32>} : memref<1x128xi32, #tpu.memory_space<vmem>>, vector<1x16xi32>,
      %swap3A_104 = vector.shape_cast %swap3A_103 : vector<1x16xi32> to vector<16xi32>
      %swap3A_105 = vector.shape_cast %get3A_99 : vector<16xi32> to vector<1x16xi32>
      tpu.vector_store %arg7[%swap3A_101, %swap3A_102], %swap3A_105 {strides = array<i32>} : memref<1x128xi32, #tpu.memory_space<vmem>>, vector<1x16xi32>,
      %get3A_106 = arith.constant 1 : i32
      %get3A_107 = arith.constant 0 : i32
      %get3A_108 = arith.index_cast %get3A_106 : i32 to index
      %get3A_109 = arith.index_cast %get3A_107 : i32 to index
      %get3A_110 = arith.constant 32 : index
      %get3A_111 = tpu.vector_load %arg6[%get3A_108, %get3A_109, %get3A_110] {strides = array<i32>} : memref<2x1x128xi32, #tpu.memory_space<vmem>>, vector<1x1x16xi32>,
      %get3A_112 = vector.shape_cast %get3A_111 : vector<1x1x16xi32> to vector<16xi32>
      %swap3A_113 = arith.constant 0 : i32
      %swap3A_114 = arith.index_cast %swap3A_113 : i32 to index
      %swap3A_115 = arith.constant 32 : index
      %swap3A_116 = tpu.vector_load %arg7[%swap3A_114, %swap3A_115] {strides = array<i32>} : memref<1x128xi32, #tpu.memory_space<vmem>>, vector<1x16xi32>,
      %swap3A_117 = vector.shape_cast %swap3A_116 : vector<1x16xi32> to vector<16xi32>
      %swap3A_118 = vector.shape_cast %get3A_112 : vector<16xi32> to vector<1x16xi32>
      tpu.vector_store %arg7[%swap3A_114, %swap3A_115], %swap3A_118 {strides = array<i32>} : memref<1x128xi32, #tpu.memory_space<vmem>>, vector<1x16xi32>,
      %get3A_119 = arith.constant 1 : i32
      %get3A_120 = arith.constant 0 : i32
      %get3A_121 = arith.index_cast %get3A_119 : i32 to index
      %get3A_122 = arith.index_cast %get3A_120 : i32 to index
      %get3A_123 = arith.constant 48 : index
      %get3A_124 = tpu.vector_load %arg6[%get3A_121, %get3A_122, %get3A_123] {strides = array<i32>} : memref<2x1x128xi32, #tpu.memory_space<vmem>>, vector<1x1x16xi32>,
      %get3A_125 = vector.shape_cast %get3A_124 : vector<1x1x16xi32> to vector<16xi32>
      %swap3A_126 = arith.constant 0 : i32
      %swap3A_127 = arith.index_cast %swap3A_126 : i32 to index
      %swap3A_128 = arith.constant 48 : index
      %swap3A_129 = tpu.vector_load %arg7[%swap3A_127, %swap3A_128] {strides = array<i32>} : memref<1x128xi32, #tpu.memory_space<vmem>>, vector<1x16xi32>,
      %swap3A_130 = vector.shape_cast %swap3A_129 : vector<1x16xi32> to vector<16xi32>
      %swap3A_131 = vector.shape_cast %get3A_125 : vector<16xi32> to vector<1x16xi32>
      tpu.vector_store %arg7[%swap3A_127, %swap3A_128], %swap3A_131 {strides = array<i32>} : memref<1x128xi32, #tpu.memory_space<vmem>>, vector<1x16xi32>,
      %get3A_132 = arith.constant 1 : i32
      %get3A_133 = arith.constant 0 : i32
      %get3A_134 = arith.index_cast %get3A_132 : i32 to index
      %get3A_135 = arith.index_cast %get3A_133 : i32 to index
      %get3A_136 = arith.constant 64 : index
      %get3A_137 = tpu.vector_load %arg6[%get3A_134, %get3A_135, %get3A_136] {strides = array<i32>} : memref<2x1x128xi32, #tpu.memory_space<vmem>>, vector<1x1x16xi32>,
      %get3A_138 = vector.shape_cast %get3A_137 : vector<1x1x16xi32> to vector<16xi32>
      %swap3A_139 = arith.constant 0 : i32
      %swap3A_140 = arith.index_cast %swap3A_139 : i32 to index
      %swap3A_141 = arith.constant 64 : index
      %swap3A_142 = tpu.vector_load %arg7[%swap3A_140, %swap3A_141] {strides = array<i32>} : memref<1x128xi32, #tpu.memory_space<vmem>>, vector<1x16xi32>,
      %swap3A_143 = vector.shape_cast %swap3A_142 : vector<1x16xi32> to vector<16xi32>
      %swap3A_144 = vector.shape_cast %get3A_138 : vector<16xi32> to vector<1x16xi32>
      tpu.vector_store %arg7[%swap3A_140, %swap3A_141], %swap3A_144 {strides = array<i32>} : memref<1x128xi32, #tpu.memory_space<vmem>>, vector<1x16xi32>,
      %get3A_145 = arith.constant 1 : i32
      %get3A_146 = arith.constant 0 : i32
      %get3A_147 = arith.index_cast %get3A_145 : i32 to index
      %get3A_148 = arith.index_cast %get3A_146 : i32 to index
      %get3A_149 = arith.constant 80 : index
      %get3A_150 = tpu.vector_load %arg6[%get3A_147, %get3A_148, %get3A_149] {strides = array<i32>} : memref<2x1x128xi32, #tpu.memory_space<vmem>>, vector<1x1x16xi32>,
      %get3A_151 = vector.shape_cast %get3A_150 : vector<1x1x16xi32> to vector<16xi32>
      %swap3A_152 = arith.constant 0 : i32
      %swap3A_153 = arith.index_cast %swap3A_152 : i32 to index
      %swap3A_154 = arith.constant 80 : index
      %swap3A_155 = tpu.vector_load %arg7[%swap3A_153, %swap3A_154] {strides = array<i32>} : memref<1x128xi32, #tpu.memory_space<vmem>>, vector<1x16xi32>,
      %swap3A_156 = vector.shape_cast %swap3A_155 : vector<1x16xi32> to vector<16xi32>
      %swap3A_157 = vector.shape_cast %get3A_151 : vector<16xi32> to vector<1x16xi32>
      tpu.vector_store %arg7[%swap3A_153, %swap3A_154], %swap3A_157 {strides = array<i32>} : memref<1x128xi32, #tpu.memory_space<vmem>>, vector<1x16xi32>,
      %get3A_158 = arith.constant 1 : i32
      %get3A_159 = arith.constant 0 : i32
      %get3A_160 = arith.index_cast %get3A_158 : i32 to index
      %get3A_161 = arith.index_cast %get3A_159 : i32 to index
      %get3A_162 = arith.constant 96 : index
      %get3A_163 = tpu.vector_load %arg6[%get3A_160, %get3A_161, %get3A_162] {strides = array<i32>} : memref<2x1x128xi32, #tpu.memory_space<vmem>>, vector<1x1x16xi32>,
      %get3A_164 = vector.shape_cast %get3A_163 : vector<1x1x16xi32> to vector<16xi32>
      %swap3A_165 = arith.constant 0 : i32
      %swap3A_166 = arith.index_cast %swap3A_165 : i32 to index
      %swap3A_167 = arith.constant 96 : index
      %swap3A_168 = tpu.vector_load %arg7[%swap3A_166, %swap3A_167] {strides = array<i32>} : memref<1x128xi32, #tpu.memory_space<vmem>>, vector<1x16xi32>,
      %swap3A_169 = vector.shape_cast %swap3A_168 : vector<1x16xi32> to vector<16xi32>
      %swap3A_170 = vector.shape_cast %get3A_164 : vector<16xi32> to vector<1x16xi32>
      tpu.vector_store %arg7[%swap3A_166, %swap3A_167], %swap3A_170 {strides = array<i32>} : memref<1x128xi32, #tpu.memory_space<vmem>>, vector<1x16xi32>,
      %get3A_171 = arith.constant 1 : i32
      %get3A_172 = arith.constant 0 : i32
      %get3A_173 = arith.index_cast %get3A_171 : i32 to index
      %get3A_174 = arith.index_cast %get3A_172 : i32 to index
      %get3A_175 = arith.constant 112 : index
      %get3A_176 = tpu.vector_load %arg6[%get3A_173, %get3A_174, %get3A_175] {strides = array<i32>} : memref<2x1x128xi32, #tpu.memory_space<vmem>>, vector<1x1x16xi32>,
      %get3A_177 = vector.shape_cast %get3A_176 : vector<1x1x16xi32> to vector<16xi32>
      %swap3A_178 = arith.constant 0 : i32
      %swap3A_179 = arith.index_cast %swap3A_178 : i32 to index
      %swap3A_180 = arith.constant 112 : index
      %swap3A_181 = tpu.vector_load %arg7[%swap3A_179, %swap3A_180] {strides = array<i32>} : memref<1x128xi32, #tpu.memory_space<vmem>>, vector<1x16xi32>,
      %swap3A_182 = vector.shape_cast %swap3A_181 : vector<1x16xi32> to vector<16xi32>
      %swap3A_183 = vector.shape_cast %get3A_177 : vector<16xi32> to vector<1x16xi32>
      tpu.vector_store %arg7[%swap3A_179, %swap3A_180], %swap3A_183 {strides = array<i32>} : memref<1x128xi32, #tpu.memory_space<vmem>>, vector<1x16xi32>,
      %mul3A_184 = arith.constant 128 : i32
      %mul3A_185 = arith.muli %add3A_62, %mul3A_184 : i32
      %add3A_186 = arith.constant 640000 : i32
      %add3A_187 = arith.addi %add3A_186, %mul3A_185 : i32
      %dma_wait3A_188 = arith.constant 0 : i32
      %dma_wait3A_189 = tpu.memref_slice %arg3[%add3A_187, %dma_wait3A_188] : memref<960000x128xf32, #tpu.memory_space<hbm>> -> memref<128x128xf32, #tpu.memory_space<hbm>>
      %dma_wait3A_190 = arith.constant 0 : i32
      %dma_wait3A_191 = tpu.memref_slice %arg3[%add3A_187, %dma_wait3A_190] : memref<960000x128xf32, #tpu.memory_space<hbm>> -> memref<128x128xf32, #tpu.memory_space<hbm>>
      tpu.wait_dma2 semaphore(%arg12 : memref<!tpu.dma_semaphore, #tpu.memory_space<semaphore_mem>>) src(%dma_wait3A_191 : memref<128x128xf32, #tpu.memory_space<hbm>>) dst(%arg8 : memref<128x128xf32, #tpu.memory_space<vmem>>)
      %dma_wait3A_192 = arith.constant 0 : i32
      %dma_wait3A_193 = arith.constant 0 : i32
      %dma_wait3A_194 = arith.constant 0 : i32
      %dma_wait3A_195 = tpu.memref_slice %arg6[%dma_wait3A_192, %dma_wait3A_193, %dma_wait3A_194] : memref<2x1x128xi32, #tpu.memory_space<vmem>> -> memref<1x1x128xi32, #tpu.memory_space<vmem>>
      %dma_wait3A_196 = tpu.memref_squeeze %dma_wait3A_195 : memref<1x1x128xi32, #tpu.memory_space<vmem>> -> memref<128xi32, #tpu.memory_space<vmem>>
      %dma_wait3A_197 = arith.constant 0 : i32
      %dma_wait3A_198 = arith.constant 0 : i32
      %dma_wait3A_199 = tpu.memref_slice %arg2[%dma_wait3A_197, %dma_wait3A_198] : memref<10000x128xf32, #tpu.memory_space<hbm>> -> memref<10000x128xf32, #tpu.memory_space<hbm>>
      tpu.wait_indirect_dma semaphore(%arg13 : memref<!tpu.dma_semaphore, #tpu.memory_space<semaphore_mem>>) src(%dma_wait3A_199 : memref<10000x128xf32, #tpu.memory_space<hbm>>) dst(%arg9 : memref<128x128xf32, #tpu.memory_space<vmem>>)
      %scan3A_200 = arith.constant 0 : i32
      %scan3A_201 = arith.constant 0 : i32
      %scan3A_202 = arith.constant 64 : i32
      %scan3A_203 = arith.addi %scan3A_201, %scan3A_202 : i32
      %scan3A_204 = arith.constant 1 : i32
      %scan3A_205 = scf.for %scan3A_215 = %scan3A_201 to %scan3A_203 step %scan3A_204 iter_args(%scan3A_216 = %scan3A_200) -> (i32)  : i32 {
        %mul3A_217 = arith.constant 2 : i32
        %mul3A_218 = arith.muli %mul3A_217, %scan3A_215 : i32
        %add3A_219 = arith.constant 0 : i32
        %add3A_220 = arith.addi %mul3A_218, %add3A_219 : i32
        %get3A_221 = arith.index_cast %add3A_220 : i32 to index
        %get3A_222 = arith.constant 0 : index
        %get3A_223 = tpu.vector_load %arg9[%get3A_221, %get3A_222] {strides = array<i32>} : memref<128x128xf32, #tpu.memory_space<vmem>>, vector<1x16xf32>,
        %get3A_224 = vector.shape_cast %get3A_223 : vector<1x16xf32> to vector<16xf32>
        %mul3A_225 = arith.constant 2 : i32
        %mul3A_226 = arith.muli %mul3A_225, %scan3A_215 : i32
        %add3A_227 = arith.constant 0 : i32
        %add3A_228 = arith.addi %mul3A_226, %add3A_227 : i32
        %get3A_229 = arith.index_cast %add3A_228 : i32 to index
        %get3A_230 = arith.constant 0 : index
        %get3A_231 = tpu.vector_load %arg8[%get3A_229, %get3A_230] {strides = array<i32>} : memref<128x128xf32, #tpu.memory_space<vmem>>, vector<1x16xf32>,
        %get3A_232 = vector.shape_cast %get3A_231 : vector<1x16xf32> to vector<16xf32>
        %add3A_233 = arith.addf %get3A_224, %get3A_232 : vector<16xf32>
        %max3A = arith.constant 0.000000e+00 : f32
        %max3A_234 = vector.broadcast %max3A : f32 to vector<16xf32>
        %max3A_235 = arith.maximumf %add3A_233, %max3A_234 : vector<16xf32>
        %mul3A_236 = arith.constant 2 : i32
        %mul3A_237 = arith.muli %mul3A_236, %scan3A_215 : i32
        %add3A_238 = arith.constant 0 : i32
        %add3A_239 = arith.addi %mul3A_237, %add3A_238 : i32
        %swap3A_240 = arith.index_cast %add3A_239 : i32 to index
        %swap3A_241 = arith.constant 0 : index
        %swap3A_242 = tpu.vector_load %arg10[%swap3A_240, %swap3A_241] {strides = array<i32>} : memref<128x128xf32, #tpu.memory_space<vmem>>, vector<1x16xf32>,
        %swap3A_243 = vector.shape_cast %swap3A_242 : vector<1x16xf32> to vector<16xf32>
        %swap3A_244 = vector.shape_cast %max3A_235 : vector<16xf32> to vector<1x16xf32>
        tpu.vector_store %arg10[%swap3A_240, %swap3A_241], %swap3A_244 {strides = array<i32>} : memref<128x128xf32, #tpu.memory_space<vmem>>, vector<1x16xf32>,
        %mul3A_245 = arith.constant 2 : i32
        %mul3A_246 = arith.muli %mul3A_245, %scan3A_215 : i32
        %add3A_247 = arith.constant 0 : i32
        %add3A_248 = arith.addi %mul3A_246, %add3A_247 : i32
        %get3A_249 = arith.index_cast %add3A_248 : i32 to index
        %get3A_250 = arith.constant 16 : index
        %get3A_251 = tpu.vector_load %arg9[%get3A_249, %get3A_250] {strides = array<i32>} : memref<128x128xf32, #tpu.memory_space<vmem>>, vector<1x16xf32>,
        %get3A_252 = vector.shape_cast %get3A_251 : vector<1x16xf32> to vector<16xf32>
        %mul3A_253 = arith.constant 2 : i32
        %mul3A_254 = arith.muli %mul3A_253, %scan3A_215 : i32
        %add3A_255 = arith.constant 0 : i32
        %add3A_256 = arith.addi %mul3A_254, %add3A_255 : i32
        %get3A_257 = arith.index_cast %add3A_256 : i32 to index
        %get3A_258 = arith.constant 16 : index
        %get3A_259 = tpu.vector_load %arg8[%get3A_257, %get3A_258] {strides = array<i32>} : memref<128x128xf32, #tpu.memory_space<vmem>>, vector<1x16xf32>,
        %get3A_260 = vector.shape_cast %get3A_259 : vector<1x16xf32> to vector<16xf32>
        %add3A_261 = arith.addf %get3A_252, %get3A_260 : vector<16xf32>
        %max3A_262 = arith.constant 0.000000e+00 : f32
        %max3A_263 = vector.broadcast %max3A_262 : f32 to vector<16xf32>
        %max3A_264 = arith.maximumf %add3A_261, %max3A_263 : vector<16xf32>
        %mul3A_265 = arith.constant 2 : i32
        %mul3A_266 = arith.muli %mul3A_265, %scan3A_215 : i32
        %add3A_267 = arith.constant 0 : i32
        %add3A_268 = arith.addi %mul3A_266, %add3A_267 : i32
        %swap3A_269 = arith.index_cast %add3A_268 : i32 to index
        %swap3A_270 = arith.constant 16 : index
        %swap3A_271 = tpu.vector_load %arg10[%swap3A_269, %swap3A_270] {strides = array<i32>} : memref<128x128xf32, #tpu.memory_space<vmem>>, vector<1x16xf32>,
        %swap3A_272 = vector.shape_cast %swap3A_271 : vector<1x16xf32> to vector<16xf32>
        %swap3A_273 = vector.shape_cast %max3A_264 : vector<16xf32> to vector<1x16xf32>
        tpu.vector_store %arg10[%swap3A_269, %swap3A_270], %swap3A_273 {strides = array<i32>} : memref<128x128xf32, #tpu.memory_space<vmem>>, vector<1x16xf32>,
        %mul3A_274 = arith.constant 2 : i32
        %mul3A_275 = arith.muli %mul3A_274, %scan3A_215 : i32
        %add3A_276 = arith.constant 0 : i32
        %add3A_277 = arith.addi %mul3A_275, %add3A_276 : i32
        %get3A_278 = arith.index_cast %add3A_277 : i32 to index
        %get3A_279 = arith.constant 32 : index
        %get3A_280 = tpu.vector_load %arg9[%get3A_278, %get3A_279] {strides = array<i32>} : memref<128x128xf32, #tpu.memory_space<vmem>>, vector<1x16xf32>,
        %get3A_281 = vector.shape_cast %get3A_280 : vector<1x16xf32> to vector<16xf32>
        %mul3A_282 = arith.constant 2 : i32
        %mul3A_283 = arith.muli %mul3A_282, %scan3A_215 : i32
        %add3A_284 = arith.constant 0 : i32
        %add3A_285 = arith.addi %mul3A_283, %add3A_284 : i32
        %get3A_286 = arith.index_cast %add3A_285 : i32 to index
        %get3A_287 = arith.constant 32 : index
        %get3A_288 = tpu.vector_load %arg8[%get3A_286, %get3A_287] {strides = array<i32>} : memref<128x128xf32, #tpu.memory_space<vmem>>, vector<1x16xf32>,
        %get3A_289 = vector.shape_cast %get3A_288 : vector<1x16xf32> to vector<16xf32>
        %add3A_290 = arith.addf %get3A_281, %get3A_289 : vector<16xf32>
        %max3A_291 = arith.constant 0.000000e+00 : f32
        %max3A_292 = vector.broadcast %max3A_291 : f32 to vector<16xf32>
        %max3A_293 = arith.maximumf %add3A_290, %max3A_292 : vector<16xf32>
        %mul3A_294 = arith.constant 2 : i32
        %mul3A_295 = arith.muli %mul3A_294, %scan3A_215 : i32
        %add3A_296 = arith.constant 0 : i32
        %add3A_297 = arith.addi %mul3A_295, %add3A_296 : i32
        %swap3A_298 = arith.index_cast %add3A_297 : i32 to index
        %swap3A_299 = arith.constant 32 : index
        %swap3A_300 = tpu.vector_load %arg10[%swap3A_298, %swap3A_299] {strides = array<i32>} : memref<128x128xf32, #tpu.memory_space<vmem>>, vector<1x16xf32>,
        %swap3A_301 = vector.shape_cast %swap3A_300 : vector<1x16xf32> to vector<16xf32>
        %swap3A_302 = vector.shape_cast %max3A_293 : vector<16xf32> to vector<1x16xf32>
        tpu.vector_store %arg10[%swap3A_298, %swap3A_299], %swap3A_302 {strides = array<i32>} : memref<128x128xf32, #tpu.memory_space<vmem>>, vector<1x16xf32>,
        %mul3A_303 = arith.constant 2 : i32
        %mul3A_304 = arith.muli %mul3A_303, %scan3A_215 : i32
        %add3A_305 = arith.constant 0 : i32
        %add3A_306 = arith.addi %mul3A_304, %add3A_305 : i32
        %get3A_307 = arith.index_cast %add3A_306 : i32 to index
        %get3A_308 = arith.constant 48 : index
        %get3A_309 = tpu.vector_load %arg9[%get3A_307, %get3A_308] {strides = array<i32>} : memref<128x128xf32, #tpu.memory_space<vmem>>, vector<1x16xf32>,
        %get3A_310 = vector.shape_cast %get3A_309 : vector<1x16xf32> to vector<16xf32>
        %mul3A_311 = arith.constant 2 : i32
        %mul3A_312 = arith.muli %mul3A_311, %scan3A_215 : i32
        %add3A_313 = arith.constant 0 : i32
        %add3A_314 = arith.addi %mul3A_312, %add3A_313 : i32
        %get3A_315 = arith.index_cast %add3A_314 : i32 to index
        %get3A_316 = arith.constant 48 : index
        %get3A_317 = tpu.vector_load %arg8[%get3A_315, %get3A_316] {strides = array<i32>} : memref<128x128xf32, #tpu.memory_space<vmem>>, vector<1x16xf32>,
        %get3A_318 = vector.shape_cast %get3A_317 : vector<1x16xf32> to vector<16xf32>
        %add3A_319 = arith.addf %get3A_310, %get3A_318 : vector<16xf32>
        %max3A_320 = arith.constant 0.000000e+00 : f32
        %max3A_321 = vector.broadcast %max3A_320 : f32 to vector<16xf32>
        %max3A_322 = arith.maximumf %add3A_319, %max3A_321 : vector<16xf32>
        %mul3A_323 = arith.constant 2 : i32
        %mul3A_324 = arith.muli %mul3A_323, %scan3A_215 : i32
        %add3A_325 = arith.constant 0 : i32
        %add3A_326 = arith.addi %mul3A_324, %add3A_325 : i32
        %swap3A_327 = arith.index_cast %add3A_326 : i32 to index
        %swap3A_328 = arith.constant 48 : index
        %swap3A_329 = tpu.vector_load %arg10[%swap3A_327, %swap3A_328] {strides = array<i32>} : memref<128x128xf32, #tpu.memory_space<vmem>>, vector<1x16xf32>,
        %swap3A_330 = vector.shape_cast %swap3A_329 : vector<1x16xf32> to vector<16xf32>
        %swap3A_331 = vector.shape_cast %max3A_322 : vector<16xf32> to vector<1x16xf32>
        tpu.vector_store %arg10[%swap3A_327, %swap3A_328], %swap3A_331 {strides = array<i32>} : memref<128x128xf32, #tpu.memory_space<vmem>>, vector<1x16xf32>,
        %mul3A_332 = arith.constant 2 : i32
        %mul3A_333 = arith.muli %mul3A_332, %scan3A_215 : i32
        %add3A_334 = arith.constant 0 : i32
        %add3A_335 = arith.addi %mul3A_333, %add3A_334 : i32
        %get3A_336 = arith.index_cast %add3A_335 : i32 to index
        %get3A_337 = arith.constant 64 : index
        %get3A_338 = tpu.vector_load %arg9[%get3A_336, %get3A_337] {strides = array<i32>} : memref<128x128xf32, #tpu.memory_space<vmem>>, vector<1x16xf32>,
        %get3A_339 = vector.shape_cast %get3A_338 : vector<1x16xf32> to vector<16xf32>
        %mul3A_340 = arith.constant 2 : i32
        %mul3A_341 = arith.muli %mul3A_340, %scan3A_215 : i32
        %add3A_342 = arith.constant 0 : i32
        %add3A_343 = arith.addi %mul3A_341, %add3A_342 : i32
        %get3A_344 = arith.index_cast %add3A_343 : i32 to index
        %get3A_345 = arith.constant 64 : index
        %get3A_346 = tpu.vector_load %arg8[%get3A_344, %get3A_345] {strides = array<i32>} : memref<128x128xf32, #tpu.memory_space<vmem>>, vector<1x16xf32>,
        %get3A_347 = vector.shape_cast %get3A_346 : vector<1x16xf32> to vector<16xf32>
        %add3A_348 = arith.addf %get3A_339, %get3A_347 : vector<16xf32>
        %max3A_349 = arith.constant 0.000000e+00 : f32
        %max3A_350 = vector.broadcast %max3A_349 : f32 to vector<16xf32>
        %max3A_351 = arith.maximumf %add3A_348, %max3A_350 : vector<16xf32>
        %mul3A_352 = arith.constant 2 : i32
        %mul3A_353 = arith.muli %mul3A_352, %scan3A_215 : i32
        %add3A_354 = arith.constant 0 : i32
        %add3A_355 = arith.addi %mul3A_353, %add3A_354 : i32
        %swap3A_356 = arith.index_cast %add3A_355 : i32 to index
        %swap3A_357 = arith.constant 64 : index
        %swap3A_358 = tpu.vector_load %arg10[%swap3A_356, %swap3A_357] {strides = array<i32>} : memref<128x128xf32, #tpu.memory_space<vmem>>, vector<1x16xf32>,
        %swap3A_359 = vector.shape_cast %swap3A_358 : vector<1x16xf32> to vector<16xf32>
        %swap3A_360 = vector.shape_cast %max3A_351 : vector<16xf32> to vector<1x16xf32>
        tpu.vector_store %arg10[%swap3A_356, %swap3A_357], %swap3A_360 {strides = array<i32>} : memref<128x128xf32, #tpu.memory_space<vmem>>, vector<1x16xf32>,
        %mul3A_361 = arith.constant 2 : i32
        %mul3A_362 = arith.muli %mul3A_361, %scan3A_215 : i32
        %add3A_363 = arith.constant 0 : i32
        %add3A_364 = arith.addi %mul3A_362, %add3A_363 : i32
        %get3A_365 = arith.index_cast %add3A_364 : i32 to index
        %get3A_366 = arith.constant 80 : index
        %get3A_367 = tpu.vector_load %arg9[%get3A_365, %get3A_366] {strides = array<i32>} : memref<128x128xf32, #tpu.memory_space<vmem>>, vector<1x16xf32>,
        %get3A_368 = vector.shape_cast %get3A_367 : vector<1x16xf32> to vector<16xf32>
        %mul3A_369 = arith.constant 2 : i32
        %mul3A_370 = arith.muli %mul3A_369, %scan3A_215 : i32
        %add3A_371 = arith.constant 0 : i32
        %add3A_372 = arith.addi %mul3A_370, %add3A_371 : i32
        %get3A_373 = arith.index_cast %add3A_372 : i32 to index
        %get3A_374 = arith.constant 80 : index
        %get3A_375 = tpu.vector_load %arg8[%get3A_373, %get3A_374] {strides = array<i32>} : memref<128x128xf32, #tpu.memory_space<vmem>>, vector<1x16xf32>,
        %get3A_376 = vector.shape_cast %get3A_375 : vector<1x16xf32> to vector<16xf32>
        %add3A_377 = arith.addf %get3A_368, %get3A_376 : vector<16xf32>
        %max3A_378 = arith.constant 0.000000e+00 : f32
        %max3A_379 = vector.broadcast %max3A_378 : f32 to vector<16xf32>
        %max3A_380 = arith.maximumf %add3A_377, %max3A_379 : vector<16xf32>
        %mul3A_381 = arith.constant 2 : i32
        %mul3A_382 = arith.muli %mul3A_381, %scan3A_215 : i32
        %add3A_383 = arith.constant 0 : i32
        %add3A_384 = arith.addi %mul3A_382, %add3A_383 : i32
        %swap3A_385 = arith.index_cast %add3A_384 : i32 to index
        %swap3A_386 = arith.constant 80 : index
        %swap3A_387 = tpu.vector_load %arg10[%swap3A_385, %swap3A_386] {strides = array<i32>} : memref<128x128xf32, #tpu.memory_space<vmem>>, vector<1x16xf32>,
        %swap3A_388 = vector.shape_cast %swap3A_387 : vector<1x16xf32> to vector<16xf32>
        %swap3A_389 = vector.shape_cast %max3A_380 : vector<16xf32> to vector<1x16xf32>
        tpu.vector_store %arg10[%swap3A_385, %swap3A_386], %swap3A_389 {strides = array<i32>} : memref<128x128xf32, #tpu.memory_space<vmem>>, vector<1x16xf32>,
        %mul3A_390 = arith.constant 2 : i32
        %mul3A_391 = arith.muli %mul3A_390, %scan3A_215 : i32
        %add3A_392 = arith.constant 0 : i32
        %add3A_393 = arith.addi %mul3A_391, %add3A_392 : i32
        %get3A_394 = arith.index_cast %add3A_393 : i32 to index
        %get3A_395 = arith.constant 96 : index
        %get3A_396 = tpu.vector_load %arg9[%get3A_394, %get3A_395] {strides = array<i32>} : memref<128x128xf32, #tpu.memory_space<vmem>>, vector<1x16xf32>,
        %get3A_397 = vector.shape_cast %get3A_396 : vector<1x16xf32> to vector<16xf32>
        %mul3A_398 = arith.constant 2 : i32
        %mul3A_399 = arith.muli %mul3A_398, %scan3A_215 : i32
        %add3A_400 = arith.constant 0 : i32
        %add3A_401 = arith.addi %mul3A_399, %add3A_400 : i32
        %get3A_402 = arith.index_cast %add3A_401 : i32 to index
        %get3A_403 = arith.constant 96 : index
        %get3A_404 = tpu.vector_load %arg8[%get3A_402, %get3A_403] {strides = array<i32>} : memref<128x128xf32, #tpu.memory_space<vmem>>, vector<1x16xf32>,
        %get3A_405 = vector.shape_cast %get3A_404 : vector<1x16xf32> to vector<16xf32>
        %add3A_406 = arith.addf %get3A_397, %get3A_405 : vector<16xf32>
        %max3A_407 = arith.constant 0.000000e+00 : f32
        %max3A_408 = vector.broadcast %max3A_407 : f32 to vector<16xf32>
        %max3A_409 = arith.maximumf %add3A_406, %max3A_408 : vector<16xf32>
        %mul3A_410 = arith.constant 2 : i32
        %mul3A_411 = arith.muli %mul3A_410, %scan3A_215 : i32
        %add3A_412 = arith.constant 0 : i32
        %add3A_413 = arith.addi %mul3A_411, %add3A_412 : i32
        %swap3A_414 = arith.index_cast %add3A_413 : i32 to index
        %swap3A_415 = arith.constant 96 : index
        %swap3A_416 = tpu.vector_load %arg10[%swap3A_414, %swap3A_415] {strides = array<i32>} : memref<128x128xf32, #tpu.memory_space<vmem>>, vector<1x16xf32>,
        %swap3A_417 = vector.shape_cast %swap3A_416 : vector<1x16xf32> to vector<16xf32>
        %swap3A_418 = vector.shape_cast %max3A_409 : vector<16xf32> to vector<1x16xf32>
        tpu.vector_store %arg10[%swap3A_414, %swap3A_415], %swap3A_418 {strides = array<i32>} : memref<128x128xf32, #tpu.memory_space<vmem>>, vector<1x16xf32>,
        %mul3A_419 = arith.constant 2 : i32
        %mul3A_420 = arith.muli %mul3A_419, %scan3A_215 : i32
        %add3A_421 = arith.constant 0 : i32
        %add3A_422 = arith.addi %mul3A_420, %add3A_421 : i32
        %get3A_423 = arith.index_cast %add3A_422 : i32 to index
        %get3A_424 = arith.constant 112 : index
        %get3A_425 = tpu.vector_load %arg9[%get3A_423, %get3A_424] {strides = array<i32>} : memref<128x128xf32, #tpu.memory_space<vmem>>, vector<1x16xf32>,
        %get3A_426 = vector.shape_cast %get3A_425 : vector<1x16xf32> to vector<16xf32>
        %mul3A_427 = arith.constant 2 : i32
        %mul3A_428 = arith.muli %mul3A_427, %scan3A_215 : i32
        %add3A_429 = arith.constant 0 : i32
        %add3A_430 = arith.addi %mul3A_428, %add3A_429 : i32
        %get3A_431 = arith.index_cast %add3A_430 : i32 to index
        %get3A_432 = arith.constant 112 : index
        %get3A_433 = tpu.vector_load %arg8[%get3A_431, %get3A_432] {strides = array<i32>} : memref<128x128xf32, #tpu.memory_space<vmem>>, vector<1x16xf32>,
        %get3A_434 = vector.shape_cast %get3A_433 : vector<1x16xf32> to vector<16xf32>
        %add3A_435 = arith.addf %get3A_426, %get3A_434 : vector<16xf32>
        %max3A_436 = arith.constant 0.000000e+00 : f32
        %max3A_437 = vector.broadcast %max3A_436 : f32 to vector<16xf32>
        %max3A_438 = arith.maximumf %add3A_435, %max3A_437 : vector<16xf32>
        %mul3A_439 = arith.constant 2 : i32
        %mul3A_440 = arith.muli %mul3A_439, %scan3A_215 : i32
        %add3A_441 = arith.constant 0 : i32
        %add3A_442 = arith.addi %mul3A_440, %add3A_441 : i32
        %swap3A_443 = arith.index_cast %add3A_442 : i32 to index
        %swap3A_444 = arith.constant 112 : index
        %swap3A_445 = tpu.vector_load %arg10[%swap3A_443, %swap3A_444] {strides = array<i32>} : memref<128x128xf32, #tpu.memory_space<vmem>>, vector<1x16xf32>,
        %swap3A_446 = vector.shape_cast %swap3A_445 : vector<1x16xf32> to vector<16xf32>
        %swap3A_447 = vector.shape_cast %max3A_438 : vector<16xf32> to vector<1x16xf32>
        tpu.vector_store %arg10[%swap3A_443, %swap3A_444], %swap3A_447 {strides = array<i32>} : memref<128x128xf32, #tpu.memory_space<vmem>>, vector<1x16xf32>,
        %mul3A_448 = arith.constant 2 : i32
        %mul3A_449 = arith.muli %mul3A_448, %scan3A_215 : i32
        %add3A_450 = arith.constant 1 : i32
        %add3A_451 = arith.addi %mul3A_449, %add3A_450 : i32
        %get3A_452 = arith.index_cast %add3A_451 : i32 to index
        %get3A_453 = arith.constant 0 : index
        %get3A_454 = tpu.vector_load %arg9[%get3A_452, %get3A_453] {strides = array<i32>} : memref<128x128xf32, #tpu.memory_space<vmem>>, vector<1x16xf32>,
        %get3A_455 = vector.shape_cast %get3A_454 : vector<1x16xf32> to vector<16xf32>
        %mul3A_456 = arith.constant 2 : i32
        %mul3A_457 = arith.muli %mul3A_456, %scan3A_215 : i32
        %add3A_458 = arith.constant 1 : i32
        %add3A_459 = arith.addi %mul3A_457, %add3A_458 : i32
        %get3A_460 = arith.index_cast %add3A_459 : i32 to index
        %get3A_461 = arith.constant 0 : index
        %get3A_462 = tpu.vector_load %arg8[%get3A_460, %get3A_461] {strides = array<i32>} : memref<128x128xf32, #tpu.memory_space<vmem>>, vector<1x16xf32>,
        %get3A_463 = vector.shape_cast %get3A_462 : vector<1x16xf32> to vector<16xf32>
        %add3A_464 = arith.addf %get3A_455, %get3A_463 : vector<16xf32>
        %max3A_465 = arith.constant 0.000000e+00 : f32
        %max3A_466 = vector.broadcast %max3A_465 : f32 to vector<16xf32>
        %max3A_467 = arith.maximumf %add3A_464, %max3A_466 : vector<16xf32>
        %mul3A_468 = arith.constant 2 : i32
        %mul3A_469 = arith.muli %mul3A_468, %scan3A_215 : i32
        %add3A_470 = arith.constant 1 : i32
        %add3A_471 = arith.addi %mul3A_469, %add3A_470 : i32
        %swap3A_472 = arith.index_cast %add3A_471 : i32 to index
        %swap3A_473 = arith.constant 0 : index
        %swap3A_474 = tpu.vector_load %arg10[%swap3A_472, %swap3A_473] {strides = array<i32>} : memref<128x128xf32, #tpu.memory_space<vmem>>, vector<1x16xf32>,
        %swap3A_475 = vector.shape_cast %swap3A_474 : vector<1x16xf32> to vector<16xf32>
        %swap3A_476 = vector.shape_cast %max3A_467 : vector<16xf32> to vector<1x16xf32>
        tpu.vector_store %arg10[%swap3A_472, %swap3A_473], %swap3A_476 {strides = array<i32>} : memref<128x128xf32, #tpu.memory_space<vmem>>, vector<1x16xf32>,
        %mul3A_477 = arith.constant 2 : i32
        %mul3A_478 = arith.muli %mul3A_477, %scan3A_215 : i32
        %add3A_479 = arith.constant 1 : i32
        %add3A_480 = arith.addi %mul3A_478, %add3A_479 : i32
        %get3A_481 = arith.index_cast %add3A_480 : i32 to index
        %get3A_482 = arith.constant 16 : index
        %get3A_483 = tpu.vector_load %arg9[%get3A_481, %get3A_482] {strides = array<i32>} : memref<128x128xf32, #tpu.memory_space<vmem>>, vector<1x16xf32>,
        %get3A_484 = vector.shape_cast %get3A_483 : vector<1x16xf32> to vector<16xf32>
        %mul3A_485 = arith.constant 2 : i32
        %mul3A_486 = arith.muli %mul3A_485, %scan3A_215 : i32
        %add3A_487 = arith.constant 1 : i32
        %add3A_488 = arith.addi %mul3A_486, %add3A_487 : i32
        %get3A_489 = arith.index_cast %add3A_488 : i32 to index
        %get3A_490 = arith.constant 16 : index
        %get3A_491 = tpu.vector_load %arg8[%get3A_489, %get3A_490] {strides = array<i32>} : memref<128x128xf32, #tpu.memory_space<vmem>>, vector<1x16xf32>,
        %get3A_492 = vector.shape_cast %get3A_491 : vector<1x16xf32> to vector<16xf32>
        %add3A_493 = arith.addf %get3A_484, %get3A_492 : vector<16xf32>
        %max3A_494 = arith.constant 0.000000e+00 : f32
        %max3A_495 = vector.broadcast %max3A_494 : f32 to vector<16xf32>
        %max3A_496 = arith.maximumf %add3A_493, %max3A_495 : vector<16xf32>
        %mul3A_497 = arith.constant 2 : i32
        %mul3A_498 = arith.muli %mul3A_497, %scan3A_215 : i32
        %add3A_499 = arith.constant 1 : i32
        %add3A_500 = arith.addi %mul3A_498, %add3A_499 : i32
        %swap3A_501 = arith.index_cast %add3A_500 : i32 to index
        %swap3A_502 = arith.constant 16 : index
        %swap3A_503 = tpu.vector_load %arg10[%swap3A_501, %swap3A_502] {strides = array<i32>} : memref<128x128xf32, #tpu.memory_space<vmem>>, vector<1x16xf32>,
        %swap3A_504 = vector.shape_cast %swap3A_503 : vector<1x16xf32> to vector<16xf32>
        %swap3A_505 = vector.shape_cast %max3A_496 : vector<16xf32> to vector<1x16xf32>
        tpu.vector_store %arg10[%swap3A_501, %swap3A_502], %swap3A_505 {strides = array<i32>} : memref<128x128xf32, #tpu.memory_space<vmem>>, vector<1x16xf32>,
        %mul3A_506 = arith.constant 2 : i32
        %mul3A_507 = arith.muli %mul3A_506, %scan3A_215 : i32
        %add3A_508 = arith.constant 1 : i32
        %add3A_509 = arith.addi %mul3A_507, %add3A_508 : i32
        %get3A_510 = arith.index_cast %add3A_509 : i32 to index
        %get3A_511 = arith.constant 32 : index
        %get3A_512 = tpu.vector_load %arg9[%get3A_510, %get3A_511] {strides = array<i32>} : memref<128x128xf32, #tpu.memory_space<vmem>>, vector<1x16xf32>,
        %get3A_513 = vector.shape_cast %get3A_512 : vector<1x16xf32> to vector<16xf32>
        %mul3A_514 = arith.constant 2 : i32
        %mul3A_515 = arith.muli %mul3A_514, %scan3A_215 : i32
        %add3A_516 = arith.constant 1 : i32
        %add3A_517 = arith.addi %mul3A_515, %add3A_516 : i32
        %get3A_518 = arith.index_cast %add3A_517 : i32 to index
        %get3A_519 = arith.constant 32 : index
        %get3A_520 = tpu.vector_load %arg8[%get3A_518, %get3A_519] {strides = array<i32>} : memref<128x128xf32, #tpu.memory_space<vmem>>, vector<1x16xf32>,
        %get3A_521 = vector.shape_cast %get3A_520 : vector<1x16xf32> to vector<16xf32>
        %add3A_522 = arith.addf %get3A_513, %get3A_521 : vector<16xf32>
        %max3A_523 = arith.constant 0.000000e+00 : f32
        %max3A_524 = vector.broadcast %max3A_523 : f32 to vector<16xf32>
        %max3A_525 = arith.maximumf %add3A_522, %max3A_524 : vector<16xf32>
        %mul3A_526 = arith.constant 2 : i32
        %mul3A_527 = arith.muli %mul3A_526, %scan3A_215 : i32
        %add3A_528 = arith.constant 1 : i32
        %add3A_529 = arith.addi %mul3A_527, %add3A_528 : i32
        %swap3A_530 = arith.index_cast %add3A_529 : i32 to index
        %swap3A_531 = arith.constant 32 : index
        %swap3A_532 = tpu.vector_load %arg10[%swap3A_530, %swap3A_531] {strides = array<i32>} : memref<128x128xf32, #tpu.memory_space<vmem>>, vector<1x16xf32>,
        %swap3A_533 = vector.shape_cast %swap3A_532 : vector<1x16xf32> to vector<16xf32>
        %swap3A_534 = vector.shape_cast %max3A_525 : vector<16xf32> to vector<1x16xf32>
        tpu.vector_store %arg10[%swap3A_530, %swap3A_531], %swap3A_534 {strides = array<i32>} : memref<128x128xf32, #tpu.memory_space<vmem>>, vector<1x16xf32>,
        %mul3A_535 = arith.constant 2 : i32
        %mul3A_536 = arith.muli %mul3A_535, %scan3A_215 : i32
        %add3A_537 = arith.constant 1 : i32
        %add3A_538 = arith.addi %mul3A_536, %add3A_537 : i32
        %get3A_539 = arith.index_cast %add3A_538 : i32 to index
        %get3A_540 = arith.constant 48 : index
        %get3A_541 = tpu.vector_load %arg9[%get3A_539, %get3A_540] {strides = array<i32>} : memref<128x128xf32, #tpu.memory_space<vmem>>, vector<1x16xf32>,
        %get3A_542 = vector.shape_cast %get3A_541 : vector<1x16xf32> to vector<16xf32>
        %mul3A_543 = arith.constant 2 : i32
        %mul3A_544 = arith.muli %mul3A_543, %scan3A_215 : i32
        %add3A_545 = arith.constant 1 : i32
        %add3A_546 = arith.addi %mul3A_544, %add3A_545 : i32
        %get3A_547 = arith.index_cast %add3A_546 : i32 to index
        %get3A_548 = arith.constant 48 : index
        %get3A_549 = tpu.vector_load %arg8[%get3A_547, %get3A_548] {strides = array<i32>} : memref<128x128xf32, #tpu.memory_space<vmem>>, vector<1x16xf32>,
        %get3A_550 = vector.shape_cast %get3A_549 : vector<1x16xf32> to vector<16xf32>
        %add3A_551 = arith.addf %get3A_542, %get3A_550 : vector<16xf32>
        %max3A_552 = arith.constant 0.000000e+00 : f32
        %max3A_553 = vector.broadcast %max3A_552 : f32 to vector<16xf32>
        %max3A_554 = arith.maximumf %add3A_551, %max3A_553 : vector<16xf32>
        %mul3A_555 = arith.constant 2 : i32
        %mul3A_556 = arith.muli %mul3A_555, %scan3A_215 : i32
        %add3A_557 = arith.constant 1 : i32
        %add3A_558 = arith.addi %mul3A_556, %add3A_557 : i32
        %swap3A_559 = arith.index_cast %add3A_558 : i32 to index
        %swap3A_560 = arith.constant 48 : index
        %swap3A_561 = tpu.vector_load %arg10[%swap3A_559, %swap3A_560] {strides = array<i32>} : memref<128x128xf32, #tpu.memory_space<vmem>>, vector<1x16xf32>,
        %swap3A_562 = vector.shape_cast %swap3A_561 : vector<1x16xf32> to vector<16xf32>
        %swap3A_563 = vector.shape_cast %max3A_554 : vector<16xf32> to vector<1x16xf32>
        tpu.vector_store %arg10[%swap3A_559, %swap3A_560], %swap3A_563 {strides = array<i32>} : memref<128x128xf32, #tpu.memory_space<vmem>>, vector<1x16xf32>,
        %mul3A_564 = arith.constant 2 : i32
        %mul3A_565 = arith.muli %mul3A_564, %scan3A_215 : i32
        %add3A_566 = arith.constant 1 : i32
        %add3A_567 = arith.addi %mul3A_565, %add3A_566 : i32
        %get3A_568 = arith.index_cast %add3A_567 : i32 to index
        %get3A_569 = arith.constant 64 : index
        %get3A_570 = tpu.vector_load %arg9[%get3A_568, %get3A_569] {strides = array<i32>} : memref<128x128xf32, #tpu.memory_space<vmem>>, vector<1x16xf32>,
        %get3A_571 = vector.shape_cast %get3A_570 : vector<1x16xf32> to vector<16xf32>
        %mul3A_572 = arith.constant 2 : i32
        %mul3A_573 = arith.muli %mul3A_572, %scan3A_215 : i32
        %add3A_574 = arith.constant 1 : i32
        %add3A_575 = arith.addi %mul3A_573, %add3A_574 : i32
        %get3A_576 = arith.index_cast %add3A_575 : i32 to index
        %get3A_577 = arith.constant 64 : index
        %get3A_578 = tpu.vector_load %arg8[%get3A_576, %get3A_577] {strides = array<i32>} : memref<128x128xf32, #tpu.memory_space<vmem>>, vector<1x16xf32>,
        %get3A_579 = vector.shape_cast %get3A_578 : vector<1x16xf32> to vector<16xf32>
        %add3A_580 = arith.addf %get3A_571, %get3A_579 : vector<16xf32>
        %max3A_581 = arith.constant 0.000000e+00 : f32
        %max3A_582 = vector.broadcast %max3A_581 : f32 to vector<16xf32>
        %max3A_583 = arith.maximumf %add3A_580, %max3A_582 : vector<16xf32>
        %mul3A_584 = arith.constant 2 : i32
        %mul3A_585 = arith.muli %mul3A_584, %scan3A_215 : i32
        %add3A_586 = arith.constant 1 : i32
        %add3A_587 = arith.addi %mul3A_585, %add3A_586 : i32
        %swap3A_588 = arith.index_cast %add3A_587 : i32 to index
        %swap3A_589 = arith.constant 64 : index
        %swap3A_590 = tpu.vector_load %arg10[%swap3A_588, %swap3A_589] {strides = array<i32>} : memref<128x128xf32, #tpu.memory_space<vmem>>, vector<1x16xf32>,
        %swap3A_591 = vector.shape_cast %swap3A_590 : vector<1x16xf32> to vector<16xf32>
        %swap3A_592 = vector.shape_cast %max3A_583 : vector<16xf32> to vector<1x16xf32>
        tpu.vector_store %arg10[%swap3A_588, %swap3A_589], %swap3A_592 {strides = array<i32>} : memref<128x128xf32, #tpu.memory_space<vmem>>, vector<1x16xf32>,
        %mul3A_593 = arith.constant 2 : i32
        %mul3A_594 = arith.muli %mul3A_593, %scan3A_215 : i32
        %add3A_595 = arith.constant 1 : i32
        %add3A_596 = arith.addi %mul3A_594, %add3A_595 : i32
        %get3A_597 = arith.index_cast %add3A_596 : i32 to index
        %get3A_598 = arith.constant 80 : index
        %get3A_599 = tpu.vector_load %arg9[%get3A_597, %get3A_598] {strides = array<i32>} : memref<128x128xf32, #tpu.memory_space<vmem>>, vector<1x16xf32>,
        %get3A_600 = vector.shape_cast %get3A_599 : vector<1x16xf32> to vector<16xf32>
        %mul3A_601 = arith.constant 2 : i32
        %mul3A_602 = arith.muli %mul3A_601, %scan3A_215 : i32
        %add3A_603 = arith.constant 1 : i32
        %add3A_604 = arith.addi %mul3A_602, %add3A_603 : i32
        %get3A_605 = arith.index_cast %add3A_604 : i32 to index
        %get3A_606 = arith.constant 80 : index
        %get3A_607 = tpu.vector_load %arg8[%get3A_605, %get3A_606] {strides = array<i32>} : memref<128x128xf32, #tpu.memory_space<vmem>>, vector<1x16xf32>,
        %get3A_608 = vector.shape_cast %get3A_607 : vector<1x16xf32> to vector<16xf32>
        %add3A_609 = arith.addf %get3A_600, %get3A_608 : vector<16xf32>
        %max3A_610 = arith.constant 0.000000e+00 : f32
        %max3A_611 = vector.broadcast %max3A_610 : f32 to vector<16xf32>
        %max3A_612 = arith.maximumf %add3A_609, %max3A_611 : vector<16xf32>
        %mul3A_613 = arith.constant 2 : i32
        %mul3A_614 = arith.muli %mul3A_613, %scan3A_215 : i32
        %add3A_615 = arith.constant 1 : i32
        %add3A_616 = arith.addi %mul3A_614, %add3A_615 : i32
        %swap3A_617 = arith.index_cast %add3A_616 : i32 to index
        %swap3A_618 = arith.constant 80 : index
        %swap3A_619 = tpu.vector_load %arg10[%swap3A_617, %swap3A_618] {strides = array<i32>} : memref<128x128xf32, #tpu.memory_space<vmem>>, vector<1x16xf32>,
        %swap3A_620 = vector.shape_cast %swap3A_619 : vector<1x16xf32> to vector<16xf32>
        %swap3A_621 = vector.shape_cast %max3A_612 : vector<16xf32> to vector<1x16xf32>
        tpu.vector_store %arg10[%swap3A_617, %swap3A_618], %swap3A_621 {strides = array<i32>} : memref<128x128xf32, #tpu.memory_space<vmem>>, vector<1x16xf32>,
        %mul3A_622 = arith.constant 2 : i32
        %mul3A_623 = arith.muli %mul3A_622, %scan3A_215 : i32
        %add3A_624 = arith.constant 1 : i32
        %add3A_625 = arith.addi %mul3A_623, %add3A_624 : i32
        %get3A_626 = arith.index_cast %add3A_625 : i32 to index
        %get3A_627 = arith.constant 96 : index
        %get3A_628 = tpu.vector_load %arg9[%get3A_626, %get3A_627] {strides = array<i32>} : memref<128x128xf32, #tpu.memory_space<vmem>>, vector<1x16xf32>,
        %get3A_629 = vector.shape_cast %get3A_628 : vector<1x16xf32> to vector<16xf32>
        %mul3A_630 = arith.constant 2 : i32
        %mul3A_631 = arith.muli %mul3A_630, %scan3A_215 : i32
        %add3A_632 = arith.constant 1 : i32
        %add3A_633 = arith.addi %mul3A_631, %add3A_632 : i32
        %get3A_634 = arith.index_cast %add3A_633 : i32 to index
        %get3A_635 = arith.constant 96 : index
        %get3A_636 = tpu.vector_load %arg8[%get3A_634, %get3A_635] {strides = array<i32>} : memref<128x128xf32, #tpu.memory_space<vmem>>, vector<1x16xf32>,
        %get3A_637 = vector.shape_cast %get3A_636 : vector<1x16xf32> to vector<16xf32>
        %add3A_638 = arith.addf %get3A_629, %get3A_637 : vector<16xf32>
        %max3A_639 = arith.constant 0.000000e+00 : f32
        %max3A_640 = vector.broadcast %max3A_639 : f32 to vector<16xf32>
        %max3A_641 = arith.maximumf %add3A_638, %max3A_640 : vector<16xf32>
        %mul3A_642 = arith.constant 2 : i32
        %mul3A_643 = arith.muli %mul3A_642, %scan3A_215 : i32
        %add3A_644 = arith.constant 1 : i32
        %add3A_645 = arith.addi %mul3A_643, %add3A_644 : i32
        %swap3A_646 = arith.index_cast %add3A_645 : i32 to index
        %swap3A_647 = arith.constant 96 : index
        %swap3A_648 = tpu.vector_load %arg10[%swap3A_646, %swap3A_647] {strides = array<i32>} : memref<128x128xf32, #tpu.memory_space<vmem>>, vector<1x16xf32>,
        %swap3A_649 = vector.shape_cast %swap3A_648 : vector<1x16xf32> to vector<16xf32>
        %swap3A_650 = vector.shape_cast %max3A_641 : vector<16xf32> to vector<1x16xf32>
        tpu.vector_store %arg10[%swap3A_646, %swap3A_647], %swap3A_650 {strides = array<i32>} : memref<128x128xf32, #tpu.memory_space<vmem>>, vector<1x16xf32>,
        %mul3A_651 = arith.constant 2 : i32
        %mul3A_652 = arith.muli %mul3A_651, %scan3A_215 : i32
        %add3A_653 = arith.constant 1 : i32
        %add3A_654 = arith.addi %mul3A_652, %add3A_653 : i32
        %get3A_655 = arith.index_cast %add3A_654 : i32 to index
        %get3A_656 = arith.constant 112 : index
        %get3A_657 = tpu.vector_load %arg9[%get3A_655, %get3A_656] {strides = array<i32>} : memref<128x128xf32, #tpu.memory_space<vmem>>, vector<1x16xf32>,
        %get3A_658 = vector.shape_cast %get3A_657 : vector<1x16xf32> to vector<16xf32>
        %mul3A_659 = arith.constant 2 : i32
        %mul3A_660 = arith.muli %mul3A_659, %scan3A_215 : i32
        %add3A_661 = arith.constant 1 : i32
        %add3A_662 = arith.addi %mul3A_660, %add3A_661 : i32
        %get3A_663 = arith.index_cast %add3A_662 : i32 to index
        %get3A_664 = arith.constant 112 : index
        %get3A_665 = tpu.vector_load %arg8[%get3A_663, %get3A_664] {strides = array<i32>} : memref<128x128xf32, #tpu.memory_space<vmem>>, vector<1x16xf32>,
        %get3A_666 = vector.shape_cast %get3A_665 : vector<1x16xf32> to vector<16xf32>
        %add3A_667 = arith.addf %get3A_658, %get3A_666 : vector<16xf32>
        %max3A_668 = arith.constant 0.000000e+00 : f32
        %max3A_669 = vector.broadcast %max3A_668 : f32 to vector<16xf32>
        %max3A_670 = arith.maximumf %add3A_667, %max3A_669 : vector<16xf32>
        %mul3A_671 = arith.constant 2 : i32
        %mul3A_672 = arith.muli %mul3A_671, %scan3A_215 : i32
        %add3A_673 = arith.constant 1 : i32
        %add3A_674 = arith.addi %mul3A_672, %add3A_673 : i32
        %swap3A_675 = arith.index_cast %add3A_674 : i32 to index
        %swap3A_676 = arith.constant 112 : index
        %swap3A_677 = tpu.vector_load %arg10[%swap3A_675, %swap3A_676] {strides = array<i32>} : memref<128x128xf32, #tpu.memory_space<vmem>>, vector<1x16xf32>,
        %swap3A_678 = vector.shape_cast %swap3A_677 : vector<1x16xf32> to vector<16xf32>
        %swap3A_679 = vector.shape_cast %max3A_670 : vector<16xf32> to vector<1x16xf32>
        tpu.vector_store %arg10[%swap3A_675, %swap3A_676], %swap3A_679 {strides = array<i32>} : memref<128x128xf32, #tpu.memory_space<vmem>>, vector<1x16xf32>,
        %scan3A_680 = arith.constant 0 : i32
        scf.yield %scan3A_680 : i32
      }
      %scan3A_206 = arith.constant 64 : i32
      %dma_start3A_207 = arith.constant 0 : i32
      %dma_start3A_208 = arith.constant 0 : i32
      %dma_start3A_209 = tpu.memref_slice %arg7[%dma_start3A_207, %dma_start3A_208] : memref<1x128xi32, #tpu.memory_space<vmem>> -> memref<1x128xi32, #tpu.memory_space<vmem>>
      %dma_start3A_210 = tpu.memref_squeeze %dma_start3A_209 : memref<1x128xi32, #tpu.memory_space<vmem>> -> memref<128xi32, #tpu.memory_space<vmem>>
      %dma_start3A_211 = arith.constant 0 : i32
      %dma_start3A_212 = arith.constant 0 : i32
      %dma_start3A_213 = tpu.memref_slice %arg11[%dma_start3A_211, %dma_start3A_212] : memref<10000x128xf32, #tpu.memory_space<vmem_shared>> -> memref<10000x128xf32, #tpu.memory_space<vmem_shared>>
      tpu.enqueue_indirect_dma source(%arg10 : memref<128x128xf32, #tpu.memory_space<vmem>>) target(%dma_start3A_213 : memref<10000x128xf32, #tpu.memory_space<vmem_shared>>) offsets(%dma_start3A_210 : memref<128xi32, #tpu.memory_space<vmem>>) semaphore(%arg14 : memref<!tpu.dma_semaphore, #tpu.memory_space<semaphore_mem>>) {add = true}
      %while3A_214 = arith.constant 0 : i32
      scf.yield %while3A_214 : i32
    }
    %while3A_44 = arith.constant 1 : i32
    %while3A_45 = scf.for %while3A_60 = %while3A_41 to %while3A_37 step %while3A_44 iter_args(%while3A_61 = %while3A_43) -> (i32)  : i32 {
      %add3A_62 = arith.addi %add3A_31, %while3A_60 : i32
      "tpu.region"() ({
        %run_scoped3A = tpu.sem_alloc : memref<!tpu.dma_semaphore, #tpu.memory_space<semaphore_mem>>
        %dma_start3A_215 = arith.constant 0 : i32
        %dma_start3A_216 = arith.constant 0 : i32
        %dma_start3A_217 = arith.constant 0 : i32
        %dma_start3A_218 = tpu.memref_slice %arg4[%add3A_62, %dma_start3A_215, %dma_start3A_216, %dma_start3A_217] : memref<2500x2x1x128xi32, #tpu.memory_space<hbm>> -> memref<1x2x1x128xi32, #tpu.memory_space<hbm>>
        %dma_start3A_219 = tpu.memref_squeeze %dma_start3A_218 : memref<1x2x1x128xi32, #tpu.memory_space<hbm>> -> memref<2x1x128xi32, #tpu.memory_space<hbm>>
        %dma_start3A_220 = arith.constant 0 : i32
        %dma_start3A_221 = arith.constant 0 : i32
        %dma_start3A_222 = arith.constant 0 : i32
        %dma_start3A_223 = tpu.memref_slice %arg4[%add3A_62, %dma_start3A_220, %dma_start3A_221, %dma_start3A_222] : memref<2500x2x1x128xi32, #tpu.memory_space<hbm>> -> memref<1x2x1x128xi32, #tpu.memory_space<hbm>>
        %dma_start3A_224 = tpu.memref_squeeze %dma_start3A_223 : memref<1x2x1x128xi32, #tpu.memory_space<hbm>> -> memref<2x1x128xi32, #tpu.memory_space<hbm>>
        tpu.enqueue_dma source(%dma_start3A_224 : memref<2x1x128xi32, #tpu.memory_space<hbm>>) target(%arg6 : memref<2x1x128xi32, #tpu.memory_space<vmem>>) target_semaphore(%run_scoped3A : memref<!tpu.dma_semaphore, #tpu.memory_space<semaphore_mem>>)
        %dma_wait3A_225 = arith.constant 0 : i32
        %dma_wait3A_226 = arith.constant 0 : i32
        %dma_wait3A_227 = arith.constant 0 : i32
        %dma_wait3A_228 = tpu.memref_slice %arg4[%add3A_62, %dma_wait3A_225, %dma_wait3A_226, %dma_wait3A_227] : memref<2500x2x1x128xi32, #tpu.memory_space<hbm>> -> memref<1x2x1x128xi32, #tpu.memory_space<hbm>>
        %dma_wait3A_229 = tpu.memref_squeeze %dma_wait3A_228 : memref<1x2x1x128xi32, #tpu.memory_space<hbm>> -> memref<2x1x128xi32, #tpu.memory_space<hbm>>
        %dma_wait3A_230 = arith.constant 0 : i32
        %dma_wait3A_231 = arith.constant 0 : i32
        %dma_wait3A_232 = arith.constant 0 : i32
        %dma_wait3A_233 = tpu.memref_slice %arg4[%add3A_62, %dma_wait3A_230, %dma_wait3A_231, %dma_wait3A_232] : memref<2500x2x1x128xi32, #tpu.memory_space<hbm>> -> memref<1x2x1x128xi32, #tpu.memory_space<hbm>>
        %dma_wait3A_234 = tpu.memref_squeeze %dma_wait3A_233 : memref<1x2x1x128xi32, #tpu.memory_space<hbm>> -> memref<2x1x128xi32, #tpu.memory_space<hbm>>
        tpu.wait_dma2 semaphore(%run_scoped3A : memref<!tpu.dma_semaphore, #tpu.memory_space<semaphore_mem>>) src(%dma_wait3A_234 : memref<2x1x128xi32, #tpu.memory_space<hbm>>) dst(%arg6 : memref<2x1x128xi32, #tpu.memory_space<vmem>>)
        tpu.yield
      }) : () -> ()
      %mul3A_63 = arith.constant 128 : i32
      %mul3A_64 = arith.muli %add3A_62, %mul3A_63 : i32
      %add3A_65 = arith.constant 640000 : i32
      %add3A_66 = arith.addi %add3A_65, %mul3A_64 : i32
      %dma_start3A = arith.constant 0 : i32
      %dma_start3A_67 = tpu.memref_slice %arg3[%add3A_66, %dma_start3A] : memref<960000x128xf32, #tpu.memory_space<hbm>> -> memref<128x128xf32, #tpu.memory_space<hbm>>
      %dma_start3A_68 = arith.constant 0 : i32
      %dma_start3A_69 = tpu.memref_slice %arg3[%add3A_66, %dma_start3A_68] : memref<960000x128xf32, #tpu.memory_space<hbm>> -> memref<128x128xf32, #tpu.memory_space<hbm>>
      tpu.enqueue_dma source(%dma_start3A_69 : memref<128x128xf32, #tpu.memory_space<hbm>>) target(%arg8 : memref<128x128xf32, #tpu.memory_space<vmem>>) target_semaphore(%arg12 : memref<!tpu.dma_semaphore, #tpu.memory_space<semaphore_mem>>)
      %dma_start3A_70 = arith.constant 0 : i32
      %dma_start3A_71 = arith.constant 0 : i32
      %dma_start3A_72 = arith.constant 0 : i32
      %dma_start3A_73 = tpu.memref_slice %arg6[%dma_start3A_70, %dma_start3A_71, %dma_start3A_72] : memref<2x1x128xi32, #tpu.memory_space<vmem>> -> memref<1x1x128xi32, #tpu.memory_space<vmem>>
      %dma_start3A_74 = tpu.memref_squeeze %dma_start3A_73 : memref<1x1x128xi32, #tpu.memory_space<vmem>> -> memref<128xi32, #tpu.memory_space<vmem>>
      %dma_start3A_75 = arith.constant 0 : i32
      %dma_start3A_76 = arith.constant 0 : i32
      %dma_start3A_77 = tpu.memref_slice %arg2[%dma_start3A_75, %dma_start3A_76] : memref<10000x128xf32, #tpu.memory_space<hbm>> -> memref<10000x128xf32, #tpu.memory_space<hbm>>
      tpu.enqueue_indirect_dma source(%dma_start3A_77 : memref<10000x128xf32, #tpu.memory_space<hbm>>) target(%arg9 : memref<128x128xf32, #tpu.memory_space<vmem>>) offsets(%dma_start3A_74 : memref<128xi32, #tpu.memory_space<vmem>>) semaphore(%arg13 : memref<!tpu.dma_semaphore, #tpu.memory_space<semaphore_mem>>)
      %gt3A = arith.constant 0 : i32
      %gt3A_78 = arith.cmpi sgt, %while3A_60, %gt3A : i32
      %convert_element_type3A_79 = arith.extui %gt3A_78 : i1 to i32
      %cond3A_80 = arith.constant 0 : i32
      %cond3A_81 = arith.cmpi ne, %convert_element_type3A_79, %cond3A_80 : i32
      scf.if %cond3A_81 {
        %dma_wait3A_215 = arith.constant 0 : i32
        %dma_wait3A_216 = arith.constant 0 : i32
        %dma_wait3A_217 = tpu.memref_slice %arg7[%dma_wait3A_215, %dma_wait3A_216] : memref<1x128xi32, #tpu.memory_space<vmem>> -> memref<1x128xi32, #tpu.memory_space<vmem>>
        %dma_wait3A_218 = tpu.memref_squeeze %dma_wait3A_217 : memref<1x128xi32, #tpu.memory_space<vmem>> -> memref<128xi32, #tpu.memory_space<vmem>>
        %dma_wait3A_219 = arith.constant 0 : i32
        %dma_wait3A_220 = arith.constant 0 : i32
        %dma_wait3A_221 = tpu.memref_slice %arg11[%dma_wait3A_219, %dma_wait3A_220] : memref<10000x128xf32, #tpu.memory_space<vmem_shared>> -> memref<10000x128xf32, #tpu.memory_space<vmem_shared>>
        tpu.wait_indirect_dma semaphore(%arg14 : memref<!tpu.dma_semaphore, #tpu.memory_space<semaphore_mem>>) src(%arg10 : memref<128x128xf32, #tpu.memory_space<vmem>>) dst(%dma_wait3A_221 : memref<10000x128xf32, #tpu.memory_space<vmem_shared>>)
      } else {
      }
      %get3A = arith.constant 1 : i32
      %get3A_82 = arith.constant 0 : i32
      %get3A_83 = arith.index_cast %get3A : i32 to index
      %get3A_84 = arith.index_cast %get3A_82 : i32 to index
      %get3A_85 = arith.constant 0 : index
      %get3A_86 = tpu.vector_load %arg6[%get3A_83, %get3A_84, %get3A_85] {strides = array<i32>} : memref<2x1x128xi32, #tpu.memory_space<vmem>>, vector<1x1x16xi32>,
      %get3A_87 = vector.shape_cast %get3A_86 : vector<1x1x16xi32> to vector<16xi32>
      %swap3A = arith.constant 0 : i32
      %swap3A_88 = arith.index_cast %swap3A : i32 to index
      %swap3A_89 = arith.constant 0 : index
      %swap3A_90 = tpu.vector_load %arg7[%swap3A_88, %swap3A_89] {strides = array<i32>} : memref<1x128xi32, #tpu.memory_space<vmem>>, vector<1x16xi32>,
      %swap3A_91 = vector.shape_cast %swap3A_90 : vector<1x16xi32> to vector<16xi32>
      %swap3A_92 = vector.shape_cast %get3A_87 : vector<16xi32> to vector<1x16xi32>
      tpu.vector_store %arg7[%swap3A_88, %swap3A_89], %swap3A_92 {strides = array<i32>} : memref<1x128xi32, #tpu.memory_space<vmem>>, vector<1x16xi32>,
      %get3A_93 = arith.constant 1 : i32
      %get3A_94 = arith.constant 0 : i32
      %get3A_95 = arith.index_cast %get3A_93 : i32 to index
      %get3A_96 = arith.index_cast %get3A_94 : i32 to index
      %get3A_97 = arith.constant 16 : index
      %get3A_98 = tpu.vector_load %arg6[%get3A_95, %get3A_96, %get3A_97] {strides = array<i32>} : memref<2x1x128xi32, #tpu.memory_space<vmem>>, vector<1x1x16xi32>,
      %get3A_99 = vector.shape_cast %get3A_98 : vector<1x1x16xi32> to vector<16xi32>
      %swap3A_100 = arith.constant 0 : i32
      %swap3A_101 = arith.index_cast %swap3A_100 : i32 to index
      %swap3A_102 = arith.constant 16 : index
      %swap3A_103 = tpu.vector_load %arg7[%swap3A_101, %swap3A_102] {strides = array<i32>} : memref<1x128xi32, #tpu.memory_space<vmem>>, vector<1x16xi32>,
      %swap3A_104 = vector.shape_cast %swap3A_103 : vector<1x16xi32> to vector<16xi32>
      %swap3A_105 = vector.shape_cast %get3A_99 : vector<16xi32> to vector<1x16xi32>
      tpu.vector_store %arg7[%swap3A_101, %swap3A_102], %swap3A_105 {strides = array<i32>} : memref<1x128xi32, #tpu.memory_space<vmem>>, vector<1x16xi32>,
      %get3A_106 = arith.constant 1 : i32
      %get3A_107 = arith.constant 0 : i32
      %get3A_108 = arith.index_cast %get3A_106 : i32 to index
      %get3A_109 = arith.index_cast %get3A_107 : i32 to index
      %get3A_110 = arith.constant 32 : index
      %get3A_111 = tpu.vector_load %arg6[%get3A_108, %get3A_109, %get3A_110] {strides = array<i32>} : memref<2x1x128xi32, #tpu.memory_space<vmem>>, vector<1x1x16xi32>,
      %get3A_112 = vector.shape_cast %get3A_111 : vector<1x1x16xi32> to vector<16xi32>
      %swap3A_113 = arith.constant 0 : i32
      %swap3A_114 = arith.index_cast %swap3A_113 : i32 to index
      %swap3A_115 = arith.constant 32 : index
      %swap3A_116 = tpu.vector_load %arg7[%swap3A_114, %swap3A_115] {strides = array<i32>} : memref<1x128xi32, #tpu.memory_space<vmem>>, vector<1x16xi32>,
      %swap3A_117 = vector.shape_cast %swap3A_116 : vector<1x16xi32> to vector<16xi32>
      %swap3A_118 = vector.shape_cast %get3A_112 : vector<16xi32> to vector<1x16xi32>
      tpu.vector_store %arg7[%swap3A_114, %swap3A_115], %swap3A_118 {strides = array<i32>} : memref<1x128xi32, #tpu.memory_space<vmem>>, vector<1x16xi32>,
      %get3A_119 = arith.constant 1 : i32
      %get3A_120 = arith.constant 0 : i32
      %get3A_121 = arith.index_cast %get3A_119 : i32 to index
      %get3A_122 = arith.index_cast %get3A_120 : i32 to index
      %get3A_123 = arith.constant 48 : index
      %get3A_124 = tpu.vector_load %arg6[%get3A_121, %get3A_122, %get3A_123] {strides = array<i32>} : memref<2x1x128xi32, #tpu.memory_space<vmem>>, vector<1x1x16xi32>,
      %get3A_125 = vector.shape_cast %get3A_124 : vector<1x1x16xi32> to vector<16xi32>
      %swap3A_126 = arith.constant 0 : i32
      %swap3A_127 = arith.index_cast %swap3A_126 : i32 to index
      %swap3A_128 = arith.constant 48 : index
      %swap3A_129 = tpu.vector_load %arg7[%swap3A_127, %swap3A_128] {strides = array<i32>} : memref<1x128xi32, #tpu.memory_space<vmem>>, vector<1x16xi32>,
      %swap3A_130 = vector.shape_cast %swap3A_129 : vector<1x16xi32> to vector<16xi32>
      %swap3A_131 = vector.shape_cast %get3A_125 : vector<16xi32> to vector<1x16xi32>
      tpu.vector_store %arg7[%swap3A_127, %swap3A_128], %swap3A_131 {strides = array<i32>} : memref<1x128xi32, #tpu.memory_space<vmem>>, vector<1x16xi32>,
      %get3A_132 = arith.constant 1 : i32
      %get3A_133 = arith.constant 0 : i32
      %get3A_134 = arith.index_cast %get3A_132 : i32 to index
      %get3A_135 = arith.index_cast %get3A_133 : i32 to index
      %get3A_136 = arith.constant 64 : index
      %get3A_137 = tpu.vector_load %arg6[%get3A_134, %get3A_135, %get3A_136] {strides = array<i32>} : memref<2x1x128xi32, #tpu.memory_space<vmem>>, vector<1x1x16xi32>,
      %get3A_138 = vector.shape_cast %get3A_137 : vector<1x1x16xi32> to vector<16xi32>
      %swap3A_139 = arith.constant 0 : i32
      %swap3A_140 = arith.index_cast %swap3A_139 : i32 to index
      %swap3A_141 = arith.constant 64 : index
      %swap3A_142 = tpu.vector_load %arg7[%swap3A_140, %swap3A_141] {strides = array<i32>} : memref<1x128xi32, #tpu.memory_space<vmem>>, vector<1x16xi32>,
      %swap3A_143 = vector.shape_cast %swap3A_142 : vector<1x16xi32> to vector<16xi32>
      %swap3A_144 = vector.shape_cast %get3A_138 : vector<16xi32> to vector<1x16xi32>
      tpu.vector_store %arg7[%swap3A_140, %swap3A_141], %swap3A_144 {strides = array<i32>} : memref<1x128xi32, #tpu.memory_space<vmem>>, vector<1x16xi32>,
      %get3A_145 = arith.constant 1 : i32
      %get3A_146 = arith.constant 0 : i32
      %get3A_147 = arith.index_cast %get3A_145 : i32 to index
      %get3A_148 = arith.index_cast %get3A_146 : i32 to index
      %get3A_149 = arith.constant 80 : index
      %get3A_150 = tpu.vector_load %arg6[%get3A_147, %get3A_148, %get3A_149] {strides = array<i32>} : memref<2x1x128xi32, #tpu.memory_space<vmem>>, vector<1x1x16xi32>,
      %get3A_151 = vector.shape_cast %get3A_150 : vector<1x1x16xi32> to vector<16xi32>
      %swap3A_152 = arith.constant 0 : i32
      %swap3A_153 = arith.index_cast %swap3A_152 : i32 to index
      %swap3A_154 = arith.constant 80 : index
      %swap3A_155 = tpu.vector_load %arg7[%swap3A_153, %swap3A_154] {strides = array<i32>} : memref<1x128xi32, #tpu.memory_space<vmem>>, vector<1x16xi32>,
      %swap3A_156 = vector.shape_cast %swap3A_155 : vector<1x16xi32> to vector<16xi32>
      %swap3A_157 = vector.shape_cast %get3A_151 : vector<16xi32> to vector<1x16xi32>
      tpu.vector_store %arg7[%swap3A_153, %swap3A_154], %swap3A_157 {strides = array<i32>} : memref<1x128xi32, #tpu.memory_space<vmem>>, vector<1x16xi32>,
      %get3A_158 = arith.constant 1 : i32
      %get3A_159 = arith.constant 0 : i32
      %get3A_160 = arith.index_cast %get3A_158 : i32 to index
      %get3A_161 = arith.index_cast %get3A_159 : i32 to index
      %get3A_162 = arith.constant 96 : index
      %get3A_163 = tpu.vector_load %arg6[%get3A_160, %get3A_161, %get3A_162] {strides = array<i32>} : memref<2x1x128xi32, #tpu.memory_space<vmem>>, vector<1x1x16xi32>,
      %get3A_164 = vector.shape_cast %get3A_163 : vector<1x1x16xi32> to vector<16xi32>
      %swap3A_165 = arith.constant 0 : i32
      %swap3A_166 = arith.index_cast %swap3A_165 : i32 to index
      %swap3A_167 = arith.constant 96 : index
      %swap3A_168 = tpu.vector_load %arg7[%swap3A_166, %swap3A_167] {strides = array<i32>} : memref<1x128xi32, #tpu.memory_space<vmem>>, vector<1x16xi32>,
      %swap3A_169 = vector.shape_cast %swap3A_168 : vector<1x16xi32> to vector<16xi32>
      %swap3A_170 = vector.shape_cast %get3A_164 : vector<16xi32> to vector<1x16xi32>
      tpu.vector_store %arg7[%swap3A_166, %swap3A_167], %swap3A_170 {strides = array<i32>} : memref<1x128xi32, #tpu.memory_space<vmem>>, vector<1x16xi32>,
      %get3A_171 = arith.constant 1 : i32
      %get3A_172 = arith.constant 0 : i32
      %get3A_173 = arith.index_cast %get3A_171 : i32 to index
      %get3A_174 = arith.index_cast %get3A_172 : i32 to index
      %get3A_175 = arith.constant 112 : index
      %get3A_176 = tpu.vector_load %arg6[%get3A_173, %get3A_174, %get3A_175] {strides = array<i32>} : memref<2x1x128xi32, #tpu.memory_space<vmem>>, vector<1x1x16xi32>,
      %get3A_177 = vector.shape_cast %get3A_176 : vector<1x1x16xi32> to vector<16xi32>
      %swap3A_178 = arith.constant 0 : i32
      %swap3A_179 = arith.index_cast %swap3A_178 : i32 to index
      %swap3A_180 = arith.constant 112 : index
      %swap3A_181 = tpu.vector_load %arg7[%swap3A_179, %swap3A_180] {strides = array<i32>} : memref<1x128xi32, #tpu.memory_space<vmem>>, vector<1x16xi32>,
      %swap3A_182 = vector.shape_cast %swap3A_181 : vector<1x16xi32> to vector<16xi32>
      %swap3A_183 = vector.shape_cast %get3A_177 : vector<16xi32> to vector<1x16xi32>
      tpu.vector_store %arg7[%swap3A_179, %swap3A_180], %swap3A_183 {strides = array<i32>} : memref<1x128xi32, #tpu.memory_space<vmem>>, vector<1x16xi32>,
      %mul3A_184 = arith.constant 128 : i32
      %mul3A_185 = arith.muli %add3A_62, %mul3A_184 : i32
      %add3A_186 = arith.constant 640000 : i32
      %add3A_187 = arith.addi %add3A_186, %mul3A_185 : i32
      %dma_wait3A_188 = arith.constant 0 : i32
      %dma_wait3A_189 = tpu.memref_slice %arg3[%add3A_187, %dma_wait3A_188] : memref<960000x128xf32, #tpu.memory_space<hbm>> -> memref<128x128xf32, #tpu.memory_space<hbm>>
      %dma_wait3A_190 = arith.constant 0 : i32
      %dma_wait3A_191 = tpu.memref_slice %arg3[%add3A_187, %dma_wait3A_190] : memref<960000x128xf32, #tpu.memory_space<hbm>> -> memref<128x128xf32, #tpu.memory_space<hbm>>
      tpu.wait_dma2 semaphore(%arg12 : memref<!tpu.dma_semaphore, #tpu.memory_space<semaphore_mem>>) src(%dma_wait3A_191 : memref<128x128xf32, #tpu.memory_space<hbm>>) dst(%arg8 : memref<128x128xf32, #tpu.memory_space<vmem>>)
      %dma_wait3A_192 = arith.constant 0 : i32
      %dma_wait3A_193 = arith.constant 0 : i32
      %dma_wait3A_194 = arith.constant 0 : i32
      %dma_wait3A_195 = tpu.memref_slice %arg6[%dma_wait3A_192, %dma_wait3A_193, %dma_wait3A_194] : memref<2x1x128xi32, #tpu.memory_space<vmem>> -> memref<1x1x128xi32, #tpu.memory_space<vmem>>
      %dma_wait3A_196 = tpu.memref_squeeze %dma_wait3A_195 : memref<1x1x128xi32, #tpu.memory_space<vmem>> -> memref<128xi32, #tpu.memory_space<vmem>>
      %dma_wait3A_197 = arith.constant 0 : i32
      %dma_wait3A_198 = arith.constant 0 : i32
      %dma_wait3A_199 = tpu.memref_slice %arg2[%dma_wait3A_197, %dma_wait3A_198] : memref<10000x128xf32, #tpu.memory_space<hbm>> -> memref<10000x128xf32, #tpu.memory_space<hbm>>
      tpu.wait_indirect_dma semaphore(%arg13 : memref<!tpu.dma_semaphore, #tpu.memory_space<semaphore_mem>>) src(%dma_wait3A_199 : memref<10000x128xf32, #tpu.memory_space<hbm>>) dst(%arg9 : memref<128x128xf32, #tpu.memory_space<vmem>>)
      %scan3A_200 = arith.constant 0 : i32
      %scan3A_201 = arith.constant 0 : i32
      %scan3A_202 = arith.constant 64 : i32
      %scan3A_203 = arith.addi %scan3A_201, %scan3A_202 : i32
      %scan3A_204 = arith.constant 1 : i32
      %scan3A_205 = scf.for %scan3A_215 = %scan3A_201 to %scan3A_203 step %scan3A_204 iter_args(%scan3A_216 = %scan3A_200) -> (i32)  : i32 {
        %mul3A_217 = arith.constant 2 : i32
        %mul3A_218 = arith.muli %mul3A_217, %scan3A_215 : i32
        %add3A_219 = arith.constant 0 : i32
        %add3A_220 = arith.addi %mul3A_218, %add3A_219 : i32
        %get3A_221 = arith.index_cast %add3A_220 : i32 to index
        %get3A_222 = arith.constant 0 : index
        %get3A_223 = tpu.vector_load %arg9[%get3A_221, %get3A_222] {strides = array<i32>} : memref<128x128xf32, #tpu.memory_space<vmem>>, vector<1x16xf32>,
        %get3A_224 = vector.shape_cast %get3A_223 : vector<1x16xf32> to vector<16xf32>
        %mul3A_225 = arith.constant 2 : i32
        %mul3A_226 = arith.muli %mul3A_225, %scan3A_215 : i32
        %add3A_227 = arith.constant 0 : i32
        %add3A_228 = arith.addi %mul3A_226, %add3A_227 : i32
        %get3A_229 = arith.index_cast %add3A_228 : i32 to index
        %get3A_230 = arith.constant 0 : index
        %get3A_231 = tpu.vector_load %arg8[%get3A_229, %get3A_230] {strides = array<i32>} : memref<128x128xf32, #tpu.memory_space<vmem>>, vector<1x16xf32>,
        %get3A_232 = vector.shape_cast %get3A_231 : vector<1x16xf32> to vector<16xf32>
        %add3A_233 = arith.addf %get3A_224, %get3A_232 : vector<16xf32>
        %max3A = arith.constant 0.000000e+00 : f32
        %max3A_234 = vector.broadcast %max3A : f32 to vector<16xf32>
        %max3A_235 = arith.maximumf %add3A_233, %max3A_234 : vector<16xf32>
        %mul3A_236 = arith.constant 2 : i32
        %mul3A_237 = arith.muli %mul3A_236, %scan3A_215 : i32
        %add3A_238 = arith.constant 0 : i32
        %add3A_239 = arith.addi %mul3A_237, %add3A_238 : i32
        %swap3A_240 = arith.index_cast %add3A_239 : i32 to index
        %swap3A_241 = arith.constant 0 : index
        %swap3A_242 = tpu.vector_load %arg10[%swap3A_240, %swap3A_241] {strides = array<i32>} : memref<128x128xf32, #tpu.memory_space<vmem>>, vector<1x16xf32>,
        %swap3A_243 = vector.shape_cast %swap3A_242 : vector<1x16xf32> to vector<16xf32>
        %swap3A_244 = vector.shape_cast %max3A_235 : vector<16xf32> to vector<1x16xf32>
        tpu.vector_store %arg10[%swap3A_240, %swap3A_241], %swap3A_244 {strides = array<i32>} : memref<128x128xf32, #tpu.memory_space<vmem>>, vector<1x16xf32>,
        %mul3A_245 = arith.constant 2 : i32
        %mul3A_246 = arith.muli %mul3A_245, %scan3A_215 : i32
        %add3A_247 = arith.constant 0 : i32
        %add3A_248 = arith.addi %mul3A_246, %add3A_247 : i32
        %get3A_249 = arith.index_cast %add3A_248 : i32 to index
        %get3A_250 = arith.constant 16 : index
        %get3A_251 = tpu.vector_load %arg9[%get3A_249, %get3A_250] {strides = array<i32>} : memref<128x128xf32, #tpu.memory_space<vmem>>, vector<1x16xf32>,
        %get3A_252 = vector.shape_cast %get3A_251 : vector<1x16xf32> to vector<16xf32>
        %mul3A_253 = arith.constant 2 : i32
        %mul3A_254 = arith.muli %mul3A_253, %scan3A_215 : i32
        %add3A_255 = arith.constant 0 : i32
        %add3A_256 = arith.addi %mul3A_254, %add3A_255 : i32
        %get3A_257 = arith.index_cast %add3A_256 : i32 to index
        %get3A_258 = arith.constant 16 : index
        %get3A_259 = tpu.vector_load %arg8[%get3A_257, %get3A_258] {strides = array<i32>} : memref<128x128xf32, #tpu.memory_space<vmem>>, vector<1x16xf32>,
        %get3A_260 = vector.shape_cast %get3A_259 : vector<1x16xf32> to vector<16xf32>
        %add3A_261 = arith.addf %get3A_252, %get3A_260 : vector<16xf32>
        %max3A_262 = arith.constant 0.000000e+00 : f32
        %max3A_263 = vector.broadcast %max3A_262 : f32 to vector<16xf32>
        %max3A_264 = arith.maximumf %add3A_261, %max3A_263 : vector<16xf32>
        %mul3A_265 = arith.constant 2 : i32
        %mul3A_266 = arith.muli %mul3A_265, %scan3A_215 : i32
        %add3A_267 = arith.constant 0 : i32
        %add3A_268 = arith.addi %mul3A_266, %add3A_267 : i32
        %swap3A_269 = arith.index_cast %add3A_268 : i32 to index
        %swap3A_270 = arith.constant 16 : index
        %swap3A_271 = tpu.vector_load %arg10[%swap3A_269, %swap3A_270] {strides = array<i32>} : memref<128x128xf32, #tpu.memory_space<vmem>>, vector<1x16xf32>,
        %swap3A_272 = vector.shape_cast %swap3A_271 : vector<1x16xf32> to vector<16xf32>
        %swap3A_273 = vector.shape_cast %max3A_264 : vector<16xf32> to vector<1x16xf32>
        tpu.vector_store %arg10[%swap3A_269, %swap3A_270], %swap3A_273 {strides = array<i32>} : memref<128x128xf32, #tpu.memory_space<vmem>>, vector<1x16xf32>,
        %mul3A_274 = arith.constant 2 : i32
        %mul3A_275 = arith.muli %mul3A_274, %scan3A_215 : i32
        %add3A_276 = arith.constant 0 : i32
        %add3A_277 = arith.addi %mul3A_275, %add3A_276 : i32
        %get3A_278 = arith.index_cast %add3A_277 : i32 to index
        %get3A_279 = arith.constant 32 : index
        %get3A_280 = tpu.vector_load %arg9[%get3A_278, %get3A_279] {strides = array<i32>} : memref<128x128xf32, #tpu.memory_space<vmem>>, vector<1x16xf32>,
        %get3A_281 = vector.shape_cast %get3A_280 : vector<1x16xf32> to vector<16xf32>
        %mul3A_282 = arith.constant 2 : i32
        %mul3A_283 = arith.muli %mul3A_282, %scan3A_215 : i32
        %add3A_284 = arith.constant 0 : i32
        %add3A_285 = arith.addi %mul3A_283, %add3A_284 : i32
        %get3A_286 = arith.index_cast %add3A_285 : i32 to index
        %get3A_287 = arith.constant 32 : index
        %get3A_288 = tpu.vector_load %arg8[%get3A_286, %get3A_287] {strides = array<i32>} : memref<128x128xf32, #tpu.memory_space<vmem>>, vector<1x16xf32>,
        %get3A_289 = vector.shape_cast %get3A_288 : vector<1x16xf32> to vector<16xf32>
        %add3A_290 = arith.addf %get3A_281, %get3A_289 : vector<16xf32>
        %max3A_291 = arith.constant 0.000000e+00 : f32
        %max3A_292 = vector.broadcast %max3A_291 : f32 to vector<16xf32>
        %max3A_293 = arith.maximumf %add3A_290, %max3A_292 : vector<16xf32>
        %mul3A_294 = arith.constant 2 : i32
        %mul3A_295 = arith.muli %mul3A_294, %scan3A_215 : i32
        %add3A_296 = arith.constant 0 : i32
        %add3A_297 = arith.addi %mul3A_295, %add3A_296 : i32
        %swap3A_298 = arith.index_cast %add3A_297 : i32 to index
        %swap3A_299 = arith.constant 32 : index
        %swap3A_300 = tpu.vector_load %arg10[%swap3A_298, %swap3A_299] {strides = array<i32>} : memref<128x128xf32, #tpu.memory_space<vmem>>, vector<1x16xf32>,
        %swap3A_301 = vector.shape_cast %swap3A_300 : vector<1x16xf32> to vector<16xf32>
        %swap3A_302 = vector.shape_cast %max3A_293 : vector<16xf32> to vector<1x16xf32>
        tpu.vector_store %arg10[%swap3A_298, %swap3A_299], %swap3A_302 {strides = array<i32>} : memref<128x128xf32, #tpu.memory_space<vmem>>, vector<1x16xf32>,
        %mul3A_303 = arith.constant 2 : i32
        %mul3A_304 = arith.muli %mul3A_303, %scan3A_215 : i32
        %add3A_305 = arith.constant 0 : i32
        %add3A_306 = arith.addi %mul3A_304, %add3A_305 : i32
        %get3A_307 = arith.index_cast %add3A_306 : i32 to index
        %get3A_308 = arith.constant 48 : index
        %get3A_309 = tpu.vector_load %arg9[%get3A_307, %get3A_308] {strides = array<i32>} : memref<128x128xf32, #tpu.memory_space<vmem>>, vector<1x16xf32>,
        %get3A_310 = vector.shape_cast %get3A_309 : vector<1x16xf32> to vector<16xf32>
        %mul3A_311 = arith.constant 2 : i32
        %mul3A_312 = arith.muli %mul3A_311, %scan3A_215 : i32
        %add3A_313 = arith.constant 0 : i32
        %add3A_314 = arith.addi %mul3A_312, %add3A_313 : i32
        %get3A_315 = arith.index_cast %add3A_314 : i32 to index
        %get3A_316 = arith.constant 48 : index
        %get3A_317 = tpu.vector_load %arg8[%get3A_315, %get3A_316] {strides = array<i32>} : memref<128x128xf32, #tpu.memory_space<vmem>>, vector<1x16xf32>,
        %get3A_318 = vector.shape_cast %get3A_317 : vector<1x16xf32> to vector<16xf32>
        %add3A_319 = arith.addf %get3A_310, %get3A_318 : vector<16xf32>
        %max3A_320 = arith.constant 0.000000e+00 : f32
        %max3A_321 = vector.broadcast %max3A_320 : f32 to vector<16xf32>
        %max3A_322 = arith.maximumf %add3A_319, %max3A_321 : vector<16xf32>
        %mul3A_323 = arith.constant 2 : i32
        %mul3A_324 = arith.muli %mul3A_323, %scan3A_215 : i32
        %add3A_325 = arith.constant 0 : i32
        %add3A_326 = arith.addi %mul3A_324, %add3A_325 : i32
        %swap3A_327 = arith.index_cast %add3A_326 : i32 to index
        %swap3A_328 = arith.constant 48 : index
        %swap3A_329 = tpu.vector_load %arg10[%swap3A_327, %swap3A_328] {strides = array<i32>} : memref<128x128xf32, #tpu.memory_space<vmem>>, vector<1x16xf32>,
        %swap3A_330 = vector.shape_cast %swap3A_329 : vector<1x16xf32> to vector<16xf32>
        %swap3A_331 = vector.shape_cast %max3A_322 : vector<16xf32> to vector<1x16xf32>
        tpu.vector_store %arg10[%swap3A_327, %swap3A_328], %swap3A_331 {strides = array<i32>} : memref<128x128xf32, #tpu.memory_space<vmem>>, vector<1x16xf32>,
        %mul3A_332 = arith.constant 2 : i32
        %mul3A_333 = arith.muli %mul3A_332, %scan3A_215 : i32
        %add3A_334 = arith.constant 0 : i32
        %add3A_335 = arith.addi %mul3A_333, %add3A_334 : i32
        %get3A_336 = arith.index_cast %add3A_335 : i32 to index
        %get3A_337 = arith.constant 64 : index
        %get3A_338 = tpu.vector_load %arg9[%get3A_336, %get3A_337] {strides = array<i32>} : memref<128x128xf32, #tpu.memory_space<vmem>>, vector<1x16xf32>,
        %get3A_339 = vector.shape_cast %get3A_338 : vector<1x16xf32> to vector<16xf32>
        %mul3A_340 = arith.constant 2 : i32
        %mul3A_341 = arith.muli %mul3A_340, %scan3A_215 : i32
        %add3A_342 = arith.constant 0 : i32
        %add3A_343 = arith.addi %mul3A_341, %add3A_342 : i32
        %get3A_344 = arith.index_cast %add3A_343 : i32 to index
        %get3A_345 = arith.constant 64 : index
        %get3A_346 = tpu.vector_load %arg8[%get3A_344, %get3A_345] {strides = array<i32>} : memref<128x128xf32, #tpu.memory_space<vmem>>, vector<1x16xf32>,
        %get3A_347 = vector.shape_cast %get3A_346 : vector<1x16xf32> to vector<16xf32>
        %add3A_348 = arith.addf %get3A_339, %get3A_347 : vector<16xf32>
        %max3A_349 = arith.constant 0.000000e+00 : f32
        %max3A_350 = vector.broadcast %max3A_349 : f32 to vector<16xf32>
        %max3A_351 = arith.maximumf %add3A_348, %max3A_350 : vector<16xf32>
        %mul3A_352 = arith.constant 2 : i32
        %mul3A_353 = arith.muli %mul3A_352, %scan3A_215 : i32
        %add3A_354 = arith.constant 0 : i32
        %add3A_355 = arith.addi %mul3A_353, %add3A_354 : i32
        %swap3A_356 = arith.index_cast %add3A_355 : i32 to index
        %swap3A_357 = arith.constant 64 : index
        %swap3A_358 = tpu.vector_load %arg10[%swap3A_356, %swap3A_357] {strides = array<i32>} : memref<128x128xf32, #tpu.memory_space<vmem>>, vector<1x16xf32>,
        %swap3A_359 = vector.shape_cast %swap3A_358 : vector<1x16xf32> to vector<16xf32>
        %swap3A_360 = vector.shape_cast %max3A_351 : vector<16xf32> to vector<1x16xf32>
        tpu.vector_store %arg10[%swap3A_356, %swap3A_357], %swap3A_360 {strides = array<i32>} : memref<128x128xf32, #tpu.memory_space<vmem>>, vector<1x16xf32>,
        %mul3A_361 = arith.constant 2 : i32
        %mul3A_362 = arith.muli %mul3A_361, %scan3A_215 : i32
        %add3A_363 = arith.constant 0 : i32
        %add3A_364 = arith.addi %mul3A_362, %add3A_363 : i32
        %get3A_365 = arith.index_cast %add3A_364 : i32 to index
        %get3A_366 = arith.constant 80 : index
        %get3A_367 = tpu.vector_load %arg9[%get3A_365, %get3A_366] {strides = array<i32>} : memref<128x128xf32, #tpu.memory_space<vmem>>, vector<1x16xf32>,
        %get3A_368 = vector.shape_cast %get3A_367 : vector<1x16xf32> to vector<16xf32>
        %mul3A_369 = arith.constant 2 : i32
        %mul3A_370 = arith.muli %mul3A_369, %scan3A_215 : i32
        %add3A_371 = arith.constant 0 : i32
        %add3A_372 = arith.addi %mul3A_370, %add3A_371 : i32
        %get3A_373 = arith.index_cast %add3A_372 : i32 to index
        %get3A_374 = arith.constant 80 : index
        %get3A_375 = tpu.vector_load %arg8[%get3A_373, %get3A_374] {strides = array<i32>} : memref<128x128xf32, #tpu.memory_space<vmem>>, vector<1x16xf32>,
        %get3A_376 = vector.shape_cast %get3A_375 : vector<1x16xf32> to vector<16xf32>
        %add3A_377 = arith.addf %get3A_368, %get3A_376 : vector<16xf32>
        %max3A_378 = arith.constant 0.000000e+00 : f32
        %max3A_379 = vector.broadcast %max3A_378 : f32 to vector<16xf32>
        %max3A_380 = arith.maximumf %add3A_377, %max3A_379 : vector<16xf32>
        %mul3A_381 = arith.constant 2 : i32
        %mul3A_382 = arith.muli %mul3A_381, %scan3A_215 : i32
        %add3A_383 = arith.constant 0 : i32
        %add3A_384 = arith.addi %mul3A_382, %add3A_383 : i32
        %swap3A_385 = arith.index_cast %add3A_384 : i32 to index
        %swap3A_386 = arith.constant 80 : index
        %swap3A_387 = tpu.vector_load %arg10[%swap3A_385, %swap3A_386] {strides = array<i32>} : memref<128x128xf32, #tpu.memory_space<vmem>>, vector<1x16xf32>,
        %swap3A_388 = vector.shape_cast %swap3A_387 : vector<1x16xf32> to vector<16xf32>
        %swap3A_389 = vector.shape_cast %max3A_380 : vector<16xf32> to vector<1x16xf32>
        tpu.vector_store %arg10[%swap3A_385, %swap3A_386], %swap3A_389 {strides = array<i32>} : memref<128x128xf32, #tpu.memory_space<vmem>>, vector<1x16xf32>,
        %mul3A_390 = arith.constant 2 : i32
        %mul3A_391 = arith.muli %mul3A_390, %scan3A_215 : i32
        %add3A_392 = arith.constant 0 : i32
        %add3A_393 = arith.addi %mul3A_391, %add3A_392 : i32
        %get3A_394 = arith.index_cast %add3A_393 : i32 to index
        %get3A_395 = arith.constant 96 : index
        %get3A_396 = tpu.vector_load %arg9[%get3A_394, %get3A_395] {strides = array<i32>} : memref<128x128xf32, #tpu.memory_space<vmem>>, vector<1x16xf32>,
        %get3A_397 = vector.shape_cast %get3A_396 : vector<1x16xf32> to vector<16xf32>
        %mul3A_398 = arith.constant 2 : i32
        %mul3A_399 = arith.muli %mul3A_398, %scan3A_215 : i32
        %add3A_400 = arith.constant 0 : i32
        %add3A_401 = arith.addi %mul3A_399, %add3A_400 : i32
        %get3A_402 = arith.index_cast %add3A_401 : i32 to index
        %get3A_403 = arith.constant 96 : index
        %get3A_404 = tpu.vector_load %arg8[%get3A_402, %get3A_403] {strides = array<i32>} : memref<128x128xf32, #tpu.memory_space<vmem>>, vector<1x16xf32>,
        %get3A_405 = vector.shape_cast %get3A_404 : vector<1x16xf32> to vector<16xf32>
        %add3A_406 = arith.addf %get3A_397, %get3A_405 : vector<16xf32>
        %max3A_407 = arith.constant 0.000000e+00 : f32
        %max3A_408 = vector.broadcast %max3A_407 : f32 to vector<16xf32>
        %max3A_409 = arith.maximumf %add3A_406, %max3A_408 : vector<16xf32>
        %mul3A_410 = arith.constant 2 : i32
        %mul3A_411 = arith.muli %mul3A_410, %scan3A_215 : i32
        %add3A_412 = arith.constant 0 : i32
        %add3A_413 = arith.addi %mul3A_411, %add3A_412 : i32
        %swap3A_414 = arith.index_cast %add3A_413 : i32 to index
        %swap3A_415 = arith.constant 96 : index
        %swap3A_416 = tpu.vector_load %arg10[%swap3A_414, %swap3A_415] {strides = array<i32>} : memref<128x128xf32, #tpu.memory_space<vmem>>, vector<1x16xf32>,
        %swap3A_417 = vector.shape_cast %swap3A_416 : vector<1x16xf32> to vector<16xf32>
        %swap3A_418 = vector.shape_cast %max3A_409 : vector<16xf32> to vector<1x16xf32>
        tpu.vector_store %arg10[%swap3A_414, %swap3A_415], %swap3A_418 {strides = array<i32>} : memref<128x128xf32, #tpu.memory_space<vmem>>, vector<1x16xf32>,
        %mul3A_419 = arith.constant 2 : i32
        %mul3A_420 = arith.muli %mul3A_419, %scan3A_215 : i32
        %add3A_421 = arith.constant 0 : i32
        %add3A_422 = arith.addi %mul3A_420, %add3A_421 : i32
        %get3A_423 = arith.index_cast %add3A_422 : i32 to index
        %get3A_424 = arith.constant 112 : index
        %get3A_425 = tpu.vector_load %arg9[%get3A_423, %get3A_424] {strides = array<i32>} : memref<128x128xf32, #tpu.memory_space<vmem>>, vector<1x16xf32>,
        %get3A_426 = vector.shape_cast %get3A_425 : vector<1x16xf32> to vector<16xf32>
        %mul3A_427 = arith.constant 2 : i32
        %mul3A_428 = arith.muli %mul3A_427, %scan3A_215 : i32
        %add3A_429 = arith.constant 0 : i32
        %add3A_430 = arith.addi %mul3A_428, %add3A_429 : i32
        %get3A_431 = arith.index_cast %add3A_430 : i32 to index
        %get3A_432 = arith.constant 112 : index
        %get3A_433 = tpu.vector_load %arg8[%get3A_431, %get3A_432] {strides = array<i32>} : memref<128x128xf32, #tpu.memory_space<vmem>>, vector<1x16xf32>,
        %get3A_434 = vector.shape_cast %get3A_433 : vector<1x16xf32> to vector<16xf32>
        %add3A_435 = arith.addf %get3A_426, %get3A_434 : vector<16xf32>
        %max3A_436 = arith.constant 0.000000e+00 : f32
        %max3A_437 = vector.broadcast %max3A_436 : f32 to vector<16xf32>
        %max3A_438 = arith.maximumf %add3A_435, %max3A_437 : vector<16xf32>
        %mul3A_439 = arith.constant 2 : i32
        %mul3A_440 = arith.muli %mul3A_439, %scan3A_215 : i32
        %add3A_441 = arith.constant 0 : i32
        %add3A_442 = arith.addi %mul3A_440, %add3A_441 : i32
        %swap3A_443 = arith.index_cast %add3A_442 : i32 to index
        %swap3A_444 = arith.constant 112 : index
        %swap3A_445 = tpu.vector_load %arg10[%swap3A_443, %swap3A_444] {strides = array<i32>} : memref<128x128xf32, #tpu.memory_space<vmem>>, vector<1x16xf32>,
        %swap3A_446 = vector.shape_cast %swap3A_445 : vector<1x16xf32> to vector<16xf32>
        %swap3A_447 = vector.shape_cast %max3A_438 : vector<16xf32> to vector<1x16xf32>
        tpu.vector_store %arg10[%swap3A_443, %swap3A_444], %swap3A_447 {strides = array<i32>} : memref<128x128xf32, #tpu.memory_space<vmem>>, vector<1x16xf32>,
        %mul3A_448 = arith.constant 2 : i32
        %mul3A_449 = arith.muli %mul3A_448, %scan3A_215 : i32
        %add3A_450 = arith.constant 1 : i32
        %add3A_451 = arith.addi %mul3A_449, %add3A_450 : i32
        %get3A_452 = arith.index_cast %add3A_451 : i32 to index
        %get3A_453 = arith.constant 0 : index
        %get3A_454 = tpu.vector_load %arg9[%get3A_452, %get3A_453] {strides = array<i32>} : memref<128x128xf32, #tpu.memory_space<vmem>>, vector<1x16xf32>,
        %get3A_455 = vector.shape_cast %get3A_454 : vector<1x16xf32> to vector<16xf32>
        %mul3A_456 = arith.constant 2 : i32
        %mul3A_457 = arith.muli %mul3A_456, %scan3A_215 : i32
        %add3A_458 = arith.constant 1 : i32
        %add3A_459 = arith.addi %mul3A_457, %add3A_458 : i32
        %get3A_460 = arith.index_cast %add3A_459 : i32 to index
        %get3A_461 = arith.constant 0 : index
        %get3A_462 = tpu.vector_load %arg8[%get3A_460, %get3A_461] {strides = array<i32>} : memref<128x128xf32, #tpu.memory_space<vmem>>, vector<1x16xf32>,
        %get3A_463 = vector.shape_cast %get3A_462 : vector<1x16xf32> to vector<16xf32>
        %add3A_464 = arith.addf %get3A_455, %get3A_463 : vector<16xf32>
        %max3A_465 = arith.constant 0.000000e+00 : f32
        %max3A_466 = vector.broadcast %max3A_465 : f32 to vector<16xf32>
        %max3A_467 = arith.maximumf %add3A_464, %max3A_466 : vector<16xf32>
        %mul3A_468 = arith.constant 2 : i32
        %mul3A_469 = arith.muli %mul3A_468, %scan3A_215 : i32
        %add3A_470 = arith.constant 1 : i32
        %add3A_471 = arith.addi %mul3A_469, %add3A_470 : i32
        %swap3A_472 = arith.index_cast %add3A_471 : i32 to index
        %swap3A_473 = arith.constant 0 : index
        %swap3A_474 = tpu.vector_load %arg10[%swap3A_472, %swap3A_473] {strides = array<i32>} : memref<128x128xf32, #tpu.memory_space<vmem>>, vector<1x16xf32>,
        %swap3A_475 = vector.shape_cast %swap3A_474 : vector<1x16xf32> to vector<16xf32>
        %swap3A_476 = vector.shape_cast %max3A_467 : vector<16xf32> to vector<1x16xf32>
        tpu.vector_store %arg10[%swap3A_472, %swap3A_473], %swap3A_476 {strides = array<i32>} : memref<128x128xf32, #tpu.memory_space<vmem>>, vector<1x16xf32>,
        %mul3A_477 = arith.constant 2 : i32
        %mul3A_478 = arith.muli %mul3A_477, %scan3A_215 : i32
        %add3A_479 = arith.constant 1 : i32
        %add3A_480 = arith.addi %mul3A_478, %add3A_479 : i32
        %get3A_481 = arith.index_cast %add3A_480 : i32 to index
        %get3A_482 = arith.constant 16 : index
        %get3A_483 = tpu.vector_load %arg9[%get3A_481, %get3A_482] {strides = array<i32>} : memref<128x128xf32, #tpu.memory_space<vmem>>, vector<1x16xf32>,
        %get3A_484 = vector.shape_cast %get3A_483 : vector<1x16xf32> to vector<16xf32>
        %mul3A_485 = arith.constant 2 : i32
        %mul3A_486 = arith.muli %mul3A_485, %scan3A_215 : i32
        %add3A_487 = arith.constant 1 : i32
        %add3A_488 = arith.addi %mul3A_486, %add3A_487 : i32
        %get3A_489 = arith.index_cast %add3A_488 : i32 to index
        %get3A_490 = arith.constant 16 : index
        %get3A_491 = tpu.vector_load %arg8[%get3A_489, %get3A_490] {strides = array<i32>} : memref<128x128xf32, #tpu.memory_space<vmem>>, vector<1x16xf32>,
        %get3A_492 = vector.shape_cast %get3A_491 : vector<1x16xf32> to vector<16xf32>
        %add3A_493 = arith.addf %get3A_484, %get3A_492 : vector<16xf32>
        %max3A_494 = arith.constant 0.000000e+00 : f32
        %max3A_495 = vector.broadcast %max3A_494 : f32 to vector<16xf32>
        %max3A_496 = arith.maximumf %add3A_493, %max3A_495 : vector<16xf32>
        %mul3A_497 = arith.constant 2 : i32
        %mul3A_498 = arith.muli %mul3A_497, %scan3A_215 : i32
        %add3A_499 = arith.constant 1 : i32
        %add3A_500 = arith.addi %mul3A_498, %add3A_499 : i32
        %swap3A_501 = arith.index_cast %add3A_500 : i32 to index
        %swap3A_502 = arith.constant 16 : index
        %swap3A_503 = tpu.vector_load %arg10[%swap3A_501, %swap3A_502] {strides = array<i32>} : memref<128x128xf32, #tpu.memory_space<vmem>>, vector<1x16xf32>,
        %swap3A_504 = vector.shape_cast %swap3A_503 : vector<1x16xf32> to vector<16xf32>
        %swap3A_505 = vector.shape_cast %max3A_496 : vector<16xf32> to vector<1x16xf32>
        tpu.vector_store %arg10[%swap3A_501, %swap3A_502], %swap3A_505 {strides = array<i32>} : memref<128x128xf32, #tpu.memory_space<vmem>>, vector<1x16xf32>,
        %mul3A_506 = arith.constant 2 : i32
        %mul3A_507 = arith.muli %mul3A_506, %scan3A_215 : i32
        %add3A_508 = arith.constant 1 : i32
        %add3A_509 = arith.addi %mul3A_507, %add3A_508 : i32
        %get3A_510 = arith.index_cast %add3A_509 : i32 to index
        %get3A_511 = arith.constant 32 : index
        %get3A_512 = tpu.vector_load %arg9[%get3A_510, %get3A_511] {strides = array<i32>} : memref<128x128xf32, #tpu.memory_space<vmem>>, vector<1x16xf32>,
        %get3A_513 = vector.shape_cast %get3A_512 : vector<1x16xf32> to vector<16xf32>
        %mul3A_514 = arith.constant 2 : i32
        %mul3A_515 = arith.muli %mul3A_514, %scan3A_215 : i32
        %add3A_516 = arith.constant 1 : i32
        %add3A_517 = arith.addi %mul3A_515, %add3A_516 : i32
        %get3A_518 = arith.index_cast %add3A_517 : i32 to index
        %get3A_519 = arith.constant 32 : index
        %get3A_520 = tpu.vector_load %arg8[%get3A_518, %get3A_519] {strides = array<i32>} : memref<128x128xf32, #tpu.memory_space<vmem>>, vector<1x16xf32>,
        %get3A_521 = vector.shape_cast %get3A_520 : vector<1x16xf32> to vector<16xf32>
        %add3A_522 = arith.addf %get3A_513, %get3A_521 : vector<16xf32>
        %max3A_523 = arith.constant 0.000000e+00 : f32
        %max3A_524 = vector.broadcast %max3A_523 : f32 to vector<16xf32>
        %max3A_525 = arith.maximumf %add3A_522, %max3A_524 : vector<16xf32>
        %mul3A_526 = arith.constant 2 : i32
        %mul3A_527 = arith.muli %mul3A_526, %scan3A_215 : i32
        %add3A_528 = arith.constant 1 : i32
        %add3A_529 = arith.addi %mul3A_527, %add3A_528 : i32
        %swap3A_530 = arith.index_cast %add3A_529 : i32 to index
        %swap3A_531 = arith.constant 32 : index
        %swap3A_532 = tpu.vector_load %arg10[%swap3A_530, %swap3A_531] {strides = array<i32>} : memref<128x128xf32, #tpu.memory_space<vmem>>, vector<1x16xf32>,
        %swap3A_533 = vector.shape_cast %swap3A_532 : vector<1x16xf32> to vector<16xf32>
        %swap3A_534 = vector.shape_cast %max3A_525 : vector<16xf32> to vector<1x16xf32>
        tpu.vector_store %arg10[%swap3A_530, %swap3A_531], %swap3A_534 {strides = array<i32>} : memref<128x128xf32, #tpu.memory_space<vmem>>, vector<1x16xf32>,
        %mul3A_535 = arith.constant 2 : i32
        %mul3A_536 = arith.muli %mul3A_535, %scan3A_215 : i32
        %add3A_537 = arith.constant 1 : i32
        %add3A_538 = arith.addi %mul3A_536, %add3A_537 : i32
        %get3A_539 = arith.index_cast %add3A_538 : i32 to index
        %get3A_540 = arith.constant 48 : index
        %get3A_541 = tpu.vector_load %arg9[%get3A_539, %get3A_540] {strides = array<i32>} : memref<128x128xf32, #tpu.memory_space<vmem>>, vector<1x16xf32>,
        %get3A_542 = vector.shape_cast %get3A_541 : vector<1x16xf32> to vector<16xf32>
        %mul3A_543 = arith.constant 2 : i32
        %mul3A_544 = arith.muli %mul3A_543, %scan3A_215 : i32
        %add3A_545 = arith.constant 1 : i32
        %add3A_546 = arith.addi %mul3A_544, %add3A_545 : i32
        %get3A_547 = arith.index_cast %add3A_546 : i32 to index
        %get3A_548 = arith.constant 48 : index
        %get3A_549 = tpu.vector_load %arg8[%get3A_547, %get3A_548] {strides = array<i32>} : memref<128x128xf32, #tpu.memory_space<vmem>>, vector<1x16xf32>,
        %get3A_550 = vector.shape_cast %get3A_549 : vector<1x16xf32> to vector<16xf32>
        %add3A_551 = arith.addf %get3A_542, %get3A_550 : vector<16xf32>
        %max3A_552 = arith.constant 0.000000e+00 : f32
        %max3A_553 = vector.broadcast %max3A_552 : f32 to vector<16xf32>
        %max3A_554 = arith.maximumf %add3A_551, %max3A_553 : vector<16xf32>
        %mul3A_555 = arith.constant 2 : i32
        %mul3A_556 = arith.muli %mul3A_555, %scan3A_215 : i32
        %add3A_557 = arith.constant 1 : i32
        %add3A_558 = arith.addi %mul3A_556, %add3A_557 : i32
        %swap3A_559 = arith.index_cast %add3A_558 : i32 to index
        %swap3A_560 = arith.constant 48 : index
        %swap3A_561 = tpu.vector_load %arg10[%swap3A_559, %swap3A_560] {strides = array<i32>} : memref<128x128xf32, #tpu.memory_space<vmem>>, vector<1x16xf32>,
        %swap3A_562 = vector.shape_cast %swap3A_561 : vector<1x16xf32> to vector<16xf32>
        %swap3A_563 = vector.shape_cast %max3A_554 : vector<16xf32> to vector<1x16xf32>
        tpu.vector_store %arg10[%swap3A_559, %swap3A_560], %swap3A_563 {strides = array<i32>} : memref<128x128xf32, #tpu.memory_space<vmem>>, vector<1x16xf32>,
        %mul3A_564 = arith.constant 2 : i32
        %mul3A_565 = arith.muli %mul3A_564, %scan3A_215 : i32
        %add3A_566 = arith.constant 1 : i32
        %add3A_567 = arith.addi %mul3A_565, %add3A_566 : i32
        %get3A_568 = arith.index_cast %add3A_567 : i32 to index
        %get3A_569 = arith.constant 64 : index
        %get3A_570 = tpu.vector_load %arg9[%get3A_568, %get3A_569] {strides = array<i32>} : memref<128x128xf32, #tpu.memory_space<vmem>>, vector<1x16xf32>,
        %get3A_571 = vector.shape_cast %get3A_570 : vector<1x16xf32> to vector<16xf32>
        %mul3A_572 = arith.constant 2 : i32
        %mul3A_573 = arith.muli %mul3A_572, %scan3A_215 : i32
        %add3A_574 = arith.constant 1 : i32
        %add3A_575 = arith.addi %mul3A_573, %add3A_574 : i32
        %get3A_576 = arith.index_cast %add3A_575 : i32 to index
        %get3A_577 = arith.constant 64 : index
        %get3A_578 = tpu.vector_load %arg8[%get3A_576, %get3A_577] {strides = array<i32>} : memref<128x128xf32, #tpu.memory_space<vmem>>, vector<1x16xf32>,
        %get3A_579 = vector.shape_cast %get3A_578 : vector<1x16xf32> to vector<16xf32>
        %add3A_580 = arith.addf %get3A_571, %get3A_579 : vector<16xf32>
        %max3A_581 = arith.constant 0.000000e+00 : f32
        %max3A_582 = vector.broadcast %max3A_581 : f32 to vector<16xf32>
        %max3A_583 = arith.maximumf %add3A_580, %max3A_582 : vector<16xf32>
        %mul3A_584 = arith.constant 2 : i32
        %mul3A_585 = arith.muli %mul3A_584, %scan3A_215 : i32
        %add3A_586 = arith.constant 1 : i32
        %add3A_587 = arith.addi %mul3A_585, %add3A_586 : i32
        %swap3A_588 = arith.index_cast %add3A_587 : i32 to index
        %swap3A_589 = arith.constant 64 : index
        %swap3A_590 = tpu.vector_load %arg10[%swap3A_588, %swap3A_589] {strides = array<i32>} : memref<128x128xf32, #tpu.memory_space<vmem>>, vector<1x16xf32>,
        %swap3A_591 = vector.shape_cast %swap3A_590 : vector<1x16xf32> to vector<16xf32>
        %swap3A_592 = vector.shape_cast %max3A_583 : vector<16xf32> to vector<1x16xf32>
        tpu.vector_store %arg10[%swap3A_588, %swap3A_589], %swap3A_592 {strides = array<i32>} : memref<128x128xf32, #tpu.memory_space<vmem>>, vector<1x16xf32>,
        %mul3A_593 = arith.constant 2 : i32
        %mul3A_594 = arith.muli %mul3A_593, %scan3A_215 : i32
        %add3A_595 = arith.constant 1 : i32
        %add3A_596 = arith.addi %mul3A_594, %add3A_595 : i32
        %get3A_597 = arith.index_cast %add3A_596 : i32 to index
        %get3A_598 = arith.constant 80 : index
        %get3A_599 = tpu.vector_load %arg9[%get3A_597, %get3A_598] {strides = array<i32>} : memref<128x128xf32, #tpu.memory_space<vmem>>, vector<1x16xf32>,
        %get3A_600 = vector.shape_cast %get3A_599 : vector<1x16xf32> to vector<16xf32>
        %mul3A_601 = arith.constant 2 : i32
        %mul3A_602 = arith.muli %mul3A_601, %scan3A_215 : i32
        %add3A_603 = arith.constant 1 : i32
        %add3A_604 = arith.addi %mul3A_602, %add3A_603 : i32
        %get3A_605 = arith.index_cast %add3A_604 : i32 to index
        %get3A_606 = arith.constant 80 : index
        %get3A_607 = tpu.vector_load %arg8[%get3A_605, %get3A_606] {strides = array<i32>} : memref<128x128xf32, #tpu.memory_space<vmem>>, vector<1x16xf32>,
        %get3A_608 = vector.shape_cast %get3A_607 : vector<1x16xf32> to vector<16xf32>
        %add3A_609 = arith.addf %get3A_600, %get3A_608 : vector<16xf32>
        %max3A_610 = arith.constant 0.000000e+00 : f32
        %max3A_611 = vector.broadcast %max3A_610 : f32 to vector<16xf32>
        %max3A_612 = arith.maximumf %add3A_609, %max3A_611 : vector<16xf32>
        %mul3A_613 = arith.constant 2 : i32
        %mul3A_614 = arith.muli %mul3A_613, %scan3A_215 : i32
        %add3A_615 = arith.constant 1 : i32
        %add3A_616 = arith.addi %mul3A_614, %add3A_615 : i32
        %swap3A_617 = arith.index_cast %add3A_616 : i32 to index
        %swap3A_618 = arith.constant 80 : index
        %swap3A_619 = tpu.vector_load %arg10[%swap3A_617, %swap3A_618] {strides = array<i32>} : memref<128x128xf32, #tpu.memory_space<vmem>>, vector<1x16xf32>,
        %swap3A_620 = vector.shape_cast %swap3A_619 : vector<1x16xf32> to vector<16xf32>
        %swap3A_621 = vector.shape_cast %max3A_612 : vector<16xf32> to vector<1x16xf32>
        tpu.vector_store %arg10[%swap3A_617, %swap3A_618], %swap3A_621 {strides = array<i32>} : memref<128x128xf32, #tpu.memory_space<vmem>>, vector<1x16xf32>,
        %mul3A_622 = arith.constant 2 : i32
        %mul3A_623 = arith.muli %mul3A_622, %scan3A_215 : i32
        %add3A_624 = arith.constant 1 : i32
        %add3A_625 = arith.addi %mul3A_623, %add3A_624 : i32
        %get3A_626 = arith.index_cast %add3A_625 : i32 to index
        %get3A_627 = arith.constant 96 : index
        %get3A_628 = tpu.vector_load %arg9[%get3A_626, %get3A_627] {strides = array<i32>} : memref<128x128xf32, #tpu.memory_space<vmem>>, vector<1x16xf32>,
        %get3A_629 = vector.shape_cast %get3A_628 : vector<1x16xf32> to vector<16xf32>
        %mul3A_630 = arith.constant 2 : i32
        %mul3A_631 = arith.muli %mul3A_630, %scan3A_215 : i32
        %add3A_632 = arith.constant 1 : i32
        %add3A_633 = arith.addi %mul3A_631, %add3A_632 : i32
        %get3A_634 = arith.index_cast %add3A_633 : i32 to index
        %get3A_635 = arith.constant 96 : index
        %get3A_636 = tpu.vector_load %arg8[%get3A_634, %get3A_635] {strides = array<i32>} : memref<128x128xf32, #tpu.memory_space<vmem>>, vector<1x16xf32>,
        %get3A_637 = vector.shape_cast %get3A_636 : vector<1x16xf32> to vector<16xf32>
        %add3A_638 = arith.addf %get3A_629, %get3A_637 : vector<16xf32>
        %max3A_639 = arith.constant 0.000000e+00 : f32
        %max3A_640 = vector.broadcast %max3A_639 : f32 to vector<16xf32>
        %max3A_641 = arith.maximumf %add3A_638, %max3A_640 : vector<16xf32>
        %mul3A_642 = arith.constant 2 : i32
        %mul3A_643 = arith.muli %mul3A_642, %scan3A_215 : i32
        %add3A_644 = arith.constant 1 : i32
        %add3A_645 = arith.addi %mul3A_643, %add3A_644 : i32
        %swap3A_646 = arith.index_cast %add3A_645 : i32 to index
        %swap3A_647 = arith.constant 96 : index
        %swap3A_648 = tpu.vector_load %arg10[%swap3A_646, %swap3A_647] {strides = array<i32>} : memref<128x128xf32, #tpu.memory_space<vmem>>, vector<1x16xf32>,
        %swap3A_649 = vector.shape_cast %swap3A_648 : vector<1x16xf32> to vector<16xf32>
        %swap3A_650 = vector.shape_cast %max3A_641 : vector<16xf32> to vector<1x16xf32>
        tpu.vector_store %arg10[%swap3A_646, %swap3A_647], %swap3A_650 {strides = array<i32>} : memref<128x128xf32, #tpu.memory_space<vmem>>, vector<1x16xf32>,
        %mul3A_651 = arith.constant 2 : i32
        %mul3A_652 = arith.muli %mul3A_651, %scan3A_215 : i32
        %add3A_653 = arith.constant 1 : i32
        %add3A_654 = arith.addi %mul3A_652, %add3A_653 : i32
        %get3A_655 = arith.index_cast %add3A_654 : i32 to index
        %get3A_656 = arith.constant 112 : index
        %get3A_657 = tpu.vector_load %arg9[%get3A_655, %get3A_656] {strides = array<i32>} : memref<128x128xf32, #tpu.memory_space<vmem>>, vector<1x16xf32>,
        %get3A_658 = vector.shape_cast %get3A_657 : vector<1x16xf32> to vector<16xf32>
        %mul3A_659 = arith.constant 2 : i32
        %mul3A_660 = arith.muli %mul3A_659, %scan3A_215 : i32
        %add3A_661 = arith.constant 1 : i32
        %add3A_662 = arith.addi %mul3A_660, %add3A_661 : i32
        %get3A_663 = arith.index_cast %add3A_662 : i32 to index
        %get3A_664 = arith.constant 112 : index
        %get3A_665 = tpu.vector_load %arg8[%get3A_663, %get3A_664] {strides = array<i32>} : memref<128x128xf32, #tpu.memory_space<vmem>>, vector<1x16xf32>,
        %get3A_666 = vector.shape_cast %get3A_665 : vector<1x16xf32> to vector<16xf32>
        %add3A_667 = arith.addf %get3A_658, %get3A_666 : vector<16xf32>
        %max3A_668 = arith.constant 0.000000e+00 : f32
        %max3A_669 = vector.broadcast %max3A_668 : f32 to vector<16xf32>
        %max3A_670 = arith.maximumf %add3A_667, %max3A_669 : vector<16xf32>
        %mul3A_671 = arith.constant 2 : i32
        %mul3A_672 = arith.muli %mul3A_671, %scan3A_215 : i32
        %add3A_673 = arith.constant 1 : i32
        %add3A_674 = arith.addi %mul3A_672, %add3A_673 : i32
        %swap3A_675 = arith.index_cast %add3A_674 : i32 to index
        %swap3A_676 = arith.constant 112 : index
        %swap3A_677 = tpu.vector_load %arg10[%swap3A_675, %swap3A_676] {strides = array<i32>} : memref<128x128xf32, #tpu.memory_space<vmem>>, vector<1x16xf32>,
        %swap3A_678 = vector.shape_cast %swap3A_677 : vector<1x16xf32> to vector<16xf32>
        %swap3A_679 = vector.shape_cast %max3A_670 : vector<16xf32> to vector<1x16xf32>
        tpu.vector_store %arg10[%swap3A_675, %swap3A_676], %swap3A_679 {strides = array<i32>} : memref<128x128xf32, #tpu.memory_space<vmem>>, vector<1x16xf32>,
        %scan3A_680 = arith.constant 0 : i32
        scf.yield %scan3A_680 : i32
      }
      %scan3A_206 = arith.constant 64 : i32
      %dma_start3A_207 = arith.constant 0 : i32
      %dma_start3A_208 = arith.constant 0 : i32
      %dma_start3A_209 = tpu.memref_slice %arg7[%dma_start3A_207, %dma_start3A_208] : memref<1x128xi32, #tpu.memory_space<vmem>> -> memref<1x128xi32, #tpu.memory_space<vmem>>
      %dma_start3A_210 = tpu.memref_squeeze %dma_start3A_209 : memref<1x128xi32, #tpu.memory_space<vmem>> -> memref<128xi32, #tpu.memory_space<vmem>>
      %dma_start3A_211 = arith.constant 0 : i32
      %dma_start3A_212 = arith.constant 0 : i32
      %dma_start3A_213 = tpu.memref_slice %arg11[%dma_start3A_211, %dma_start3A_212] : memref<10000x128xf32, #tpu.memory_space<vmem_shared>> -> memref<10000x128xf32, #tpu.memory_space<vmem_shared>>
      tpu.enqueue_indirect_dma source(%arg10 : memref<128x128xf32, #tpu.memory_space<vmem>>) target(%dma_start3A_213 : memref<10000x128xf32, #tpu.memory_space<vmem_shared>>) offsets(%dma_start3A_210 : memref<128xi32, #tpu.memory_space<vmem>>) semaphore(%arg14 : memref<!tpu.dma_semaphore, #tpu.memory_space<semaphore_mem>>) {add = true}
      %while3A_214 = arith.constant 0 : i32
      scf.yield %while3A_214 : i32
    }
    %dma_wait3A = arith.constant 0 : i32
    %dma_wait3A_46 = arith.constant 0 : i32
    %dma_wait3A_47 = tpu.memref_slice %arg7[%dma_wait3A, %dma_wait3A_46] : memref<1x128xi32, #tpu.memory_space<vmem>> -> memref<1x128xi32, #tpu.memory_space<vmem>>
    %dma_wait3A_48 = tpu.memref_squeeze %dma_wait3A_47 : memref<1x128xi32, #tpu.memory_space<vmem>> -> memref<128xi32, #tpu.memory_space<vmem>>
    %dma_wait3A_49 = arith.constant 0 : i32
    %dma_wait3A_50 = arith.constant 0 : i32
    %dma_wait3A_51 = tpu.memref_slice %arg11[%dma_wait3A_49, %dma_wait3A_50] : memref<10000x128xf32, #tpu.memory_space<vmem_shared>> -> memref<10000x128xf32, #tpu.memory_space<vmem_shared>>
    tpu.wait_indirect_dma semaphore(%arg14 : memref<!tpu.dma_semaphore, #tpu.memory_space<semaphore_mem>>) src(%arg10 : memref<128x128xf32, #tpu.memory_space<vmem>>) dst(%dma_wait3A_51 : memref<10000x128xf32, #tpu.memory_space<vmem_shared>>)
    %barrier3A_52 = arith.constant 0 : index
    tpu.barrier barrier_id(%barrier3A_52)
    %mul3A_53 = arith.constant 624 : i32
    %mul3A_54 = arith.muli %arg1, %mul3A_53 : i32
    %mul3A_55 = arith.constant 624 : i32
    %mul3A_56 = arith.muli %arg1, %mul3A_55 : i32
    "tpu.region"() ({
      %run_scoped3A = tpu.sem_alloc : memref<!tpu.dma_semaphore, #tpu.memory_space<semaphore_mem>>
      %dma_start3A = arith.constant 0 : i32
      %dma_start3A_60 = tpu.memref_slice %arg5[%arg0, %mul3A_56, %dma_start3A] : memref<2x10000x128xf32, #tpu.memory_space<hbm>> -> memref<1x624x128xf32, #tpu.memory_space<hbm>>
      %dma_start3A_61 = tpu.memref_squeeze %dma_start3A_60 : memref<1x624x128xf32, #tpu.memory_space<hbm>> -> memref<624x128xf32, #tpu.memory_space<hbm>>
      %dma_start3A_62 = arith.constant 0 : i32
      %dma_start3A_63 = tpu.memref_slice %arg11[%mul3A_54, %dma_start3A_62] : memref<10000x128xf32, #tpu.memory_space<vmem_shared>> -> memref<624x128xf32, #tpu.memory_space<vmem_shared>>
      tpu.enqueue_dma source(%dma_start3A_63 : memref<624x128xf32, #tpu.memory_space<vmem_shared>>) target(%dma_start3A_61 : memref<624x128xf32, #tpu.memory_space<hbm>>) target_semaphore(%run_scoped3A : memref<!tpu.dma_semaphore, #tpu.memory_space<semaphore_mem>>)
      %dma_wait3A_64 = arith.constant 0 : i32
      %dma_wait3A_65 = tpu.memref_slice %arg5[%arg0, %mul3A_56, %dma_wait3A_64] : memref<2x10000x128xf32, #tpu.memory_space<hbm>> -> memref<1x624x128xf32, #tpu.memory_space<hbm>>
      %dma_wait3A_66 = tpu.memref_squeeze %dma_wait3A_65 : memref<1x624x128xf32, #tpu.memory_space<hbm>> -> memref<624x128xf32, #tpu.memory_space<hbm>>
      %dma_wait3A_67 = arith.constant 0 : i32
      %dma_wait3A_68 = tpu.memref_slice %arg11[%mul3A_54, %dma_wait3A_67] : memref<10000x128xf32, #tpu.memory_space<vmem_shared>> -> memref<624x128xf32, #tpu.memory_space<vmem_shared>>
      tpu.wait_dma2 semaphore(%run_scoped3A : memref<!tpu.dma_semaphore, #tpu.memory_space<semaphore_mem>>) src(%dma_wait3A_68 : memref<624x128xf32, #tpu.memory_space<vmem_shared>>) dst(%dma_wait3A_66 : memref<624x128xf32, #tpu.memory_space<hbm>>)
      tpu.yield
    }) : () -> ()
    %eq3A = arith.constant 15 : i32
    %eq3A_57 = arith.cmpi eq, %arg1, %eq3A : i32
    %convert_element_type3A_58 = arith.extui %eq3A_57 : i1 to i32
    %cond3A = arith.constant 0 : i32
    %cond3A_59 = arith.cmpi ne, %convert_element_type3A_58, %cond3A : i32
    scf.if %cond3A_59 {
      "tpu.region"() ({
        %run_scoped3A = tpu.sem_alloc : memref<!tpu.dma_semaphore, #tpu.memory_space<semaphore_mem>>
        %dma_start3A = arith.constant 9984 : i32
        %dma_start3A_60 = arith.constant 0 : i32
        %dma_start3A_61 = tpu.memref_slice %arg5[%arg0, %dma_start3A, %dma_start3A_60] : memref<2x10000x128xf32, #tpu.memory_space<hbm>> -> memref<1x16x128xf32, #tpu.memory_space<hbm>>
        %dma_start3A_62 = tpu.memref_squeeze %dma_start3A_61 : memref<1x16x128xf32, #tpu.memory_space<hbm>> -> memref<16x128xf32, #tpu.memory_space<hbm>>
        %dma_start3A_63 = arith.constant 9984 : i32
        %dma_start3A_64 = arith.constant 0 : i32
        %dma_start3A_65 = tpu.memref_slice %arg11[%dma_start3A_63, %dma_start3A_64] : memref<10000x128xf32, #tpu.memory_space<vmem_shared>> -> memref<16x128xf32, #tpu.memory_space<vmem_shared>>
        tpu.enqueue_dma source(%dma_start3A_65 : memref<16x128xf32, #tpu.memory_space<vmem_shared>>) target(%dma_start3A_62 : memref<16x128xf32, #tpu.memory_space<hbm>>) target_semaphore(%run_scoped3A : memref<!tpu.dma_semaphore, #tpu.memory_space<semaphore_mem>>)
        %dma_wait3A_66 = arith.constant 9984 : i32
        %dma_wait3A_67 = arith.constant 0 : i32
        %dma_wait3A_68 = tpu.memref_slice %arg5[%arg0, %dma_wait3A_66, %dma_wait3A_67] : memref<2x10000x128xf32, #tpu.memory_space<hbm>> -> memref<1x16x128xf32, #tpu.memory_space<hbm>>
        %dma_wait3A_69 = tpu.memref_squeeze %dma_wait3A_68 : memref<1x16x128xf32, #tpu.memory_space<hbm>> -> memref<16x128xf32, #tpu.memory_space<hbm>>
        %dma_wait3A_70 = arith.constant 9984 : i32
        %dma_wait3A_71 = arith.constant 0 : i32
        %dma_wait3A_72 = tpu.memref_slice %arg11[%dma_wait3A_70, %dma_wait3A_71] : memref<10000x128xf32, #tpu.memory_space<vmem_shared>> -> memref<16x128xf32, #tpu.memory_space<vmem_shared>>
        tpu.wait_dma2 semaphore(%run_scoped3A : memref<!tpu.dma_semaphore, #tpu.memory_space<semaphore_mem>>) src(%dma_wait3A_72 : memref<16x128xf32, #tpu.memory_space<vmem_shared>>) dst(%dma_wait3A_69 : memref<16x128xf32, #tpu.memory_space<hbm>>)
        tpu.yield
      }) : () -> ()
    } else {
    }
    return
  }
}

module attributes {stable_mosaic.version = 14 : i64} {
  func.func @body(%arg0: i32, %arg1: i32, %arg2: memref<8000x16xf32, #tpu.memory_space<vmem>>, %arg3: memref<1x16x128xf32, #tpu.memory_space<vmem>>, %arg4: memref<1x1x128xf32, #tpu.memory_space<vmem>>, %arg5: memref<8000x128xf32, #tpu.memory_space<vmem>>) attributes {dimension_semantics = [#tpu.dimension_semantics<arbitrary>, #tpu.dimension_semantics<arbitrary>], iteration_bounds = array<i64: 3, 40>, scalar_prefetch = 0 : i64, scratch_operands = 0 : i64, tpu.core_type = #tpu.core_type<tc>, window_params = [{transform_indices = @transform_0, window_bounds = array<i64: 8000, 16>}, {transform_indices = @transform_1, window_bounds = array<i64: 1, 16, 128>}, {transform_indices = @transform_2, window_bounds = array<i64: 1, 1, 128>}, {transform_indices = @transform_3, window_bounds = array<i64: 8000, 128>}]} {
    %get3A = arith.constant 0 : index
    %get3A_0 = arith.constant 0 : index
    %get3A_1 = vector.load %arg2[%get3A, %get3A_0] : memref<8000x16xf32, #tpu.memory_space<vmem>>, vector<8000x16xf32>
    %get3A_2 = arith.constant 0 : index
    %get3A_3 = arith.constant 0 : index
    %get3A_4 = arith.constant 0 : index
    %get3A_5 = vector.load %arg3[%get3A_2, %get3A_3, %get3A_4] : memref<1x16x128xf32, #tpu.memory_space<vmem>>, vector<1x16x128xf32>
    %get3A_6 = vector.shape_cast %get3A_5 : vector<1x16x128xf32> to vector<16x128xf32>
    %dot_general3A = arith.constant dense<0.000000e+00> : vector<8000x128xf32>
    %dot_general3A_7 = tpu.matmul %get3A_1, %get3A_6, %dot_general3A {dimension_numbers = #tpu.dot_dimension_numbers<[1], [0], [0], [1], [0, 0, 1, 1], [], []>, transpose_lhs_hint = false} : vector<8000x16xf32>, vector<16x128xf32>, vector<8000x128xf32> -> vector<8000x128xf32>
    %get3A_8 = arith.constant 0 : index
    %get3A_9 = arith.constant 0 : index
    %get3A_10 = arith.constant 0 : index
    %get3A_11 = vector.load %arg4[%get3A_8, %get3A_9, %get3A_10] : memref<1x1x128xf32, #tpu.memory_space<vmem>>, vector<1x1x128xf32>
    %get3A_12 = vector.shape_cast %get3A_11 : vector<1x1x128xf32> to vector<1x128xf32>
    %add3A = vector.broadcast %get3A_12 : vector<1x128xf32> to vector<8000x128xf32>
    %add3A_13 = arith.addf %dot_general3A_7, %add3A : vector<8000x128xf32>
    %swap3A = arith.constant 0 : index
    %swap3A_14 = arith.constant 0 : index
    %swap3A_15 = vector.load %arg5[%swap3A, %swap3A_14] : memref<8000x128xf32, #tpu.memory_space<vmem>>, vector<8000x128xf32>
    tpu.vector_store %arg5[%swap3A, %swap3A_14], %add3A_13 {strides = array<i32>} : memref<8000x128xf32, #tpu.memory_space<vmem>>, vector<8000x128xf32>,
    return
  }
  func.func @transform_0(%arg0: i32, %arg1: i32) -> (i32, i32) {
    %c0_i32 = arith.constant 0 : i32
    %c0_i32_0 = arith.constant 0 : i32
    return %arg1, %c0_i32 : i32, i32
  }
  func.func @transform_1(%arg0: i32, %arg1: i32) -> (i32, i32, i32) {
    %c0_i32 = arith.constant 0 : i32
    %c0_i32_0 = arith.constant 0 : i32
    %c0_i32_1 = arith.constant 0 : i32
    return %arg0, %c0_i32, %c0_i32_0 : i32, i32, i32
  }
  func.func @transform_2(%arg0: i32, %arg1: i32) -> (i32, i32, i32) {
    %c0_i32 = arith.constant 0 : i32
    %c0_i32_0 = arith.constant 0 : i32
    %c0_i32_1 = arith.constant 0 : i32
    return %arg0, %c0_i32, %c0_i32_0 : i32, i32, i32
  }
  func.func @transform_3(%arg0: i32, %arg1: i32) -> (i32, i32) {
    %mul3A = arith.constant 40 : i32
    %mul3A_0 = arith.muli %arg0, %mul3A : i32
    %add3A = arith.addi %mul3A_0, %arg1 : i32
    %c0_i32 = arith.constant 0 : i32
    %c0_i32_1 = arith.constant 0 : i32
    return %add3A, %c0_i32 : i32, i32
  }
}

module attributes {stable_mosaic.version = 14 : i64} {
  func.func @body(%arg0: memref<10000x128xf32, #tpu.memory_space<vmem>>, %arg1: memref<2x10000x128xf32, #tpu.memory_space<vmem>>, %arg2: memref<10000x128xf32, #tpu.memory_space<vmem>>, %arg3: memref<128x128xf32, #tpu.memory_space<vmem>>, %arg4: memref<1x128xf32, #tpu.memory_space<vmem>>, %arg5: memref<1x128xf32, #tpu.memory_space<vmem>>, %arg6: memref<1x128xf32, #tpu.memory_space<vmem>>, %arg7: memref<10000x128xf32, #tpu.memory_space<vmem>>, %arg8: memref<10000x128xf32, #tpu.memory_space<vmem>>) attributes {dimension_semantics = [], scalar_prefetch = 0 : i64, scratch_operands = 0 : i64, tpu.core_type = #tpu.core_type<tc>} {
    %get3A = arith.constant 0 : index
    %get3A_0 = arith.constant 0 : index
    %get3A_1 = arith.constant 0 : index
    %get3A_2 = vector.load %arg1[%get3A, %get3A_0, %get3A_1] : memref<2x10000x128xf32, #tpu.memory_space<vmem>>, vector<1x10000x128xf32>
    %get3A_3 = vector.shape_cast %get3A_2 : vector<1x10000x128xf32> to vector<10000x128xf32>
    %get3A_4 = arith.constant 1 : index
    %get3A_5 = arith.constant 0 : index
    %get3A_6 = arith.constant 0 : index
    %get3A_7 = vector.load %arg1[%get3A_4, %get3A_5, %get3A_6] : memref<2x10000x128xf32, #tpu.memory_space<vmem>>, vector<1x10000x128xf32>
    %get3A_8 = vector.shape_cast %get3A_7 : vector<1x10000x128xf32> to vector<10000x128xf32>
    %add3A = arith.addf %get3A_3, %get3A_8 : vector<10000x128xf32>
    %get3A_9 = arith.constant 0 : index
    %get3A_10 = arith.constant 0 : index
    %get3A_11 = vector.load %arg0[%get3A_9, %get3A_10] : memref<10000x128xf32, #tpu.memory_space<vmem>>, vector<10000x128xf32>
    %add3A_12 = arith.addf %get3A_11, %add3A : vector<10000x128xf32>
    %get3A_13 = arith.constant 0 : index
    %get3A_14 = arith.constant 0 : index
    %get3A_15 = vector.load %arg3[%get3A_13, %get3A_14] : memref<128x128xf32, #tpu.memory_space<vmem>>, vector<128x128xf32>
    %dot_general3A = arith.constant dense<0.000000e+00> : vector<10000x128xf32>
    %dot_general3A_16 = tpu.matmul %add3A_12, %get3A_15, %dot_general3A {dimension_numbers = #tpu.dot_dimension_numbers<[1], [0], [0], [1], [0, 0, 1, 1], [], []>, transpose_lhs_hint = false} : vector<10000x128xf32>, vector<128x128xf32>, vector<10000x128xf32> -> vector<10000x128xf32>
    %get3A_17 = arith.constant 0 : index
    %get3A_18 = arith.constant 0 : index
    %get3A_19 = vector.load %arg4[%get3A_17, %get3A_18] : memref<1x128xf32, #tpu.memory_space<vmem>>, vector<1x128xf32>
    %add3A_20 = vector.broadcast %get3A_19 : vector<1x128xf32> to vector<10000x128xf32>
    %add3A_21 = arith.addf %dot_general3A_16, %add3A_20 : vector<10000x128xf32>
    %reduce_sum3A = arith.constant dense<0.000000e+00> : vector<128xf32>
    %reduce_sum3A_22 = vector.multi_reduction <add>, %add3A_21, %reduce_sum3A [0] : vector<10000x128xf32> to vector<128xf32>
    %broadcast_in_dim3A = vector.shape_cast %reduce_sum3A_22 : vector<128xf32> to vector<1x128xf32>
    %div3A = arith.constant 1.000000e+04 : f32
    %div3A_23 = vector.broadcast %div3A : f32 to vector<1x128xf32>
    %div3A_24 = arith.divf %broadcast_in_dim3A, %div3A_23 : vector<1x128xf32>
    %sub3A = vector.broadcast %div3A_24 : vector<1x128xf32> to vector<10000x128xf32>
    %sub3A_25 = arith.subf %add3A_21, %sub3A : vector<10000x128xf32>
    %integer_pow3A = arith.mulf %sub3A_25, %sub3A_25 : vector<10000x128xf32>
    %reduce_sum3A_26 = arith.constant dense<0.000000e+00> : vector<128xf32>
    %reduce_sum3A_27 = vector.multi_reduction <add>, %integer_pow3A, %reduce_sum3A_26 [0] : vector<10000x128xf32> to vector<128xf32>
    %broadcast_in_dim3A_28 = vector.shape_cast %reduce_sum3A_27 : vector<128xf32> to vector<1x128xf32>
    %div3A_29 = arith.constant 1.000000e+04 : f32
    %div3A_30 = vector.broadcast %div3A_29 : f32 to vector<1x128xf32>
    %div3A_31 = arith.divf %broadcast_in_dim3A_28, %div3A_30 : vector<1x128xf32>
    %sub3A_32 = vector.broadcast %div3A_24 : vector<1x128xf32> to vector<10000x128xf32>
    %sub3A_33 = arith.subf %add3A_21, %sub3A_32 : vector<10000x128xf32>
    %add3A_34 = arith.constant 9.99999974E-6 : f32
    %add3A_35 = vector.broadcast %add3A_34 : f32 to vector<1x128xf32>
    %add3A_36 = arith.addf %div3A_31, %add3A_35 : vector<1x128xf32>
    %rsqrt3A = math.rsqrt %add3A_36 : vector<1x128xf32>
    %mul3A = vector.broadcast %rsqrt3A : vector<1x128xf32> to vector<10000x128xf32>
    %mul3A_37 = arith.mulf %sub3A_33, %mul3A : vector<10000x128xf32>
    %get3A_38 = arith.constant 0 : index
    %get3A_39 = arith.constant 0 : index
    %get3A_40 = vector.load %arg5[%get3A_38, %get3A_39] : memref<1x128xf32, #tpu.memory_space<vmem>>, vector<1x128xf32>
    %mul3A_41 = vector.broadcast %get3A_40 : vector<1x128xf32> to vector<10000x128xf32>
    %mul3A_42 = arith.mulf %mul3A_37, %mul3A_41 : vector<10000x128xf32>
    %get3A_43 = arith.constant 0 : index
    %get3A_44 = arith.constant 0 : index
    %get3A_45 = vector.load %arg6[%get3A_43, %get3A_44] : memref<1x128xf32, #tpu.memory_space<vmem>>, vector<1x128xf32>
    %add3A_46 = vector.broadcast %get3A_45 : vector<1x128xf32> to vector<10000x128xf32>
    %add3A_47 = arith.addf %mul3A_42, %add3A_46 : vector<10000x128xf32>
    %get3A_48 = arith.constant 0 : index
    %get3A_49 = arith.constant 0 : index
    %get3A_50 = vector.load %arg2[%get3A_48, %get3A_49] : memref<10000x128xf32, #tpu.memory_space<vmem>>, vector<10000x128xf32>
    %add3A_51 = arith.addf %add3A_47, %get3A_50 : vector<10000x128xf32>
    %swap3A = arith.constant 0 : index
    %swap3A_52 = arith.constant 0 : index
    %swap3A_53 = vector.load %arg7[%swap3A, %swap3A_52] : memref<10000x128xf32, #tpu.memory_space<vmem>>, vector<10000x128xf32>
    tpu.vector_store %arg7[%swap3A, %swap3A_52], %add3A_51 {strides = array<i32>} : memref<10000x128xf32, #tpu.memory_space<vmem>>, vector<10000x128xf32>,
    %max3A = arith.constant 0.000000e+00 : f32
    %max3A_54 = vector.broadcast %max3A : f32 to vector<10000x128xf32>
    %max3A_55 = arith.maximumf %add3A_51, %max3A_54 : vector<10000x128xf32>
    %swap3A_56 = arith.constant 0 : index
    %swap3A_57 = arith.constant 0 : index
    %swap3A_58 = vector.load %arg8[%swap3A_56, %swap3A_57] : memref<10000x128xf32, #tpu.memory_space<vmem>>, vector<10000x128xf32>
    tpu.vector_store %arg8[%swap3A_56, %swap3A_57], %max3A_55 {strides = array<i32>} : memref<10000x128xf32, #tpu.memory_space<vmem>>, vector<10000x128xf32>,
    return
  }
}

module attributes {stable_mosaic.version = 14 : i64} {
  func.func @body(%arg0: memref<10000x128xf32, #tpu.memory_space<vmem>>, %arg1: memref<2x10000x128xf32, #tpu.memory_space<vmem>>, %arg2: memref<10000x128xf32, #tpu.memory_space<vmem>>, %arg3: memref<128x128xf32, #tpu.memory_space<vmem>>, %arg4: memref<1x128xf32, #tpu.memory_space<vmem>>, %arg5: memref<1x128xf32, #tpu.memory_space<vmem>>, %arg6: memref<1x128xf32, #tpu.memory_space<vmem>>, %arg7: memref<10000x128xf32, #tpu.memory_space<vmem>>, %arg8: memref<10000x128xf32, #tpu.memory_space<vmem>>) attributes {dimension_semantics = [], scalar_prefetch = 0 : i64, scratch_operands = 0 : i64, tpu.core_type = #tpu.core_type<tc>} {
    %get3A = arith.constant 0 : index
    %get3A_0 = arith.constant 0 : index
    %get3A_1 = arith.constant 0 : index
    %get3A_2 = vector.load %arg1[%get3A, %get3A_0, %get3A_1] : memref<2x10000x128xf32, #tpu.memory_space<vmem>>, vector<1x10000x128xf32>
    %get3A_3 = vector.shape_cast %get3A_2 : vector<1x10000x128xf32> to vector<10000x128xf32>
    %get3A_4 = arith.constant 1 : index
    %get3A_5 = arith.constant 0 : index
    %get3A_6 = arith.constant 0 : index
    %get3A_7 = vector.load %arg1[%get3A_4, %get3A_5, %get3A_6] : memref<2x10000x128xf32, #tpu.memory_space<vmem>>, vector<1x10000x128xf32>
    %get3A_8 = vector.shape_cast %get3A_7 : vector<1x10000x128xf32> to vector<10000x128xf32>
    %add3A = arith.addf %get3A_3, %get3A_8 : vector<10000x128xf32>
    %get3A_9 = arith.constant 0 : index
    %get3A_10 = arith.constant 0 : index
    %get3A_11 = vector.load %arg0[%get3A_9, %get3A_10] : memref<10000x128xf32, #tpu.memory_space<vmem>>, vector<10000x128xf32>
    %add3A_12 = arith.addf %get3A_11, %add3A : vector<10000x128xf32>
    %get3A_13 = arith.constant 0 : index
    %get3A_14 = arith.constant 0 : index
    %get3A_15 = vector.load %arg3[%get3A_13, %get3A_14] : memref<128x128xf32, #tpu.memory_space<vmem>>, vector<128x128xf32>
    %dot_general3A = arith.constant dense<0.000000e+00> : vector<10000x128xf32>
    %dot_general3A_16 = tpu.matmul %add3A_12, %get3A_15, %dot_general3A {dimension_numbers = #tpu.dot_dimension_numbers<[1], [0], [0], [1], [0, 0, 1, 1], [], []>, transpose_lhs_hint = false} : vector<10000x128xf32>, vector<128x128xf32>, vector<10000x128xf32> -> vector<10000x128xf32>
    %get3A_17 = arith.constant 0 : index
    %get3A_18 = arith.constant 0 : index
    %get3A_19 = vector.load %arg4[%get3A_17, %get3A_18] : memref<1x128xf32, #tpu.memory_space<vmem>>, vector<1x128xf32>
    %add3A_20 = vector.broadcast %get3A_19 : vector<1x128xf32> to vector<10000x128xf32>
    %add3A_21 = arith.addf %dot_general3A_16, %add3A_20 : vector<10000x128xf32>
    %reduce_sum3A = arith.constant dense<0.000000e+00> : vector<128xf32>
    %reduce_sum3A_22 = vector.multi_reduction <add>, %add3A_21, %reduce_sum3A [0] : vector<10000x128xf32> to vector<128xf32>
    %broadcast_in_dim3A = vector.shape_cast %reduce_sum3A_22 : vector<128xf32> to vector<1x128xf32>
    %div3A = arith.constant 1.000000e+04 : f32
    %div3A_23 = vector.broadcast %div3A : f32 to vector<1x128xf32>
    %div3A_24 = arith.divf %broadcast_in_dim3A, %div3A_23 : vector<1x128xf32>
    %sub3A = vector.broadcast %div3A_24 : vector<1x128xf32> to vector<10000x128xf32>
    %sub3A_25 = arith.subf %add3A_21, %sub3A : vector<10000x128xf32>
    %integer_pow3A = arith.mulf %sub3A_25, %sub3A_25 : vector<10000x128xf32>
    %reduce_sum3A_26 = arith.constant dense<0.000000e+00> : vector<128xf32>
    %reduce_sum3A_27 = vector.multi_reduction <add>, %integer_pow3A, %reduce_sum3A_26 [0] : vector<10000x128xf32> to vector<128xf32>
    %broadcast_in_dim3A_28 = vector.shape_cast %reduce_sum3A_27 : vector<128xf32> to vector<1x128xf32>
    %div3A_29 = arith.constant 1.000000e+04 : f32
    %div3A_30 = vector.broadcast %div3A_29 : f32 to vector<1x128xf32>
    %div3A_31 = arith.divf %broadcast_in_dim3A_28, %div3A_30 : vector<1x128xf32>
    %sub3A_32 = vector.broadcast %div3A_24 : vector<1x128xf32> to vector<10000x128xf32>
    %sub3A_33 = arith.subf %add3A_21, %sub3A_32 : vector<10000x128xf32>
    %add3A_34 = arith.constant 9.99999974E-6 : f32
    %add3A_35 = vector.broadcast %add3A_34 : f32 to vector<1x128xf32>
    %add3A_36 = arith.addf %div3A_31, %add3A_35 : vector<1x128xf32>
    %rsqrt3A = math.rsqrt %add3A_36 : vector<1x128xf32>
    %mul3A = vector.broadcast %rsqrt3A : vector<1x128xf32> to vector<10000x128xf32>
    %mul3A_37 = arith.mulf %sub3A_33, %mul3A : vector<10000x128xf32>
    %get3A_38 = arith.constant 0 : index
    %get3A_39 = arith.constant 0 : index
    %get3A_40 = vector.load %arg5[%get3A_38, %get3A_39] : memref<1x128xf32, #tpu.memory_space<vmem>>, vector<1x128xf32>
    %mul3A_41 = vector.broadcast %get3A_40 : vector<1x128xf32> to vector<10000x128xf32>
    %mul3A_42 = arith.mulf %mul3A_37, %mul3A_41 : vector<10000x128xf32>
    %get3A_43 = arith.constant 0 : index
    %get3A_44 = arith.constant 0 : index
    %get3A_45 = vector.load %arg6[%get3A_43, %get3A_44] : memref<1x128xf32, #tpu.memory_space<vmem>>, vector<1x128xf32>
    %add3A_46 = vector.broadcast %get3A_45 : vector<1x128xf32> to vector<10000x128xf32>
    %add3A_47 = arith.addf %mul3A_42, %add3A_46 : vector<10000x128xf32>
    %get3A_48 = arith.constant 0 : index
    %get3A_49 = arith.constant 0 : index
    %get3A_50 = vector.load %arg2[%get3A_48, %get3A_49] : memref<10000x128xf32, #tpu.memory_space<vmem>>, vector<10000x128xf32>
    %add3A_51 = arith.addf %add3A_47, %get3A_50 : vector<10000x128xf32>
    %swap3A = arith.constant 0 : index
    %swap3A_52 = arith.constant 0 : index
    %swap3A_53 = vector.load %arg7[%swap3A, %swap3A_52] : memref<10000x128xf32, #tpu.memory_space<vmem>>, vector<10000x128xf32>
    tpu.vector_store %arg7[%swap3A, %swap3A_52], %add3A_51 {strides = array<i32>} : memref<10000x128xf32, #tpu.memory_space<vmem>>, vector<10000x128xf32>,
    %max3A = arith.constant 0.000000e+00 : f32
    %max3A_54 = vector.broadcast %max3A : f32 to vector<10000x128xf32>
    %max3A_55 = arith.maximumf %add3A_51, %max3A_54 : vector<10000x128xf32>
    %swap3A_56 = arith.constant 0 : index
    %swap3A_57 = arith.constant 0 : index
    %swap3A_58 = vector.load %arg8[%swap3A_56, %swap3A_57] : memref<10000x128xf32, #tpu.memory_space<vmem>>, vector<10000x128xf32>
    tpu.vector_store %arg8[%swap3A_56, %swap3A_57], %max3A_55 {strides = array<i32>} : memref<10000x128xf32, #tpu.memory_space<vmem>>, vector<10000x128xf32>,
    return
  }
}

</mosaic_0001>

<sc_bundles>
// kernel: kernel.12.cloned.1.call-start
scs
__scs_entry_jumppad:
0x0: {  	(pc) =	sbr.rel $0x88, $3  }
0x1: {  	(tag) =	ssettag $0x0;
	lr =	simm.s32 $0x1  }
0x2: {  	[smem:$0x3F98] =	sst lr;
	_ =	strace $0xD0000000  }
0x3: {  	_ = 	snop  }
0x4: {  	_ = 	snop  }
0x5: {  	_ = 	snop  }
0x6: {  	_ = 	snop  }
0x7: {  	_ = 	snop  }
__scs_overlays_trampoline_lowered:
0x8: {  	[smem:$0x3FA7] =	sst s0  }
0x9: {  	[smem:$0x3FA8] =	sst s1  }
0xa: {  	[smem:$0x3FA9] =	sst s2  }
0xb: {  	[smem:$0x3FAA] =	sst s3  }
0xc: {  	[smem:$0x3FAB] =	sst s4  }
0xd: {  	[smem:$0x3FAC] =	sst s5  }
0xe: {  	[smem:$0x3FAD] =	sst s6  }
0xf: {  	[smem:$0x3FAE] =	sst s7  }
0x10: {  	[smem:$0x3FAF] =	sst s8  }
0x11: {  	[smem:$0x3FB0] =	sst s9;
	s0 =	simm.s32 @!p0 $0x0  }
0x12: {  	s1 =	sld [smem:$0x3F96];
	s0 =	simm.s32 @p0 $0x1  }
0x13: {  	[smem:$0x3FB1] =	sst s0;
	s0 =	simm.s32 @!p1 $0x0  }
0x14: {  	s2 =	sld [smem:$0x3F95];
	s0 =	simm.s32 @p1 $0x1  }
0x15: {  	[smem:$0x3FB2] =	sst s0;
	s0 =	simm.s32 @!p2 $0x0  }
0x16: {  	s3 =	sld [smem:$0x3FDB];
	s0 =	simm.s32 @p2 $0x1  }
0x17: {  	s4 =	simm.s32 $0x1BF5;
	[smem:$0x3FB4] =	sst s0  }
0x18: {  	s0 =	sld [smem:$0x3F97];
	_ =	swait.ge [sflag:s4], $0x0  }
0x19: {  	s7 =	sld [smem:$0x3F98]  }
0x1a: {  	s8 =	sadd.s32 $0xFFFFE003, lr  }
0x1b: {  	s9 =	sadd.s32 $0xFFFFFEF7, lr;
	s5 =	simm.s32 $0xFFFFFFFF;
	p2 =	slt.u32 s8, $0xFFFFF086  }
0x1c: {  	p1 =	slt.u32 s9, $0xF7A;
	s5 =	simm.s32 @!p2 $0x0  }
0x1d: {  	s5 =	simm.s32 @p1 $0x1;
	p0 =	seq.s32 s7, s2  }
0x1e: {  	s7 =	smul.u32 @!p0 $0xF7A, s2;
	p2 =	seq.s32 @!p0 s5, $0x0  }
0x1f: {  	s9 =	smul.u32 $0xF7A, s1;
	s8 =	simm.s32 @!p0 $0x1BF5;
	p2 =	por !p2, p0  }
0x20: {  	[sflag:s8] =	ssyncset.s32 @!p0 $0xFFFFF086;
	s6 =	sadd.s32 @!p0 s3, s7;
	s7 =	simm.s32 @!p0 $0x108  }
0x21: {  	s3 =	sadd.s32 s3, s9;
	s6 =	sadd.s32 @!p0 $0x88, s6;
	s7 =	simm.s32 @p2 $0x1082  }
0x22: {  	[simem:s7], [sflag:s8] =	dma.local @!p0 [hbm:s6], $0xF7A  }
0x23: {  	s9 =	sor.u32 $0xD0000000, s2;
	s6 =	simm.s32 $0x108;
	_ =	swait.ge @!p0 [sflag:s8], $0x0  }
0x24: {  	s3 =	sadd.s32 $0x88, s3;
	s6 =	simm.s32 @!p1 $0x1082;
	[sflag:s4] =	ssyncset.s32 $0xFFFFF086  }
0x25: {  	[simem:s6], [sflag:s4] =	dma.local [hbm:s3], $0xF7A  }
0x26: {  	[smem:$0x3F98] =	sst s1;
	(tag) =	ssettag s2;
	_ =	strace s9  }
0x27: {  	s1 =	sld [smem:$0x3FA8]  }
0x28: {  	s2 =	sld [smem:$0x3FA9]  }
0x29: {  	s4 =	sld [smem:$0x3FAB]  }
0x2a: {  	p0 =	seq.s32 s5, $0x0;
	s5 =	sld [smem:$0x3FAC]  }
0x2b: {  	s6 =	sld [smem:$0x3FAD]  }
0x2c: {  	s7 =	sld [smem:$0x3FAE]  }
0x2d: {  	s3 =	simm.s32 $0x108;
	s8 =	sld [smem:$0x3FAF]  }
0x2e: {  	s3 =	simm.s32 @!p0 $0x1082;
	s9 =	sld [smem:$0x3FB0]  }
0x2f: {  	lr =	sadd.s32 s0, s3;
	s0 =	sld [smem:$0x3FA7]  }
0x30: {  	s3 =	sld [smem:$0x3FAA]  }
0x31: {  	[smem:$0x3FB3] =	sst s10  }
0x32: {  	s10 =	sld [smem:$0x3FB1];
	_ =	sdelay $0x3  }
0x33: {  	p0 =	seq.s32 s10, $0x1;
	s10 =	sld [smem:$0x3FB3];
	_ =	sdelay $0x3  }
0x34: {  	[smem:$0x3FB3] =	sst s10  }
0x35: {  	s10 =	sld [smem:$0x3FB2];
	_ =	sdelay $0x3  }
0x36: {  	p1 =	seq.s32 s10, $0x1;
	s10 =	sld [smem:$0x3FB3];
	_ =	sdelay $0x3  }
0x37: {  	[smem:$0x3FB3] =	sst s10  }
0x38: {  	s10 =	sld [smem:$0x3FB4]  }
0x39: {  	_ = 	snop;
	(pc) =	sbr.ind lr, $3  }
0x3a: {  	_ = 	snop  }
0x3b: {  	_ = 	snop  }
0x3c: {  	p2 =	seq.s32 s10, $0x1;
	s10 =	sld [smem:$0x3FB3]  }
0x3d: {  	_ =	shalt  }
0x3e: {  	_ =	shalt  }
0x3f: {  	_ =	shalt  }
0x40: {  	_ =	shalt  }
0x41: {  	_ =	shalt  }
0x42: {  	_ =	shalt  }
0x43: {  	_ =	shalt  }
0x44: {  	_ =	shalt  }
0x45: {  	_ =	shalt  }
0x46: {  	_ =	shalt  }
0x47: {  	_ =	shalt  }
0x48: {  	_ =	shalt  }
0x49: {  	_ =	shalt  }
0x4a: {  	_ =	shalt  }
0x4b: {  	_ =	shalt  }
0x4c: {  	_ =	shalt  }
0x4d: {  	_ =	shalt  }
0x4e: {  	_ =	shalt  }
0x4f: {  	_ =	shalt  }
0x50: {  	_ =	shalt  }
0x51: {  	_ =	shalt  }
0x52: {  	_ =	shalt  }
0x53: {  	_ =	shalt  }
0x54: {  	_ =	shalt  }
0x55: {  	_ =	shalt  }
0x56: {  	_ =	shalt  }
0x57: {  	_ =	shalt  }
0x58: {  	_ =	shalt  }
0x59: {  	_ =	shalt  }
0x5a: {  	_ =	shalt  }
0x5b: {  	_ =	shalt  }
0x5c: {  	_ =	shalt  }
0x5d: {  	_ =	shalt  }
0x5e: {  	_ =	shalt  }
0x5f: {  	_ =	shalt  }
0x60: {  	_ =	shalt  }
0x61: {  	_ =	shalt  }
0x62: {  	_ =	shalt  }
0x63: {  	_ =	shalt  }
0x64: {  	_ =	shalt  }
0x65: {  	_ =	shalt  }
0x66: {  	_ =	shalt  }
0x67: {  	_ =	shalt  }
0x68: {  	_ =	shalt  }
0x69: {  	_ =	shalt  }
0x6a: {  	_ =	shalt  }
0x6b: {  	_ =	shalt  }
0x6c: {  	_ =	shalt  }
0x6d: {  	_ =	shalt  }
0x6e: {  	_ =	shalt  }
0x6f: {  	_ =	shalt  }
0x70: {  	_ =	shalt  }
0x71: {  	_ =	shalt  }
0x72: {  	_ =	shalt  }
0x73: {  	_ =	shalt  }
0x74: {  	_ =	shalt  }
0x75: {  	_ =	shalt  }
0x76: {  	_ =	shalt  }
0x77: {  	_ =	shalt  }
0x78: {  	_ =	shalt  }
0x79: {  	_ =	shalt  }
0x7a: {  	_ =	shalt  }
0x7b: {  	_ =	shalt  }
0x7c: {  	_ =	shalt  }
0x7d: {  	_ =	shalt  }
0x7e: {  	_ =	shalt  }
0x7f: {  	_ =	shalt  }
0x80: {  	_ =	shalt  }
0x81: {  	_ =	shalt  }
0x82: {  	_ =	shalt  }
0x83: {  	_ =	shalt  }
0x84: {  	_ =	shalt  }
0x85: {  	_ =	shalt  }
0x86: {  	_ =	shalt  }
0x87: {  	_ =	shalt  }
.Lfunc_end0:
.L_simem_size_0:
called_computation.1_lowered:
.L_overlay_start_0:
0x88: {  	s2 =	sld [smem:$0x3FD9]  }
0x89: {  	s3 =	sld [smem:$0x3FFE];
	_ =	sdelay $0x1  }
0x8a: {  	s1 =	srdreg.scid  }
0x8b: {  	s0 =	sand.u32 $0x1, s1  }
0x8c: {  	s17 =	sshll.u32 s0, $0xA;
	s2 =	sadd.s32 s3, s2  }
0x8d: {  	s2 =	sadd.s32 s2, s17  }
0x8e: {  	[smem:$0x3FBF] =	sst s2  }
0x8f: {  	_ = 	snop  }
0x90: {  	s2 =	sld [smem:$0x3FD0];
	(tm) =	ssettm $0x1  }
0x91: {  	s18 =	sld [smem:$0x3FFB];
	_ =	sdelay $0x3  }
0x92: {  	_ =	strace s18  }
0x93: {  	s3 =	sld [smem:$0x3FFC];
	_ =	sdelay $0x3  }
0x94: {  	_ =	strace s3  }
0x95: {  	s3 =	sld [smem:$0x3FFD];
	_ =	sdelay $0x3  }
0x96: {  	_ =	strace s3  }
0x97: {  	_ =	strace $0x8FFFFFFF  }
0x98: {  	s19 =	sld [smem:$0x3FDB];
	_ =	sdelay $0x1  }
0x99: {  	s4 =	simm.s32 $_scs_section_size  }
0x9a: {  	s5 =	simm.s32 $_size__tile_overlayer_lowered;
	s6 =	simm.s32 $_tile_overlayer_lowered  }
0x9b: {  	s22 =	simm.s32 $0x1BFF;
	s21 =	sshll.u32 s6, $0x1;
	s3 =	sadd.s32 s4, s19  }
0x9c: {  	s7 =	simm.s32 $0x0;
	s20 =	sshll.u32 s5, $0x1;
	s5 =	sadd.s32 s21, s3  }
0x9d: {  	[timem:s7], [sflag:s22] =	dma.local [hbm:s5], s20  }
0x9e: {  	_ =	swait.ge [sflag:s22], s20  }
0x9f: {  	s4 =	ssub.s32 $0x0, s20;
	[sflag:s22] =	ssyncset.done $0x0  }
0xa0: {  	[sflag:s22] =	ssyncadd.s32 s4;
	_ =	sdelay $0x1  }
0xa1: {  	s23 =	simm.s32 $0x1B8B  }
0xa2: {  	_ =	swait.ge [sflag:s23], $0x1  }
0xa3: {  	[sflag:s23] =	ssyncset.done $0x0  }
0xa4: {  	s25 =	simm.s32 $0x1B8E;
	s24 =	sld [smem:$0x3FFE];
	[sflag:s23] =	ssyncadd.s32 $0xFFFFFFFF  }
0xa5: {  	s26 =	simm.s32 $execute0_lowered;
	[smem:$0x3FD2] =	sst s25  }
0xa6: {  	s5 =	sshll.u32 s26, $0x1;
	_ =	strace $0x80000049;
	[dreg:$0x1] =	wrdreg $0xFFFFFFFF  }
0xa7: {  	s28 =	simm.s32 $_size_execute0_lowered;
	s3 =	sadd.s32 s3, s5;
	[dreg:$0x0] =	wrdreg $0x0  }
0xa8: {  	s5 =	sshll.u32 s28, $0x1;
	[dreg:$0x2] =	wrdreg s3  }
0xa9: {  	[dreg:$0x3] =	wrdreg s5  }
0xaa: {  	[dreg:$0x4] =	wrdreg $0xC0  }
0xab: {  	_ =	task [dreg:s7], $0x5FFFF  }
0xac: {  	[dreg:$0x1] =	wrdreg $0xFFFFFFFF  }
0xad: {  	[dreg:$0x0] =	wrdreg $0x60  }
0xae: {  	[dreg:$0x2] =	wrdreg s2  }
0xaf: {  	[dreg:$0x3] =	wrdreg s24  }
0xb0: {  	[dreg:$0x4] =	wrdreg $0xC1800  }
0xb1: {  	[dreg:$0x5] =	wrdreg $0x9  }
0xb2: {  	_ =	task.clear_ibuf [dreg:s7], $0x6FFFF;
	_ =	strace $0x90000049  }
0xb3: {  	s29 =	simm.s32 $0x9;
	_ =	strace $0x8000004B  }
0xb4: {  	_ =	swait.ge [sflag:s29], $0x1  }
0xb5: {  	[sflag:s29] =	ssyncadd.s32 $0xFFFFFFFF  }
0xb6: {  	_ =	strace $0x9000004B  }
0xb7: {  	_ =	sfence  }
0xb8: {  	s30 =	sld [smem:$0x0];
	_ =	sdelay $0x2  }
0xb9: {  	s31 =	sshll.u32 s1, $0xD;
	s1 =	sshrl.u32 s1, $0x2  }
0xba: {  	s3 =	sand.u32 $0x4000, s31;
	s1 =	sadd.s32 s1, s30  }
0xbb: {  	s0 =	sor.u32 s3, s0;
	s1 =	sshll.u32 s1, $0x11  }
0xbc: {  	s0 =	sor.u32 s1, s0  }
0xbd: {  	s0 =	sadd.s32 $0x8F2B, s0  }
0xbe: {  	[sflag:s0] =	ssyncadd.remote.s32 $0x1  }
0xbf: {  	_ =	sfence.sel $0xFFFF  }
0xc0: {  	[dreg:$0x0] =	wrdreg $0xFFFFFFFF;
	(pc) =	sbr.abs _section_cstart, $3  }
0xc1: {  	[dreg:$0x1] =	wrdreg $0xFFFFFFFF  }
0xc2: {  	_ =	task.clear_ibuf [dreg:s7], $0x2FFFF;
	_ =	strace $0x9FFFFFFF  }
0xc3: {  	(tm) =	ssettm $0x7FFFFFFF  }
tec
execute0_lowered:
.L_overlay_start_1:
0x0: {  	(tag) =	ssettag $0x1  }
0x1: {  	s1 =	rddreg [dreg:$0x0]  }
0x2: {  	s0 =	rddreg [dreg:$0x1]  }
0x3: {  	s2 =	rddreg [dreg:$0x2];
	s4 =	simm.s32 $0x0;
	s3 =	srdreg.scid  }
0x4: {  	s23 =	stileid.u32;
	s17 =	simm.s32 $0x8180;
	s18 =	simm.s32 $0x4  }
0x5: {  	s19 =	simm.s32 $0x180;
	s20 =	simm.s32 $0x80;
	s21 =	simm.s32 $0x4180  }
0x6: {  	s22 =	simm.s32 $0x1;
	s26 =	simm.s32 $0x100;
	s28 =	simm.s32 $0x3  }
0x7: {  	s29 =	simm.s32 $0x0;
	[smem:$0x7FF] =	sst s4;
	s7 =	smul.u32 $0x4E200, s23  }
0x8: {  	s5 =	sadd.s32 $0x4FA400, s0;
	s3 =	sand.u32 $0x1, s3;
	s12 =	smul.u32 $0x4E, s23  }
0x9: {  	s6 =	sadd.s32 $0x4E6A00, s0;
	s0 =	sadd.s32 $0x54800, s0;
	s14 =	smul.u32 $0x13800, s23  }
0xa: {  	s13 =	smin.u32 s23, $0x2;
	p0 =	slt.u32 s23, $0x2;
	s15 =	smul.u32 $0x4E000, s23  }
0xb: {  	_ =	strace $0x8000004A;
	s8 =	ssub.s32 $0x2, s3;
	s11 =	smul.u32 $0x4E2, s3  }
0xc: {  	s3 =	smul.u32 $0x138800, s3;
	s9 =	sshrl.u32 s8, $0x1;
	s7 =	sshrl.u32 s7, $0x2  }
0xd: {  	s15 =	sshrl.u32 s15, $0x2;
	s16 =	ssub.s32 s8, s9;
	s7 =	sadd.s32 s7, s2  }
0xe: {  	s12 =	sadd.s32 s12, s11;
	s14 =	sadd.s32 s14, s3;
	s3 =	sshrl.u32 s3, $0x3  }
0xf: {  	s31 =	sadd.s32 s15, s2;
	s8 =	sadd.s32 $0x4000, s7;
	s9 =	sadd.s32 $0x8000, s7  }
0x10: {  	s10 =	sadd.s32 $0xC000, s7;
	s11 =	sadd.s32 $0x10000, s7;
	s12 =	sadd.s32 s13, s12  }
0x11: {  	s13 =	simm.s32 $0x4F;
	s14 =	sshrl.u32 s14, $0x3;
	s3 =	sadd.s32 s0, s3  }
0x12: {  	s16 =	smax.u32 s16, $0x1;
	s24 =	sshrl.u32 s31, $0x3;
	s13 =	simm.s32 @!p0 $0x4E  }
0x13: {  	s15 =	sadd.s32 $0x27000, s3;
	s3 =	sadd.s32 $0x138000, s2;
	p0 =	sne.s32 s23, $0xF  }
0x14: {  	v0 =	vimm.f32 $0.0e+00;
	s14 =	sadd.s32 s0, s14;
	s23 =	simm.s32 $0x2;
	s25 =	sshrl.u32 @!p0 s3, $0x3  }
.LBB2_1:
0x15: {  	s0 =	simm.s32 $0x0;
	s3 =	simm.s32 $0x200  }
.LBB2_2:
0x16: {  	p1 =	sne.s32 s3, $0xFE00;
	[tilespmem:s0+$0x81F0] =	vst v0  }
0x17: {  	[tilespmem:s0+$0x8180] =	vst v0  }
0x18: {  	[tilespmem:s0+$0x8190] =	vst v0  }
.Ltmp0:
0x19: {  	[tilespmem:s0+$0x81A0] =	vst v0;
	(pc) =	sbr.rel @p1 .LBB2_2-.Ltmp0, $4  }
0x1a: {  	[tilespmem:s0+$0x81B0] =	vst v0  }
0x1b: {  	[tilespmem:s0+$0x81C0] =	vst v0  }
0x1c: {  	[tilespmem:s0+$0x81D0] =	vst v0  }
0x1d: {  	[tilespmem:s0+$0x81E0] =	vst v0;
	s0 =	sshra.s32 s3, $0x2;
	s3 =	sadd.s32 $0x200, s3  }
0x1e: {  	[tilespmem:s0+$0x81F0] =	vst v0  }
0x1f: {  	[tilespmem:s0+$0x8180] =	vst v0  }
0x20: {  	[tilespmem:s0+$0x8190] =	vst v0  }
0x21: {  	[tilespmem:s0+$0x81A0] =	vst v0  }
0x22: {  	[tilespmem:s0+$0x81B0] =	vst v0  }
0x23: {  	[tilespmem:s0+$0x81C0] =	vst v0  }
0x24: {  	[tilespmem:s0+$0x81D0] =	vst v0  }
0x25: {  	[tilespmem:s0+$0x81E0] =	vst v0  }
0x26: {  	[spmem:s7] =	stream.linear.scatter [tilespmem:s17], [sflag:$0x4], $0x4000, $0x38;
	[tilespmem:$0x1FA00] =	vst v63  }
0x27: {  	_ =	swait.ge [sflag:s18], $0x4000  }
0x28: {  	[sflag:s18] =	ssyncset.done $0x0  }
0x29: {  	[sflag:s18] =	ssyncadd.s32 $0xFFFFC000  }
0x2a: {  	[spmem:s8] =	stream.linear.scatter [tilespmem:s17], [sflag:$0x4], $0x4000, $0x38;
	[tilespmem:$0x1FA00] =	vst v63  }
0x2b: {  	_ =	swait.ge [sflag:s18], $0x4000  }
0x2c: {  	[sflag:s18] =	ssyncset.done $0x0  }
0x2d: {  	[sflag:s18] =	ssyncadd.s32 $0xFFFFC000  }
0x2e: {  	[spmem:s9] =	stream.linear.scatter [tilespmem:s17], [sflag:$0x4], $0x4000, $0x38;
	[tilespmem:$0x1FA00] =	vst v63  }
0x2f: {  	_ =	swait.ge [sflag:s18], $0x4000  }
0x30: {  	[sflag:s18] =	ssyncset.done $0x0  }
0x31: {  	[sflag:s18] =	ssyncadd.s32 $0xFFFFC000  }
0x32: {  	[spmem:s10] =	stream.linear.scatter [tilespmem:s17], [sflag:$0x4], $0x4000, $0x38;
	[tilespmem:$0x1FA00] =	vst v63  }
0x33: {  	_ =	swait.ge [sflag:s18], $0x4000  }
0x34: {  	[sflag:s18] =	ssyncset.done $0x0  }
0x35: {  	[sflag:s18] =	ssyncadd.s32 $0xFFFFC000  }
0x36: {  	[spmem:s11] =	stream.linear.scatter [tilespmem:s17], [sflag:$0x4], $0x3880, $0x38;
	[tilespmem:$0x1FA00] =	vst v63  }
0x37: {  	_ =	swait.ge [sflag:s18], $0x3880  }
0x38: {  	[sflag:s18] =	ssyncset.done $0x0  }
0x39: {  	[sflag:s18] =	ssyncadd.s32 $0xFFFFC780  }
0x3a: {  	s30 =	simm.s32 $0x0;
	[bflag:$0x0] =	sbarrier.arrive $0xFFFF  }
.LBB2_4:
0x3b: {  	s0 =	sadd.s32 s30, s12  }
0x3c: {  	s3 =	sshll.u32 s0, $0x5  }
0x3d: {  	s3 =	sand.u32 $0x1FFFFFE0, s3  }
0x3e: {  	s0 =	sshll.u32 s0, $0xB;
	s3 =	sadd.s32 s6, s3  }
0x3f: {  	[tilespmem:s4], [sflag:$0x4] =	stream.linear.gather [hbm4b:s3+s4], $0x100, $0x38;
	[tilespmem:$0x1FA00] =	vst v63  }
0x40: {  	s0 =	sand.u32 $0x1FFFF800, s0;
	_ =	swait.ge [sflag:s18], $0x100  }
0x41: {  	s0 =	sadd.s32 s5, s0;
	[sflag:s18] =	ssyncset.done $0x0  }
0x42: {  	p1 =	seq.s32 s30, $0x0;
	s0 =	sadd.s32 $0x4E2000, s0;
	[sflag:s18] =	ssyncadd.s32 $0xFFFFFF00  }
0x43: {  	[tilespmem:s19], [sflag:$0x1] =	stream.linear.gather [hbm4b:s0+s4], $0x4000, $0x38;
	[tilespmem:$0x1FA00] =	vst v63  }
0x44: {  	s0 =	simm.s32 @!p1 $0x3  }
0x45: {  	[tilespmem:s21], [sflag:$0x2] =	stream.indirect.gather [hbm4b:s1+s20], $0x80, s4, s20, $0xb8;
	[tilespmem:$0x1FA00] =	vst v63  }
0x46: {  	_ =	swait.ge @!p1 [sflag:s0], $0x4000  }
0x47: {  	[sflag:s0] =	ssyncset.done @!p1 $0x0  }
0x48: {  	[sflag:s0] =	ssyncadd.s32 @!p1 $0xFFFFC000  }
0x49: {  	v1 =	vld [tilespmem:$0x80]  }
0x4a: {  	v2 =	vld [tilespmem:$0x90]  }
0x4b: {  	v3 =	vld [tilespmem:$0xA0]  }
0x4c: {  	v4 =	vld [tilespmem:$0xB0]  }
0x4d: {  	v5 =	vld [tilespmem:$0xC0]  }
0x4e: {  	[tilespmem:$0x100] =	vst v1;
	v1 =	vld [tilespmem:$0xD0]  }
0x4f: {  	[tilespmem:$0x110] =	vst v2;
	v2 =	vld [tilespmem:$0xE0]  }
0x50: {  	[tilespmem:$0x120] =	vst v3;
	v3 =	vld [tilespmem:$0xF0]  }
0x51: {  	[tilespmem:$0x130] =	vst v4  }
0x52: {  	[tilespmem:$0x140] =	vst v5  }
0x53: {  	[tilespmem:$0x150] =	vst v1  }
0x54: {  	[tilespmem:$0x160] =	vst v2  }
0x55: {  	[tilespmem:$0x170] =	vst v3  }
0x56: {  	_ =	swait.ge [sflag:s22], $0x4000  }
0x57: {  	[sflag:s22] =	ssyncset.done $0x0  }
0x58: {  	[sflag:s22] =	ssyncadd.s32 $0xFFFFC000  }
0x59: {  	_ =	swait.ge [sflag:s23], $0x4000  }
0x5a: {  	[sflag:s23] =	ssyncset.done $0x0  }
0x5b: {  	s31 =	simm.s32 $0x0;
	[sflag:s23] =	ssyncadd.s32 $0xFFFFC000  }
0x5c: {  	v1 =	vld [tilespmem:s31+$0x4270]  }
0x5d: {  	v2 =	vld [tilespmem:s31+$0x270]  }
0x5e: {  	v3 =	vld [tilespmem:s31+$0x4180]  }
0x5f: {  	v4 =	vld [tilespmem:s31+$0x180]  }
0x60: {  	v5 =	vld [tilespmem:s31+$0x4190]  }
0x61: {  	v6 =	vld [tilespmem:s31+$0x190]  }
0x62: {  	v7 =	vld [tilespmem:s31+$0x41A0]  }
0x63: {  	v1 =	vadd.f32 v2, v1;
	v2 =	vld [tilespmem:s31+$0x1A0]  }
0x64: {  	v8 =	vld [tilespmem:s31+$0x41B0]  }
0x65: {  	v3 =	vadd.f32 v4, v3;
	v4 =	vld [tilespmem:s31+$0x1B0]  }
0x66: {  	v5 =	vadd.f32 v6, v5;
	v6 =	vld [tilespmem:s31+$0x41D0];
	v1 =	vmax.f32 v1, $0.0e+00  }
0x67: {  	[tilespmem:s31+$0x8270] =	vst v1;
	v1 =	vmax.f32 v3, $0.0e+00;
	v3 =	vld [tilespmem:s31+$0x41C0]  }
0x68: {  	v5 =	vmax.f32 v5, $0.0e+00;
	[tilespmem:s31+$0x8180] =	vst v1;
	v1 =	vld [tilespmem:s31+$0x1C0];
	v2 =	vadd.f32 v2, v7  }
0x69: {  	[tilespmem:s31+$0x8190] =	vst v5;
	v5 =	vld [tilespmem:s31+$0x1D0]  }
0x6a: {  	v7 =	vld [tilespmem:s31+$0x41E0];
	v2 =	vmax.f32 v2, $0.0e+00  }
0x6b: {  	v4 =	vadd.f32 v4, v8;
	[tilespmem:s31+$0x81A0] =	vst v2;
	v2 =	vld [tilespmem:s31+$0x1E0]  }
0x6c: {  	v8 =	vld [tilespmem:s31+$0x41F0]  }
0x6d: {  	v4 =	vmax.f32 v4, $0.0e+00;
	v1 =	vadd.f32 v1, v3;
	v3 =	vld [tilespmem:s31+$0x1F0]  }
0x6e: {  	[tilespmem:s31+$0x81B0] =	vst v4;
	v4 =	vld [tilespmem:s31+$0x4200];
	v5 =	vadd.f32 v5, v6  }
0x6f: {  	v6 =	vld [tilespmem:s31+$0x4210];
	v1 =	vmax.f32 v1, $0.0e+00  }
0x70: {  	v5 =	vmax.f32 v5, $0.0e+00;
	[tilespmem:s31+$0x81C0] =	vst v1;
	v1 =	vld [tilespmem:s31+$0x200];
	v2 =	vadd.f32 v2, v7  }
0x71: {  	[tilespmem:s31+$0x81D0] =	vst v5;
	v5 =	vld [tilespmem:s31+$0x210]  }
0x72: {  	v7 =	vld [tilespmem:s31+$0x4220];
	v3 =	vadd.f32 v3, v8;
	v2 =	vmax.f32 v2, $0.0e+00  }
0x73: {  	[tilespmem:s31+$0x81E0] =	vst v2;
	v2 =	vld [tilespmem:s31+$0x220]  }
0x74: {  	v8 =	vld [tilespmem:s31+$0x4230];
	v3 =	vmax.f32 v3, $0.0e+00  }
0x75: {  	v1 =	vadd.f32 v1, v4;
	[tilespmem:s31+$0x81F0] =	vst v3;
	v3 =	vld [tilespmem:s31+$0x230]  }
0x76: {  	v9 =	vld [tilespmem:s31+$0x4240];
	v4 =	vadd.f32 v5, v6  }
0x77: {  	v6 =	vld [tilespmem:s31+$0x240];
	v1 =	vmax.f32 v1, $0.0e+00  }
0x78: {  	v4 =	vmax.f32 v4, $0.0e+00;
	[tilespmem:s31+$0x8200] =	vst v1;
	v1 =	vld [tilespmem:s31+$0x4250];
	v2 =	vadd.f32 v2, v7  }
0x79: {  	[tilespmem:s31+$0x8210] =	vst v4;
	v4 =	vld [tilespmem:s31+$0x250]  }
0x7a: {  	v7 =	vadd.f32 v3, v8;
	v5 =	vmax.f32 v2, $0.0e+00;
	v2 =	vld [tilespmem:s31+$0x4260]  }
0x7b: {  	s0 =	simm.s32 $0x100;
	[tilespmem:s31+$0x8220] =	vst v5;
	v5 =	vld [tilespmem:s31+$0x260]  }
0x7c: {  	s3 =	simm.s32 $0x800;
	v6 =	vadd.f32 v6, v9;
	v7 =	vmax.f32 v7, $0.0e+00;
	v3 =	vld [tilespmem:s0+$0x4270]  }
.LBB2_5:
0x7d: {  	p1 =	sne.s32 s3, $0xFC00;
	v8 =	vld [tilespmem:s0+$0x270];
	[tilespmem:s31+$0x8230] =	vst v7  }
0x7e: {  	v7 =	vld [tilespmem:s0+$0x4180];
	v6 =	vmax.f32 v6, $0.0e+00;
	v1 =	vadd.f32 v4, v1  }
0x7f: {  	v4 =	vld [tilespmem:s0+$0x180];
	[tilespmem:s31+$0x8240] =	vst v6  }
0x80: {  	v6 =	vld [tilespmem:s0+$0x4190];
	v1 =	vmax.f32 v1, $0.0e+00;
	v2 =	vadd.f32 v5, v2  }
0x81: {  	v5 =	vld [tilespmem:s0+$0x190];
	[tilespmem:s31+$0x8250] =	vst v1  }
0x82: {  	v1 =	vld [tilespmem:s0+$0x41A0];
	v3 =	vadd.f32 v8, v3;
	v2 =	vmax.f32 v2, $0.0e+00  }
0x83: {  	v8 =	vld [tilespmem:s0+$0x1A0];
	[tilespmem:s31+$0x8260] =	vst v2;
	s31 =	smov.u32 s0  }
0x84: {  	v2 =	vadd.f32 v4, v7;
	v4 =	vld [tilespmem:s31+$0x41B0];
	v3 =	vmax.f32 v3, $0.0e+00  }
0x85: {  	v7 =	vld [tilespmem:s31+$0x1B0];
	[tilespmem:s31+$0x8270] =	vst v3  }
0x86: {  	v2 =	vmax.f32 v2, $0.0e+00;
	v3 =	vadd.f32 v5, v6;
	v5 =	vld [tilespmem:s31+$0x41C0]  }
0x87: {  	[tilespmem:s31+$0x8180] =	vst v2;
	v2 =	vld [tilespmem:s31+$0x1C0]  }
0x88: {  	v3 =	vmax.f32 v3, $0.0e+00;
	v1 =	vadd.f32 v8, v1;
	v6 =	vld [tilespmem:s31+$0x41D0]  }
0x89: {  	[tilespmem:s31+$0x8190] =	vst v3;
	v3 =	vld [tilespmem:s31+$0x1D0]  }
0x8a: {  	v1 =	vmax.f32 v1, $0.0e+00;
	v4 =	vadd.f32 v7, v4;
	v7 =	vld [tilespmem:s31+$0x41E0]  }
0x8b: {  	[tilespmem:s31+$0x81A0] =	vst v1;
	v1 =	vld [tilespmem:s31+$0x1E0]  }
0x8c: {  	v4 =	vmax.f32 v4, $0.0e+00;
	v2 =	vadd.f32 v2, v5;
	v5 =	vld [tilespmem:s31+$0x41F0]  }
0x8d: {  	[tilespmem:s31+$0x81B0] =	vst v4;
	v4 =	vld [tilespmem:s31+$0x1F0]  }
0x8e: {  	v2 =	vmax.f32 v2, $0.0e+00;
	v3 =	vadd.f32 v3, v6;
	v6 =	vld [tilespmem:s31+$0x4200]  }
0x8f: {  	[tilespmem:s31+$0x81C0] =	vst v2;
	v2 =	vld [tilespmem:s31+$0x200]  }
0x90: {  	v3 =	vmax.f32 v3, $0.0e+00;
	v1 =	vadd.f32 v1, v7;
	v7 =	vld [tilespmem:s31+$0x4210]  }
0x91: {  	[tilespmem:s31+$0x81D0] =	vst v3;
	v3 =	vld [tilespmem:s31+$0x210]  }
0x92: {  	v1 =	vmax.f32 v1, $0.0e+00;
	v4 =	vadd.f32 v4, v5;
	v5 =	vld [tilespmem:s31+$0x4220]  }
0x93: {  	[tilespmem:s31+$0x81E0] =	vst v1;
	v1 =	vld [tilespmem:s31+$0x220]  }
0x94: {  	v4 =	vmax.f32 v4, $0.0e+00;
	v2 =	vadd.f32 v2, v6;
	v6 =	vld [tilespmem:s31+$0x4230]  }
0x95: {  	[tilespmem:s31+$0x81F0] =	vst v4;
	v8 =	vld [tilespmem:s31+$0x230]  }
0x96: {  	v2 =	vmax.f32 v2, $0.0e+00;
	v3 =	vadd.f32 v3, v7;
	v9 =	vld [tilespmem:s31+$0x4240]  }
0x97: {  	[tilespmem:s31+$0x8200] =	vst v2;
	v10 =	vld [tilespmem:s31+$0x240]  }
.Ltmp1:
0x98: {  	v2 =	vmax.f32 v3, $0.0e+00;
	v3 =	vadd.f32 v1, v5;
	v1 =	vld [tilespmem:s31+$0x4250];
	(pc) =	sbr.rel @p1 .LBB2_5-.Ltmp1, $4  }
0x99: {  	[tilespmem:s31+$0x8210] =	vst v2;
	v4 =	vld [tilespmem:s31+$0x250]  }
0x9a: {  	v3 =	vmax.f32 v3, $0.0e+00;
	v6 =	vadd.f32 v8, v6;
	v2 =	vld [tilespmem:s31+$0x4260]  }
0x9b: {  	s0 =	sshra.s32 s3, $0x2;
	[tilespmem:s31+$0x8220] =	vst v3;
	v5 =	vld [tilespmem:s31+$0x260]  }
0x9c: {  	s3 =	sadd.s32 $0x400, s3;
	v3 =	vld [tilespmem:s0+$0x4270];
	v7 =	vmax.f32 v6, $0.0e+00;
	v6 =	vadd.f32 v10, v9  }
0x9d: {  	v8 =	vld [tilespmem:s0+$0x270];
	[tilespmem:s31+$0x8230] =	vst v7  }
0x9e: {  	v7 =	vld [tilespmem:s0+$0x4180];
	v6 =	vmax.f32 v6, $0.0e+00;
	v1 =	vadd.f32 v4, v1  }
0x9f: {  	v9 =	vld [tilespmem:s0+$0x180];
	[tilespmem:s31+$0x8240] =	vst v6  }
0xa0: {  	v47 =	vld [tilespmem:s0+$0x4190];
	v1 =	vmax.f32 v1, $0.0e+00;
	v2 =	vadd.f32 v5, v2  }
0xa1: {  	v6 =	vld [tilespmem:s0+$0x190];
	[tilespmem:s31+$0x8250] =	vst v1  }
0xa2: {  	v1 =	vld [tilespmem:s0+$0x41A0];
	v2 =	vmax.f32 v2, $0.0e+00  }
0xa3: {  	v48 =	vld [tilespmem:s0+$0x1A0];
	[tilespmem:s31+$0x8260] =	vst v2  }
0xa4: {  	v2 =	vld [tilespmem:s0+$0x41B0]  }
0xa5: {  	v3 =	vadd.f32 v8, v3;
	v49 =	vld [tilespmem:s0+$0x1B0]  }
0xa6: {  	v7 =	vadd.f32 v9, v7;
	v50 =	vld [tilespmem:s0+$0x41C0]  }
0xa7: {  	v3 =	vmax.f32 v3, $0.0e+00;
	v51 =	vld [tilespmem:s0+$0x41D0]  }
0xa8: {  	v52 =	vld [tilespmem:s0+$0x1D0];
	[tilespmem:s0+$0x8270] =	vst v3;
	v3 =	vmax.f32 v7, $0.0e+00;
	v1 =	vadd.f32 v48, v1  }
0xa9: {  	[tilespmem:s0+$0x8180] =	vst v3;
	v3 =	vld [tilespmem:s0+$0x1C0]  }
0xaa: {  	v53 =	vld [tilespmem:s0+$0x41E0];
	v1 =	vmax.f32 v1, $0.0e+00  }
0xab: {  	[tilespmem:s0+$0x81A0] =	vst v1;
	v1 =	vld [tilespmem:s0+$0x1E0]  }
0xac: {  	v54 =	vld [tilespmem:s0+$0x41F0]  }
0xad: {  	v55 =	vld [tilespmem:s0+$0x4200];
	v2 =	vadd.f32 v49, v2  }
0xae: {  	v56 =	vld [tilespmem:s0+$0x4210];
	v3 =	vadd.f32 v3, v50  }
0xaf: {  	v57 =	vld [tilespmem:s0+$0x210];
	v2 =	vmax.f32 v2, $0.0e+00  }
0xb0: {  	[tilespmem:s0+$0x81B0] =	vst v2;
	v2 =	vld [tilespmem:s0+$0x1F0];
	v3 =	vmax.f32 v3, $0.0e+00;
	v1 =	vadd.f32 v1, v53  }
0xb1: {  	[tilespmem:s0+$0x81C0] =	vst v3;
	v3 =	vld [tilespmem:s0+$0x200]  }
0xb2: {  	v58 =	vld [tilespmem:s0+$0x4220];
	v1 =	vmax.f32 v1, $0.0e+00  }
0xb3: {  	[tilespmem:s0+$0x81E0] =	vst v1;
	v1 =	vld [tilespmem:s0+$0x220]  }
0xb4: {  	v59 =	vld [tilespmem:s0+$0x4230];
	v4 =	vadd.f32 v6, v47  }
0xb5: {  	v60 =	vld [tilespmem:s0+$0x4240];
	v2 =	vadd.f32 v2, v54  }
0xb6: {  	v61 =	vld [tilespmem:s0+$0x4250];
	v4 =	vmax.f32 v4, $0.0e+00;
	v3 =	vadd.f32 v3, v55  }
0xb7: {  	v62 =	vld [tilespmem:s0+$0x250];
	[tilespmem:s0+$0x8190] =	vst v4;
	v2 =	vmax.f32 v2, $0.0e+00  }
0xb8: {  	[tilespmem:s0+$0x81F0] =	vst v2;
	v2 =	vld [tilespmem:s0+$0x230];
	v3 =	vmax.f32 v3, $0.0e+00;
	v1 =	vadd.f32 v1, v58  }
0xb9: {  	v4 =	vadd.f32 v52, v51;
	[tilespmem:s0+$0x8200] =	vst v3;
	v3 =	vld [tilespmem:s0+$0x240]  }
0xba: {  	v63 =	vld [tilespmem:s0+$0x4260];
	v1 =	vmax.f32 v1, $0.0e+00  }
0xbb: {  	v4 =	vmax.f32 v4, $0.0e+00;
	[tilespmem:s0+$0x8220] =	vst v1;
	v1 =	vld [tilespmem:s0+$0x260]  }
0xbc: {  	[tilespmem:s0+$0x81D0] =	vst v4;
	v4 =	vadd.f32 v57, v56  }
0xbd: {  	v2 =	vadd.f32 v2, v59  }
0xbe: {  	s30 =	sadd.s32 $0x1, s30;
	v4 =	vmax.f32 v4, $0.0e+00;
	v3 =	vadd.f32 v3, v60  }
0xbf: {  	p1 =	sne.s32 s30, s13;
	[tilespmem:s0+$0x8210] =	vst v4;
	v4 =	vadd.f32 v62, v61;
	v2 =	vmax.f32 v2, $0.0e+00  }
.Ltmp2:
0xc0: {  	[tilespmem:s0+$0x8230] =	vst v2;
	v2 =	vmax.f32 v3, $0.0e+00;
	v1 =	vadd.f32 v1, v63;
	(pc) =	sbr.rel @p1 .LBB2_4-.Ltmp2, $4  }
0xc1: {  	[tilespmem:s0+$0x8240] =	vst v2;
	v2 =	vmax.f32 v4, $0.0e+00  }
0xc2: {  	[tilespmem:s0+$0x8250] =	vst v2;
	v1 =	vmax.f32 v1, $0.0e+00  }
0xc3: {  	[tilespmem:s0+$0x8260] =	vst v1  }
0xc4: {  	[spmem:s2] =	stream.indirect.scatter.add.f32 [tilespmem:s17], [sflag:$0x3], $0x80, s26, s20, $0xb8;
	[tilespmem:$0x1FA00] =	vst v63  }
0xc5: {  	_ =	swait.ge [sflag:s28], $0x4000  }
0xc6: {  	s0 =	stileid.u32;
	[sflag:s28] =	ssyncset.done $0x0  }
0xc7: {  	s0 =	sshll.u32 s0, $0x6;
	[sflag:s28] =	ssyncadd.s32 $0xFFFFC000  }
0xc8: {  	s0 =	sor.u32 $0x1C04, s0;
	[bflag:$0x0] =	sbarrier.arrive $0xFFFF  }
0xc9: {  	[hbm:s14], [sflag:s0] =	dma.local [spmem:s24], $0x2700  }
0xca: {  	_ =	swait.ge [sflag:s18], $0x2700  }
0xcb: {  	s29 =	sadd.s32 $0x1, s29;
	[sflag:s18] =	ssyncset.done $0x0  }
0xcc: {  	p1 =	sne.s32 s29, s16;
	[sflag:s18] =	ssyncadd.s32 $0xFFFFD900  }
0xcd: {  	[hbm:s15], [sflag:s0] =	dma.local @!p0 [spmem:s25], $0x100  }
.Ltmp3:
0xce: {  	_ = 	snop;
	(pc) =	sbr.rel @p1 .LBB2_1-.Ltmp3, $4  }
0xcf: {  	s0 =	simm.s32 @!p0 $0x4  }
0xd0: {  	_ =	swait.ge @!p0 [sflag:s0], $0x100  }
0xd1: {  	[sflag:s0] =	ssyncset.done @!p0 $0x0  }
0xd2: {  	[sflag:s0] =	ssyncadd.s32 @!p0 $0xFFFFFF00  }
0xd3: {  	_ =	sfence.sel $0x180000  }
0xd4: {  	[bflag:$0x0] =	sbarrier.arrive $0xFFFF  }
0xd5: {  	_ =	strace $0x9000004A  }
0xd6: {  	s0 =	stileid.u32;
	[bflag:$0x2] =	sbarrier.arrive $0xFFFF  }
0xd7: {  	p0 =	sne.s32 s0, $0x0;
	s0 =	rddreg [dreg:$0x3]  }
0xd8: {  	s0 =	sadd.s32 @!p0 $0x100000, s0  }
0xd9: {  	[sflag:s0] =	ssyncadd.tile.s32 @!p0 $0x1;
	_ =	shalt  }
.Lfunc_end2:
_tile_overlayer_lowered:
.L_overlay_start_2:
0xda: {  	(tag) =	ssettag $0x2  }
0xdb: {  	s0 =	rddreg [dreg:$0x0];
	s2 =	stileid.u32  }
0xdc: {  	s1 =	rddreg [dreg:$0x1];
	p0 =	sne.s32 s2, $0x0  }
0xdd: {  	s3 =	rddreg [dreg:$0x2];
	[bflag:$0x3] =	sbarrier.arrive $0xFFFF;
	s2 =	simm.s32 @!p0 $0x1C04  }
0xde: {  	[timem:s3], [sflag:s2] =	dma.local @!p0 [hbm:s0], s1  }
0xdf: {  	s0 =	simm.s32 @!p0 $0x4  }
0xe0: {  	_ =	swait.ge @!p0 [sflag:s0], s1  }
0xe1: {  	s1 =	ssub.s32 @!p0 $0x0, s1;
	[sflag:s0] =	ssyncset.done @!p0 $0x0  }
0xe2: {  	[sflag:s0] =	ssyncadd.s32 @!p0 s1  }
0xe3: {  	[bflag:$0x3] =	sbarrier.arrive $0xFFFF  }
0xe4: {  	_ =	shalt  }

// kernel: kernel.15.cloned.1.call-start
scs
__scs_entry_jumppad:
0x0: {  	(pc) =	sbr.rel $0x88, $3  }
0x1: {  	(tag) =	ssettag $0x0;
	lr =	simm.s32 $0x1  }
0x2: {  	[smem:$0x3F98] =	sst lr;
	_ =	strace $0xD0000000  }
0x3: {  	_ = 	snop  }
0x4: {  	_ = 	snop  }
0x5: {  	_ = 	snop  }
0x6: {  	_ = 	snop  }
0x7: {  	_ = 	snop  }
__scs_overlays_trampoline_lowered:
0x8: {  	[smem:$0x3FA7] =	sst s0  }
0x9: {  	[smem:$0x3FA8] =	sst s1  }
0xa: {  	[smem:$0x3FA9] =	sst s2  }
0xb: {  	[smem:$0x3FAA] =	sst s3  }
0xc: {  	[smem:$0x3FAB] =	sst s4  }
0xd: {  	[smem:$0x3FAC] =	sst s5  }
0xe: {  	[smem:$0x3FAD] =	sst s6  }
0xf: {  	[smem:$0x3FAE] =	sst s7  }
0x10: {  	[smem:$0x3FAF] =	sst s8  }
0x11: {  	[smem:$0x3FB0] =	sst s9;
	s0 =	simm.s32 @!p0 $0x0  }
0x12: {  	s1 =	sld [smem:$0x3F96];
	s0 =	simm.s32 @p0 $0x1  }
0x13: {  	[smem:$0x3FB1] =	sst s0;
	s0 =	simm.s32 @!p1 $0x0  }
0x14: {  	s2 =	sld [smem:$0x3F95];
	s0 =	simm.s32 @p1 $0x1  }
0x15: {  	[smem:$0x3FB2] =	sst s0;
	s0 =	simm.s32 @!p2 $0x0  }
0x16: {  	s3 =	sld [smem:$0x3FDB];
	s0 =	simm.s32 @p2 $0x1  }
0x17: {  	s4 =	simm.s32 $0x1BF5;
	[smem:$0x3FB4] =	sst s0  }
0x18: {  	s0 =	sld [smem:$0x3F97];
	_ =	swait.ge [sflag:s4], $0x0  }
0x19: {  	s7 =	sld [smem:$0x3F98]  }
0x1a: {  	s8 =	sadd.s32 $0xFFFFE003, lr  }
0x1b: {  	s9 =	sadd.s32 $0xFFFFFEF7, lr;
	s5 =	simm.s32 $0xFFFFFFFF;
	p2 =	slt.u32 s8, $0xFFFFF086  }
0x1c: {  	p1 =	slt.u32 s9, $0xF7A;
	s5 =	simm.s32 @!p2 $0x0  }
0x1d: {  	s5 =	simm.s32 @p1 $0x1;
	p0 =	seq.s32 s7, s2  }
0x1e: {  	s7 =	smul.u32 @!p0 $0xF7A, s2;
	p2 =	seq.s32 @!p0 s5, $0x0  }
0x1f: {  	s9 =	smul.u32 $0xF7A, s1;
	s8 =	simm.s32 @!p0 $0x1BF5;
	p2 =	por !p2, p0  }
0x20: {  	[sflag:s8] =	ssyncset.s32 @!p0 $0xFFFFF086;
	s6 =	sadd.s32 @!p0 s3, s7;
	s7 =	simm.s32 @!p0 $0x108  }
0x21: {  	s3 =	sadd.s32 s3, s9;
	s6 =	sadd.s32 @!p0 $0x88, s6;
	s7 =	simm.s32 @p2 $0x1082  }
0x22: {  	[simem:s7], [sflag:s8] =	dma.local @!p0 [hbm:s6], $0xF7A  }
0x23: {  	s9 =	sor.u32 $0xD0000000, s2;
	s6 =	simm.s32 $0x108;
	_ =	swait.ge @!p0 [sflag:s8], $0x0  }
0x24: {  	s3 =	sadd.s32 $0x88, s3;
	s6 =	simm.s32 @!p1 $0x1082;
	[sflag:s4] =	ssyncset.s32 $0xFFFFF086  }
0x25: {  	[simem:s6], [sflag:s4] =	dma.local [hbm:s3], $0xF7A  }
0x26: {  	[smem:$0x3F98] =	sst s1;
	(tag) =	ssettag s2;
	_ =	strace s9  }
0x27: {  	s1 =	sld [smem:$0x3FA8]  }
0x28: {  	s2 =	sld [smem:$0x3FA9]  }
0x29: {  	s4 =	sld [smem:$0x3FAB]  }
0x2a: {  	p0 =	seq.s32 s5, $0x0;
	s5 =	sld [smem:$0x3FAC]  }
0x2b: {  	s6 =	sld [smem:$0x3FAD]  }
0x2c: {  	s7 =	sld [smem:$0x3FAE]  }
0x2d: {  	s3 =	simm.s32 $0x108;
	s8 =	sld [smem:$0x3FAF]  }
0x2e: {  	s3 =	simm.s32 @!p0 $0x1082;
	s9 =	sld [smem:$0x3FB0]  }
0x2f: {  	lr =	sadd.s32 s0, s3;
	s0 =	sld [smem:$0x3FA7]  }
0x30: {  	s3 =	sld [smem:$0x3FAA]  }
0x31: {  	[smem:$0x3FB3] =	sst s10  }
0x32: {  	s10 =	sld [smem:$0x3FB1];
	_ =	sdelay $0x3  }
0x33: {  	p0 =	seq.s32 s10, $0x1;
	s10 =	sld [smem:$0x3FB3];
	_ =	sdelay $0x3  }
0x34: {  	[smem:$0x3FB3] =	sst s10  }
0x35: {  	s10 =	sld [smem:$0x3FB2];
	_ =	sdelay $0x3  }
0x36: {  	p1 =	seq.s32 s10, $0x1;
	s10 =	sld [smem:$0x3FB3];
	_ =	sdelay $0x3  }
0x37: {  	[smem:$0x3FB3] =	sst s10  }
0x38: {  	s10 =	sld [smem:$0x3FB4]  }
0x39: {  	_ = 	snop;
	(pc) =	sbr.ind lr, $3  }
0x3a: {  	_ = 	snop  }
0x3b: {  	_ = 	snop  }
0x3c: {  	p2 =	seq.s32 s10, $0x1;
	s10 =	sld [smem:$0x3FB3]  }
0x3d: {  	_ =	shalt  }
0x3e: {  	_ =	shalt  }
0x3f: {  	_ =	shalt  }
0x40: {  	_ =	shalt  }
0x41: {  	_ =	shalt  }
0x42: {  	_ =	shalt  }
0x43: {  	_ =	shalt  }
0x44: {  	_ =	shalt  }
0x45: {  	_ =	shalt  }
0x46: {  	_ =	shalt  }
0x47: {  	_ =	shalt  }
0x48: {  	_ =	shalt  }
0x49: {  	_ =	shalt  }
0x4a: {  	_ =	shalt  }
0x4b: {  	_ =	shalt  }
0x4c: {  	_ =	shalt  }
0x4d: {  	_ =	shalt  }
0x4e: {  	_ =	shalt  }
0x4f: {  	_ =	shalt  }
0x50: {  	_ =	shalt  }
0x51: {  	_ =	shalt  }
0x52: {  	_ =	shalt  }
0x53: {  	_ =	shalt  }
0x54: {  	_ =	shalt  }
0x55: {  	_ =	shalt  }
0x56: {  	_ =	shalt  }
0x57: {  	_ =	shalt  }
0x58: {  	_ =	shalt  }
0x59: {  	_ =	shalt  }
0x5a: {  	_ =	shalt  }
0x5b: {  	_ =	shalt  }
0x5c: {  	_ =	shalt  }
0x5d: {  	_ =	shalt  }
0x5e: {  	_ =	shalt  }
0x5f: {  	_ =	shalt  }
0x60: {  	_ =	shalt  }
0x61: {  	_ =	shalt  }
0x62: {  	_ =	shalt  }
0x63: {  	_ =	shalt  }
0x64: {  	_ =	shalt  }
0x65: {  	_ =	shalt  }
0x66: {  	_ =	shalt  }
0x67: {  	_ =	shalt  }
0x68: {  	_ =	shalt  }
0x69: {  	_ =	shalt  }
0x6a: {  	_ =	shalt  }
0x6b: {  	_ =	shalt  }
0x6c: {  	_ =	shalt  }
0x6d: {  	_ =	shalt  }
0x6e: {  	_ =	shalt  }
0x6f: {  	_ =	shalt  }
0x70: {  	_ =	shalt  }
0x71: {  	_ =	shalt  }
0x72: {  	_ =	shalt  }
0x73: {  	_ =	shalt  }
0x74: {  	_ =	shalt  }
0x75: {  	_ =	shalt  }
0x76: {  	_ =	shalt  }
0x77: {  	_ =	shalt  }
0x78: {  	_ =	shalt  }
0x79: {  	_ =	shalt  }
0x7a: {  	_ =	shalt  }
0x7b: {  	_ =	shalt  }
0x7c: {  	_ =	shalt  }
0x7d: {  	_ =	shalt  }
0x7e: {  	_ =	shalt  }
0x7f: {  	_ =	shalt  }
0x80: {  	_ =	shalt  }
0x81: {  	_ =	shalt  }
0x82: {  	_ =	shalt  }
0x83: {  	_ =	shalt  }
0x84: {  	_ =	shalt  }
0x85: {  	_ =	shalt  }
0x86: {  	_ =	shalt  }
0x87: {  	_ =	shalt  }
.Lfunc_end0:
.L_simem_size_0:
called_computation.2_lowered:
.L_overlay_start_0:
0x88: {  	s2 =	sld [smem:$0x3FD9]  }
0x89: {  	s3 =	sld [smem:$0x3FFE];
	_ =	sdelay $0x1  }
0x8a: {  	s1 =	srdreg.scid  }
0x8b: {  	s0 =	sand.u32 $0x1, s1  }
0x8c: {  	s17 =	sshll.u32 s0, $0xA;
	s2 =	sadd.s32 s3, s2  }
0x8d: {  	s2 =	sadd.s32 s2, s17  }
0x8e: {  	[smem:$0x3FBF] =	sst s2  }
0x8f: {  	_ = 	snop  }
0x90: {  	s2 =	sld [smem:$0x3FD0];
	(tm) =	ssettm $0x1  }
0x91: {  	s18 =	sld [smem:$0x3FFB];
	_ =	sdelay $0x3  }
0x92: {  	_ =	strace s18  }
0x93: {  	s3 =	sld [smem:$0x3FFC];
	_ =	sdelay $0x3  }
0x94: {  	_ =	strace s3  }
0x95: {  	s3 =	sld [smem:$0x3FFD];
	_ =	sdelay $0x3  }
0x96: {  	_ =	strace s3  }
0x97: {  	_ =	strace $0x8FFFFFFF  }
0x98: {  	s19 =	sld [smem:$0x3FDB];
	_ =	sdelay $0x1  }
0x99: {  	s4 =	simm.s32 $_scs_section_size  }
0x9a: {  	s5 =	simm.s32 $_size__tile_overlayer_lowered;
	s6 =	simm.s32 $_tile_overlayer_lowered  }
0x9b: {  	s22 =	simm.s32 $0x1BFF;
	s21 =	sshll.u32 s6, $0x1;
	s3 =	sadd.s32 s4, s19  }
0x9c: {  	s7 =	simm.s32 $0x0;
	s20 =	sshll.u32 s5, $0x1;
	s5 =	sadd.s32 s21, s3  }
0x9d: {  	[timem:s7], [sflag:s22] =	dma.local [hbm:s5], s20  }
0x9e: {  	_ =	swait.ge [sflag:s22], s20  }
0x9f: {  	s4 =	ssub.s32 $0x0, s20;
	[sflag:s22] =	ssyncset.done $0x0  }
0xa0: {  	[sflag:s22] =	ssyncadd.s32 s4;
	_ =	sdelay $0x1  }
0xa1: {  	s23 =	simm.s32 $0x1B8B  }
0xa2: {  	_ =	swait.ge [sflag:s23], $0x1  }
0xa3: {  	[sflag:s23] =	ssyncset.done $0x0  }
0xa4: {  	s25 =	simm.s32 $0x1B8E;
	s24 =	sld [smem:$0x3FFE];
	[sflag:s23] =	ssyncadd.s32 $0xFFFFFFFF  }
0xa5: {  	s26 =	simm.s32 $execute0_lowered;
	[smem:$0x3FD2] =	sst s25  }
0xa6: {  	s5 =	sshll.u32 s26, $0x1;
	_ =	strace $0x8000004C;
	[dreg:$0x1] =	wrdreg $0xFFFFFFFF  }
0xa7: {  	s28 =	simm.s32 $_size_execute0_lowered;
	s3 =	sadd.s32 s3, s5;
	[dreg:$0x0] =	wrdreg $0x0  }
0xa8: {  	s5 =	sshll.u32 s28, $0x1;
	[dreg:$0x2] =	wrdreg s3  }
0xa9: {  	[dreg:$0x3] =	wrdreg s5  }
0xaa: {  	[dreg:$0x4] =	wrdreg $0xC0  }
0xab: {  	_ =	task [dreg:s7], $0x5FFFF  }
0xac: {  	[dreg:$0x1] =	wrdreg $0xFFFFFFFF  }
0xad: {  	[dreg:$0x0] =	wrdreg $0x60  }
0xae: {  	[dreg:$0x2] =	wrdreg s2  }
0xaf: {  	[dreg:$0x3] =	wrdreg s24  }
0xb0: {  	[dreg:$0x4] =	wrdreg $0xC1800  }
0xb1: {  	[dreg:$0x5] =	wrdreg $0x9  }
0xb2: {  	_ =	task.clear_ibuf [dreg:s7], $0x6FFFF;
	_ =	strace $0x9000004C  }
0xb3: {  	s29 =	simm.s32 $0x9;
	_ =	strace $0x8000004E  }
0xb4: {  	_ =	swait.ge [sflag:s29], $0x1  }
0xb5: {  	[sflag:s29] =	ssyncadd.s32 $0xFFFFFFFF  }
0xb6: {  	_ =	strace $0x9000004E  }
0xb7: {  	_ =	sfence  }
0xb8: {  	s30 =	sld [smem:$0x0];
	_ =	sdelay $0x2  }
0xb9: {  	s31 =	sshll.u32 s1, $0xD;
	s1 =	sshrl.u32 s1, $0x2  }
0xba: {  	s3 =	sand.u32 $0x4000, s31;
	s1 =	sadd.s32 s1, s30  }
0xbb: {  	s0 =	sor.u32 s3, s0;
	s1 =	sshll.u32 s1, $0x11  }
0xbc: {  	s0 =	sor.u32 s1, s0  }
0xbd: {  	s0 =	sadd.s32 $0x8F2B, s0  }
0xbe: {  	[sflag:s0] =	ssyncadd.remote.s32 $0x1  }
0xbf: {  	_ =	sfence.sel $0xFFFF  }
0xc0: {  	[dreg:$0x0] =	wrdreg $0xFFFFFFFF;
	(pc) =	sbr.abs _section_cstart, $3  }
0xc1: {  	[dreg:$0x1] =	wrdreg $0xFFFFFFFF  }
0xc2: {  	_ =	task.clear_ibuf [dreg:s7], $0x2FFFF;
	_ =	strace $0x9FFFFFFF  }
0xc3: {  	(tm) =	ssettm $0x7FFFFFFF  }
tec
execute0_lowered:
.L_overlay_start_1:
0x0: {  	(tag) =	ssettag $0x1  }
0x1: {  	s1 =	rddreg [dreg:$0x0]  }
0x2: {  	s0 =	rddreg [dreg:$0x1]  }
0x3: {  	s2 =	rddreg [dreg:$0x2];
	s4 =	simm.s32 $0x0;
	s3 =	srdreg.scid  }
0x4: {  	s23 =	stileid.u32;
	s17 =	simm.s32 $0x8180;
	s18 =	simm.s32 $0x4  }
0x5: {  	s19 =	simm.s32 $0x180;
	s20 =	simm.s32 $0x80;
	s21 =	simm.s32 $0x4180  }
0x6: {  	s22 =	simm.s32 $0x1;
	s26 =	simm.s32 $0x100;
	s28 =	simm.s32 $0x3  }
0x7: {  	s29 =	simm.s32 $0x0;
	[smem:$0x7FF] =	sst s4;
	s7 =	smul.u32 $0x4E200, s23  }
0x8: {  	s5 =	sadd.s32 $0x4FA400, s0;
	s3 =	sand.u32 $0x1, s3;
	s12 =	smul.u32 $0x4E, s23  }
0x9: {  	s6 =	sadd.s32 $0x4E6A00, s0;
	s0 =	sadd.s32 $0x54800, s0;
	s14 =	smul.u32 $0x13800, s23  }
0xa: {  	s13 =	smin.u32 s23, $0x2;
	p0 =	slt.u32 s23, $0x2;
	s15 =	smul.u32 $0x4E000, s23  }
0xb: {  	_ =	strace $0x8000004D;
	s8 =	ssub.s32 $0x2, s3;
	s11 =	smul.u32 $0x4E2, s3  }
0xc: {  	s3 =	smul.u32 $0x138800, s3;
	s9 =	sshrl.u32 s8, $0x1;
	s7 =	sshrl.u32 s7, $0x2  }
0xd: {  	s15 =	sshrl.u32 s15, $0x2;
	s16 =	ssub.s32 s8, s9;
	s7 =	sadd.s32 s7, s2  }
0xe: {  	s12 =	sadd.s32 s12, s11;
	s14 =	sadd.s32 s14, s3;
	s3 =	sshrl.u32 s3, $0x3  }
0xf: {  	s31 =	sadd.s32 s15, s2;
	s8 =	sadd.s32 $0x4000, s7;
	s9 =	sadd.s32 $0x8000, s7  }
0x10: {  	s10 =	sadd.s32 $0xC000, s7;
	s11 =	sadd.s32 $0x10000, s7;
	s12 =	sadd.s32 s13, s12  }
0x11: {  	s13 =	simm.s32 $0x4F;
	s14 =	sshrl.u32 s14, $0x3;
	s3 =	sadd.s32 s0, s3  }
0x12: {  	s16 =	smax.u32 s16, $0x1;
	s24 =	sshrl.u32 s31, $0x3;
	s13 =	simm.s32 @!p0 $0x4E  }
0x13: {  	s15 =	sadd.s32 $0x27000, s3;
	s3 =	sadd.s32 $0x138000, s2;
	p0 =	sne.s32 s23, $0xF  }
0x14: {  	v0 =	vimm.f32 $0.0e+00;
	s14 =	sadd.s32 s0, s14;
	s23 =	simm.s32 $0x2;
	s25 =	sshrl.u32 @!p0 s3, $0x3  }
.LBB2_1:
0x15: {  	s0 =	simm.s32 $0x0;
	s3 =	simm.s32 $0x200  }
.LBB2_2:
0x16: {  	p1 =	sne.s32 s3, $0xFE00;
	[tilespmem:s0+$0x81F0] =	vst v0  }
0x17: {  	[tilespmem:s0+$0x8180] =	vst v0  }
0x18: {  	[tilespmem:s0+$0x8190] =	vst v0  }
.Ltmp0:
0x19: {  	[tilespmem:s0+$0x81A0] =	vst v0;
	(pc) =	sbr.rel @p1 .LBB2_2-.Ltmp0, $4  }
0x1a: {  	[tilespmem:s0+$0x81B0] =	vst v0  }
0x1b: {  	[tilespmem:s0+$0x81C0] =	vst v0  }
0x1c: {  	[tilespmem:s0+$0x81D0] =	vst v0  }
0x1d: {  	[tilespmem:s0+$0x81E0] =	vst v0;
	s0 =	sshra.s32 s3, $0x2;
	s3 =	sadd.s32 $0x200, s3  }
0x1e: {  	[tilespmem:s0+$0x81F0] =	vst v0  }
0x1f: {  	[tilespmem:s0+$0x8180] =	vst v0  }
0x20: {  	[tilespmem:s0+$0x8190] =	vst v0  }
0x21: {  	[tilespmem:s0+$0x81A0] =	vst v0  }
0x22: {  	[tilespmem:s0+$0x81B0] =	vst v0  }
0x23: {  	[tilespmem:s0+$0x81C0] =	vst v0  }
0x24: {  	[tilespmem:s0+$0x81D0] =	vst v0  }
0x25: {  	[tilespmem:s0+$0x81E0] =	vst v0  }
0x26: {  	[spmem:s7] =	stream.linear.scatter [tilespmem:s17], [sflag:$0x4], $0x4000, $0x38;
	[tilespmem:$0x1FA00] =	vst v63  }
0x27: {  	_ =	swait.ge [sflag:s18], $0x4000  }
0x28: {  	[sflag:s18] =	ssyncset.done $0x0  }
0x29: {  	[sflag:s18] =	ssyncadd.s32 $0xFFFFC000  }
0x2a: {  	[spmem:s8] =	stream.linear.scatter [tilespmem:s17], [sflag:$0x4], $0x4000, $0x38;
	[tilespmem:$0x1FA00] =	vst v63  }
0x2b: {  	_ =	swait.ge [sflag:s18], $0x4000  }
0x2c: {  	[sflag:s18] =	ssyncset.done $0x0  }
0x2d: {  	[sflag:s18] =	ssyncadd.s32 $0xFFFFC000  }
0x2e: {  	[spmem:s9] =	stream.linear.scatter [tilespmem:s17], [sflag:$0x4], $0x4000, $0x38;
	[tilespmem:$0x1FA00] =	vst v63  }
0x2f: {  	_ =	swait.ge [sflag:s18], $0x4000  }
0x30: {  	[sflag:s18] =	ssyncset.done $0x0  }
0x31: {  	[sflag:s18] =	ssyncadd.s32 $0xFFFFC000  }
0x32: {  	[spmem:s10] =	stream.linear.scatter [tilespmem:s17], [sflag:$0x4], $0x4000, $0x38;
	[tilespmem:$0x1FA00] =	vst v63  }
0x33: {  	_ =	swait.ge [sflag:s18], $0x4000  }
0x34: {  	[sflag:s18] =	ssyncset.done $0x0  }
0x35: {  	[sflag:s18] =	ssyncadd.s32 $0xFFFFC000  }
0x36: {  	[spmem:s11] =	stream.linear.scatter [tilespmem:s17], [sflag:$0x4], $0x3880, $0x38;
	[tilespmem:$0x1FA00] =	vst v63  }
0x37: {  	_ =	swait.ge [sflag:s18], $0x3880  }
0x38: {  	[sflag:s18] =	ssyncset.done $0x0  }
0x39: {  	[sflag:s18] =	ssyncadd.s32 $0xFFFFC780  }
0x3a: {  	s30 =	simm.s32 $0x0;
	[bflag:$0x0] =	sbarrier.arrive $0xFFFF  }
.LBB2_4:
0x3b: {  	s0 =	sadd.s32 s30, s12  }
0x3c: {  	s3 =	sshll.u32 s0, $0x5  }
0x3d: {  	s3 =	sand.u32 $0x1FFFFFE0, s3  }
0x3e: {  	s0 =	sshll.u32 s0, $0xB;
	s3 =	sadd.s32 s6, s3  }
0x3f: {  	[tilespmem:s4], [sflag:$0x4] =	stream.linear.gather [hbm4b:s3+s4], $0x100, $0x38;
	[tilespmem:$0x1FA00] =	vst v63  }
0x40: {  	s0 =	sand.u32 $0x1FFFF800, s0;
	_ =	swait.ge [sflag:s18], $0x100  }
0x41: {  	s0 =	sadd.s32 s5, s0;
	[sflag:s18] =	ssyncset.done $0x0  }
0x42: {  	p1 =	seq.s32 s30, $0x0;
	s0 =	sadd.s32 $0x9C4000, s0;
	[sflag:s18] =	ssyncadd.s32 $0xFFFFFF00  }
0x43: {  	[tilespmem:s19], [sflag:$0x1] =	stream.linear.gather [hbm4b:s0+s4], $0x4000, $0x38;
	[tilespmem:$0x1FA00] =	vst v63  }
0x44: {  	s0 =	simm.s32 @!p1 $0x3  }
0x45: {  	[tilespmem:s21], [sflag:$0x2] =	stream.indirect.gather [hbm4b:s1+s20], $0x80, s4, s20, $0xb8;
	[tilespmem:$0x1FA00] =	vst v63  }
0x46: {  	_ =	swait.ge @!p1 [sflag:s0], $0x4000  }
0x47: {  	[sflag:s0] =	ssyncset.done @!p1 $0x0  }
0x48: {  	[sflag:s0] =	ssyncadd.s32 @!p1 $0xFFFFC000  }
0x49: {  	v1 =	vld [tilespmem:$0x80]  }
0x4a: {  	v2 =	vld [tilespmem:$0x90]  }
0x4b: {  	v3 =	vld [tilespmem:$0xA0]  }
0x4c: {  	v4 =	vld [tilespmem:$0xB0]  }
0x4d: {  	v5 =	vld [tilespmem:$0xC0]  }
0x4e: {  	[tilespmem:$0x100] =	vst v1;
	v1 =	vld [tilespmem:$0xD0]  }
0x4f: {  	[tilespmem:$0x110] =	vst v2;
	v2 =	vld [tilespmem:$0xE0]  }
0x50: {  	[tilespmem:$0x120] =	vst v3;
	v3 =	vld [tilespmem:$0xF0]  }
0x51: {  	[tilespmem:$0x130] =	vst v4  }
0x52: {  	[tilespmem:$0x140] =	vst v5  }
0x53: {  	[tilespmem:$0x150] =	vst v1  }
0x54: {  	[tilespmem:$0x160] =	vst v2  }
0x55: {  	[tilespmem:$0x170] =	vst v3  }
0x56: {  	_ =	swait.ge [sflag:s22], $0x4000  }
0x57: {  	[sflag:s22] =	ssyncset.done $0x0  }
0x58: {  	[sflag:s22] =	ssyncadd.s32 $0xFFFFC000  }
0x59: {  	_ =	swait.ge [sflag:s23], $0x4000  }
0x5a: {  	[sflag:s23] =	ssyncset.done $0x0  }
0x5b: {  	s31 =	simm.s32 $0x0;
	[sflag:s23] =	ssyncadd.s32 $0xFFFFC000  }
0x5c: {  	v1 =	vld [tilespmem:s31+$0x4270]  }
0x5d: {  	v2 =	vld [tilespmem:s31+$0x270]  }
0x5e: {  	v3 =	vld [tilespmem:s31+$0x4180]  }
0x5f: {  	v4 =	vld [tilespmem:s31+$0x180]  }
0x60: {  	v5 =	vld [tilespmem:s31+$0x4190]  }
0x61: {  	v6 =	vld [tilespmem:s31+$0x190]  }
0x62: {  	v7 =	vld [tilespmem:s31+$0x41A0]  }
0x63: {  	v1 =	vadd.f32 v2, v1;
	v2 =	vld [tilespmem:s31+$0x1A0]  }
0x64: {  	v8 =	vld [tilespmem:s31+$0x41B0]  }
0x65: {  	v3 =	vadd.f32 v4, v3;
	v4 =	vld [tilespmem:s31+$0x1B0]  }
0x66: {  	v5 =	vadd.f32 v6, v5;
	v6 =	vld [tilespmem:s31+$0x41D0];
	v1 =	vmax.f32 v1, $0.0e+00  }
0x67: {  	[tilespmem:s31+$0x8270] =	vst v1;
	v1 =	vmax.f32 v3, $0.0e+00;
	v3 =	vld [tilespmem:s31+$0x41C0]  }
0x68: {  	v5 =	vmax.f32 v5, $0.0e+00;
	[tilespmem:s31+$0x8180] =	vst v1;
	v1 =	vld [tilespmem:s31+$0x1C0];
	v2 =	vadd.f32 v2, v7  }
0x69: {  	[tilespmem:s31+$0x8190] =	vst v5;
	v5 =	vld [tilespmem:s31+$0x1D0]  }
0x6a: {  	v7 =	vld [tilespmem:s31+$0x41E0];
	v2 =	vmax.f32 v2, $0.0e+00  }
0x6b: {  	v4 =	vadd.f32 v4, v8;
	[tilespmem:s31+$0x81A0] =	vst v2;
	v2 =	vld [tilespmem:s31+$0x1E0]  }
0x6c: {  	v8 =	vld [tilespmem:s31+$0x41F0]  }
0x6d: {  	v4 =	vmax.f32 v4, $0.0e+00;
	v1 =	vadd.f32 v1, v3;
	v3 =	vld [tilespmem:s31+$0x1F0]  }
0x6e: {  	[tilespmem:s31+$0x81B0] =	vst v4;
	v4 =	vld [tilespmem:s31+$0x4200];
	v5 =	vadd.f32 v5, v6  }
0x6f: {  	v6 =	vld [tilespmem:s31+$0x4210];
	v1 =	vmax.f32 v1, $0.0e+00  }
0x70: {  	v5 =	vmax.f32 v5, $0.0e+00;
	[tilespmem:s31+$0x81C0] =	vst v1;
	v1 =	vld [tilespmem:s31+$0x200];
	v2 =	vadd.f32 v2, v7  }
0x71: {  	[tilespmem:s31+$0x81D0] =	vst v5;
	v5 =	vld [tilespmem:s31+$0x210]  }
0x72: {  	v7 =	vld [tilespmem:s31+$0x4220];
	v3 =	vadd.f32 v3, v8;
	v2 =	vmax.f32 v2, $0.0e+00  }
0x73: {  	[tilespmem:s31+$0x81E0] =	vst v2;
	v2 =	vld [tilespmem:s31+$0x220]  }
0x74: {  	v8 =	vld [tilespmem:s31+$0x4230];
	v3 =	vmax.f32 v3, $0.0e+00  }
0x75: {  	v1 =	vadd.f32 v1, v4;
	[tilespmem:s31+$0x81F0] =	vst v3;
	v3 =	vld [tilespmem:s31+$0x230]  }
0x76: {  	v9 =	vld [tilespmem:s31+$0x4240];
	v4 =	vadd.f32 v5, v6  }
0x77: {  	v6 =	vld [tilespmem:s31+$0x240];
	v1 =	vmax.f32 v1, $0.0e+00  }
0x78: {  	v4 =	vmax.f32 v4, $0.0e+00;
	[tilespmem:s31+$0x8200] =	vst v1;
	v1 =	vld [tilespmem:s31+$0x4250];
	v2 =	vadd.f32 v2, v7  }
0x79: {  	[tilespmem:s31+$0x8210] =	vst v4;
	v4 =	vld [tilespmem:s31+$0x250]  }
0x7a: {  	v7 =	vadd.f32 v3, v8;
	v5 =	vmax.f32 v2, $0.0e+00;
	v2 =	vld [tilespmem:s31+$0x4260]  }
0x7b: {  	s0 =	simm.s32 $0x100;
	[tilespmem:s31+$0x8220] =	vst v5;
	v5 =	vld [tilespmem:s31+$0x260]  }
0x7c: {  	s3 =	simm.s32 $0x800;
	v6 =	vadd.f32 v6, v9;
	v7 =	vmax.f32 v7, $0.0e+00;
	v3 =	vld [tilespmem:s0+$0x4270]  }
.LBB2_5:
0x7d: {  	p1 =	sne.s32 s3, $0xFC00;
	v8 =	vld [tilespmem:s0+$0x270];
	[tilespmem:s31+$0x8230] =	vst v7  }
0x7e: {  	v7 =	vld [tilespmem:s0+$0x4180];
	v6 =	vmax.f32 v6, $0.0e+00;
	v1 =	vadd.f32 v4, v1  }
0x7f: {  	v4 =	vld [tilespmem:s0+$0x180];
	[tilespmem:s31+$0x8240] =	vst v6  }
0x80: {  	v6 =	vld [tilespmem:s0+$0x4190];
	v1 =	vmax.f32 v1, $0.0e+00;
	v2 =	vadd.f32 v5, v2  }
0x81: {  	v5 =	vld [tilespmem:s0+$0x190];
	[tilespmem:s31+$0x8250] =	vst v1  }
0x82: {  	v1 =	vld [tilespmem:s0+$0x41A0];
	v3 =	vadd.f32 v8, v3;
	v2 =	vmax.f32 v2, $0.0e+00  }
0x83: {  	v8 =	vld [tilespmem:s0+$0x1A0];
	[tilespmem:s31+$0x8260] =	vst v2;
	s31 =	smov.u32 s0  }
0x84: {  	v2 =	vadd.f32 v4, v7;
	v4 =	vld [tilespmem:s31+$0x41B0];
	v3 =	vmax.f32 v3, $0.0e+00  }
0x85: {  	v7 =	vld [tilespmem:s31+$0x1B0];
	[tilespmem:s31+$0x8270] =	vst v3  }
0x86: {  	v2 =	vmax.f32 v2, $0.0e+00;
	v3 =	vadd.f32 v5, v6;
	v5 =	vld [tilespmem:s31+$0x41C0]  }
0x87: {  	[tilespmem:s31+$0x8180] =	vst v2;
	v2 =	vld [tilespmem:s31+$0x1C0]  }
0x88: {  	v3 =	vmax.f32 v3, $0.0e+00;
	v1 =	vadd.f32 v8, v1;
	v6 =	vld [tilespmem:s31+$0x41D0]  }
0x89: {  	[tilespmem:s31+$0x8190] =	vst v3;
	v3 =	vld [tilespmem:s31+$0x1D0]  }
0x8a: {  	v1 =	vmax.f32 v1, $0.0e+00;
	v4 =	vadd.f32 v7, v4;
	v7 =	vld [tilespmem:s31+$0x41E0]  }
0x8b: {  	[tilespmem:s31+$0x81A0] =	vst v1;
	v1 =	vld [tilespmem:s31+$0x1E0]  }
0x8c: {  	v4 =	vmax.f32 v4, $0.0e+00;
	v2 =	vadd.f32 v2, v5;
	v5 =	vld [tilespmem:s31+$0x41F0]  }
0x8d: {  	[tilespmem:s31+$0x81B0] =	vst v4;
	v4 =	vld [tilespmem:s31+$0x1F0]  }
0x8e: {  	v2 =	vmax.f32 v2, $0.0e+00;
	v3 =	vadd.f32 v3, v6;
	v6 =	vld [tilespmem:s31+$0x4200]  }
0x8f: {  	[tilespmem:s31+$0x81C0] =	vst v2;
	v2 =	vld [tilespmem:s31+$0x200]  }
0x90: {  	v3 =	vmax.f32 v3, $0.0e+00;
	v1 =	vadd.f32 v1, v7;
	v7 =	vld [tilespmem:s31+$0x4210]  }
0x91: {  	[tilespmem:s31+$0x81D0] =	vst v3;
	v3 =	vld [tilespmem:s31+$0x210]  }
0x92: {  	v1 =	vmax.f32 v1, $0.0e+00;
	v4 =	vadd.f32 v4, v5;
	v5 =	vld [tilespmem:s31+$0x4220]  }
0x93: {  	[tilespmem:s31+$0x81E0] =	vst v1;
	v1 =	vld [tilespmem:s31+$0x220]  }
0x94: {  	v4 =	vmax.f32 v4, $0.0e+00;
	v2 =	vadd.f32 v2, v6;
	v6 =	vld [tilespmem:s31+$0x4230]  }
0x95: {  	[tilespmem:s31+$0x81F0] =	vst v4;
	v8 =	vld [tilespmem:s31+$0x230]  }
0x96: {  	v2 =	vmax.f32 v2, $0.0e+00;
	v3 =	vadd.f32 v3, v7;
	v9 =	vld [tilespmem:s31+$0x4240]  }
0x97: {  	[tilespmem:s31+$0x8200] =	vst v2;
	v10 =	vld [tilespmem:s31+$0x240]  }
.Ltmp1:
0x98: {  	v2 =	vmax.f32 v3, $0.0e+00;
	v3 =	vadd.f32 v1, v5;
	v1 =	vld [tilespmem:s31+$0x4250];
	(pc) =	sbr.rel @p1 .LBB2_5-.Ltmp1, $4  }
0x99: {  	[tilespmem:s31+$0x8210] =	vst v2;
	v4 =	vld [tilespmem:s31+$0x250]  }
0x9a: {  	v3 =	vmax.f32 v3, $0.0e+00;
	v6 =	vadd.f32 v8, v6;
	v2 =	vld [tilespmem:s31+$0x4260]  }
0x9b: {  	s0 =	sshra.s32 s3, $0x2;
	[tilespmem:s31+$0x8220] =	vst v3;
	v5 =	vld [tilespmem:s31+$0x260]  }
0x9c: {  	s3 =	sadd.s32 $0x400, s3;
	v3 =	vld [tilespmem:s0+$0x4270];
	v7 =	vmax.f32 v6, $0.0e+00;
	v6 =	vadd.f32 v10, v9  }
0x9d: {  	v8 =	vld [tilespmem:s0+$0x270];
	[tilespmem:s31+$0x8230] =	vst v7  }
0x9e: {  	v7 =	vld [tilespmem:s0+$0x4180];
	v6 =	vmax.f32 v6, $0.0e+00;
	v1 =	vadd.f32 v4, v1  }
0x9f: {  	v9 =	vld [tilespmem:s0+$0x180];
	[tilespmem:s31+$0x8240] =	vst v6  }
0xa0: {  	v47 =	vld [tilespmem:s0+$0x4190];
	v1 =	vmax.f32 v1, $0.0e+00;
	v2 =	vadd.f32 v5, v2  }
0xa1: {  	v6 =	vld [tilespmem:s0+$0x190];
	[tilespmem:s31+$0x8250] =	vst v1  }
0xa2: {  	v1 =	vld [tilespmem:s0+$0x41A0];
	v2 =	vmax.f32 v2, $0.0e+00  }
0xa3: {  	v48 =	vld [tilespmem:s0+$0x1A0];
	[tilespmem:s31+$0x8260] =	vst v2  }
0xa4: {  	v2 =	vld [tilespmem:s0+$0x41B0]  }
0xa5: {  	v3 =	vadd.f32 v8, v3;
	v49 =	vld [tilespmem:s0+$0x1B0]  }
0xa6: {  	v7 =	vadd.f32 v9, v7;
	v50 =	vld [tilespmem:s0+$0x41C0]  }
0xa7: {  	v3 =	vmax.f32 v3, $0.0e+00;
	v51 =	vld [tilespmem:s0+$0x41D0]  }
0xa8: {  	v52 =	vld [tilespmem:s0+$0x1D0];
	[tilespmem:s0+$0x8270] =	vst v3;
	v3 =	vmax.f32 v7, $0.0e+00;
	v1 =	vadd.f32 v48, v1  }
0xa9: {  	[tilespmem:s0+$0x8180] =	vst v3;
	v3 =	vld [tilespmem:s0+$0x1C0]  }
0xaa: {  	v53 =	vld [tilespmem:s0+$0x41E0];
	v1 =	vmax.f32 v1, $0.0e+00  }
0xab: {  	[tilespmem:s0+$0x81A0] =	vst v1;
	v1 =	vld [tilespmem:s0+$0x1E0]  }
0xac: {  	v54 =	vld [tilespmem:s0+$0x41F0]  }
0xad: {  	v55 =	vld [tilespmem:s0+$0x4200];
	v2 =	vadd.f32 v49, v2  }
0xae: {  	v56 =	vld [tilespmem:s0+$0x4210];
	v3 =	vadd.f32 v3, v50  }
0xaf: {  	v57 =	vld [tilespmem:s0+$0x210];
	v2 =	vmax.f32 v2, $0.0e+00  }
0xb0: {  	[tilespmem:s0+$0x81B0] =	vst v2;
	v2 =	vld [tilespmem:s0+$0x1F0];
	v3 =	vmax.f32 v3, $0.0e+00;
	v1 =	vadd.f32 v1, v53  }
0xb1: {  	[tilespmem:s0+$0x81C0] =	vst v3;
	v3 =	vld [tilespmem:s0+$0x200]  }
0xb2: {  	v58 =	vld [tilespmem:s0+$0x4220];
	v1 =	vmax.f32 v1, $0.0e+00  }
0xb3: {  	[tilespmem:s0+$0x81E0] =	vst v1;
	v1 =	vld [tilespmem:s0+$0x220]  }
0xb4: {  	v59 =	vld [tilespmem:s0+$0x4230];
	v4 =	vadd.f32 v6, v47  }
0xb5: {  	v60 =	vld [tilespmem:s0+$0x4240];
	v2 =	vadd.f32 v2, v54  }
0xb6: {  	v61 =	vld [tilespmem:s0+$0x4250];
	v4 =	vmax.f32 v4, $0.0e+00;
	v3 =	vadd.f32 v3, v55  }
0xb7: {  	v62 =	vld [tilespmem:s0+$0x250];
	[tilespmem:s0+$0x8190] =	vst v4;
	v2 =	vmax.f32 v2, $0.0e+00  }
0xb8: {  	[tilespmem:s0+$0x81F0] =	vst v2;
	v2 =	vld [tilespmem:s0+$0x230];
	v3 =	vmax.f32 v3, $0.0e+00;
	v1 =	vadd.f32 v1, v58  }
0xb9: {  	v4 =	vadd.f32 v52, v51;
	[tilespmem:s0+$0x8200] =	vst v3;
	v3 =	vld [tilespmem:s0+$0x240]  }
0xba: {  	v63 =	vld [tilespmem:s0+$0x4260];
	v1 =	vmax.f32 v1, $0.0e+00  }
0xbb: {  	v4 =	vmax.f32 v4, $0.0e+00;
	[tilespmem:s0+$0x8220] =	vst v1;
	v1 =	vld [tilespmem:s0+$0x260]  }
0xbc: {  	[tilespmem:s0+$0x81D0] =	vst v4;
	v4 =	vadd.f32 v57, v56  }
0xbd: {  	v2 =	vadd.f32 v2, v59  }
0xbe: {  	s30 =	sadd.s32 $0x1, s30;
	v4 =	vmax.f32 v4, $0.0e+00;
	v3 =	vadd.f32 v3, v60  }
0xbf: {  	p1 =	sne.s32 s30, s13;
	[tilespmem:s0+$0x8210] =	vst v4;
	v4 =	vadd.f32 v62, v61;
	v2 =	vmax.f32 v2, $0.0e+00  }
.Ltmp2:
0xc0: {  	[tilespmem:s0+$0x8230] =	vst v2;
	v2 =	vmax.f32 v3, $0.0e+00;
	v1 =	vadd.f32 v1, v63;
	(pc) =	sbr.rel @p1 .LBB2_4-.Ltmp2, $4  }
0xc1: {  	[tilespmem:s0+$0x8240] =	vst v2;
	v2 =	vmax.f32 v4, $0.0e+00  }
0xc2: {  	[tilespmem:s0+$0x8250] =	vst v2;
	v1 =	vmax.f32 v1, $0.0e+00  }
0xc3: {  	[tilespmem:s0+$0x8260] =	vst v1  }
0xc4: {  	[spmem:s2] =	stream.indirect.scatter.add.f32 [tilespmem:s17], [sflag:$0x3], $0x80, s26, s20, $0xb8;
	[tilespmem:$0x1FA00] =	vst v63  }
0xc5: {  	_ =	swait.ge [sflag:s28], $0x4000  }
0xc6: {  	s0 =	stileid.u32;
	[sflag:s28] =	ssyncset.done $0x0  }
0xc7: {  	s0 =	sshll.u32 s0, $0x6;
	[sflag:s28] =	ssyncadd.s32 $0xFFFFC000  }
0xc8: {  	s0 =	sor.u32 $0x1C04, s0;
	[bflag:$0x0] =	sbarrier.arrive $0xFFFF  }
0xc9: {  	[hbm:s14], [sflag:s0] =	dma.local [spmem:s24], $0x2700  }
0xca: {  	_ =	swait.ge [sflag:s18], $0x2700  }
0xcb: {  	s29 =	sadd.s32 $0x1, s29;
	[sflag:s18] =	ssyncset.done $0x0  }
0xcc: {  	p1 =	sne.s32 s29, s16;
	[sflag:s18] =	ssyncadd.s32 $0xFFFFD900  }
0xcd: {  	[hbm:s15], [sflag:s0] =	dma.local @!p0 [spmem:s25], $0x100  }
.Ltmp3:
0xce: {  	_ = 	snop;
	(pc) =	sbr.rel @p1 .LBB2_1-.Ltmp3, $4  }
0xcf: {  	s0 =	simm.s32 @!p0 $0x4  }
0xd0: {  	_ =	swait.ge @!p0 [sflag:s0], $0x100  }
0xd1: {  	[sflag:s0] =	ssyncset.done @!p0 $0x0  }
0xd2: {  	[sflag:s0] =	ssyncadd.s32 @!p0 $0xFFFFFF00  }
0xd3: {  	_ =	sfence.sel $0x180000  }
0xd4: {  	[bflag:$0x0] =	sbarrier.arrive $0xFFFF  }
0xd5: {  	_ =	strace $0x9000004D  }
0xd6: {  	s0 =	stileid.u32;
	[bflag:$0x2] =	sbarrier.arrive $0xFFFF  }
0xd7: {  	p0 =	sne.s32 s0, $0x0;
	s0 =	rddreg [dreg:$0x3]  }
0xd8: {  	s0 =	sadd.s32 @!p0 $0x100000, s0  }
0xd9: {  	[sflag:s0] =	ssyncadd.tile.s32 @!p0 $0x1;
	_ =	shalt  }
.Lfunc_end2:
_tile_overlayer_lowered:
.L_overlay_start_2:
0xda: {  	(tag) =	ssettag $0x2  }
0xdb: {  	s0 =	rddreg [dreg:$0x0];
	s2 =	stileid.u32  }
0xdc: {  	s1 =	rddreg [dreg:$0x1];
	p0 =	sne.s32 s2, $0x0  }
0xdd: {  	s3 =	rddreg [dreg:$0x2];
	[bflag:$0x3] =	sbarrier.arrive $0xFFFF;
	s2 =	simm.s32 @!p0 $0x1C04  }
0xde: {  	[timem:s3], [sflag:s2] =	dma.local @!p0 [hbm:s0], s1  }
0xdf: {  	s0 =	simm.s32 @!p0 $0x4  }
0xe0: {  	_ =	swait.ge @!p0 [sflag:s0], s1  }
0xe1: {  	s1 =	ssub.s32 @!p0 $0x0, s1;
	[sflag:s0] =	ssyncset.done @!p0 $0x0  }
0xe2: {  	[sflag:s0] =	ssyncadd.s32 @!p0 s1  }
0xe3: {  	[bflag:$0x3] =	sbarrier.arrive $0xFFFF  }
0xe4: {  	_ =	shalt  }

// kernel: kernel.9.cloned.1.call-start
scs
__scs_entry_jumppad:
0x0: {  	(pc) =	sbr.rel $0x88, $3  }
0x1: {  	(tag) =	ssettag $0x0;
	lr =	simm.s32 $0x1  }
0x2: {  	[smem:$0x3F98] =	sst lr;
	_ =	strace $0xD0000000  }
0x3: {  	_ = 	snop  }
0x4: {  	_ = 	snop  }
0x5: {  	_ = 	snop  }
0x6: {  	_ = 	snop  }
0x7: {  	_ = 	snop  }
__scs_overlays_trampoline_lowered:
0x8: {  	[smem:$0x3FA7] =	sst s0  }
0x9: {  	[smem:$0x3FA8] =	sst s1  }
0xa: {  	[smem:$0x3FA9] =	sst s2  }
0xb: {  	[smem:$0x3FAA] =	sst s3  }
0xc: {  	[smem:$0x3FAB] =	sst s4  }
0xd: {  	[smem:$0x3FAC] =	sst s5  }
0xe: {  	[smem:$0x3FAD] =	sst s6  }
0xf: {  	[smem:$0x3FAE] =	sst s7  }
0x10: {  	[smem:$0x3FAF] =	sst s8  }
0x11: {  	[smem:$0x3FB0] =	sst s9;
	s0 =	simm.s32 @!p0 $0x0  }
0x12: {  	s1 =	sld [smem:$0x3F96];
	s0 =	simm.s32 @p0 $0x1  }
0x13: {  	[smem:$0x3FB1] =	sst s0;
	s0 =	simm.s32 @!p1 $0x0  }
0x14: {  	s2 =	sld [smem:$0x3F95];
	s0 =	simm.s32 @p1 $0x1  }
0x15: {  	[smem:$0x3FB2] =	sst s0;
	s0 =	simm.s32 @!p2 $0x0  }
0x16: {  	s3 =	sld [smem:$0x3FDB];
	s0 =	simm.s32 @p2 $0x1  }
0x17: {  	s4 =	simm.s32 $0x1BF5;
	[smem:$0x3FB4] =	sst s0  }
0x18: {  	s0 =	sld [smem:$0x3F97];
	_ =	swait.ge [sflag:s4], $0x0  }
0x19: {  	s7 =	sld [smem:$0x3F98]  }
0x1a: {  	s8 =	sadd.s32 $0xFFFFE003, lr  }
0x1b: {  	s9 =	sadd.s32 $0xFFFFFEF7, lr;
	s5 =	simm.s32 $0xFFFFFFFF;
	p2 =	slt.u32 s8, $0xFFFFF086  }
0x1c: {  	p1 =	slt.u32 s9, $0xF7A;
	s5 =	simm.s32 @!p2 $0x0  }
0x1d: {  	s5 =	simm.s32 @p1 $0x1;
	p0 =	seq.s32 s7, s2  }
0x1e: {  	s7 =	smul.u32 @!p0 $0xF7A, s2;
	p2 =	seq.s32 @!p0 s5, $0x0  }
0x1f: {  	s9 =	smul.u32 $0xF7A, s1;
	s8 =	simm.s32 @!p0 $0x1BF5;
	p2 =	por !p2, p0  }
0x20: {  	[sflag:s8] =	ssyncset.s32 @!p0 $0xFFFFF086;
	s6 =	sadd.s32 @!p0 s3, s7;
	s7 =	simm.s32 @!p0 $0x108  }
0x21: {  	s3 =	sadd.s32 s3, s9;
	s6 =	sadd.s32 @!p0 $0x88, s6;
	s7 =	simm.s32 @p2 $0x1082  }
0x22: {  	[simem:s7], [sflag:s8] =	dma.local @!p0 [hbm:s6], $0xF7A  }
0x23: {  	s9 =	sor.u32 $0xD0000000, s2;
	s6 =	simm.s32 $0x108;
	_ =	swait.ge @!p0 [sflag:s8], $0x0  }
0x24: {  	s3 =	sadd.s32 $0x88, s3;
	s6 =	simm.s32 @!p1 $0x1082;
	[sflag:s4] =	ssyncset.s32 $0xFFFFF086  }
0x25: {  	[simem:s6], [sflag:s4] =	dma.local [hbm:s3], $0xF7A  }
0x26: {  	[smem:$0x3F98] =	sst s1;
	(tag) =	ssettag s2;
	_ =	strace s9  }
0x27: {  	s1 =	sld [smem:$0x3FA8]  }
0x28: {  	s2 =	sld [smem:$0x3FA9]  }
0x29: {  	s4 =	sld [smem:$0x3FAB]  }
0x2a: {  	p0 =	seq.s32 s5, $0x0;
	s5 =	sld [smem:$0x3FAC]  }
0x2b: {  	s6 =	sld [smem:$0x3FAD]  }
0x2c: {  	s7 =	sld [smem:$0x3FAE]  }
0x2d: {  	s3 =	simm.s32 $0x108;
	s8 =	sld [smem:$0x3FAF]  }
0x2e: {  	s3 =	simm.s32 @!p0 $0x1082;
	s9 =	sld [smem:$0x3FB0]  }
0x2f: {  	lr =	sadd.s32 s0, s3;
	s0 =	sld [smem:$0x3FA7]  }
0x30: {  	s3 =	sld [smem:$0x3FAA]  }
0x31: {  	[smem:$0x3FB3] =	sst s10  }
0x32: {  	s10 =	sld [smem:$0x3FB1];
	_ =	sdelay $0x3  }
0x33: {  	p0 =	seq.s32 s10, $0x1;
	s10 =	sld [smem:$0x3FB3];
	_ =	sdelay $0x3  }
0x34: {  	[smem:$0x3FB3] =	sst s10  }
0x35: {  	s10 =	sld [smem:$0x3FB2];
	_ =	sdelay $0x3  }
0x36: {  	p1 =	seq.s32 s10, $0x1;
	s10 =	sld [smem:$0x3FB3];
	_ =	sdelay $0x3  }
0x37: {  	[smem:$0x3FB3] =	sst s10  }
0x38: {  	s10 =	sld [smem:$0x3FB4]  }
0x39: {  	_ = 	snop;
	(pc) =	sbr.ind lr, $3  }
0x3a: {  	_ = 	snop  }
0x3b: {  	_ = 	snop  }
0x3c: {  	p2 =	seq.s32 s10, $0x1;
	s10 =	sld [smem:$0x3FB3]  }
0x3d: {  	_ =	shalt  }
0x3e: {  	_ =	shalt  }
0x3f: {  	_ =	shalt  }
0x40: {  	_ =	shalt  }
0x41: {  	_ =	shalt  }
0x42: {  	_ =	shalt  }
0x43: {  	_ =	shalt  }
0x44: {  	_ =	shalt  }
0x45: {  	_ =	shalt  }
0x46: {  	_ =	shalt  }
0x47: {  	_ =	shalt  }
0x48: {  	_ =	shalt  }
0x49: {  	_ =	shalt  }
0x4a: {  	_ =	shalt  }
0x4b: {  	_ =	shalt  }
0x4c: {  	_ =	shalt  }
0x4d: {  	_ =	shalt  }
0x4e: {  	_ =	shalt  }
0x4f: {  	_ =	shalt  }
0x50: {  	_ =	shalt  }
0x51: {  	_ =	shalt  }
0x52: {  	_ =	shalt  }
0x53: {  	_ =	shalt  }
0x54: {  	_ =	shalt  }
0x55: {  	_ =	shalt  }
0x56: {  	_ =	shalt  }
0x57: {  	_ =	shalt  }
0x58: {  	_ =	shalt  }
0x59: {  	_ =	shalt  }
0x5a: {  	_ =	shalt  }
0x5b: {  	_ =	shalt  }
0x5c: {  	_ =	shalt  }
0x5d: {  	_ =	shalt  }
0x5e: {  	_ =	shalt  }
0x5f: {  	_ =	shalt  }
0x60: {  	_ =	shalt  }
0x61: {  	_ =	shalt  }
0x62: {  	_ =	shalt  }
0x63: {  	_ =	shalt  }
0x64: {  	_ =	shalt  }
0x65: {  	_ =	shalt  }
0x66: {  	_ =	shalt  }
0x67: {  	_ =	shalt  }
0x68: {  	_ =	shalt  }
0x69: {  	_ =	shalt  }
0x6a: {  	_ =	shalt  }
0x6b: {  	_ =	shalt  }
0x6c: {  	_ =	shalt  }
0x6d: {  	_ =	shalt  }
0x6e: {  	_ =	shalt  }
0x6f: {  	_ =	shalt  }
0x70: {  	_ =	shalt  }
0x71: {  	_ =	shalt  }
0x72: {  	_ =	shalt  }
0x73: {  	_ =	shalt  }
0x74: {  	_ =	shalt  }
0x75: {  	_ =	shalt  }
0x76: {  	_ =	shalt  }
0x77: {  	_ =	shalt  }
0x78: {  	_ =	shalt  }
0x79: {  	_ =	shalt  }
0x7a: {  	_ =	shalt  }
0x7b: {  	_ =	shalt  }
0x7c: {  	_ =	shalt  }
0x7d: {  	_ =	shalt  }
0x7e: {  	_ =	shalt  }
0x7f: {  	_ =	shalt  }
0x80: {  	_ =	shalt  }
0x81: {  	_ =	shalt  }
0x82: {  	_ =	shalt  }
0x83: {  	_ =	shalt  }
0x84: {  	_ =	shalt  }
0x85: {  	_ =	shalt  }
0x86: {  	_ =	shalt  }
0x87: {  	_ =	shalt  }
.Lfunc_end0:
.L_simem_size_0:
called_computation_lowered:
.L_overlay_start_0:
0x88: {  	s2 =	sld [smem:$0x3FD9]  }
0x89: {  	s3 =	sld [smem:$0x3FFE];
	_ =	sdelay $0x1  }
0x8a: {  	s1 =	srdreg.scid  }
0x8b: {  	s0 =	sand.u32 $0x1, s1  }
0x8c: {  	s17 =	sshll.u32 s0, $0xA;
	s2 =	sadd.s32 s3, s2  }
0x8d: {  	s2 =	sadd.s32 s2, s17  }
0x8e: {  	[smem:$0x3FBF] =	sst s2  }
0x8f: {  	_ = 	snop  }
0x90: {  	s2 =	sld [smem:$0x3FC9];
	(tm) =	ssettm $0x1  }
0x91: {  	s18 =	sld [smem:$0x3FFB];
	_ =	sdelay $0x3  }
0x92: {  	_ =	strace s18  }
0x93: {  	s3 =	sld [smem:$0x3FFC];
	_ =	sdelay $0x3  }
0x94: {  	_ =	strace s3  }
0x95: {  	s3 =	sld [smem:$0x3FFD];
	_ =	sdelay $0x3  }
0x96: {  	_ =	strace s3  }
0x97: {  	_ =	strace $0x8FFFFFFF  }
0x98: {  	s19 =	sld [smem:$0x3FDB];
	_ =	sdelay $0x1  }
0x99: {  	s4 =	simm.s32 $_scs_section_size  }
0x9a: {  	s5 =	simm.s32 $_size__tile_overlayer_lowered;
	s6 =	simm.s32 $_tile_overlayer_lowered  }
0x9b: {  	s22 =	simm.s32 $0x1BFF;
	s21 =	sshll.u32 s6, $0x1;
	s3 =	sadd.s32 s4, s19  }
0x9c: {  	s7 =	simm.s32 $0x0;
	s20 =	sshll.u32 s5, $0x1;
	s5 =	sadd.s32 s21, s3  }
0x9d: {  	[timem:s7], [sflag:s22] =	dma.local [hbm:s5], s20  }
0x9e: {  	_ =	swait.ge [sflag:s22], s20  }
0x9f: {  	s4 =	ssub.s32 $0x0, s20;
	[sflag:s22] =	ssyncset.done $0x0  }
0xa0: {  	[sflag:s22] =	ssyncadd.s32 s4;
	_ =	sdelay $0x1  }
0xa1: {  	s23 =	simm.s32 $0x1B8B  }
0xa2: {  	_ =	swait.ge [sflag:s23], $0x1  }
0xa3: {  	[sflag:s23] =	ssyncset.done $0x0  }
0xa4: {  	s25 =	simm.s32 $0x1B8E;
	s24 =	sld [smem:$0x3FFE];
	[sflag:s23] =	ssyncadd.s32 $0xFFFFFFFF  }
0xa5: {  	s26 =	simm.s32 $execute0_lowered;
	[smem:$0x3FD2] =	sst s25  }
0xa6: {  	s5 =	sshll.u32 s26, $0x1;
	_ =	strace $0x80000046;
	[dreg:$0x1] =	wrdreg $0xFFFFFFFF  }
0xa7: {  	s28 =	simm.s32 $_size_execute0_lowered;
	s3 =	sadd.s32 s3, s5;
	[dreg:$0x0] =	wrdreg $0x0  }
0xa8: {  	s5 =	sshll.u32 s28, $0x1;
	[dreg:$0x2] =	wrdreg s3  }
0xa9: {  	[dreg:$0x3] =	wrdreg s5  }
0xaa: {  	[dreg:$0x4] =	wrdreg $0xC0  }
0xab: {  	_ =	task [dreg:s7], $0x5FFFF  }
0xac: {  	[dreg:$0x1] =	wrdreg $0xFFFFFFFF  }
0xad: {  	[dreg:$0x0] =	wrdreg $0x60  }
0xae: {  	[dreg:$0x2] =	wrdreg s2  }
0xaf: {  	[dreg:$0x3] =	wrdreg s24  }
0xb0: {  	[dreg:$0x4] =	wrdreg $0xC1800  }
0xb1: {  	[dreg:$0x5] =	wrdreg $0x9  }
0xb2: {  	_ =	task.clear_ibuf [dreg:s7], $0x6FFFF;
	_ =	strace $0x90000046  }
0xb3: {  	s29 =	simm.s32 $0x9;
	_ =	strace $0x80000048  }
0xb4: {  	_ =	swait.ge [sflag:s29], $0x1  }
0xb5: {  	[sflag:s29] =	ssyncadd.s32 $0xFFFFFFFF  }
0xb6: {  	_ =	strace $0x90000048  }
0xb7: {  	_ =	sfence  }
0xb8: {  	s30 =	sld [smem:$0x0];
	_ =	sdelay $0x2  }
0xb9: {  	s31 =	sshll.u32 s1, $0xD;
	s1 =	sshrl.u32 s1, $0x2  }
0xba: {  	s3 =	sand.u32 $0x4000, s31;
	s1 =	sadd.s32 s1, s30  }
0xbb: {  	s0 =	sor.u32 s3, s0;
	s1 =	sshll.u32 s1, $0x11  }
0xbc: {  	s0 =	sor.u32 s1, s0  }
0xbd: {  	s0 =	sadd.s32 $0x8F2B, s0  }
0xbe: {  	[sflag:s0] =	ssyncadd.remote.s32 $0x1  }
0xbf: {  	_ =	sfence.sel $0xFFFF  }
0xc0: {  	[dreg:$0x0] =	wrdreg $0xFFFFFFFF;
	(pc) =	sbr.abs _section_cstart, $3  }
0xc1: {  	[dreg:$0x1] =	wrdreg $0xFFFFFFFF  }
0xc2: {  	_ =	task.clear_ibuf [dreg:s7], $0x2FFFF;
	_ =	strace $0x9FFFFFFF  }
0xc3: {  	(tm) =	ssettm $0x7FFFFFFF  }
tec
execute0_lowered:
.L_overlay_start_1:
0x0: {  	(tag) =	ssettag $0x1  }
0x1: {  	s1 =	rddreg [dreg:$0x0]  }
0x2: {  	s0 =	rddreg [dreg:$0x1]  }
0x3: {  	s2 =	rddreg [dreg:$0x2];
	s4 =	simm.s32 $0x0;
	s3 =	srdreg.scid  }
0x4: {  	s23 =	stileid.u32;
	s17 =	simm.s32 $0x8180;
	s18 =	simm.s32 $0x4  }
0x5: {  	s19 =	simm.s32 $0x180;
	s20 =	simm.s32 $0x80;
	s21 =	simm.s32 $0x4180  }
0x6: {  	s22 =	simm.s32 $0x1;
	s26 =	simm.s32 $0x100;
	s28 =	simm.s32 $0x3  }
0x7: {  	s29 =	simm.s32 $0x0;
	[smem:$0x7FF] =	sst s4;
	s7 =	smul.u32 $0x4E200, s23  }
0x8: {  	s5 =	sadd.s32 $0x4FA400, s0;
	s3 =	sand.u32 $0x1, s3;
	s12 =	smul.u32 $0x4E, s23  }
0x9: {  	s6 =	sadd.s32 $0x4E6A00, s0;
	s0 =	sadd.s32 $0x4A00, s0;
	s14 =	smul.u32 $0x13800, s23  }
0xa: {  	s13 =	smin.u32 s23, $0x2;
	p0 =	slt.u32 s23, $0x2;
	s15 =	smul.u32 $0x4E000, s23  }
0xb: {  	_ =	strace $0x80000047;
	s8 =	ssub.s32 $0x2, s3;
	s11 =	smul.u32 $0x4E2, s3  }
0xc: {  	s3 =	smul.u32 $0x138800, s3;
	s9 =	sshrl.u32 s8, $0x1;
	s7 =	sshrl.u32 s7, $0x2  }
0xd: {  	s15 =	sshrl.u32 s15, $0x2;
	s16 =	ssub.s32 s8, s9;
	s7 =	sadd.s32 s7, s2  }
0xe: {  	s12 =	sadd.s32 s12, s11;
	s14 =	sadd.s32 s14, s3;
	s3 =	sshrl.u32 s3, $0x3  }
0xf: {  	s31 =	sadd.s32 s15, s2;
	s8 =	sadd.s32 $0x4000, s7;
	s9 =	sadd.s32 $0x8000, s7  }
0x10: {  	s10 =	sadd.s32 $0xC000, s7;
	s11 =	sadd.s32 $0x10000, s7;
	s12 =	sadd.s32 s13, s12  }
0x11: {  	s13 =	simm.s32 $0x4F;
	s14 =	sshrl.u32 s14, $0x3;
	s3 =	sadd.s32 s0, s3  }
0x12: {  	s16 =	smax.u32 s16, $0x1;
	s24 =	sshrl.u32 s31, $0x3;
	s13 =	simm.s32 @!p0 $0x4E  }
0x13: {  	s15 =	sadd.s32 $0x27000, s3;
	s3 =	sadd.s32 $0x138000, s2;
	p0 =	sne.s32 s23, $0xF  }
0x14: {  	v0 =	vimm.f32 $0.0e+00;
	s14 =	sadd.s32 s0, s14;
	s23 =	simm.s32 $0x2;
	s25 =	sshrl.u32 @!p0 s3, $0x3  }
.LBB2_1:
0x15: {  	s0 =	simm.s32 $0x0;
	s3 =	simm.s32 $0x200  }
.LBB2_2:
0x16: {  	p1 =	sne.s32 s3, $0xFE00;
	[tilespmem:s0+$0x81F0] =	vst v0  }
0x17: {  	[tilespmem:s0+$0x8180] =	vst v0  }
0x18: {  	[tilespmem:s0+$0x8190] =	vst v0  }
.Ltmp0:
0x19: {  	[tilespmem:s0+$0x81A0] =	vst v0;
	(pc) =	sbr.rel @p1 .LBB2_2-.Ltmp0, $4  }
0x1a: {  	[tilespmem:s0+$0x81B0] =	vst v0  }
0x1b: {  	[tilespmem:s0+$0x81C0] =	vst v0  }
0x1c: {  	[tilespmem:s0+$0x81D0] =	vst v0  }
0x1d: {  	[tilespmem:s0+$0x81E0] =	vst v0;
	s0 =	sshra.s32 s3, $0x2;
	s3 =	sadd.s32 $0x200, s3  }
0x1e: {  	[tilespmem:s0+$0x81F0] =	vst v0  }
0x1f: {  	[tilespmem:s0+$0x8180] =	vst v0  }
0x20: {  	[tilespmem:s0+$0x8190] =	vst v0  }
0x21: {  	[tilespmem:s0+$0x81A0] =	vst v0  }
0x22: {  	[tilespmem:s0+$0x81B0] =	vst v0  }
0x23: {  	[tilespmem:s0+$0x81C0] =	vst v0  }
0x24: {  	[tilespmem:s0+$0x81D0] =	vst v0  }
0x25: {  	[tilespmem:s0+$0x81E0] =	vst v0  }
0x26: {  	[spmem:s7] =	stream.linear.scatter [tilespmem:s17], [sflag:$0x4], $0x4000, $0x38;
	[tilespmem:$0x1FA00] =	vst v63  }
0x27: {  	_ =	swait.ge [sflag:s18], $0x4000  }
0x28: {  	[sflag:s18] =	ssyncset.done $0x0  }
0x29: {  	[sflag:s18] =	ssyncadd.s32 $0xFFFFC000  }
0x2a: {  	[spmem:s8] =	stream.linear.scatter [tilespmem:s17], [sflag:$0x4], $0x4000, $0x38;
	[tilespmem:$0x1FA00] =	vst v63  }
0x2b: {  	_ =	swait.ge [sflag:s18], $0x4000  }
0x2c: {  	[sflag:s18] =	ssyncset.done $0x0  }
0x2d: {  	[sflag:s18] =	ssyncadd.s32 $0xFFFFC000  }
0x2e: {  	[spmem:s9] =	stream.linear.scatter [tilespmem:s17], [sflag:$0x4], $0x4000, $0x38;
	[tilespmem:$0x1FA00] =	vst v63  }
0x2f: {  	_ =	swait.ge [sflag:s18], $0x4000  }
0x30: {  	[sflag:s18] =	ssyncset.done $0x0  }
0x31: {  	[sflag:s18] =	ssyncadd.s32 $0xFFFFC000  }
0x32: {  	[spmem:s10] =	stream.linear.scatter [tilespmem:s17], [sflag:$0x4], $0x4000, $0x38;
	[tilespmem:$0x1FA00] =	vst v63  }
0x33: {  	_ =	swait.ge [sflag:s18], $0x4000  }
0x34: {  	[sflag:s18] =	ssyncset.done $0x0  }
0x35: {  	[sflag:s18] =	ssyncadd.s32 $0xFFFFC000  }
0x36: {  	[spmem:s11] =	stream.linear.scatter [tilespmem:s17], [sflag:$0x4], $0x3880, $0x38;
	[tilespmem:$0x1FA00] =	vst v63  }
0x37: {  	_ =	swait.ge [sflag:s18], $0x3880  }
0x38: {  	[sflag:s18] =	ssyncset.done $0x0  }
0x39: {  	[sflag:s18] =	ssyncadd.s32 $0xFFFFC780  }
0x3a: {  	s30 =	simm.s32 $0x0;
	[bflag:$0x0] =	sbarrier.arrive $0xFFFF  }
.LBB2_4:
0x3b: {  	s0 =	sadd.s32 s30, s12  }
0x3c: {  	s3 =	sshll.u32 s0, $0x5  }
0x3d: {  	s3 =	sand.u32 $0x1FFFFFE0, s3  }
0x3e: {  	s3 =	sadd.s32 s6, s3  }
0x3f: {  	[tilespmem:s4], [sflag:$0x4] =	stream.linear.gather [hbm4b:s3+s4], $0x100, $0x38;
	[tilespmem:$0x1FA00] =	vst v63  }
0x40: {  	s0 =	sshll.u32 s0, $0xB;
	_ =	swait.ge [sflag:s18], $0x100  }
0x41: {  	s0 =	sand.u32 $0x1FFFF800, s0;
	[sflag:s18] =	ssyncset.done $0x0  }
0x42: {  	p1 =	seq.s32 s30, $0x0;
	s0 =	sadd.s32 s5, s0;
	[sflag:s18] =	ssyncadd.s32 $0xFFFFFF00  }
0x43: {  	[tilespmem:s19], [sflag:$0x1] =	stream.linear.gather [hbm4b:s0+s4], $0x4000, $0x38;
	[tilespmem:$0x1FA00] =	vst v63  }
0x44: {  	s0 =	simm.s32 @!p1 $0x3  }
0x45: {  	[tilespmem:s21], [sflag:$0x2] =	stream.indirect.gather [hbm4b:s1+s20], $0x80, s4, s20, $0xb8;
	[tilespmem:$0x1FA00] =	vst v63  }
0x46: {  	_ =	swait.ge @!p1 [sflag:s0], $0x4000  }
0x47: {  	[sflag:s0] =	ssyncset.done @!p1 $0x0  }
0x48: {  	[sflag:s0] =	ssyncadd.s32 @!p1 $0xFFFFC000  }
0x49: {  	v1 =	vld [tilespmem:$0x80]  }
0x4a: {  	v2 =	vld [tilespmem:$0x90]  }
0x4b: {  	v3 =	vld [tilespmem:$0xA0]  }
0x4c: {  	v4 =	vld [tilespmem:$0xB0]  }
0x4d: {  	v5 =	vld [tilespmem:$0xC0]  }
0x4e: {  	[tilespmem:$0x100] =	vst v1;
	v1 =	vld [tilespmem:$0xD0]  }
0x4f: {  	[tilespmem:$0x110] =	vst v2;
	v2 =	vld [tilespmem:$0xE0]  }
0x50: {  	[tilespmem:$0x120] =	vst v3;
	v3 =	vld [tilespmem:$0xF0]  }
0x51: {  	[tilespmem:$0x130] =	vst v4  }
0x52: {  	[tilespmem:$0x140] =	vst v5  }
0x53: {  	[tilespmem:$0x150] =	vst v1  }
0x54: {  	[tilespmem:$0x160] =	vst v2  }
0x55: {  	[tilespmem:$0x170] =	vst v3  }
0x56: {  	_ =	swait.ge [sflag:s22], $0x4000  }
0x57: {  	[sflag:s22] =	ssyncset.done $0x0  }
0x58: {  	[sflag:s22] =	ssyncadd.s32 $0xFFFFC000  }
0x59: {  	_ =	swait.ge [sflag:s23], $0x4000  }
0x5a: {  	[sflag:s23] =	ssyncset.done $0x0  }
0x5b: {  	s31 =	simm.s32 $0x0;
	[sflag:s23] =	ssyncadd.s32 $0xFFFFC000  }
0x5c: {  	v1 =	vld [tilespmem:s31+$0x4270]  }
0x5d: {  	v2 =	vld [tilespmem:s31+$0x270]  }
0x5e: {  	v3 =	vld [tilespmem:s31+$0x4180]  }
0x5f: {  	v4 =	vld [tilespmem:s31+$0x180]  }
0x60: {  	v5 =	vld [tilespmem:s31+$0x4190]  }
0x61: {  	v6 =	vld [tilespmem:s31+$0x190]  }
0x62: {  	v7 =	vld [tilespmem:s31+$0x41A0]  }
0x63: {  	v1 =	vadd.f32 v2, v1;
	v2 =	vld [tilespmem:s31+$0x1A0]  }
0x64: {  	v8 =	vld [tilespmem:s31+$0x41B0]  }
0x65: {  	v3 =	vadd.f32 v4, v3;
	v4 =	vld [tilespmem:s31+$0x1B0]  }
0x66: {  	v5 =	vadd.f32 v6, v5;
	v6 =	vld [tilespmem:s31+$0x41D0];
	v1 =	vmax.f32 v1, $0.0e+00  }
0x67: {  	[tilespmem:s31+$0x8270] =	vst v1;
	v1 =	vmax.f32 v3, $0.0e+00;
	v3 =	vld [tilespmem:s31+$0x41C0]  }
0x68: {  	v5 =	vmax.f32 v5, $0.0e+00;
	[tilespmem:s31+$0x8180] =	vst v1;
	v1 =	vld [tilespmem:s31+$0x1C0];
	v2 =	vadd.f32 v2, v7  }
0x69: {  	[tilespmem:s31+$0x8190] =	vst v5;
	v5 =	vld [tilespmem:s31+$0x1D0]  }
0x6a: {  	v7 =	vld [tilespmem:s31+$0x41E0];
	v2 =	vmax.f32 v2, $0.0e+00  }
0x6b: {  	v4 =	vadd.f32 v4, v8;
	[tilespmem:s31+$0x81A0] =	vst v2;
	v2 =	vld [tilespmem:s31+$0x1E0]  }
0x6c: {  	v8 =	vld [tilespmem:s31+$0x41F0]  }
0x6d: {  	v4 =	vmax.f32 v4, $0.0e+00;
	v1 =	vadd.f32 v1, v3;
	v3 =	vld [tilespmem:s31+$0x1F0]  }
0x6e: {  	[tilespmem:s31+$0x81B0] =	vst v4;
	v4 =	vld [tilespmem:s31+$0x4200];
	v5 =	vadd.f32 v5, v6  }
0x6f: {  	v6 =	vld [tilespmem:s31+$0x4210];
	v1 =	vmax.f32 v1, $0.0e+00  }
0x70: {  	v5 =	vmax.f32 v5, $0.0e+00;
	[tilespmem:s31+$0x81C0] =	vst v1;
	v1 =	vld [tilespmem:s31+$0x200];
	v2 =	vadd.f32 v2, v7  }
0x71: {  	[tilespmem:s31+$0x81D0] =	vst v5;
	v5 =	vld [tilespmem:s31+$0x210]  }
0x72: {  	v7 =	vld [tilespmem:s31+$0x4220];
	v3 =	vadd.f32 v3, v8;
	v2 =	vmax.f32 v2, $0.0e+00  }
0x73: {  	[tilespmem:s31+$0x81E0] =	vst v2;
	v2 =	vld [tilespmem:s31+$0x220]  }
0x74: {  	v8 =	vld [tilespmem:s31+$0x4230];
	v3 =	vmax.f32 v3, $0.0e+00  }
0x75: {  	v1 =	vadd.f32 v1, v4;
	[tilespmem:s31+$0x81F0] =	vst v3;
	v3 =	vld [tilespmem:s31+$0x230]  }
0x76: {  	v9 =	vld [tilespmem:s31+$0x4240];
	v4 =	vadd.f32 v5, v6  }
0x77: {  	v6 =	vld [tilespmem:s31+$0x240];
	v1 =	vmax.f32 v1, $0.0e+00  }
0x78: {  	v4 =	vmax.f32 v4, $0.0e+00;
	[tilespmem:s31+$0x8200] =	vst v1;
	v1 =	vld [tilespmem:s31+$0x4250];
	v2 =	vadd.f32 v2, v7  }
0x79: {  	[tilespmem:s31+$0x8210] =	vst v4;
	v4 =	vld [tilespmem:s31+$0x250]  }
0x7a: {  	v7 =	vadd.f32 v3, v8;
	v5 =	vmax.f32 v2, $0.0e+00;
	v2 =	vld [tilespmem:s31+$0x4260]  }
0x7b: {  	s0 =	simm.s32 $0x100;
	[tilespmem:s31+$0x8220] =	vst v5;
	v5 =	vld [tilespmem:s31+$0x260]  }
0x7c: {  	s3 =	simm.s32 $0x800;
	v6 =	vadd.f32 v6, v9;
	v7 =	vmax.f32 v7, $0.0e+00;
	v3 =	vld [tilespmem:s0+$0x4270]  }
.LBB2_5:
0x7d: {  	p1 =	sne.s32 s3, $0xFC00;
	v8 =	vld [tilespmem:s0+$0x270];
	[tilespmem:s31+$0x8230] =	vst v7  }
0x7e: {  	v7 =	vld [tilespmem:s0+$0x4180];
	v6 =	vmax.f32 v6, $0.0e+00;
	v1 =	vadd.f32 v4, v1  }
0x7f: {  	v4 =	vld [tilespmem:s0+$0x180];
	[tilespmem:s31+$0x8240] =	vst v6  }
0x80: {  	v6 =	vld [tilespmem:s0+$0x4190];
	v1 =	vmax.f32 v1, $0.0e+00;
	v2 =	vadd.f32 v5, v2  }
0x81: {  	v5 =	vld [tilespmem:s0+$0x190];
	[tilespmem:s31+$0x8250] =	vst v1  }
0x82: {  	v1 =	vld [tilespmem:s0+$0x41A0];
	v3 =	vadd.f32 v8, v3;
	v2 =	vmax.f32 v2, $0.0e+00  }
0x83: {  	v8 =	vld [tilespmem:s0+$0x1A0];
	[tilespmem:s31+$0x8260] =	vst v2;
	s31 =	smov.u32 s0  }
0x84: {  	v2 =	vadd.f32 v4, v7;
	v4 =	vld [tilespmem:s31+$0x41B0];
	v3 =	vmax.f32 v3, $0.0e+00  }
0x85: {  	v7 =	vld [tilespmem:s31+$0x1B0];
	[tilespmem:s31+$0x8270] =	vst v3  }
0x86: {  	v2 =	vmax.f32 v2, $0.0e+00;
	v3 =	vadd.f32 v5, v6;
	v5 =	vld [tilespmem:s31+$0x41C0]  }
0x87: {  	[tilespmem:s31+$0x8180] =	vst v2;
	v2 =	vld [tilespmem:s31+$0x1C0]  }
0x88: {  	v3 =	vmax.f32 v3, $0.0e+00;
	v1 =	vadd.f32 v8, v1;
	v6 =	vld [tilespmem:s31+$0x41D0]  }
0x89: {  	[tilespmem:s31+$0x8190] =	vst v3;
	v3 =	vld [tilespmem:s31+$0x1D0]  }
0x8a: {  	v1 =	vmax.f32 v1, $0.0e+00;
	v4 =	vadd.f32 v7, v4;
	v7 =	vld [tilespmem:s31+$0x41E0]  }
0x8b: {  	[tilespmem:s31+$0x81A0] =	vst v1;
	v1 =	vld [tilespmem:s31+$0x1E0]  }
0x8c: {  	v4 =	vmax.f32 v4, $0.0e+00;
	v2 =	vadd.f32 v2, v5;
	v5 =	vld [tilespmem:s31+$0x41F0]  }
0x8d: {  	[tilespmem:s31+$0x81B0] =	vst v4;
	v4 =	vld [tilespmem:s31+$0x1F0]  }
0x8e: {  	v2 =	vmax.f32 v2, $0.0e+00;
	v3 =	vadd.f32 v3, v6;
	v6 =	vld [tilespmem:s31+$0x4200]  }
0x8f: {  	[tilespmem:s31+$0x81C0] =	vst v2;
	v2 =	vld [tilespmem:s31+$0x200]  }
0x90: {  	v3 =	vmax.f32 v3, $0.0e+00;
	v1 =	vadd.f32 v1, v7;
	v7 =	vld [tilespmem:s31+$0x4210]  }
0x91: {  	[tilespmem:s31+$0x81D0] =	vst v3;
	v3 =	vld [tilespmem:s31+$0x210]  }
0x92: {  	v1 =	vmax.f32 v1, $0.0e+00;
	v4 =	vadd.f32 v4, v5;
	v5 =	vld [tilespmem:s31+$0x4220]  }
0x93: {  	[tilespmem:s31+$0x81E0] =	vst v1;
	v1 =	vld [tilespmem:s31+$0x220]  }
0x94: {  	v4 =	vmax.f32 v4, $0.0e+00;
	v2 =	vadd.f32 v2, v6;
	v6 =	vld [tilespmem:s31+$0x4230]  }
0x95: {  	[tilespmem:s31+$0x81F0] =	vst v4;
	v8 =	vld [tilespmem:s31+$0x230]  }
0x96: {  	v2 =	vmax.f32 v2, $0.0e+00;
	v3 =	vadd.f32 v3, v7;
	v9 =	vld [tilespmem:s31+$0x4240]  }
0x97: {  	[tilespmem:s31+$0x8200] =	vst v2;
	v10 =	vld [tilespmem:s31+$0x240]  }
.Ltmp1:
0x98: {  	v2 =	vmax.f32 v3, $0.0e+00;
	v3 =	vadd.f32 v1, v5;
	v1 =	vld [tilespmem:s31+$0x4250];
	(pc) =	sbr.rel @p1 .LBB2_5-.Ltmp1, $4  }
0x99: {  	[tilespmem:s31+$0x8210] =	vst v2;
	v4 =	vld [tilespmem:s31+$0x250]  }
0x9a: {  	v3 =	vmax.f32 v3, $0.0e+00;
	v6 =	vadd.f32 v8, v6;
	v2 =	vld [tilespmem:s31+$0x4260]  }
0x9b: {  	s0 =	sshra.s32 s3, $0x2;
	[tilespmem:s31+$0x8220] =	vst v3;
	v5 =	vld [tilespmem:s31+$0x260]  }
0x9c: {  	s3 =	sadd.s32 $0x400, s3;
	v3 =	vld [tilespmem:s0+$0x4270];
	v7 =	vmax.f32 v6, $0.0e+00;
	v6 =	vadd.f32 v10, v9  }
0x9d: {  	v8 =	vld [tilespmem:s0+$0x270];
	[tilespmem:s31+$0x8230] =	vst v7  }
0x9e: {  	v7 =	vld [tilespmem:s0+$0x4180];
	v6 =	vmax.f32 v6, $0.0e+00;
	v1 =	vadd.f32 v4, v1  }
0x9f: {  	v9 =	vld [tilespmem:s0+$0x180];
	[tilespmem:s31+$0x8240] =	vst v6  }
0xa0: {  	v47 =	vld [tilespmem:s0+$0x4190];
	v1 =	vmax.f32 v1, $0.0e+00;
	v2 =	vadd.f32 v5, v2  }
0xa1: {  	v6 =	vld [tilespmem:s0+$0x190];
	[tilespmem:s31+$0x8250] =	vst v1  }
0xa2: {  	v1 =	vld [tilespmem:s0+$0x41A0];
	v2 =	vmax.f32 v2, $0.0e+00  }
0xa3: {  	v48 =	vld [tilespmem:s0+$0x1A0];
	[tilespmem:s31+$0x8260] =	vst v2  }
0xa4: {  	v2 =	vld [tilespmem:s0+$0x41B0]  }
0xa5: {  	v3 =	vadd.f32 v8, v3;
	v49 =	vld [tilespmem:s0+$0x1B0]  }
0xa6: {  	v7 =	vadd.f32 v9, v7;
	v50 =	vld [tilespmem:s0+$0x41C0]  }
0xa7: {  	v3 =	vmax.f32 v3, $0.0e+00;
	v51 =	vld [tilespmem:s0+$0x41D0]  }
0xa8: {  	v52 =	vld [tilespmem:s0+$0x1D0];
	[tilespmem:s0+$0x8270] =	vst v3;
	v3 =	vmax.f32 v7, $0.0e+00;
	v1 =	vadd.f32 v48, v1  }
0xa9: {  	[tilespmem:s0+$0x8180] =	vst v3;
	v3 =	vld [tilespmem:s0+$0x1C0]  }
0xaa: {  	v53 =	vld [tilespmem:s0+$0x41E0];
	v1 =	vmax.f32 v1, $0.0e+00  }
0xab: {  	[tilespmem:s0+$0x81A0] =	vst v1;
	v1 =	vld [tilespmem:s0+$0x1E0]  }
0xac: {  	v54 =	vld [tilespmem:s0+$0x41F0]  }
0xad: {  	v55 =	vld [tilespmem:s0+$0x4200];
	v2 =	vadd.f32 v49, v2  }
0xae: {  	v56 =	vld [tilespmem:s0+$0x4210];
	v3 =	vadd.f32 v3, v50  }
0xaf: {  	v57 =	vld [tilespmem:s0+$0x210];
	v2 =	vmax.f32 v2, $0.0e+00  }
0xb0: {  	[tilespmem:s0+$0x81B0] =	vst v2;
	v2 =	vld [tilespmem:s0+$0x1F0];
	v3 =	vmax.f32 v3, $0.0e+00;
	v1 =	vadd.f32 v1, v53  }
0xb1: {  	[tilespmem:s0+$0x81C0] =	vst v3;
	v3 =	vld [tilespmem:s0+$0x200]  }
0xb2: {  	v58 =	vld [tilespmem:s0+$0x4220];
	v1 =	vmax.f32 v1, $0.0e+00  }
0xb3: {  	[tilespmem:s0+$0x81E0] =	vst v1;
	v1 =	vld [tilespmem:s0+$0x220]  }
0xb4: {  	v59 =	vld [tilespmem:s0+$0x4230];
	v4 =	vadd.f32 v6, v47  }
0xb5: {  	v60 =	vld [tilespmem:s0+$0x4240];
	v2 =	vadd.f32 v2, v54  }
0xb6: {  	v61 =	vld [tilespmem:s0+$0x4250];
	v4 =	vmax.f32 v4, $0.0e+00;
	v3 =	vadd.f32 v3, v55  }
0xb7: {  	v62 =	vld [tilespmem:s0+$0x250];
	[tilespmem:s0+$0x8190] =	vst v4;
	v2 =	vmax.f32 v2, $0.0e+00  }
0xb8: {  	[tilespmem:s0+$0x81F0] =	vst v2;
	v2 =	vld [tilespmem:s0+$0x230];
	v3 =	vmax.f32 v3, $0.0e+00;
	v1 =	vadd.f32 v1, v58  }
0xb9: {  	v4 =	vadd.f32 v52, v51;
	[tilespmem:s0+$0x8200] =	vst v3;
	v3 =	vld [tilespmem:s0+$0x240]  }
0xba: {  	v63 =	vld [tilespmem:s0+$0x4260];
	v1 =	vmax.f32 v1, $0.0e+00  }
0xbb: {  	v4 =	vmax.f32 v4, $0.0e+00;
	[tilespmem:s0+$0x8220] =	vst v1;
	v1 =	vld [tilespmem:s0+$0x260]  }
0xbc: {  	[tilespmem:s0+$0x81D0] =	vst v4;
	v4 =	vadd.f32 v57, v56  }
0xbd: {  	v2 =	vadd.f32 v2, v59  }
0xbe: {  	s30 =	sadd.s32 $0x1, s30;
	v4 =	vmax.f32 v4, $0.0e+00;
	v3 =	vadd.f32 v3, v60  }
0xbf: {  	p1 =	sne.s32 s30, s13;
	[tilespmem:s0+$0x8210] =	vst v4;
	v4 =	vadd.f32 v62, v61;
	v2 =	vmax.f32 v2, $0.0e+00  }
.Ltmp2:
0xc0: {  	[tilespmem:s0+$0x8230] =	vst v2;
	v2 =	vmax.f32 v3, $0.0e+00;
	v1 =	vadd.f32 v1, v63;
	(pc) =	sbr.rel @p1 .LBB2_4-.Ltmp2, $4  }
0xc1: {  	[tilespmem:s0+$0x8240] =	vst v2;
	v2 =	vmax.f32 v4, $0.0e+00  }
0xc2: {  	[tilespmem:s0+$0x8250] =	vst v2;
	v1 =	vmax.f32 v1, $0.0e+00  }
0xc3: {  	[tilespmem:s0+$0x8260] =	vst v1  }
0xc4: {  	[spmem:s2] =	stream.indirect.scatter.add.f32 [tilespmem:s17], [sflag:$0x3], $0x80, s26, s20, $0xb8;
	[tilespmem:$0x1FA00] =	vst v63  }
0xc5: {  	_ =	swait.ge [sflag:s28], $0x4000  }
0xc6: {  	s0 =	stileid.u32;
	[sflag:s28] =	ssyncset.done $0x0  }
0xc7: {  	s0 =	sshll.u32 s0, $0x6;
	[sflag:s28] =	ssyncadd.s32 $0xFFFFC000  }
0xc8: {  	s0 =	sor.u32 $0x1C04, s0;
	[bflag:$0x0] =	sbarrier.arrive $0xFFFF  }
0xc9: {  	[hbm:s14], [sflag:s0] =	dma.local [spmem:s24], $0x2700  }
0xca: {  	_ =	swait.ge [sflag:s18], $0x2700  }
0xcb: {  	s29 =	sadd.s32 $0x1, s29;
	[sflag:s18] =	ssyncset.done $0x0  }
0xcc: {  	p1 =	sne.s32 s29, s16;
	[sflag:s18] =	ssyncadd.s32 $0xFFFFD900  }
0xcd: {  	[hbm:s15], [sflag:s0] =	dma.local @!p0 [spmem:s25], $0x100  }
.Ltmp3:
0xce: {  	_ = 	snop;
	(pc) =	sbr.rel @p1 .LBB2_1-.Ltmp3, $4  }
0xcf: {  	s0 =	simm.s32 @!p0 $0x4  }
0xd0: {  	_ =	swait.ge @!p0 [sflag:s0], $0x100  }
0xd1: {  	[sflag:s0] =	ssyncset.done @!p0 $0x0  }
0xd2: {  	[sflag:s0] =	ssyncadd.s32 @!p0 $0xFFFFFF00  }
0xd3: {  	_ =	sfence.sel $0x180000  }
0xd4: {  	[bflag:$0x0] =	sbarrier.arrive $0xFFFF  }
0xd5: {  	_ =	strace $0x90000047  }
0xd6: {  	s0 =	stileid.u32;
	[bflag:$0x2] =	sbarrier.arrive $0xFFFF  }
0xd7: {  	p0 =	sne.s32 s0, $0x0;
	s0 =	rddreg [dreg:$0x3]  }
0xd8: {  	s0 =	sadd.s32 @!p0 $0x100000, s0  }
0xd9: {  	[sflag:s0] =	ssyncadd.tile.s32 @!p0 $0x1;
	_ =	shalt  }
.Lfunc_end2:
_tile_overlayer_lowered:
.L_overlay_start_2:
0xda: {  	(tag) =	ssettag $0x2  }
0xdb: {  	s0 =	rddreg [dreg:$0x0];
	s2 =	stileid.u32  }
0xdc: {  	s1 =	rddreg [dreg:$0x1];
	p0 =	sne.s32 s2, $0x0  }
0xdd: {  	s3 =	rddreg [dreg:$0x2];
	[bflag:$0x3] =	sbarrier.arrive $0xFFFF;
	s2 =	simm.s32 @!p0 $0x1C04  }
0xde: {  	[timem:s3], [sflag:s2] =	dma.local @!p0 [hbm:s0], s1  }
0xdf: {  	s0 =	simm.s32 @!p0 $0x4  }
0xe0: {  	_ =	swait.ge @!p0 [sflag:s0], s1  }
0xe1: {  	s1 =	ssub.s32 @!p0 $0x0, s1;
	[sflag:s0] =	ssyncset.done @!p0 $0x0  }
0xe2: {  	[sflag:s0] =	ssyncadd.s32 @!p0 s1  }
0xe3: {  	[bflag:$0x3] =	sbarrier.arrive $0xFFFF  }
0xe4: {  	_ =	shalt  }

</sc_bundles>
